<compile_context>
chip_gen: v7x
topology: tpu7x:2x2x1
jax: 0.10.2.dev20260603
libtpu: 0.0.44.dev20260713+nightly
codegen_flags: <defaults>
</compile_context>

<pallas_src>
import functools

import jax
import jax.numpy as jnp
from jax import lax
from jax.experimental import pallas as pl
from jax.experimental.pallas import tpu as pltpu
from jax.experimental.pallas import tpu_sc as plsc

_N = 20736
_E = 414720
_H = 64
_NC = 2
_NS = 16
_NW = _NC * _NS
_CHUNK = 128
_Q0 = 97
_Q1 = 106
_TOTC = _NS * (_Q0 + _Q1)
_IDXROWS = _TOTC + 32
_EPAD = _IDXROWS * _CHUNK - _E
_KST = 64
_RPS = _N // _NS
_ZR = 54
_BLK = 2592


def _segment_sum_sc(h, src_r, dst_r):
    mesh = plsc.VectorSubcoreMesh(core_axis_name="c", subcore_axis_name="s")

    @functools.partial(
        pl.kernel,
        out_type=jax.ShapeDtypeStruct((_NC, _N, _H), jnp.float32),
        mesh=mesh,
        scratch_types=[
            pltpu.VMEM((_KST, _CHUNK), jnp.int32),
            pltpu.VMEM((_KST, _CHUNK), jnp.int32),
            pltpu.VMEM((_CHUNK, _H), jnp.float32),
            pltpu.VMEM((_CHUNK, _H), jnp.float32),
            pltpu.VMEM((_ZR, _H), jnp.float32),
            pltpu.VMEM_SHARED((_N + 8, _H), jnp.float32),
            pltpu.SemaphoreType.DMA,
            pltpu.SemaphoreType.DMA,
        ],
        compiler_params=pltpu.CompilerParams(use_tc_tiling_on_sc=False),
    )
    def seg_kernel(h_hbm, src_hbm, dst_hbm, out_hbm, src_v, dst_v,
                   buf0, buf1, zv, acc, sg0, sg1):
        c = lax.axis_index("c")
        s = lax.axis_index("s")
        q = jnp.where(c == 0, _Q0, _Q1)
        base = jnp.where(c == 0, s * _Q0, _NS * _Q0 + s * _Q1)

        @pl.loop(0, _ZR)
        def _(r):
            @pl.loop(0, _H, step=16)
            def _(c0):
                zv[r, pl.ds(c0, 16)] = jnp.zeros((16,), jnp.float32)

        @pl.loop(0, _RPS, step=_ZR)
        def _(r0):
            pltpu.sync_copy(zv, acc.at[pl.ds(s * _RPS + r0, _ZR)])

        @pl.when(s == 0)
        def _():
            pltpu.sync_copy(zv.at[pl.ds(0, 8)], acc.at[pl.ds(_N, 8)])

        plsc.subcore_barrier()

        for b in range(2):
            nb = jnp.minimum(q - b * _KST, _KST)
            pltpu.sync_copy(src_hbm.at[pl.ds(base + b * _KST, _KST)], src_v)
            pltpu.sync_copy(dst_hbm.at[pl.ds(base + b * _KST, _KST)], dst_v)

            pltpu.async_copy(h_hbm.at[src_v.at[0]], buf0, sg0)

            @pl.when(1 < nb)
            def _():
                pltpu.async_copy(h_hbm.at[src_v.at[1]], buf1, sg1)

            @pl.loop(0, _KST, step=2)
            def _(j):
                @pl.when(j < nb)
                def _():
                    pltpu.make_async_copy(h_hbm.at[src_v.at[0]], buf0, sg0).wait()
                    pltpu.sync_copy(buf0, acc.at[dst_v.at[j]], add=True)

                @pl.when(j + 2 < nb)
                def _():
                    pltpu.async_copy(h_hbm.at[src_v.at[j + 2]], buf0, sg0)

                @pl.when(j + 1 < nb)
                def _():
                    pltpu.make_async_copy(h_hbm.at[src_v.at[0]], buf1, sg1).wait()
                    pltpu.sync_copy(buf1, acc.at[dst_v.at[j + 1]], add=True)

                @pl.when(j + 3 < nb)
                def _():
                    pltpu.async_copy(h_hbm.at[src_v.at[j + 3]], buf1, sg1)

        plsc.subcore_barrier()
        pltpu.sync_copy(acc.at[pl.ds(s * _RPS, _RPS)],
                        out_hbm.at[c, pl.ds(s * _RPS, _RPS)])

    return seg_kernel(h, src_r, dst_r)


_N2 = _N // 2
_H2 = 2 * _H
_BLK2 = _BLK


def _bd(W):
    z = jnp.zeros_like(W)
    return jnp.concatenate(
        [jnp.concatenate([W, z], axis=1), jnp.concatenate([z, W], axis=1)],
        axis=0)


def _tile2(v):
    return jnp.tile(v, 2).reshape(1, -1)


def _in_proj_tc(x2, Wi2, bi2, Wr2, br2):
    def body(x_ref, wi_ref, bi_ref, wr_ref, br_ref, h_ref, r_ref):
        h = jnp.dot(x_ref[...], wi_ref[...],
                    preferred_element_type=jnp.float32) + bi_ref[...]
        h_ref[...] = h
        r_ref[...] = jnp.dot(h, wr_ref[...],
                             preferred_element_type=jnp.float32) + br_ref[...]

    return pl.pallas_call(
        body,
        grid=(_N2 // _BLK2,),
        in_specs=[
            pl.BlockSpec((_BLK2, 18), lambda i: (i, 0)),
            pl.BlockSpec((18, _H2), lambda i: (0, 0)),
            pl.BlockSpec((1, _H2), lambda i: (0, 0)),
            pl.BlockSpec((_H2, _H2), lambda i: (0, 0)),
            pl.BlockSpec((1, _H2), lambda i: (0, 0)),
        ],
        out_specs=[pl.BlockSpec((_BLK2, _H2), lambda i: (i, 0)),
                   pl.BlockSpec((_BLK2, _H2), lambda i: (i, 0))],
        out_shape=[jax.ShapeDtypeStruct((_N2, _H2), jnp.float32),
                   jax.ShapeDtypeStruct((_N2, _H2), jnp.float32)],
    )(x2, Wi2, bi2, Wr2, br2)


def _layer_tc(part2, h2, res2, Wc2, bias2, g2, be2, Mavg):
    def body(p_ref, h_ref, r_ref, w_ref, b_ref, g_ref, be_ref, m_ref, o_ref):
        agg = p_ref[0] + p_ref[1]
        t = (jnp.dot(agg, w_ref[0:_H2], preferred_element_type=jnp.float32)
             + jnp.dot(h_ref[...], w_ref[_H2:2 * _H2],
                       preferred_element_type=jnp.float32)
             + b_ref[...])
        mu = jnp.dot(t, m_ref[...], preferred_element_type=jnp.float32,
                     precision=lax.Precision.HIGHEST)
        d = t - mu
        var = jnp.dot(d * d, m_ref[...], preferred_element_type=jnp.float32,
                      precision=lax.Precision.HIGHEST)
        y = d * lax.rsqrt(var + 1e-5) * g_ref[...] + be_ref[...]
        y = jnp.where(y >= 0, y, 0.01 * y)
        o_ref[...] = y + r_ref[...]

    return pl.pallas_call(
        body,
        grid=(_N2 // _BLK2,),
        in_specs=[
            pl.BlockSpec((_NC, _BLK2, _H2), lambda i: (0, i, 0)),
            pl.BlockSpec((_BLK2, _H2), lambda i: (i, 0)),
            pl.BlockSpec((_BLK2, _H2), lambda i: (i, 0)),
            pl.BlockSpec((2 * _H2, _H2), lambda i: (0, 0)),
            pl.BlockSpec((1, _H2), lambda i: (0, 0)),
            pl.BlockSpec((1, _H2), lambda i: (0, 0)),
            pl.BlockSpec((1, _H2), lambda i: (0, 0)),
            pl.BlockSpec((_H2, _H2), lambda i: (0, 0)),
        ],
        out_specs=pl.BlockSpec((_BLK2, _H2), lambda i: (i, 0)),
        out_shape=jax.ShapeDtypeStruct((_N2, _H2), jnp.float32),
    )(part2, h2, res2, Wc2, bias2, g2, be2, Mavg)


def _layer_out_tc(part2, h2, res2, Wc2, bias2, g2, be2, Mavg, Wo2, bo2):
    def body(p_ref, h_ref, r_ref, w_ref, b_ref, g_ref, be_ref, m_ref,
             wo_ref, bo_ref, o_ref):
        agg = p_ref[0] + p_ref[1]
        t = (jnp.dot(agg, w_ref[0:_H2], preferred_element_type=jnp.float32)
             + jnp.dot(h_ref[...], w_ref[_H2:2 * _H2],
                       preferred_element_type=jnp.float32)
             + b_ref[...])
        mu = jnp.dot(t, m_ref[...], preferred_element_type=jnp.float32,
                     precision=lax.Precision.HIGHEST)
        d = t - mu
        var = jnp.dot(d * d, m_ref[...], preferred_element_type=jnp.float32,
                      precision=lax.Precision.HIGHEST)
        y = d * lax.rsqrt(var + 1e-5) * g_ref[...] + be_ref[...]
        y = jnp.where(y >= 0, y, 0.01 * y)
        y = y + r_ref[...]
        o_ref[...] = jnp.dot(y, wo_ref[...],
                             preferred_element_type=jnp.float32) + bo_ref[...]

    return pl.pallas_call(
        body,
        grid=(_N2 // _BLK2,),
        in_specs=[
            pl.BlockSpec((_NC, _BLK2, _H2), lambda i: (0, i, 0)),
            pl.BlockSpec((_BLK2, _H2), lambda i: (i, 0)),
            pl.BlockSpec((_BLK2, _H2), lambda i: (i, 0)),
            pl.BlockSpec((2 * _H2, _H2), lambda i: (0, 0)),
            pl.BlockSpec((1, _H2), lambda i: (0, 0)),
            pl.BlockSpec((1, _H2), lambda i: (0, 0)),
            pl.BlockSpec((1, _H2), lambda i: (0, 0)),
            pl.BlockSpec((_H2, _H2), lambda i: (0, 0)),
            pl.BlockSpec((_H2, 18), lambda i: (0, 0)),
            pl.BlockSpec((1, 18), lambda i: (0, 0)),
        ],
        out_specs=pl.BlockSpec((_BLK2, 18), lambda i: (i, 0)),
        out_shape=jax.ShapeDtypeStruct((_N2, 18), jnp.float32),
    )(part2, h2, res2, Wc2, bias2, g2, be2, Mavg, Wo2, bo2)


def kernel(x, edge_index, W_in, b_in, W_res, b_res, W_rel, W_root, b_conv,
           gamma, beta, W_out, b_out):
    src_r = jnp.concatenate(
        [edge_index[0], jnp.zeros((_EPAD,), jnp.int32)]
    ).reshape(_IDXROWS, _CHUNK)
    dst_r = jnp.concatenate(
        [edge_index[1], jnp.full((_EPAD,), _N, jnp.int32)]
    ).reshape(_IDXROWS, _CHUNK)

    x2 = x.reshape(_N2, 18)
    g2 = _tile2(gamma)
    be2 = _tile2(beta)
    Mavg = _bd(jnp.full((_H, _H), 1.0 / _H, jnp.float32))

    h2, res2 = _in_proj_tc(x2, _bd(W_in), _tile2(b_in), _bd(W_res),
                           _tile2(b_res))
    for l in range(3):
        part = _segment_sum_sc(h2.reshape(_N, _H), src_r, dst_r)
        Wc2 = jnp.concatenate([_bd(W_rel[l]), _bd(W_root[l])], axis=0)
        h2 = _layer_tc(part.reshape(_NC, _N2, _H2), h2, res2, Wc2,
                       _tile2(b_conv[l]), g2, be2, Mavg)
    part = _segment_sum_sc(h2.reshape(_N, _H), src_r, dst_r)
    Wc2 = jnp.concatenate([_bd(W_rel[3]), _bd(W_root[3])], axis=0)
    out2 = _layer_out_tc(part.reshape(_NC, _N2, _H2), h2, res2, Wc2,
                         _tile2(b_conv[3]), g2, be2, Mavg,
                         _bd(W_out), _tile2(b_out))
    return out2.reshape(_N // 81, 9, 9, 9)

# --- scband reference (transcript-rebuilt; emitter-appended) ---
"""Pipeline reference for scband-sudoku-gnn-27986006900903 (READ-ONLY COPY).

The authoritative reference and input builder live on the scoring server;
editing this copy changes nothing except your own understanding.
"""

import jax, jax.numpy as jnp
import numpy as np

N = 20736
E = 414720
DIN = 9
H = 64
DOUT = 9
NUM_LAYERS = 4


def _xavier(key, shape):
    fan_in, fan_out = shape[-2], shape[-1]
    limit = np.sqrt(6.0 / (fan_in + fan_out))
    return jax.random.uniform(key, shape, dtype=jnp.float32, minval=-limit, maxval=limit)


def setup_inputs(seed: int = 0) -> dict:
    key = jax.random.key(seed)
    ks = jax.random.split(key, 12)
    x = jax.random.normal(ks[0], (N, DIN), dtype=jnp.float32)
    edge_index = jax.random.randint(ks[1], (2, E), 0, N, dtype=jnp.int32)
    W_in = _xavier(ks[2], (DIN, H))
    b_in = jnp.zeros((H,), dtype=jnp.float32)
    W_res = _xavier(ks[3], (H, H))
    b_res = jnp.zeros((H,), dtype=jnp.float32)
    W_rel = _xavier(ks[4], (NUM_LAYERS, H, H))
    W_root = _xavier(ks[5], (NUM_LAYERS, H, H))
    b_conv = jnp.zeros((NUM_LAYERS, H), dtype=jnp.float32)
    gamma = jnp.ones((H,), dtype=jnp.float32)
    beta = jnp.zeros((H,), dtype=jnp.float32)
    W_out = _xavier(ks[6], (H, DOUT))
    b_out = jnp.zeros((DOUT,), dtype=jnp.float32)
    return {"x": x, "edge_index": edge_index, "W_in": W_in, "b_in": b_in,
            "W_res": W_res, "b_res": b_res, "W_rel": W_rel, "W_root": W_root,
            "b_conv": b_conv, "gamma": gamma, "beta": beta, "W_out": W_out, "b_out": b_out}


def reference(x, edge_index, W_in, b_in, W_res, b_res, W_rel, W_root, b_conv, gamma, beta, W_out, b_out):
    # PyG GraphConv semantics: h_i' = W_root h_i + W_rel * sum_{j in N(i)} h_j + b
    src = edge_index[0]
    dst = edge_index[1]
    h = x @ W_in + b_in
    residual = h @ W_res + b_res  # computed once, re-added every layer (as in torch code)
    for l in range(NUM_LAYERS):
        agg = jax.ops.segment_sum(h[src], dst, num_segments=N)
        h = agg @ W_rel[l] + h @ W_root[l] + b_conv[l]
        mu = jnp.mean(h, axis=-1, keepdims=True)
        var = jnp.mean((h - mu) ** 2, axis=-1, keepdims=True)
        h = (h - mu) / jnp.sqrt(var + 1e-5) * gamma + beta
        h = jnp.where(h >= 0, h, 0.01 * h)  # leaky_relu(0.01)
        # dropout is identity in eval mode
        h = h + residual
    out = h @ W_out + b_out
    batch_size = N // 81
    return out.reshape(batch_size, 9, 9, 9)

if __name__ == "__main__":
    import jax
    _d = setup_inputs()
    print(jax.jit(kernel)(*tuple(_d.values())))

</pallas_src>

<mosaic_0001>
#map = affine_map<(d0, d1) -> (0, 0)>
#map1 = affine_map<(d0, d1) -> (0, 0, 0)>
module attributes {stable_mosaic.version = 14 : i64} {
  func.func @seg_kernel(%arg0: i32, %arg1: i32, %arg2: memref<20736x64xf32, #tpu.memory_space<hbm>>, %arg3: memref<3280x128xi32, #tpu.memory_space<hbm>>, %arg4: memref<3280x128xi32, #tpu.memory_space<hbm>>, %arg5: memref<2x20736x64xf32, #tpu.memory_space<hbm>>, %arg6: memref<64x128xi32, #tpu.memory_space<vmem>>, %arg7: memref<64x128xi32, #tpu.memory_space<vmem>>, %arg8: memref<128x64xf32, #tpu.memory_space<vmem>>, %arg9: memref<128x64xf32, #tpu.memory_space<vmem>>, %arg10: memref<54x64xf32, #tpu.memory_space<vmem>>, %arg11: memref<20744x64xf32, #tpu.memory_space<vmem_shared>>, %arg12: memref<!tpu.dma_semaphore, #tpu.memory_space<semaphore_mem>>, %arg13: memref<!tpu.dma_semaphore, #tpu.memory_space<semaphore_mem>>) attributes {dimension_semantics = [#tpu.dimension_semantics<core_parallel>, #tpu.dimension_semantics<subcore_parallel>], iteration_bounds = array<i64: 2, 16>, scalar_prefetch = 0 : i64, scratch_operands = 8 : i64, tpu.core_type = #tpu.core_type<sc_vector_subcore>, window_params = [{transform_indices = #map}, {transform_indices = #map}, {transform_indices = #map}, {transform_indices = #map1}]} {
    %eq3A = arith.constant 0 : i32
    %eq3A_0 = arith.cmpi eq, %arg0, %eq3A : i32
    %jit3A = arith.constant 97 : i32
    %jit3A_1 = arith.constant 106 : i32
    %select_n3A = arith.select %eq3A_0, %jit3A, %jit3A_1 : i32
    %eq3A_2 = arith.constant 0 : i32
    %eq3A_3 = arith.cmpi eq, %arg0, %eq3A_2 : i32
    %mul3A = arith.constant 97 : i32
    %mul3A_4 = arith.muli %arg1, %mul3A : i32
    %mul3A_5 = arith.constant 106 : i32
    %mul3A_6 = arith.muli %arg1, %mul3A_5 : i32
    %add3A = arith.constant 1552 : i32
    %add3A_7 = arith.addi %add3A, %mul3A_6 : i32
    %select_n3A_8 = arith.select %eq3A_3, %mul3A_4, %add3A_7 : i32
    %scan3A = arith.constant 0 : i32
    %scan3A_9 = arith.constant 54 : i32
    %scan3A_10 = arith.addi %scan3A, %scan3A_9 : i32
    %scan3A_11 = arith.constant 1 : i32
    scf.for %scan3A_72 = %scan3A to %scan3A_10 step %scan3A_11  : i32 {
      %mul3A_73 = arith.constant 1 : i32
      %mul3A_74 = arith.muli %scan3A_72, %mul3A_73 : i32
      %add3A_75 = arith.constant 0 : i32
      %add3A_76 = arith.addi %add3A_75, %mul3A_74 : i32
      %scan3A_77 = arith.constant 0 : i32
      %scan3A_78 = arith.constant 4 : i32
      %scan3A_79 = arith.addi %scan3A_77, %scan3A_78 : i32
      %scan3A_80 = arith.constant 1 : i32
      scf.for %scan3A_82 = %scan3A_77 to %scan3A_79 step %scan3A_80  : i32 {
        %mul3A_83 = arith.constant 16 : i32
        %mul3A_84 = arith.muli %scan3A_82, %mul3A_83 : i32
        %add3A_85 = arith.constant 0 : i32
        %add3A_86 = arith.addi %add3A_85, %mul3A_84 : i32
        %broadcast_in_dim3A = arith.constant 0.000000e+00 : f32
        %broadcast_in_dim3A_87 = vector.broadcast %broadcast_in_dim3A : f32 to vector<16xf32>
        %swap3A = arith.index_cast %add3A_76 : i32 to index
        %swap3A_88 = arith.index_cast %add3A_86 : i32 to index
        %swap3A_89 = tpu.vector_load %arg10[%swap3A, %swap3A_88] {strides = array<i32>} : memref<54x64xf32, #tpu.memory_space<vmem>>, vector<1x16xf32>,
        %swap3A_90 = vector.shape_cast %swap3A_89 : vector<1x16xf32> to vector<16xf32>
        %swap3A_91 = vector.shape_cast %broadcast_in_dim3A_87 : vector<16xf32> to vector<1x16xf32>
        tpu.vector_store %arg10[%swap3A, %swap3A_88], %swap3A_91 {strides = array<i32>} : memref<54x64xf32, #tpu.memory_space<vmem>>, vector<1x16xf32>,
      }
      %scan3A_81 = arith.constant 4 : i32
    }
    %scan3A_12 = arith.constant 54 : i32
    %scan3A_13 = arith.constant 0 : i32
    %scan3A_14 = arith.constant 24 : i32
    %scan3A_15 = arith.addi %scan3A_13, %scan3A_14 : i32
    %scan3A_16 = arith.constant 1 : i32
    scf.for %scan3A_72 = %scan3A_13 to %scan3A_15 step %scan3A_16  : i32 {
      %mul3A_73 = arith.constant 54 : i32
      %mul3A_74 = arith.muli %scan3A_72, %mul3A_73 : i32
      %add3A_75 = arith.constant 0 : i32
      %add3A_76 = arith.addi %add3A_75, %mul3A_74 : i32
      %mul3A_77 = arith.constant 1296 : i32
      %mul3A_78 = arith.muli %arg1, %mul3A_77 : i32
      %add3A_79 = arith.addi %mul3A_78, %add3A_76 : i32
      "tpu.region"() ({
        %run_scoped3A = tpu.sem_alloc : memref<!tpu.dma_semaphore, #tpu.memory_space<semaphore_mem>>
        %dma_start3A_80 = arith.constant 0 : i32
        %dma_start3A_81 = tpu.memref_slice %arg11[%add3A_79, %dma_start3A_80] : memref<20744x64xf32, #tpu.memory_space<vmem_shared>> -> memref<54x64xf32, #tpu.memory_space<vmem_shared>>
        %dma_start3A_82 = arith.constant 0 : i32
        %dma_start3A_83 = tpu.memref_slice %arg11[%add3A_79, %dma_start3A_82] : memref<20744x64xf32, #tpu.memory_space<vmem_shared>> -> memref<54x64xf32, #tpu.memory_space<vmem_shared>>
        tpu.enqueue_dma source(%arg10 : memref<54x64xf32, #tpu.memory_space<vmem>>) target(%dma_start3A_83 : memref<54x64xf32, #tpu.memory_space<vmem_shared>>) target_semaphore(%run_scoped3A : memref<!tpu.dma_semaphore, #tpu.memory_space<semaphore_mem>>)
        %dma_wait3A = arith.constant 0 : i32
        %dma_wait3A_84 = tpu.memref_slice %arg11[%add3A_79, %dma_wait3A] : memref<20744x64xf32, #tpu.memory_space<vmem_shared>> -> memref<54x64xf32, #tpu.memory_space<vmem_shared>>
        %dma_wait3A_85 = arith.constant 0 : i32
        %dma_wait3A_86 = tpu.memref_slice %arg11[%add3A_79, %dma_wait3A_85] : memref<20744x64xf32, #tpu.memory_space<vmem_shared>> -> memref<54x64xf32, #tpu.memory_space<vmem_shared>>
        tpu.wait_dma2 semaphore(%run_scoped3A : memref<!tpu.dma_semaphore, #tpu.memory_space<semaphore_mem>>) src(%arg10 : memref<54x64xf32, #tpu.memory_space<vmem>>) dst(%dma_wait3A_86 : memref<54x64xf32, #tpu.memory_space<vmem_shared>>)
        tpu.yield
      }) : () -> ()
    }
    %scan3A_17 = arith.constant 24 : i32
    %eq3A_18 = arith.constant 0 : i32
    %eq3A_19 = arith.cmpi eq, %arg1, %eq3A_18 : i32
    %convert_element_type3A = arith.extui %eq3A_19 : i1 to i32
    %cond3A = arith.constant 0 : i32
    %cond3A_20 = arith.cmpi ne, %convert_element_type3A, %cond3A : i32
    scf.if %cond3A_20 {
      "tpu.region"() ({
        %run_scoped3A = tpu.sem_alloc : memref<!tpu.dma_semaphore, #tpu.memory_space<semaphore_mem>>
        %dma_start3A_72 = arith.constant 0 : i32
        %dma_start3A_73 = arith.constant 0 : i32
        %dma_start3A_74 = tpu.memref_slice %arg10[%dma_start3A_72, %dma_start3A_73] : memref<54x64xf32, #tpu.memory_space<vmem>> -> memref<8x64xf32, #tpu.memory_space<vmem>>
        %dma_start3A_75 = arith.constant 20736 : i32
        %dma_start3A_76 = arith.constant 0 : i32
        %dma_start3A_77 = tpu.memref_slice %arg11[%dma_start3A_75, %dma_start3A_76] : memref<20744x64xf32, #tpu.memory_space<vmem_shared>> -> memref<8x64xf32, #tpu.memory_space<vmem_shared>>
        %dma_start3A_78 = arith.constant 20736 : i32
        %dma_start3A_79 = arith.constant 0 : i32
        %dma_start3A_80 = tpu.memref_slice %arg11[%dma_start3A_78, %dma_start3A_79] : memref<20744x64xf32, #tpu.memory_space<vmem_shared>> -> memref<8x64xf32, #tpu.memory_space<vmem_shared>>
        %dma_start3A_81 = arith.constant 0 : i32
        %dma_start3A_82 = arith.constant 0 : i32
        %dma_start3A_83 = tpu.memref_slice %arg10[%dma_start3A_81, %dma_start3A_82] : memref<54x64xf32, #tpu.memory_space<vmem>> -> memref<8x64xf32, #tpu.memory_space<vmem>>
        tpu.enqueue_dma source(%dma_start3A_83 : memref<8x64xf32, #tpu.memory_space<vmem>>) target(%dma_start3A_80 : memref<8x64xf32, #tpu.memory_space<vmem_shared>>) target_semaphore(%run_scoped3A : memref<!tpu.dma_semaphore, #tpu.memory_space<semaphore_mem>>)
        %dma_wait3A = arith.constant 0 : i32
        %dma_wait3A_84 = arith.constant 0 : i32
        %dma_wait3A_85 = tpu.memref_slice %arg10[%dma_wait3A, %dma_wait3A_84] : memref<54x64xf32, #tpu.memory_space<vmem>> -> memref<8x64xf32, #tpu.memory_space<vmem>>
        %dma_wait3A_86 = arith.constant 20736 : i32
        %dma_wait3A_87 = arith.constant 0 : i32
        %dma_wait3A_88 = tpu.memref_slice %arg11[%dma_wait3A_86, %dma_wait3A_87] : memref<20744x64xf32, #tpu.memory_space<vmem_shared>> -> memref<8x64xf32, #tpu.memory_space<vmem_shared>>
        %dma_wait3A_89 = arith.constant 20736 : i32
        %dma_wait3A_90 = arith.constant 0 : i32
        %dma_wait3A_91 = tpu.memref_slice %arg11[%dma_wait3A_89, %dma_wait3A_90] : memref<20744x64xf32, #tpu.memory_space<vmem_shared>> -> memref<8x64xf32, #tpu.memory_space<vmem_shared>>
        %dma_wait3A_92 = arith.constant 0 : i32
        %dma_wait3A_93 = arith.constant 0 : i32
        %dma_wait3A_94 = tpu.memref_slice %arg10[%dma_wait3A_92, %dma_wait3A_93] : memref<54x64xf32, #tpu.memory_space<vmem>> -> memref<8x64xf32, #tpu.memory_space<vmem>>
        tpu.wait_dma2 semaphore(%run_scoped3A : memref<!tpu.dma_semaphore, #tpu.memory_space<semaphore_mem>>) src(%dma_wait3A_94 : memref<8x64xf32, #tpu.memory_space<vmem>>) dst(%dma_wait3A_91 : memref<8x64xf32, #tpu.memory_space<vmem_shared>>)
        tpu.yield
      }) : () -> ()
    } else {
    }
    %barrier3A = arith.constant 0 : index
    tpu.barrier barrier_id(%barrier3A)
    %sub3A = arith.constant 0 : i32
    %sub3A_21 = arith.subi %select_n3A, %sub3A : i32
    %min3A = arith.constant 64 : i32
    %min3A_22 = arith.minsi %sub3A_21, %min3A : i32
    %add3A_23 = arith.constant 0 : i32
    %add3A_24 = arith.addi %select_n3A_8, %add3A_23 : i32
    "tpu.region"() ({
      %run_scoped3A = tpu.sem_alloc : memref<!tpu.dma_semaphore, #tpu.memory_space<semaphore_mem>>
      %dma_start3A_72 = arith.constant 0 : i32
      %dma_start3A_73 = tpu.memref_slice %arg3[%add3A_24, %dma_start3A_72] : memref<3280x128xi32, #tpu.memory_space<hbm>> -> memref<64x128xi32, #tpu.memory_space<hbm>>
      %dma_start3A_74 = arith.constant 0 : i32
      %dma_start3A_75 = tpu.memref_slice %arg3[%add3A_24, %dma_start3A_74] : memref<3280x128xi32, #tpu.memory_space<hbm>> -> memref<64x128xi32, #tpu.memory_space<hbm>>
      tpu.enqueue_dma source(%dma_start3A_75 : memref<64x128xi32, #tpu.memory_space<hbm>>) target(%arg6 : memref<64x128xi32, #tpu.memory_space<vmem>>) target_semaphore(%run_scoped3A : memref<!tpu.dma_semaphore, #tpu.memory_space<semaphore_mem>>)
      %dma_wait3A = arith.constant 0 : i32
      %dma_wait3A_76 = tpu.memref_slice %arg3[%add3A_24, %dma_wait3A] : memref<3280x128xi32, #tpu.memory_space<hbm>> -> memref<64x128xi32, #tpu.memory_space<hbm>>
      %dma_wait3A_77 = arith.constant 0 : i32
      %dma_wait3A_78 = tpu.memref_slice %arg3[%add3A_24, %dma_wait3A_77] : memref<3280x128xi32, #tpu.memory_space<hbm>> -> memref<64x128xi32, #tpu.memory_space<hbm>>
      tpu.wait_dma2 semaphore(%run_scoped3A : memref<!tpu.dma_semaphore, #tpu.memory_space<semaphore_mem>>) src(%dma_wait3A_78 : memref<64x128xi32, #tpu.memory_space<hbm>>) dst(%arg6 : memref<64x128xi32, #tpu.memory_space<vmem>>)
      tpu.yield
    }) : () -> ()
    %add3A_25 = arith.constant 0 : i32
    %add3A_26 = arith.addi %select_n3A_8, %add3A_25 : i32
    "tpu.region"() ({
      %run_scoped3A = tpu.sem_alloc : memref<!tpu.dma_semaphore, #tpu.memory_space<semaphore_mem>>
      %dma_start3A_72 = arith.constant 0 : i32
      %dma_start3A_73 = tpu.memref_slice %arg4[%add3A_26, %dma_start3A_72] : memref<3280x128xi32, #tpu.memory_space<hbm>> -> memref<64x128xi32, #tpu.memory_space<hbm>>
      %dma_start3A_74 = arith.constant 0 : i32
      %dma_start3A_75 = tpu.memref_slice %arg4[%add3A_26, %dma_start3A_74] : memref<3280x128xi32, #tpu.memory_space<hbm>> -> memref<64x128xi32, #tpu.memory_space<hbm>>
      tpu.enqueue_dma source(%dma_start3A_75 : memref<64x128xi32, #tpu.memory_space<hbm>>) target(%arg7 : memref<64x128xi32, #tpu.memory_space<vmem>>) target_semaphore(%run_scoped3A : memref<!tpu.dma_semaphore, #tpu.memory_space<semaphore_mem>>)
      %dma_wait3A = arith.constant 0 : i32
      %dma_wait3A_76 = tpu.memref_slice %arg4[%add3A_26, %dma_wait3A] : memref<3280x128xi32, #tpu.memory_space<hbm>> -> memref<64x128xi32, #tpu.memory_space<hbm>>
      %dma_wait3A_77 = arith.constant 0 : i32
      %dma_wait3A_78 = tpu.memref_slice %arg4[%add3A_26, %dma_wait3A_77] : memref<3280x128xi32, #tpu.memory_space<hbm>> -> memref<64x128xi32, #tpu.memory_space<hbm>>
      tpu.wait_dma2 semaphore(%run_scoped3A : memref<!tpu.dma_semaphore, #tpu.memory_space<semaphore_mem>>) src(%dma_wait3A_78 : memref<64x128xi32, #tpu.memory_space<hbm>>) dst(%arg7 : memref<64x128xi32, #tpu.memory_space<vmem>>)
      tpu.yield
    }) : () -> ()
    %dma_start3A = arith.constant 0 : i32
    %dma_start3A_27 = arith.constant 0 : i32
    %dma_start3A_28 = tpu.memref_slice %arg6[%dma_start3A, %dma_start3A_27] : memref<64x128xi32, #tpu.memory_space<vmem>> -> memref<1x128xi32, #tpu.memory_space<vmem>>
    %dma_start3A_29 = tpu.memref_squeeze %dma_start3A_28 : memref<1x128xi32, #tpu.memory_space<vmem>> -> memref<128xi32, #tpu.memory_space<vmem>>
    %dma_start3A_30 = arith.constant 0 : i32
    %dma_start3A_31 = arith.constant 0 : i32
    %dma_start3A_32 = tpu.memref_slice %arg2[%dma_start3A_30, %dma_start3A_31] : memref<20736x64xf32, #tpu.memory_space<hbm>> -> memref<20736x64xf32, #tpu.memory_space<hbm>>
    tpu.enqueue_indirect_dma source(%dma_start3A_32 : memref<20736x64xf32, #tpu.memory_space<hbm>>) target(%arg8 : memref<128x64xf32, #tpu.memory_space<vmem>>) offsets(%dma_start3A_29 : memref<128xi32, #tpu.memory_space<vmem>>) semaphore(%arg12 : memref<!tpu.dma_semaphore, #tpu.memory_space<semaphore_mem>>)
    %gt3A = arith.constant 1 : i32
    %gt3A_33 = arith.cmpi sgt, %min3A_22, %gt3A : i32
    %convert_element_type3A_34 = arith.extui %gt3A_33 : i1 to i32
    %cond3A_35 = arith.constant 0 : i32
    %cond3A_36 = arith.cmpi ne, %convert_element_type3A_34, %cond3A_35 : i32
    scf.if %cond3A_36 {
      %dma_start3A_72 = arith.constant 1 : i32
      %dma_start3A_73 = arith.constant 0 : i32
      %dma_start3A_74 = tpu.memref_slice %arg6[%dma_start3A_72, %dma_start3A_73] : memref<64x128xi32, #tpu.memory_space<vmem>> -> memref<1x128xi32, #tpu.memory_space<vmem>>
      %dma_start3A_75 = tpu.memref_squeeze %dma_start3A_74 : memref<1x128xi32, #tpu.memory_space<vmem>> -> memref<128xi32, #tpu.memory_space<vmem>>
      %dma_start3A_76 = arith.constant 0 : i32
      %dma_start3A_77 = arith.constant 0 : i32
      %dma_start3A_78 = tpu.memref_slice %arg2[%dma_start3A_76, %dma_start3A_77] : memref<20736x64xf32, #tpu.memory_space<hbm>> -> memref<20736x64xf32, #tpu.memory_space<hbm>>
      tpu.enqueue_indirect_dma source(%dma_start3A_78 : memref<20736x64xf32, #tpu.memory_space<hbm>>) target(%arg9 : memref<128x64xf32, #tpu.memory_space<vmem>>) offsets(%dma_start3A_75 : memref<128xi32, #tpu.memory_space<vmem>>) semaphore(%arg13 : memref<!tpu.dma_semaphore, #tpu.memory_space<semaphore_mem>>)
    } else {
    }
    %scan3A_37 = arith.constant 0 : i32
    %scan3A_38 = arith.constant 32 : i32
    %scan3A_39 = arith.addi %scan3A_37, %scan3A_38 : i32
    %scan3A_40 = arith.constant 1 : i32
    scf.for %scan3A_72 = %scan3A_37 to %scan3A_39 step %scan3A_40  : i32 {
      %mul3A_73 = arith.constant 2 : i32
      %mul3A_74 = arith.muli %scan3A_72, %mul3A_73 : i32
      %add3A_75 = arith.constant 0 : i32
      %add3A_76 = arith.addi %add3A_75, %mul3A_74 : i32
      %lt3A = arith.cmpi slt, %add3A_76, %min3A_22 : i32
      %convert_element_type3A_77 = arith.extui %lt3A : i1 to i32
      %cond3A_78 = arith.constant 0 : i32
      %cond3A_79 = arith.cmpi ne, %convert_element_type3A_77, %cond3A_78 : i32
      scf.if %cond3A_79 {
        %dma_wait3A = arith.constant 0 : i32
        %dma_wait3A_98 = arith.constant 0 : i32
        %dma_wait3A_99 = tpu.memref_slice %arg6[%dma_wait3A, %dma_wait3A_98] : memref<64x128xi32, #tpu.memory_space<vmem>> -> memref<1x128xi32, #tpu.memory_space<vmem>>
        %dma_wait3A_100 = tpu.memref_squeeze %dma_wait3A_99 : memref<1x128xi32, #tpu.memory_space<vmem>> -> memref<128xi32, #tpu.memory_space<vmem>>
        %dma_wait3A_101 = arith.constant 0 : i32
        %dma_wait3A_102 = arith.constant 0 : i32
        %dma_wait3A_103 = tpu.memref_slice %arg2[%dma_wait3A_101, %dma_wait3A_102] : memref<20736x64xf32, #tpu.memory_space<hbm>> -> memref<20736x64xf32, #tpu.memory_space<hbm>>
        tpu.wait_indirect_dma semaphore(%arg12 : memref<!tpu.dma_semaphore, #tpu.memory_space<semaphore_mem>>) src(%dma_wait3A_103 : memref<20736x64xf32, #tpu.memory_space<hbm>>) dst(%arg8 : memref<128x64xf32, #tpu.memory_space<vmem>>)
        "tpu.region"() ({
          %run_scoped3A = tpu.sem_alloc : memref<!tpu.dma_semaphore, #tpu.memory_space<semaphore_mem>>
          %dma_start3A_104 = arith.constant 0 : i32
          %dma_start3A_105 = tpu.memref_slice %arg7[%add3A_76, %dma_start3A_104] : memref<64x128xi32, #tpu.memory_space<vmem>> -> memref<1x128xi32, #tpu.memory_space<vmem>>
          %dma_start3A_106 = tpu.memref_squeeze %dma_start3A_105 : memref<1x128xi32, #tpu.memory_space<vmem>> -> memref<128xi32, #tpu.memory_space<vmem>>
          %dma_start3A_107 = arith.constant 0 : i32
          %dma_start3A_108 = arith.constant 0 : i32
          %dma_start3A_109 = tpu.memref_slice %arg11[%dma_start3A_107, %dma_start3A_108] : memref<20744x64xf32, #tpu.memory_space<vmem_shared>> -> memref<20744x64xf32, #tpu.memory_space<vmem_shared>>
          tpu.enqueue_indirect_dma source(%arg8 : memref<128x64xf32, #tpu.memory_space<vmem>>) target(%dma_start3A_109 : memref<20744x64xf32, #tpu.memory_space<vmem_shared>>) offsets(%dma_start3A_106 : memref<128xi32, #tpu.memory_space<vmem>>) semaphore(%run_scoped3A : memref<!tpu.dma_semaphore, #tpu.memory_space<semaphore_mem>>) {add = true}
          %dma_wait3A_110 = arith.constant 0 : i32
          %dma_wait3A_111 = tpu.memref_slice %arg7[%add3A_76, %dma_wait3A_110] : memref<64x128xi32, #tpu.memory_space<vmem>> -> memref<1x128xi32, #tpu.memory_space<vmem>>
          %dma_wait3A_112 = tpu.memref_squeeze %dma_wait3A_111 : memref<1x128xi32, #tpu.memory_space<vmem>> -> memref<128xi32, #tpu.memory_space<vmem>>
          %dma_wait3A_113 = arith.constant 0 : i32
          %dma_wait3A_114 = arith.constant 0 : i32
          %dma_wait3A_115 = tpu.memref_slice %arg11[%dma_wait3A_113, %dma_wait3A_114] : memref<20744x64xf32, #tpu.memory_space<vmem_shared>> -> memref<20744x64xf32, #tpu.memory_space<vmem_shared>>
          tpu.wait_indirect_dma semaphore(%run_scoped3A : memref<!tpu.dma_semaphore, #tpu.memory_space<semaphore_mem>>) src(%arg8 : memref<128x64xf32, #tpu.memory_space<vmem>>) dst(%dma_wait3A_115 : memref<20744x64xf32, #tpu.memory_space<vmem_shared>>)
          tpu.yield
        }) : () -> ()
      } else {
      }
      %add3A_80 = arith.constant 2 : i32
      %add3A_81 = arith.addi %add3A_76, %add3A_80 : i32
      %lt3A_82 = arith.cmpi slt, %add3A_81, %min3A_22 : i32
      %convert_element_type3A_83 = arith.extui %lt3A_82 : i1 to i32
      %cond3A_84 = arith.constant 0 : i32
      %cond3A_85 = arith.cmpi ne, %convert_element_type3A_83, %cond3A_84 : i32
      scf.if %cond3A_85 {
        %add3A_98 = arith.constant 2 : i32
        %add3A_99 = arith.addi %add3A_76, %add3A_98 : i32
        %dma_start3A_100 = arith.constant 0 : i32
        %dma_start3A_101 = tpu.memref_slice %arg6[%add3A_99, %dma_start3A_100] : memref<64x128xi32, #tpu.memory_space<vmem>> -> memref<1x128xi32, #tpu.memory_space<vmem>>
        %dma_start3A_102 = tpu.memref_squeeze %dma_start3A_101 : memref<1x128xi32, #tpu.memory_space<vmem>> -> memref<128xi32, #tpu.memory_space<vmem>>
        %dma_start3A_103 = arith.constant 0 : i32
        %dma_start3A_104 = arith.constant 0 : i32
        %dma_start3A_105 = tpu.memref_slice %arg2[%dma_start3A_103, %dma_start3A_104] : memref<20736x64xf32, #tpu.memory_space<hbm>> -> memref<20736x64xf32, #tpu.memory_space<hbm>>
        tpu.enqueue_indirect_dma source(%dma_start3A_105 : memref<20736x64xf32, #tpu.memory_space<hbm>>) target(%arg8 : memref<128x64xf32, #tpu.memory_space<vmem>>) offsets(%dma_start3A_102 : memref<128xi32, #tpu.memory_space<vmem>>) semaphore(%arg12 : memref<!tpu.dma_semaphore, #tpu.memory_space<semaphore_mem>>)
      } else {
      }
      %add3A_86 = arith.constant 1 : i32
      %add3A_87 = arith.addi %add3A_76, %add3A_86 : i32
      %lt3A_88 = arith.cmpi slt, %add3A_87, %min3A_22 : i32
      %convert_element_type3A_89 = arith.extui %lt3A_88 : i1 to i32
      %cond3A_90 = arith.constant 0 : i32
      %cond3A_91 = arith.cmpi ne, %convert_element_type3A_89, %cond3A_90 : i32
      scf.if %cond3A_91 {
        %dma_wait3A = arith.constant 0 : i32
        %dma_wait3A_98 = arith.constant 0 : i32
        %dma_wait3A_99 = tpu.memref_slice %arg6[%dma_wait3A, %dma_wait3A_98] : memref<64x128xi32, #tpu.memory_space<vmem>> -> memref<1x128xi32, #tpu.memory_space<vmem>>
        %dma_wait3A_100 = tpu.memref_squeeze %dma_wait3A_99 : memref<1x128xi32, #tpu.memory_space<vmem>> -> memref<128xi32, #tpu.memory_space<vmem>>
        %dma_wait3A_101 = arith.constant 0 : i32
        %dma_wait3A_102 = arith.constant 0 : i32
        %dma_wait3A_103 = tpu.memref_slice %arg2[%dma_wait3A_101, %dma_wait3A_102] : memref<20736x64xf32, #tpu.memory_space<hbm>> -> memref<20736x64xf32, #tpu.memory_space<hbm>>
        tpu.wait_indirect_dma semaphore(%arg13 : memref<!tpu.dma_semaphore, #tpu.memory_space<semaphore_mem>>) src(%dma_wait3A_103 : memref<20736x64xf32, #tpu.memory_space<hbm>>) dst(%arg9 : memref<128x64xf32, #tpu.memory_space<vmem>>)
        %add3A_104 = arith.constant 1 : i32
        %add3A_105 = arith.addi %add3A_76, %add3A_104 : i32
        "tpu.region"() ({
          %run_scoped3A = tpu.sem_alloc : memref<!tpu.dma_semaphore, #tpu.memory_space<semaphore_mem>>
          %dma_start3A_106 = arith.constant 0 : i32
          %dma_start3A_107 = tpu.memref_slice %arg7[%add3A_105, %dma_start3A_106] : memref<64x128xi32, #tpu.memory_space<vmem>> -> memref<1x128xi32, #tpu.memory_space<vmem>>
          %dma_start3A_108 = tpu.memref_squeeze %dma_start3A_107 : memref<1x128xi32, #tpu.memory_space<vmem>> -> memref<128xi32, #tpu.memory_space<vmem>>
          %dma_start3A_109 = arith.constant 0 : i32
          %dma_start3A_110 = arith.constant 0 : i32
          %dma_start3A_111 = tpu.memref_slice %arg11[%dma_start3A_109, %dma_start3A_110] : memref<20744x64xf32, #tpu.memory_space<vmem_shared>> -> memref<20744x64xf32, #tpu.memory_space<vmem_shared>>
          tpu.enqueue_indirect_dma source(%arg9 : memref<128x64xf32, #tpu.memory_space<vmem>>) target(%dma_start3A_111 : memref<20744x64xf32, #tpu.memory_space<vmem_shared>>) offsets(%dma_start3A_108 : memref<128xi32, #tpu.memory_space<vmem>>) semaphore(%run_scoped3A : memref<!tpu.dma_semaphore, #tpu.memory_space<semaphore_mem>>) {add = true}
          %dma_wait3A_112 = arith.constant 0 : i32
          %dma_wait3A_113 = tpu.memref_slice %arg7[%add3A_105, %dma_wait3A_112] : memref<64x128xi32, #tpu.memory_space<vmem>> -> memref<1x128xi32, #tpu.memory_space<vmem>>
          %dma_wait3A_114 = tpu.memref_squeeze %dma_wait3A_113 : memref<1x128xi32, #tpu.memory_space<vmem>> -> memref<128xi32, #tpu.memory_space<vmem>>
          %dma_wait3A_115 = arith.constant 0 : i32
          %dma_wait3A_116 = arith.constant 0 : i32
          %dma_wait3A_117 = tpu.memref_slice %arg11[%dma_wait3A_115, %dma_wait3A_116] : memref<20744x64xf32, #tpu.memory_space<vmem_shared>> -> memref<20744x64xf32, #tpu.memory_space<vmem_shared>>
          tpu.wait_indirect_dma semaphore(%run_scoped3A : memref<!tpu.dma_semaphore, #tpu.memory_space<semaphore_mem>>) src(%arg9 : memref<128x64xf32, #tpu.memory_space<vmem>>) dst(%dma_wait3A_117 : memref<20744x64xf32, #tpu.memory_space<vmem_shared>>)
          tpu.yield
        }) : () -> ()
      } else {
      }
      %add3A_92 = arith.constant 3 : i32
      %add3A_93 = arith.addi %add3A_76, %add3A_92 : i32
      %lt3A_94 = arith.cmpi slt, %add3A_93, %min3A_22 : i32
      %convert_element_type3A_95 = arith.extui %lt3A_94 : i1 to i32
      %cond3A_96 = arith.constant 0 : i32
      %cond3A_97 = arith.cmpi ne, %convert_element_type3A_95, %cond3A_96 : i32
      scf.if %cond3A_97 {
        %add3A_98 = arith.constant 3 : i32
        %add3A_99 = arith.addi %add3A_76, %add3A_98 : i32
        %dma_start3A_100 = arith.constant 0 : i32
        %dma_start3A_101 = tpu.memref_slice %arg6[%add3A_99, %dma_start3A_100] : memref<64x128xi32, #tpu.memory_space<vmem>> -> memref<1x128xi32, #tpu.memory_space<vmem>>
        %dma_start3A_102 = tpu.memref_squeeze %dma_start3A_101 : memref<1x128xi32, #tpu.memory_space<vmem>> -> memref<128xi32, #tpu.memory_space<vmem>>
        %dma_start3A_103 = arith.constant 0 : i32
        %dma_start3A_104 = arith.constant 0 : i32
        %dma_start3A_105 = tpu.memref_slice %arg2[%dma_start3A_103, %dma_start3A_104] : memref<20736x64xf32, #tpu.memory_space<hbm>> -> memref<20736x64xf32, #tpu.memory_space<hbm>>
        tpu.enqueue_indirect_dma source(%dma_start3A_105 : memref<20736x64xf32, #tpu.memory_space<hbm>>) target(%arg9 : memref<128x64xf32, #tpu.memory_space<vmem>>) offsets(%dma_start3A_102 : memref<128xi32, #tpu.memory_space<vmem>>) semaphore(%arg13 : memref<!tpu.dma_semaphore, #tpu.memory_space<semaphore_mem>>)
      } else {
      }
    }
    %scan3A_41 = arith.constant 32 : i32
    %sub3A_42 = arith.constant 64 : i32
    %sub3A_43 = arith.subi %select_n3A, %sub3A_42 : i32
    %min3A_44 = arith.constant 64 : i32
    %min3A_45 = arith.minsi %sub3A_43, %min3A_44 : i32
    %add3A_46 = arith.constant 64 : i32
    %add3A_47 = arith.addi %select_n3A_8, %add3A_46 : i32
    "tpu.region"() ({
      %run_scoped3A = tpu.sem_alloc : memref<!tpu.dma_semaphore, #tpu.memory_space<semaphore_mem>>
      %dma_start3A_72 = arith.constant 0 : i32
      %dma_start3A_73 = tpu.memref_slice %arg3[%add3A_47, %dma_start3A_72] : memref<3280x128xi32, #tpu.memory_space<hbm>> -> memref<64x128xi32, #tpu.memory_space<hbm>>
      %dma_start3A_74 = arith.constant 0 : i32
      %dma_start3A_75 = tpu.memref_slice %arg3[%add3A_47, %dma_start3A_74] : memref<3280x128xi32, #tpu.memory_space<hbm>> -> memref<64x128xi32, #tpu.memory_space<hbm>>
      tpu.enqueue_dma source(%dma_start3A_75 : memref<64x128xi32, #tpu.memory_space<hbm>>) target(%arg6 : memref<64x128xi32, #tpu.memory_space<vmem>>) target_semaphore(%run_scoped3A : memref<!tpu.dma_semaphore, #tpu.memory_space<semaphore_mem>>)
      %dma_wait3A = arith.constant 0 : i32
      %dma_wait3A_76 = tpu.memref_slice %arg3[%add3A_47, %dma_wait3A] : memref<3280x128xi32, #tpu.memory_space<hbm>> -> memref<64x128xi32, #tpu.memory_space<hbm>>
      %dma_wait3A_77 = arith.constant 0 : i32
      %dma_wait3A_78 = tpu.memref_slice %arg3[%add3A_47, %dma_wait3A_77] : memref<3280x128xi32, #tpu.memory_space<hbm>> -> memref<64x128xi32, #tpu.memory_space<hbm>>
      tpu.wait_dma2 semaphore(%run_scoped3A : memref<!tpu.dma_semaphore, #tpu.memory_space<semaphore_mem>>) src(%dma_wait3A_78 : memref<64x128xi32, #tpu.memory_space<hbm>>) dst(%arg6 : memref<64x128xi32, #tpu.memory_space<vmem>>)
      tpu.yield
    }) : () -> ()
    %add3A_48 = arith.constant 64 : i32
    %add3A_49 = arith.addi %select_n3A_8, %add3A_48 : i32
    "tpu.region"() ({
      %run_scoped3A = tpu.sem_alloc : memref<!tpu.dma_semaphore, #tpu.memory_space<semaphore_mem>>
      %dma_start3A_72 = arith.constant 0 : i32
      %dma_start3A_73 = tpu.memref_slice %arg4[%add3A_49, %dma_start3A_72] : memref<3280x128xi32, #tpu.memory_space<hbm>> -> memref<64x128xi32, #tpu.memory_space<hbm>>
      %dma_start3A_74 = arith.constant 0 : i32
      %dma_start3A_75 = tpu.memref_slice %arg4[%add3A_49, %dma_start3A_74] : memref<3280x128xi32, #tpu.memory_space<hbm>> -> memref<64x128xi32, #tpu.memory_space<hbm>>
      tpu.enqueue_dma source(%dma_start3A_75 : memref<64x128xi32, #tpu.memory_space<hbm>>) target(%arg7 : memref<64x128xi32, #tpu.memory_space<vmem>>) target_semaphore(%run_scoped3A : memref<!tpu.dma_semaphore, #tpu.memory_space<semaphore_mem>>)
      %dma_wait3A = arith.constant 0 : i32
      %dma_wait3A_76 = tpu.memref_slice %arg4[%add3A_49, %dma_wait3A] : memref<3280x128xi32, #tpu.memory_space<hbm>> -> memref<64x128xi32, #tpu.memory_space<hbm>>
      %dma_wait3A_77 = arith.constant 0 : i32
      %dma_wait3A_78 = tpu.memref_slice %arg4[%add3A_49, %dma_wait3A_77] : memref<3280x128xi32, #tpu.memory_space<hbm>> -> memref<64x128xi32, #tpu.memory_space<hbm>>
      tpu.wait_dma2 semaphore(%run_scoped3A : memref<!tpu.dma_semaphore, #tpu.memory_space<semaphore_mem>>) src(%dma_wait3A_78 : memref<64x128xi32, #tpu.memory_space<hbm>>) dst(%arg7 : memref<64x128xi32, #tpu.memory_space<vmem>>)
      tpu.yield
    }) : () -> ()
    %dma_start3A_50 = arith.constant 0 : i32
    %dma_start3A_51 = arith.constant 0 : i32
    %dma_start3A_52 = tpu.memref_slice %arg6[%dma_start3A_50, %dma_start3A_51] : memref<64x128xi32, #tpu.memory_space<vmem>> -> memref<1x128xi32, #tpu.memory_space<vmem>>
    %dma_start3A_53 = tpu.memref_squeeze %dma_start3A_52 : memref<1x128xi32, #tpu.memory_space<vmem>> -> memref<128xi32, #tpu.memory_space<vmem>>
    %dma_start3A_54 = arith.constant 0 : i32
    %dma_start3A_55 = arith.constant 0 : i32
    %dma_start3A_56 = tpu.memref_slice %arg2[%dma_start3A_54, %dma_start3A_55] : memref<20736x64xf32, #tpu.memory_space<hbm>> -> memref<20736x64xf32, #tpu.memory_space<hbm>>
    tpu.enqueue_indirect_dma source(%dma_start3A_56 : memref<20736x64xf32, #tpu.memory_space<hbm>>) target(%arg8 : memref<128x64xf32, #tpu.memory_space<vmem>>) offsets(%dma_start3A_53 : memref<128xi32, #tpu.memory_space<vmem>>) semaphore(%arg12 : memref<!tpu.dma_semaphore, #tpu.memory_space<semaphore_mem>>)
    %gt3A_57 = arith.constant 1 : i32
    %gt3A_58 = arith.cmpi sgt, %min3A_45, %gt3A_57 : i32
    %convert_element_type3A_59 = arith.extui %gt3A_58 : i1 to i32
    %cond3A_60 = arith.constant 0 : i32
    %cond3A_61 = arith.cmpi ne, %convert_element_type3A_59, %cond3A_60 : i32
    scf.if %cond3A_61 {
      %dma_start3A_72 = arith.constant 1 : i32
      %dma_start3A_73 = arith.constant 0 : i32
      %dma_start3A_74 = tpu.memref_slice %arg6[%dma_start3A_72, %dma_start3A_73] : memref<64x128xi32, #tpu.memory_space<vmem>> -> memref<1x128xi32, #tpu.memory_space<vmem>>
      %dma_start3A_75 = tpu.memref_squeeze %dma_start3A_74 : memref<1x128xi32, #tpu.memory_space<vmem>> -> memref<128xi32, #tpu.memory_space<vmem>>
      %dma_start3A_76 = arith.constant 0 : i32
      %dma_start3A_77 = arith.constant 0 : i32
      %dma_start3A_78 = tpu.memref_slice %arg2[%dma_start3A_76, %dma_start3A_77] : memref<20736x64xf32, #tpu.memory_space<hbm>> -> memref<20736x64xf32, #tpu.memory_space<hbm>>
      tpu.enqueue_indirect_dma source(%dma_start3A_78 : memref<20736x64xf32, #tpu.memory_space<hbm>>) target(%arg9 : memref<128x64xf32, #tpu.memory_space<vmem>>) offsets(%dma_start3A_75 : memref<128xi32, #tpu.memory_space<vmem>>) semaphore(%arg13 : memref<!tpu.dma_semaphore, #tpu.memory_space<semaphore_mem>>)
    } else {
    }
    %scan3A_62 = arith.constant 0 : i32
    %scan3A_63 = arith.constant 32 : i32
    %scan3A_64 = arith.addi %scan3A_62, %scan3A_63 : i32
    %scan3A_65 = arith.constant 1 : i32
    scf.for %scan3A_72 = %scan3A_62 to %scan3A_64 step %scan3A_65  : i32 {
      %mul3A_73 = arith.constant 2 : i32
      %mul3A_74 = arith.muli %scan3A_72, %mul3A_73 : i32
      %add3A_75 = arith.constant 0 : i32
      %add3A_76 = arith.addi %add3A_75, %mul3A_74 : i32
      %lt3A = arith.cmpi slt, %add3A_76, %min3A_45 : i32
      %convert_element_type3A_77 = arith.extui %lt3A : i1 to i32
      %cond3A_78 = arith.constant 0 : i32
      %cond3A_79 = arith.cmpi ne, %convert_element_type3A_77, %cond3A_78 : i32
      scf.if %cond3A_79 {
        %dma_wait3A = arith.constant 0 : i32
        %dma_wait3A_98 = arith.constant 0 : i32
        %dma_wait3A_99 = tpu.memref_slice %arg6[%dma_wait3A, %dma_wait3A_98] : memref<64x128xi32, #tpu.memory_space<vmem>> -> memref<1x128xi32, #tpu.memory_space<vmem>>
        %dma_wait3A_100 = tpu.memref_squeeze %dma_wait3A_99 : memref<1x128xi32, #tpu.memory_space<vmem>> -> memref<128xi32, #tpu.memory_space<vmem>>
        %dma_wait3A_101 = arith.constant 0 : i32
        %dma_wait3A_102 = arith.constant 0 : i32
        %dma_wait3A_103 = tpu.memref_slice %arg2[%dma_wait3A_101, %dma_wait3A_102] : memref<20736x64xf32, #tpu.memory_space<hbm>> -> memref<20736x64xf32, #tpu.memory_space<hbm>>
        tpu.wait_indirect_dma semaphore(%arg12 : memref<!tpu.dma_semaphore, #tpu.memory_space<semaphore_mem>>) src(%dma_wait3A_103 : memref<20736x64xf32, #tpu.memory_space<hbm>>) dst(%arg8 : memref<128x64xf32, #tpu.memory_space<vmem>>)
        "tpu.region"() ({
          %run_scoped3A = tpu.sem_alloc : memref<!tpu.dma_semaphore, #tpu.memory_space<semaphore_mem>>
          %dma_start3A_104 = arith.constant 0 : i32
          %dma_start3A_105 = tpu.memref_slice %arg7[%add3A_76, %dma_start3A_104] : memref<64x128xi32, #tpu.memory_space<vmem>> -> memref<1x128xi32, #tpu.memory_space<vmem>>
          %dma_start3A_106 = tpu.memref_squeeze %dma_start3A_105 : memref<1x128xi32, #tpu.memory_space<vmem>> -> memref<128xi32, #tpu.memory_space<vmem>>
          %dma_start3A_107 = arith.constant 0 : i32
          %dma_start3A_108 = arith.constant 0 : i32
          %dma_start3A_109 = tpu.memref_slice %arg11[%dma_start3A_107, %dma_start3A_108] : memref<20744x64xf32, #tpu.memory_space<vmem_shared>> -> memref<20744x64xf32, #tpu.memory_space<vmem_shared>>
          tpu.enqueue_indirect_dma source(%arg8 : memref<128x64xf32, #tpu.memory_space<vmem>>) target(%dma_start3A_109 : memref<20744x64xf32, #tpu.memory_space<vmem_shared>>) offsets(%dma_start3A_106 : memref<128xi32, #tpu.memory_space<vmem>>) semaphore(%run_scoped3A : memref<!tpu.dma_semaphore, #tpu.memory_space<semaphore_mem>>) {add = true}
          %dma_wait3A_110 = arith.constant 0 : i32
          %dma_wait3A_111 = tpu.memref_slice %arg7[%add3A_76, %dma_wait3A_110] : memref<64x128xi32, #tpu.memory_space<vmem>> -> memref<1x128xi32, #tpu.memory_space<vmem>>
          %dma_wait3A_112 = tpu.memref_squeeze %dma_wait3A_111 : memref<1x128xi32, #tpu.memory_space<vmem>> -> memref<128xi32, #tpu.memory_space<vmem>>
          %dma_wait3A_113 = arith.constant 0 : i32
          %dma_wait3A_114 = arith.constant 0 : i32
          %dma_wait3A_115 = tpu.memref_slice %arg11[%dma_wait3A_113, %dma_wait3A_114] : memref<20744x64xf32, #tpu.memory_space<vmem_shared>> -> memref<20744x64xf32, #tpu.memory_space<vmem_shared>>
          tpu.wait_indirect_dma semaphore(%run_scoped3A : memref<!tpu.dma_semaphore, #tpu.memory_space<semaphore_mem>>) src(%arg8 : memref<128x64xf32, #tpu.memory_space<vmem>>) dst(%dma_wait3A_115 : memref<20744x64xf32, #tpu.memory_space<vmem_shared>>)
          tpu.yield
        }) : () -> ()
      } else {
      }
      %add3A_80 = arith.constant 2 : i32
      %add3A_81 = arith.addi %add3A_76, %add3A_80 : i32
      %lt3A_82 = arith.cmpi slt, %add3A_81, %min3A_45 : i32
      %convert_element_type3A_83 = arith.extui %lt3A_82 : i1 to i32
      %cond3A_84 = arith.constant 0 : i32
      %cond3A_85 = arith.cmpi ne, %convert_element_type3A_83, %cond3A_84 : i32
      scf.if %cond3A_85 {
        %add3A_98 = arith.constant 2 : i32
        %add3A_99 = arith.addi %add3A_76, %add3A_98 : i32
        %dma_start3A_100 = arith.constant 0 : i32
        %dma_start3A_101 = tpu.memref_slice %arg6[%add3A_99, %dma_start3A_100] : memref<64x128xi32, #tpu.memory_space<vmem>> -> memref<1x128xi32, #tpu.memory_space<vmem>>
        %dma_start3A_102 = tpu.memref_squeeze %dma_start3A_101 : memref<1x128xi32, #tpu.memory_space<vmem>> -> memref<128xi32, #tpu.memory_space<vmem>>
        %dma_start3A_103 = arith.constant 0 : i32
        %dma_start3A_104 = arith.constant 0 : i32
        %dma_start3A_105 = tpu.memref_slice %arg2[%dma_start3A_103, %dma_start3A_104] : memref<20736x64xf32, #tpu.memory_space<hbm>> -> memref<20736x64xf32, #tpu.memory_space<hbm>>
        tpu.enqueue_indirect_dma source(%dma_start3A_105 : memref<20736x64xf32, #tpu.memory_space<hbm>>) target(%arg8 : memref<128x64xf32, #tpu.memory_space<vmem>>) offsets(%dma_start3A_102 : memref<128xi32, #tpu.memory_space<vmem>>) semaphore(%arg12 : memref<!tpu.dma_semaphore, #tpu.memory_space<semaphore_mem>>)
      } else {
      }
      %add3A_86 = arith.constant 1 : i32
      %add3A_87 = arith.addi %add3A_76, %add3A_86 : i32
      %lt3A_88 = arith.cmpi slt, %add3A_87, %min3A_45 : i32
      %convert_element_type3A_89 = arith.extui %lt3A_88 : i1 to i32
      %cond3A_90 = arith.constant 0 : i32
      %cond3A_91 = arith.cmpi ne, %convert_element_type3A_89, %cond3A_90 : i32
      scf.if %cond3A_91 {
        %dma_wait3A = arith.constant 0 : i32
        %dma_wait3A_98 = arith.constant 0 : i32
        %dma_wait3A_99 = tpu.memref_slice %arg6[%dma_wait3A, %dma_wait3A_98] : memref<64x128xi32, #tpu.memory_space<vmem>> -> memref<1x128xi32, #tpu.memory_space<vmem>>
        %dma_wait3A_100 = tpu.memref_squeeze %dma_wait3A_99 : memref<1x128xi32, #tpu.memory_space<vmem>> -> memref<128xi32, #tpu.memory_space<vmem>>
        %dma_wait3A_101 = arith.constant 0 : i32
        %dma_wait3A_102 = arith.constant 0 : i32
        %dma_wait3A_103 = tpu.memref_slice %arg2[%dma_wait3A_101, %dma_wait3A_102] : memref<20736x64xf32, #tpu.memory_space<hbm>> -> memref<20736x64xf32, #tpu.memory_space<hbm>>
        tpu.wait_indirect_dma semaphore(%arg13 : memref<!tpu.dma_semaphore, #tpu.memory_space<semaphore_mem>>) src(%dma_wait3A_103 : memref<20736x64xf32, #tpu.memory_space<hbm>>) dst(%arg9 : memref<128x64xf32, #tpu.memory_space<vmem>>)
        %add3A_104 = arith.constant 1 : i32
        %add3A_105 = arith.addi %add3A_76, %add3A_104 : i32
        "tpu.region"() ({
          %run_scoped3A = tpu.sem_alloc : memref<!tpu.dma_semaphore, #tpu.memory_space<semaphore_mem>>
          %dma_start3A_106 = arith.constant 0 : i32
          %dma_start3A_107 = tpu.memref_slice %arg7[%add3A_105, %dma_start3A_106] : memref<64x128xi32, #tpu.memory_space<vmem>> -> memref<1x128xi32, #tpu.memory_space<vmem>>
          %dma_start3A_108 = tpu.memref_squeeze %dma_start3A_107 : memref<1x128xi32, #tpu.memory_space<vmem>> -> memref<128xi32, #tpu.memory_space<vmem>>
          %dma_start3A_109 = arith.constant 0 : i32
          %dma_start3A_110 = arith.constant 0 : i32
          %dma_start3A_111 = tpu.memref_slice %arg11[%dma_start3A_109, %dma_start3A_110] : memref<20744x64xf32, #tpu.memory_space<vmem_shared>> -> memref<20744x64xf32, #tpu.memory_space<vmem_shared>>
          tpu.enqueue_indirect_dma source(%arg9 : memref<128x64xf32, #tpu.memory_space<vmem>>) target(%dma_start3A_111 : memref<20744x64xf32, #tpu.memory_space<vmem_shared>>) offsets(%dma_start3A_108 : memref<128xi32, #tpu.memory_space<vmem>>) semaphore(%run_scoped3A : memref<!tpu.dma_semaphore, #tpu.memory_space<semaphore_mem>>) {add = true}
          %dma_wait3A_112 = arith.constant 0 : i32
          %dma_wait3A_113 = tpu.memref_slice %arg7[%add3A_105, %dma_wait3A_112] : memref<64x128xi32, #tpu.memory_space<vmem>> -> memref<1x128xi32, #tpu.memory_space<vmem>>
          %dma_wait3A_114 = tpu.memref_squeeze %dma_wait3A_113 : memref<1x128xi32, #tpu.memory_space<vmem>> -> memref<128xi32, #tpu.memory_space<vmem>>
          %dma_wait3A_115 = arith.constant 0 : i32
          %dma_wait3A_116 = arith.constant 0 : i32
          %dma_wait3A_117 = tpu.memref_slice %arg11[%dma_wait3A_115, %dma_wait3A_116] : memref<20744x64xf32, #tpu.memory_space<vmem_shared>> -> memref<20744x64xf32, #tpu.memory_space<vmem_shared>>
          tpu.wait_indirect_dma semaphore(%run_scoped3A : memref<!tpu.dma_semaphore, #tpu.memory_space<semaphore_mem>>) src(%arg9 : memref<128x64xf32, #tpu.memory_space<vmem>>) dst(%dma_wait3A_117 : memref<20744x64xf32, #tpu.memory_space<vmem_shared>>)
          tpu.yield
        }) : () -> ()
      } else {
      }
      %add3A_92 = arith.constant 3 : i32
      %add3A_93 = arith.addi %add3A_76, %add3A_92 : i32
      %lt3A_94 = arith.cmpi slt, %add3A_93, %min3A_45 : i32
      %convert_element_type3A_95 = arith.extui %lt3A_94 : i1 to i32
      %cond3A_96 = arith.constant 0 : i32
      %cond3A_97 = arith.cmpi ne, %convert_element_type3A_95, %cond3A_96 : i32
      scf.if %cond3A_97 {
        %add3A_98 = arith.constant 3 : i32
        %add3A_99 = arith.addi %add3A_76, %add3A_98 : i32
        %dma_start3A_100 = arith.constant 0 : i32
        %dma_start3A_101 = tpu.memref_slice %arg6[%add3A_99, %dma_start3A_100] : memref<64x128xi32, #tpu.memory_space<vmem>> -> memref<1x128xi32, #tpu.memory_space<vmem>>
        %dma_start3A_102 = tpu.memref_squeeze %dma_start3A_101 : memref<1x128xi32, #tpu.memory_space<vmem>> -> memref<128xi32, #tpu.memory_space<vmem>>
        %dma_start3A_103 = arith.constant 0 : i32
        %dma_start3A_104 = arith.constant 0 : i32
        %dma_start3A_105 = tpu.memref_slice %arg2[%dma_start3A_103, %dma_start3A_104] : memref<20736x64xf32, #tpu.memory_space<hbm>> -> memref<20736x64xf32, #tpu.memory_space<hbm>>
        tpu.enqueue_indirect_dma source(%dma_start3A_105 : memref<20736x64xf32, #tpu.memory_space<hbm>>) target(%arg9 : memref<128x64xf32, #tpu.memory_space<vmem>>) offsets(%dma_start3A_102 : memref<128xi32, #tpu.memory_space<vmem>>) semaphore(%arg13 : memref<!tpu.dma_semaphore, #tpu.memory_space<semaphore_mem>>)
      } else {
      }
    }
    %scan3A_66 = arith.constant 32 : i32
    %barrier3A_67 = arith.constant 0 : index
    tpu.barrier barrier_id(%barrier3A_67)
    %mul3A_68 = arith.constant 1296 : i32
    %mul3A_69 = arith.muli %arg1, %mul3A_68 : i32
    %mul3A_70 = arith.constant 1296 : i32
    %mul3A_71 = arith.muli %arg1, %mul3A_70 : i32
    "tpu.region"() ({
      %run_scoped3A = tpu.sem_alloc : memref<!tpu.dma_semaphore, #tpu.memory_space<semaphore_mem>>
      %dma_start3A_72 = arith.constant 0 : i32
      %dma_start3A_73 = tpu.memref_slice %arg5[%arg0, %mul3A_71, %dma_start3A_72] : memref<2x20736x64xf32, #tpu.memory_space<hbm>> -> memref<1x1296x64xf32, #tpu.memory_space<hbm>>
      %dma_start3A_74 = tpu.memref_squeeze %dma_start3A_73 : memref<1x1296x64xf32, #tpu.memory_space<hbm>> -> memref<1296x64xf32, #tpu.memory_space<hbm>>
      %dma_start3A_75 = arith.constant 0 : i32
      %dma_start3A_76 = tpu.memref_slice %arg11[%mul3A_69, %dma_start3A_75] : memref<20744x64xf32, #tpu.memory_space<vmem_shared>> -> memref<1296x64xf32, #tpu.memory_space<vmem_shared>>
      tpu.enqueue_dma source(%dma_start3A_76 : memref<1296x64xf32, #tpu.memory_space<vmem_shared>>) target(%dma_start3A_74 : memref<1296x64xf32, #tpu.memory_space<hbm>>) target_semaphore(%run_scoped3A : memref<!tpu.dma_semaphore, #tpu.memory_space<semaphore_mem>>)
      %dma_wait3A = arith.constant 0 : i32
      %dma_wait3A_77 = tpu.memref_slice %arg5[%arg0, %mul3A_71, %dma_wait3A] : memref<2x20736x64xf32, #tpu.memory_space<hbm>> -> memref<1x1296x64xf32, #tpu.memory_space<hbm>>
      %dma_wait3A_78 = tpu.memref_squeeze %dma_wait3A_77 : memref<1x1296x64xf32, #tpu.memory_space<hbm>> -> memref<1296x64xf32, #tpu.memory_space<hbm>>
      %dma_wait3A_79 = arith.constant 0 : i32
      %dma_wait3A_80 = tpu.memref_slice %arg11[%mul3A_69, %dma_wait3A_79] : memref<20744x64xf32, #tpu.memory_space<vmem_shared>> -> memref<1296x64xf32, #tpu.memory_space<vmem_shared>>
      tpu.wait_dma2 semaphore(%run_scoped3A : memref<!tpu.dma_semaphore, #tpu.memory_space<semaphore_mem>>) src(%dma_wait3A_80 : memref<1296x64xf32, #tpu.memory_space<vmem_shared>>) dst(%dma_wait3A_78 : memref<1296x64xf32, #tpu.memory_space<hbm>>)
      tpu.yield
    }) : () -> ()
    return
  }
}

#map = affine_map<(d0, d1) -> (0, 0)>
#map1 = affine_map<(d0, d1) -> (0, 0, 0)>
module attributes {stable_mosaic.version = 14 : i64} {
  func.func @seg_kernel(%arg0: i32, %arg1: i32, %arg2: memref<20736x64xf32, #tpu.memory_space<hbm>>, %arg3: memref<3280x128xi32, #tpu.memory_space<hbm>>, %arg4: memref<3280x128xi32, #tpu.memory_space<hbm>>, %arg5: memref<2x20736x64xf32, #tpu.memory_space<hbm>>, %arg6: memref<64x128xi32, #tpu.memory_space<vmem>>, %arg7: memref<64x128xi32, #tpu.memory_space<vmem>>, %arg8: memref<128x64xf32, #tpu.memory_space<vmem>>, %arg9: memref<128x64xf32, #tpu.memory_space<vmem>>, %arg10: memref<54x64xf32, #tpu.memory_space<vmem>>, %arg11: memref<20744x64xf32, #tpu.memory_space<vmem_shared>>, %arg12: memref<!tpu.dma_semaphore, #tpu.memory_space<semaphore_mem>>, %arg13: memref<!tpu.dma_semaphore, #tpu.memory_space<semaphore_mem>>) attributes {dimension_semantics = [#tpu.dimension_semantics<core_parallel>, #tpu.dimension_semantics<subcore_parallel>], iteration_bounds = array<i64: 2, 16>, scalar_prefetch = 0 : i64, scratch_operands = 8 : i64, tpu.core_type = #tpu.core_type<sc_vector_subcore>, window_params = [{transform_indices = #map}, {transform_indices = #map}, {transform_indices = #map}, {transform_indices = #map1}]} {
    %eq3A = arith.constant 0 : i32
    %eq3A_0 = arith.cmpi eq, %arg0, %eq3A : i32
    %jit3A = arith.constant 97 : i32
    %jit3A_1 = arith.constant 106 : i32
    %select_n3A = arith.select %eq3A_0, %jit3A, %jit3A_1 : i32
    %eq3A_2 = arith.constant 0 : i32
    %eq3A_3 = arith.cmpi eq, %arg0, %eq3A_2 : i32
    %mul3A = arith.constant 97 : i32
    %mul3A_4 = arith.muli %arg1, %mul3A : i32
    %mul3A_5 = arith.constant 106 : i32
    %mul3A_6 = arith.muli %arg1, %mul3A_5 : i32
    %add3A = arith.constant 1552 : i32
    %add3A_7 = arith.addi %add3A, %mul3A_6 : i32
    %select_n3A_8 = arith.select %eq3A_3, %mul3A_4, %add3A_7 : i32
    %scan3A = arith.constant 0 : i32
    %scan3A_9 = arith.constant 54 : i32
    %scan3A_10 = arith.addi %scan3A, %scan3A_9 : i32
    %scan3A_11 = arith.constant 1 : i32
    scf.for %scan3A_72 = %scan3A to %scan3A_10 step %scan3A_11  : i32 {
      %mul3A_73 = arith.constant 1 : i32
      %mul3A_74 = arith.muli %scan3A_72, %mul3A_73 : i32
      %add3A_75 = arith.constant 0 : i32
      %add3A_76 = arith.addi %add3A_75, %mul3A_74 : i32
      %scan3A_77 = arith.constant 0 : i32
      %scan3A_78 = arith.constant 4 : i32
      %scan3A_79 = arith.addi %scan3A_77, %scan3A_78 : i32
      %scan3A_80 = arith.constant 1 : i32
      scf.for %scan3A_82 = %scan3A_77 to %scan3A_79 step %scan3A_80  : i32 {
        %mul3A_83 = arith.constant 16 : i32
        %mul3A_84 = arith.muli %scan3A_82, %mul3A_83 : i32
        %add3A_85 = arith.constant 0 : i32
        %add3A_86 = arith.addi %add3A_85, %mul3A_84 : i32
        %broadcast_in_dim3A = arith.constant 0.000000e+00 : f32
        %broadcast_in_dim3A_87 = vector.broadcast %broadcast_in_dim3A : f32 to vector<16xf32>
        %swap3A = arith.index_cast %add3A_76 : i32 to index
        %swap3A_88 = arith.index_cast %add3A_86 : i32 to index
        %swap3A_89 = tpu.vector_load %arg10[%swap3A, %swap3A_88] {strides = array<i32>} : memref<54x64xf32, #tpu.memory_space<vmem>>, vector<1x16xf32>,
        %swap3A_90 = vector.shape_cast %swap3A_89 : vector<1x16xf32> to vector<16xf32>
        %swap3A_91 = vector.shape_cast %broadcast_in_dim3A_87 : vector<16xf32> to vector<1x16xf32>
        tpu.vector_store %arg10[%swap3A, %swap3A_88], %swap3A_91 {strides = array<i32>} : memref<54x64xf32, #tpu.memory_space<vmem>>, vector<1x16xf32>,
      }
      %scan3A_81 = arith.constant 4 : i32
    }
    %scan3A_12 = arith.constant 54 : i32
    %scan3A_13 = arith.constant 0 : i32
    %scan3A_14 = arith.constant 24 : i32
    %scan3A_15 = arith.addi %scan3A_13, %scan3A_14 : i32
    %scan3A_16 = arith.constant 1 : i32
    scf.for %scan3A_72 = %scan3A_13 to %scan3A_15 step %scan3A_16  : i32 {
      %mul3A_73 = arith.constant 54 : i32
      %mul3A_74 = arith.muli %scan3A_72, %mul3A_73 : i32
      %add3A_75 = arith.constant 0 : i32
      %add3A_76 = arith.addi %add3A_75, %mul3A_74 : i32
      %mul3A_77 = arith.constant 1296 : i32
      %mul3A_78 = arith.muli %arg1, %mul3A_77 : i32
      %add3A_79 = arith.addi %mul3A_78, %add3A_76 : i32
      "tpu.region"() ({
        %run_scoped3A = tpu.sem_alloc : memref<!tpu.dma_semaphore, #tpu.memory_space<semaphore_mem>>
        %dma_start3A_80 = arith.constant 0 : i32
        %dma_start3A_81 = tpu.memref_slice %arg11[%add3A_79, %dma_start3A_80] : memref<20744x64xf32, #tpu.memory_space<vmem_shared>> -> memref<54x64xf32, #tpu.memory_space<vmem_shared>>
        %dma_start3A_82 = arith.constant 0 : i32
        %dma_start3A_83 = tpu.memref_slice %arg11[%add3A_79, %dma_start3A_82] : memref<20744x64xf32, #tpu.memory_space<vmem_shared>> -> memref<54x64xf32, #tpu.memory_space<vmem_shared>>
        tpu.enqueue_dma source(%arg10 : memref<54x64xf32, #tpu.memory_space<vmem>>) target(%dma_start3A_83 : memref<54x64xf32, #tpu.memory_space<vmem_shared>>) target_semaphore(%run_scoped3A : memref<!tpu.dma_semaphore, #tpu.memory_space<semaphore_mem>>)
        %dma_wait3A = arith.constant 0 : i32
        %dma_wait3A_84 = tpu.memref_slice %arg11[%add3A_79, %dma_wait3A] : memref<20744x64xf32, #tpu.memory_space<vmem_shared>> -> memref<54x64xf32, #tpu.memory_space<vmem_shared>>
        %dma_wait3A_85 = arith.constant 0 : i32
        %dma_wait3A_86 = tpu.memref_slice %arg11[%add3A_79, %dma_wait3A_85] : memref<20744x64xf32, #tpu.memory_space<vmem_shared>> -> memref<54x64xf32, #tpu.memory_space<vmem_shared>>
        tpu.wait_dma2 semaphore(%run_scoped3A : memref<!tpu.dma_semaphore, #tpu.memory_space<semaphore_mem>>) src(%arg10 : memref<54x64xf32, #tpu.memory_space<vmem>>) dst(%dma_wait3A_86 : memref<54x64xf32, #tpu.memory_space<vmem_shared>>)
        tpu.yield
      }) : () -> ()
    }
    %scan3A_17 = arith.constant 24 : i32
    %eq3A_18 = arith.constant 0 : i32
    %eq3A_19 = arith.cmpi eq, %arg1, %eq3A_18 : i32
    %convert_element_type3A = arith.extui %eq3A_19 : i1 to i32
    %cond3A = arith.constant 0 : i32
    %cond3A_20 = arith.cmpi ne, %convert_element_type3A, %cond3A : i32
    scf.if %cond3A_20 {
      "tpu.region"() ({
        %run_scoped3A = tpu.sem_alloc : memref<!tpu.dma_semaphore, #tpu.memory_space<semaphore_mem>>
        %dma_start3A_72 = arith.constant 0 : i32
        %dma_start3A_73 = arith.constant 0 : i32
        %dma_start3A_74 = tpu.memref_slice %arg10[%dma_start3A_72, %dma_start3A_73] : memref<54x64xf32, #tpu.memory_space<vmem>> -> memref<8x64xf32, #tpu.memory_space<vmem>>
        %dma_start3A_75 = arith.constant 20736 : i32
        %dma_start3A_76 = arith.constant 0 : i32
        %dma_start3A_77 = tpu.memref_slice %arg11[%dma_start3A_75, %dma_start3A_76] : memref<20744x64xf32, #tpu.memory_space<vmem_shared>> -> memref<8x64xf32, #tpu.memory_space<vmem_shared>>
        %dma_start3A_78 = arith.constant 20736 : i32
        %dma_start3A_79 = arith.constant 0 : i32
        %dma_start3A_80 = tpu.memref_slice %arg11[%dma_start3A_78, %dma_start3A_79] : memref<20744x64xf32, #tpu.memory_space<vmem_shared>> -> memref<8x64xf32, #tpu.memory_space<vmem_shared>>
        %dma_start3A_81 = arith.constant 0 : i32
        %dma_start3A_82 = arith.constant 0 : i32
        %dma_start3A_83 = tpu.memref_slice %arg10[%dma_start3A_81, %dma_start3A_82] : memref<54x64xf32, #tpu.memory_space<vmem>> -> memref<8x64xf32, #tpu.memory_space<vmem>>
        tpu.enqueue_dma source(%dma_start3A_83 : memref<8x64xf32, #tpu.memory_space<vmem>>) target(%dma_start3A_80 : memref<8x64xf32, #tpu.memory_space<vmem_shared>>) target_semaphore(%run_scoped3A : memref<!tpu.dma_semaphore, #tpu.memory_space<semaphore_mem>>)
        %dma_wait3A = arith.constant 0 : i32
        %dma_wait3A_84 = arith.constant 0 : i32
        %dma_wait3A_85 = tpu.memref_slice %arg10[%dma_wait3A, %dma_wait3A_84] : memref<54x64xf32, #tpu.memory_space<vmem>> -> memref<8x64xf32, #tpu.memory_space<vmem>>
        %dma_wait3A_86 = arith.constant 20736 : i32
        %dma_wait3A_87 = arith.constant 0 : i32
        %dma_wait3A_88 = tpu.memref_slice %arg11[%dma_wait3A_86, %dma_wait3A_87] : memref<20744x64xf32, #tpu.memory_space<vmem_shared>> -> memref<8x64xf32, #tpu.memory_space<vmem_shared>>
        %dma_wait3A_89 = arith.constant 20736 : i32
        %dma_wait3A_90 = arith.constant 0 : i32
        %dma_wait3A_91 = tpu.memref_slice %arg11[%dma_wait3A_89, %dma_wait3A_90] : memref<20744x64xf32, #tpu.memory_space<vmem_shared>> -> memref<8x64xf32, #tpu.memory_space<vmem_shared>>
        %dma_wait3A_92 = arith.constant 0 : i32
        %dma_wait3A_93 = arith.constant 0 : i32
        %dma_wait3A_94 = tpu.memref_slice %arg10[%dma_wait3A_92, %dma_wait3A_93] : memref<54x64xf32, #tpu.memory_space<vmem>> -> memref<8x64xf32, #tpu.memory_space<vmem>>
        tpu.wait_dma2 semaphore(%run_scoped3A : memref<!tpu.dma_semaphore, #tpu.memory_space<semaphore_mem>>) src(%dma_wait3A_94 : memref<8x64xf32, #tpu.memory_space<vmem>>) dst(%dma_wait3A_91 : memref<8x64xf32, #tpu.memory_space<vmem_shared>>)
        tpu.yield
      }) : () -> ()
    } else {
    }
    %barrier3A = arith.constant 0 : index
    tpu.barrier barrier_id(%barrier3A)
    %sub3A = arith.constant 0 : i32
    %sub3A_21 = arith.subi %select_n3A, %sub3A : i32
    %min3A = arith.constant 64 : i32
    %min3A_22 = arith.minsi %sub3A_21, %min3A : i32
    %add3A_23 = arith.constant 0 : i32
    %add3A_24 = arith.addi %select_n3A_8, %add3A_23 : i32
    "tpu.region"() ({
      %run_scoped3A = tpu.sem_alloc : memref<!tpu.dma_semaphore, #tpu.memory_space<semaphore_mem>>
      %dma_start3A_72 = arith.constant 0 : i32
      %dma_start3A_73 = tpu.memref_slice %arg3[%add3A_24, %dma_start3A_72] : memref<3280x128xi32, #tpu.memory_space<hbm>> -> memref<64x128xi32, #tpu.memory_space<hbm>>
      %dma_start3A_74 = arith.constant 0 : i32
      %dma_start3A_75 = tpu.memref_slice %arg3[%add3A_24, %dma_start3A_74] : memref<3280x128xi32, #tpu.memory_space<hbm>> -> memref<64x128xi32, #tpu.memory_space<hbm>>
      tpu.enqueue_dma source(%dma_start3A_75 : memref<64x128xi32, #tpu.memory_space<hbm>>) target(%arg6 : memref<64x128xi32, #tpu.memory_space<vmem>>) target_semaphore(%run_scoped3A : memref<!tpu.dma_semaphore, #tpu.memory_space<semaphore_mem>>)
      %dma_wait3A = arith.constant 0 : i32
      %dma_wait3A_76 = tpu.memref_slice %arg3[%add3A_24, %dma_wait3A] : memref<3280x128xi32, #tpu.memory_space<hbm>> -> memref<64x128xi32, #tpu.memory_space<hbm>>
      %dma_wait3A_77 = arith.constant 0 : i32
      %dma_wait3A_78 = tpu.memref_slice %arg3[%add3A_24, %dma_wait3A_77] : memref<3280x128xi32, #tpu.memory_space<hbm>> -> memref<64x128xi32, #tpu.memory_space<hbm>>
      tpu.wait_dma2 semaphore(%run_scoped3A : memref<!tpu.dma_semaphore, #tpu.memory_space<semaphore_mem>>) src(%dma_wait3A_78 : memref<64x128xi32, #tpu.memory_space<hbm>>) dst(%arg6 : memref<64x128xi32, #tpu.memory_space<vmem>>)
      tpu.yield
    }) : () -> ()
    %add3A_25 = arith.constant 0 : i32
    %add3A_26 = arith.addi %select_n3A_8, %add3A_25 : i32
    "tpu.region"() ({
      %run_scoped3A = tpu.sem_alloc : memref<!tpu.dma_semaphore, #tpu.memory_space<semaphore_mem>>
      %dma_start3A_72 = arith.constant 0 : i32
      %dma_start3A_73 = tpu.memref_slice %arg4[%add3A_26, %dma_start3A_72] : memref<3280x128xi32, #tpu.memory_space<hbm>> -> memref<64x128xi32, #tpu.memory_space<hbm>>
      %dma_start3A_74 = arith.constant 0 : i32
      %dma_start3A_75 = tpu.memref_slice %arg4[%add3A_26, %dma_start3A_74] : memref<3280x128xi32, #tpu.memory_space<hbm>> -> memref<64x128xi32, #tpu.memory_space<hbm>>
      tpu.enqueue_dma source(%dma_start3A_75 : memref<64x128xi32, #tpu.memory_space<hbm>>) target(%arg7 : memref<64x128xi32, #tpu.memory_space<vmem>>) target_semaphore(%run_scoped3A : memref<!tpu.dma_semaphore, #tpu.memory_space<semaphore_mem>>)
      %dma_wait3A = arith.constant 0 : i32
      %dma_wait3A_76 = tpu.memref_slice %arg4[%add3A_26, %dma_wait3A] : memref<3280x128xi32, #tpu.memory_space<hbm>> -> memref<64x128xi32, #tpu.memory_space<hbm>>
      %dma_wait3A_77 = arith.constant 0 : i32
      %dma_wait3A_78 = tpu.memref_slice %arg4[%add3A_26, %dma_wait3A_77] : memref<3280x128xi32, #tpu.memory_space<hbm>> -> memref<64x128xi32, #tpu.memory_space<hbm>>
      tpu.wait_dma2 semaphore(%run_scoped3A : memref<!tpu.dma_semaphore, #tpu.memory_space<semaphore_mem>>) src(%dma_wait3A_78 : memref<64x128xi32, #tpu.memory_space<hbm>>) dst(%arg7 : memref<64x128xi32, #tpu.memory_space<vmem>>)
      tpu.yield
    }) : () -> ()
    %dma_start3A = arith.constant 0 : i32
    %dma_start3A_27 = arith.constant 0 : i32
    %dma_start3A_28 = tpu.memref_slice %arg6[%dma_start3A, %dma_start3A_27] : memref<64x128xi32, #tpu.memory_space<vmem>> -> memref<1x128xi32, #tpu.memory_space<vmem>>
    %dma_start3A_29 = tpu.memref_squeeze %dma_start3A_28 : memref<1x128xi32, #tpu.memory_space<vmem>> -> memref<128xi32, #tpu.memory_space<vmem>>
    %dma_start3A_30 = arith.constant 0 : i32
    %dma_start3A_31 = arith.constant 0 : i32
    %dma_start3A_32 = tpu.memref_slice %arg2[%dma_start3A_30, %dma_start3A_31] : memref<20736x64xf32, #tpu.memory_space<hbm>> -> memref<20736x64xf32, #tpu.memory_space<hbm>>
    tpu.enqueue_indirect_dma source(%dma_start3A_32 : memref<20736x64xf32, #tpu.memory_space<hbm>>) target(%arg8 : memref<128x64xf32, #tpu.memory_space<vmem>>) offsets(%dma_start3A_29 : memref<128xi32, #tpu.memory_space<vmem>>) semaphore(%arg12 : memref<!tpu.dma_semaphore, #tpu.memory_space<semaphore_mem>>)
    %gt3A = arith.constant 1 : i32
    %gt3A_33 = arith.cmpi sgt, %min3A_22, %gt3A : i32
    %convert_element_type3A_34 = arith.extui %gt3A_33 : i1 to i32
    %cond3A_35 = arith.constant 0 : i32
    %cond3A_36 = arith.cmpi ne, %convert_element_type3A_34, %cond3A_35 : i32
    scf.if %cond3A_36 {
      %dma_start3A_72 = arith.constant 1 : i32
      %dma_start3A_73 = arith.constant 0 : i32
      %dma_start3A_74 = tpu.memref_slice %arg6[%dma_start3A_72, %dma_start3A_73] : memref<64x128xi32, #tpu.memory_space<vmem>> -> memref<1x128xi32, #tpu.memory_space<vmem>>
      %dma_start3A_75 = tpu.memref_squeeze %dma_start3A_74 : memref<1x128xi32, #tpu.memory_space<vmem>> -> memref<128xi32, #tpu.memory_space<vmem>>
      %dma_start3A_76 = arith.constant 0 : i32
      %dma_start3A_77 = arith.constant 0 : i32
      %dma_start3A_78 = tpu.memref_slice %arg2[%dma_start3A_76, %dma_start3A_77] : memref<20736x64xf32, #tpu.memory_space<hbm>> -> memref<20736x64xf32, #tpu.memory_space<hbm>>
      tpu.enqueue_indirect_dma source(%dma_start3A_78 : memref<20736x64xf32, #tpu.memory_space<hbm>>) target(%arg9 : memref<128x64xf32, #tpu.memory_space<vmem>>) offsets(%dma_start3A_75 : memref<128xi32, #tpu.memory_space<vmem>>) semaphore(%arg13 : memref<!tpu.dma_semaphore, #tpu.memory_space<semaphore_mem>>)
    } else {
    }
    %scan3A_37 = arith.constant 0 : i32
    %scan3A_38 = arith.constant 32 : i32
    %scan3A_39 = arith.addi %scan3A_37, %scan3A_38 : i32
    %scan3A_40 = arith.constant 1 : i32
    scf.for %scan3A_72 = %scan3A_37 to %scan3A_39 step %scan3A_40  : i32 {
      %mul3A_73 = arith.constant 2 : i32
      %mul3A_74 = arith.muli %scan3A_72, %mul3A_73 : i32
      %add3A_75 = arith.constant 0 : i32
      %add3A_76 = arith.addi %add3A_75, %mul3A_74 : i32
      %lt3A = arith.cmpi slt, %add3A_76, %min3A_22 : i32
      %convert_element_type3A_77 = arith.extui %lt3A : i1 to i32
      %cond3A_78 = arith.constant 0 : i32
      %cond3A_79 = arith.cmpi ne, %convert_element_type3A_77, %cond3A_78 : i32
      scf.if %cond3A_79 {
        %dma_wait3A = arith.constant 0 : i32
        %dma_wait3A_98 = arith.constant 0 : i32
        %dma_wait3A_99 = tpu.memref_slice %arg6[%dma_wait3A, %dma_wait3A_98] : memref<64x128xi32, #tpu.memory_space<vmem>> -> memref<1x128xi32, #tpu.memory_space<vmem>>
        %dma_wait3A_100 = tpu.memref_squeeze %dma_wait3A_99 : memref<1x128xi32, #tpu.memory_space<vmem>> -> memref<128xi32, #tpu.memory_space<vmem>>
        %dma_wait3A_101 = arith.constant 0 : i32
        %dma_wait3A_102 = arith.constant 0 : i32
        %dma_wait3A_103 = tpu.memref_slice %arg2[%dma_wait3A_101, %dma_wait3A_102] : memref<20736x64xf32, #tpu.memory_space<hbm>> -> memref<20736x64xf32, #tpu.memory_space<hbm>>
        tpu.wait_indirect_dma semaphore(%arg12 : memref<!tpu.dma_semaphore, #tpu.memory_space<semaphore_mem>>) src(%dma_wait3A_103 : memref<20736x64xf32, #tpu.memory_space<hbm>>) dst(%arg8 : memref<128x64xf32, #tpu.memory_space<vmem>>)
        "tpu.region"() ({
          %run_scoped3A = tpu.sem_alloc : memref<!tpu.dma_semaphore, #tpu.memory_space<semaphore_mem>>
          %dma_start3A_104 = arith.constant 0 : i32
          %dma_start3A_105 = tpu.memref_slice %arg7[%add3A_76, %dma_start3A_104] : memref<64x128xi32, #tpu.memory_space<vmem>> -> memref<1x128xi32, #tpu.memory_space<vmem>>
          %dma_start3A_106 = tpu.memref_squeeze %dma_start3A_105 : memref<1x128xi32, #tpu.memory_space<vmem>> -> memref<128xi32, #tpu.memory_space<vmem>>
          %dma_start3A_107 = arith.constant 0 : i32
          %dma_start3A_108 = arith.constant 0 : i32
          %dma_start3A_109 = tpu.memref_slice %arg11[%dma_start3A_107, %dma_start3A_108] : memref<20744x64xf32, #tpu.memory_space<vmem_shared>> -> memref<20744x64xf32, #tpu.memory_space<vmem_shared>>
          tpu.enqueue_indirect_dma source(%arg8 : memref<128x64xf32, #tpu.memory_space<vmem>>) target(%dma_start3A_109 : memref<20744x64xf32, #tpu.memory_space<vmem_shared>>) offsets(%dma_start3A_106 : memref<128xi32, #tpu.memory_space<vmem>>) semaphore(%run_scoped3A : memref<!tpu.dma_semaphore, #tpu.memory_space<semaphore_mem>>) {add = true}
          %dma_wait3A_110 = arith.constant 0 : i32
          %dma_wait3A_111 = tpu.memref_slice %arg7[%add3A_76, %dma_wait3A_110] : memref<64x128xi32, #tpu.memory_space<vmem>> -> memref<1x128xi32, #tpu.memory_space<vmem>>
          %dma_wait3A_112 = tpu.memref_squeeze %dma_wait3A_111 : memref<1x128xi32, #tpu.memory_space<vmem>> -> memref<128xi32, #tpu.memory_space<vmem>>
          %dma_wait3A_113 = arith.constant 0 : i32
          %dma_wait3A_114 = arith.constant 0 : i32
          %dma_wait3A_115 = tpu.memref_slice %arg11[%dma_wait3A_113, %dma_wait3A_114] : memref<20744x64xf32, #tpu.memory_space<vmem_shared>> -> memref<20744x64xf32, #tpu.memory_space<vmem_shared>>
          tpu.wait_indirect_dma semaphore(%run_scoped3A : memref<!tpu.dma_semaphore, #tpu.memory_space<semaphore_mem>>) src(%arg8 : memref<128x64xf32, #tpu.memory_space<vmem>>) dst(%dma_wait3A_115 : memref<20744x64xf32, #tpu.memory_space<vmem_shared>>)
          tpu.yield
        }) : () -> ()
      } else {
      }
      %add3A_80 = arith.constant 2 : i32
      %add3A_81 = arith.addi %add3A_76, %add3A_80 : i32
      %lt3A_82 = arith.cmpi slt, %add3A_81, %min3A_22 : i32
      %convert_element_type3A_83 = arith.extui %lt3A_82 : i1 to i32
      %cond3A_84 = arith.constant 0 : i32
      %cond3A_85 = arith.cmpi ne, %convert_element_type3A_83, %cond3A_84 : i32
      scf.if %cond3A_85 {
        %add3A_98 = arith.constant 2 : i32
        %add3A_99 = arith.addi %add3A_76, %add3A_98 : i32
        %dma_start3A_100 = arith.constant 0 : i32
        %dma_start3A_101 = tpu.memref_slice %arg6[%add3A_99, %dma_start3A_100] : memref<64x128xi32, #tpu.memory_space<vmem>> -> memref<1x128xi32, #tpu.memory_space<vmem>>
        %dma_start3A_102 = tpu.memref_squeeze %dma_start3A_101 : memref<1x128xi32, #tpu.memory_space<vmem>> -> memref<128xi32, #tpu.memory_space<vmem>>
        %dma_start3A_103 = arith.constant 0 : i32
        %dma_start3A_104 = arith.constant 0 : i32
        %dma_start3A_105 = tpu.memref_slice %arg2[%dma_start3A_103, %dma_start3A_104] : memref<20736x64xf32, #tpu.memory_space<hbm>> -> memref<20736x64xf32, #tpu.memory_space<hbm>>
        tpu.enqueue_indirect_dma source(%dma_start3A_105 : memref<20736x64xf32, #tpu.memory_space<hbm>>) target(%arg8 : memref<128x64xf32, #tpu.memory_space<vmem>>) offsets(%dma_start3A_102 : memref<128xi32, #tpu.memory_space<vmem>>) semaphore(%arg12 : memref<!tpu.dma_semaphore, #tpu.memory_space<semaphore_mem>>)
      } else {
      }
      %add3A_86 = arith.constant 1 : i32
      %add3A_87 = arith.addi %add3A_76, %add3A_86 : i32
      %lt3A_88 = arith.cmpi slt, %add3A_87, %min3A_22 : i32
      %convert_element_type3A_89 = arith.extui %lt3A_88 : i1 to i32
      %cond3A_90 = arith.constant 0 : i32
      %cond3A_91 = arith.cmpi ne, %convert_element_type3A_89, %cond3A_90 : i32
      scf.if %cond3A_91 {
        %dma_wait3A = arith.constant 0 : i32
        %dma_wait3A_98 = arith.constant 0 : i32
        %dma_wait3A_99 = tpu.memref_slice %arg6[%dma_wait3A, %dma_wait3A_98] : memref<64x128xi32, #tpu.memory_space<vmem>> -> memref<1x128xi32, #tpu.memory_space<vmem>>
        %dma_wait3A_100 = tpu.memref_squeeze %dma_wait3A_99 : memref<1x128xi32, #tpu.memory_space<vmem>> -> memref<128xi32, #tpu.memory_space<vmem>>
        %dma_wait3A_101 = arith.constant 0 : i32
        %dma_wait3A_102 = arith.constant 0 : i32
        %dma_wait3A_103 = tpu.memref_slice %arg2[%dma_wait3A_101, %dma_wait3A_102] : memref<20736x64xf32, #tpu.memory_space<hbm>> -> memref<20736x64xf32, #tpu.memory_space<hbm>>
        tpu.wait_indirect_dma semaphore(%arg13 : memref<!tpu.dma_semaphore, #tpu.memory_space<semaphore_mem>>) src(%dma_wait3A_103 : memref<20736x64xf32, #tpu.memory_space<hbm>>) dst(%arg9 : memref<128x64xf32, #tpu.memory_space<vmem>>)
        %add3A_104 = arith.constant 1 : i32
        %add3A_105 = arith.addi %add3A_76, %add3A_104 : i32
        "tpu.region"() ({
          %run_scoped3A = tpu.sem_alloc : memref<!tpu.dma_semaphore, #tpu.memory_space<semaphore_mem>>
          %dma_start3A_106 = arith.constant 0 : i32
          %dma_start3A_107 = tpu.memref_slice %arg7[%add3A_105, %dma_start3A_106] : memref<64x128xi32, #tpu.memory_space<vmem>> -> memref<1x128xi32, #tpu.memory_space<vmem>>
          %dma_start3A_108 = tpu.memref_squeeze %dma_start3A_107 : memref<1x128xi32, #tpu.memory_space<vmem>> -> memref<128xi32, #tpu.memory_space<vmem>>
          %dma_start3A_109 = arith.constant 0 : i32
          %dma_start3A_110 = arith.constant 0 : i32
          %dma_start3A_111 = tpu.memref_slice %arg11[%dma_start3A_109, %dma_start3A_110] : memref<20744x64xf32, #tpu.memory_space<vmem_shared>> -> memref<20744x64xf32, #tpu.memory_space<vmem_shared>>
          tpu.enqueue_indirect_dma source(%arg9 : memref<128x64xf32, #tpu.memory_space<vmem>>) target(%dma_start3A_111 : memref<20744x64xf32, #tpu.memory_space<vmem_shared>>) offsets(%dma_start3A_108 : memref<128xi32, #tpu.memory_space<vmem>>) semaphore(%run_scoped3A : memref<!tpu.dma_semaphore, #tpu.memory_space<semaphore_mem>>) {add = true}
          %dma_wait3A_112 = arith.constant 0 : i32
          %dma_wait3A_113 = tpu.memref_slice %arg7[%add3A_105, %dma_wait3A_112] : memref<64x128xi32, #tpu.memory_space<vmem>> -> memref<1x128xi32, #tpu.memory_space<vmem>>
          %dma_wait3A_114 = tpu.memref_squeeze %dma_wait3A_113 : memref<1x128xi32, #tpu.memory_space<vmem>> -> memref<128xi32, #tpu.memory_space<vmem>>
          %dma_wait3A_115 = arith.constant 0 : i32
          %dma_wait3A_116 = arith.constant 0 : i32
          %dma_wait3A_117 = tpu.memref_slice %arg11[%dma_wait3A_115, %dma_wait3A_116] : memref<20744x64xf32, #tpu.memory_space<vmem_shared>> -> memref<20744x64xf32, #tpu.memory_space<vmem_shared>>
          tpu.wait_indirect_dma semaphore(%run_scoped3A : memref<!tpu.dma_semaphore, #tpu.memory_space<semaphore_mem>>) src(%arg9 : memref<128x64xf32, #tpu.memory_space<vmem>>) dst(%dma_wait3A_117 : memref<20744x64xf32, #tpu.memory_space<vmem_shared>>)
          tpu.yield
        }) : () -> ()
      } else {
      }
      %add3A_92 = arith.constant 3 : i32
      %add3A_93 = arith.addi %add3A_76, %add3A_92 : i32
      %lt3A_94 = arith.cmpi slt, %add3A_93, %min3A_22 : i32
      %convert_element_type3A_95 = arith.extui %lt3A_94 : i1 to i32
      %cond3A_96 = arith.constant 0 : i32
      %cond3A_97 = arith.cmpi ne, %convert_element_type3A_95, %cond3A_96 : i32
      scf.if %cond3A_97 {
        %add3A_98 = arith.constant 3 : i32
        %add3A_99 = arith.addi %add3A_76, %add3A_98 : i32
        %dma_start3A_100 = arith.constant 0 : i32
        %dma_start3A_101 = tpu.memref_slice %arg6[%add3A_99, %dma_start3A_100] : memref<64x128xi32, #tpu.memory_space<vmem>> -> memref<1x128xi32, #tpu.memory_space<vmem>>
        %dma_start3A_102 = tpu.memref_squeeze %dma_start3A_101 : memref<1x128xi32, #tpu.memory_space<vmem>> -> memref<128xi32, #tpu.memory_space<vmem>>
        %dma_start3A_103 = arith.constant 0 : i32
        %dma_start3A_104 = arith.constant 0 : i32
        %dma_start3A_105 = tpu.memref_slice %arg2[%dma_start3A_103, %dma_start3A_104] : memref<20736x64xf32, #tpu.memory_space<hbm>> -> memref<20736x64xf32, #tpu.memory_space<hbm>>
        tpu.enqueue_indirect_dma source(%dma_start3A_105 : memref<20736x64xf32, #tpu.memory_space<hbm>>) target(%arg9 : memref<128x64xf32, #tpu.memory_space<vmem>>) offsets(%dma_start3A_102 : memref<128xi32, #tpu.memory_space<vmem>>) semaphore(%arg13 : memref<!tpu.dma_semaphore, #tpu.memory_space<semaphore_mem>>)
      } else {
      }
    }
    %scan3A_41 = arith.constant 32 : i32
    %sub3A_42 = arith.constant 64 : i32
    %sub3A_43 = arith.subi %select_n3A, %sub3A_42 : i32
    %min3A_44 = arith.constant 64 : i32
    %min3A_45 = arith.minsi %sub3A_43, %min3A_44 : i32
    %add3A_46 = arith.constant 64 : i32
    %add3A_47 = arith.addi %select_n3A_8, %add3A_46 : i32
    "tpu.region"() ({
      %run_scoped3A = tpu.sem_alloc : memref<!tpu.dma_semaphore, #tpu.memory_space<semaphore_mem>>
      %dma_start3A_72 = arith.constant 0 : i32
      %dma_start3A_73 = tpu.memref_slice %arg3[%add3A_47, %dma_start3A_72] : memref<3280x128xi32, #tpu.memory_space<hbm>> -> memref<64x128xi32, #tpu.memory_space<hbm>>
      %dma_start3A_74 = arith.constant 0 : i32
      %dma_start3A_75 = tpu.memref_slice %arg3[%add3A_47, %dma_start3A_74] : memref<3280x128xi32, #tpu.memory_space<hbm>> -> memref<64x128xi32, #tpu.memory_space<hbm>>
      tpu.enqueue_dma source(%dma_start3A_75 : memref<64x128xi32, #tpu.memory_space<hbm>>) target(%arg6 : memref<64x128xi32, #tpu.memory_space<vmem>>) target_semaphore(%run_scoped3A : memref<!tpu.dma_semaphore, #tpu.memory_space<semaphore_mem>>)
      %dma_wait3A = arith.constant 0 : i32
      %dma_wait3A_76 = tpu.memref_slice %arg3[%add3A_47, %dma_wait3A] : memref<3280x128xi32, #tpu.memory_space<hbm>> -> memref<64x128xi32, #tpu.memory_space<hbm>>
      %dma_wait3A_77 = arith.constant 0 : i32
      %dma_wait3A_78 = tpu.memref_slice %arg3[%add3A_47, %dma_wait3A_77] : memref<3280x128xi32, #tpu.memory_space<hbm>> -> memref<64x128xi32, #tpu.memory_space<hbm>>
      tpu.wait_dma2 semaphore(%run_scoped3A : memref<!tpu.dma_semaphore, #tpu.memory_space<semaphore_mem>>) src(%dma_wait3A_78 : memref<64x128xi32, #tpu.memory_space<hbm>>) dst(%arg6 : memref<64x128xi32, #tpu.memory_space<vmem>>)
      tpu.yield
    }) : () -> ()
    %add3A_48 = arith.constant 64 : i32
    %add3A_49 = arith.addi %select_n3A_8, %add3A_48 : i32
    "tpu.region"() ({
      %run_scoped3A = tpu.sem_alloc : memref<!tpu.dma_semaphore, #tpu.memory_space<semaphore_mem>>
      %dma_start3A_72 = arith.constant 0 : i32
      %dma_start3A_73 = tpu.memref_slice %arg4[%add3A_49, %dma_start3A_72] : memref<3280x128xi32, #tpu.memory_space<hbm>> -> memref<64x128xi32, #tpu.memory_space<hbm>>
      %dma_start3A_74 = arith.constant 0 : i32
      %dma_start3A_75 = tpu.memref_slice %arg4[%add3A_49, %dma_start3A_74] : memref<3280x128xi32, #tpu.memory_space<hbm>> -> memref<64x128xi32, #tpu.memory_space<hbm>>
      tpu.enqueue_dma source(%dma_start3A_75 : memref<64x128xi32, #tpu.memory_space<hbm>>) target(%arg7 : memref<64x128xi32, #tpu.memory_space<vmem>>) target_semaphore(%run_scoped3A : memref<!tpu.dma_semaphore, #tpu.memory_space<semaphore_mem>>)
      %dma_wait3A = arith.constant 0 : i32
      %dma_wait3A_76 = tpu.memref_slice %arg4[%add3A_49, %dma_wait3A] : memref<3280x128xi32, #tpu.memory_space<hbm>> -> memref<64x128xi32, #tpu.memory_space<hbm>>
      %dma_wait3A_77 = arith.constant 0 : i32
      %dma_wait3A_78 = tpu.memref_slice %arg4[%add3A_49, %dma_wait3A_77] : memref<3280x128xi32, #tpu.memory_space<hbm>> -> memref<64x128xi32, #tpu.memory_space<hbm>>
      tpu.wait_dma2 semaphore(%run_scoped3A : memref<!tpu.dma_semaphore, #tpu.memory_space<semaphore_mem>>) src(%dma_wait3A_78 : memref<64x128xi32, #tpu.memory_space<hbm>>) dst(%arg7 : memref<64x128xi32, #tpu.memory_space<vmem>>)
      tpu.yield
    }) : () -> ()
    %dma_start3A_50 = arith.constant 0 : i32
    %dma_start3A_51 = arith.constant 0 : i32
    %dma_start3A_52 = tpu.memref_slice %arg6[%dma_start3A_50, %dma_start3A_51] : memref<64x128xi32, #tpu.memory_space<vmem>> -> memref<1x128xi32, #tpu.memory_space<vmem>>
    %dma_start3A_53 = tpu.memref_squeeze %dma_start3A_52 : memref<1x128xi32, #tpu.memory_space<vmem>> -> memref<128xi32, #tpu.memory_space<vmem>>
    %dma_start3A_54 = arith.constant 0 : i32
    %dma_start3A_55 = arith.constant 0 : i32
    %dma_start3A_56 = tpu.memref_slice %arg2[%dma_start3A_54, %dma_start3A_55] : memref<20736x64xf32, #tpu.memory_space<hbm>> -> memref<20736x64xf32, #tpu.memory_space<hbm>>
    tpu.enqueue_indirect_dma source(%dma_start3A_56 : memref<20736x64xf32, #tpu.memory_space<hbm>>) target(%arg8 : memref<128x64xf32, #tpu.memory_space<vmem>>) offsets(%dma_start3A_53 : memref<128xi32, #tpu.memory_space<vmem>>) semaphore(%arg12 : memref<!tpu.dma_semaphore, #tpu.memory_space<semaphore_mem>>)
    %gt3A_57 = arith.constant 1 : i32
    %gt3A_58 = arith.cmpi sgt, %min3A_45, %gt3A_57 : i32
    %convert_element_type3A_59 = arith.extui %gt3A_58 : i1 to i32
    %cond3A_60 = arith.constant 0 : i32
    %cond3A_61 = arith.cmpi ne, %convert_element_type3A_59, %cond3A_60 : i32
    scf.if %cond3A_61 {
      %dma_start3A_72 = arith.constant 1 : i32
      %dma_start3A_73 = arith.constant 0 : i32
      %dma_start3A_74 = tpu.memref_slice %arg6[%dma_start3A_72, %dma_start3A_73] : memref<64x128xi32, #tpu.memory_space<vmem>> -> memref<1x128xi32, #tpu.memory_space<vmem>>
      %dma_start3A_75 = tpu.memref_squeeze %dma_start3A_74 : memref<1x128xi32, #tpu.memory_space<vmem>> -> memref<128xi32, #tpu.memory_space<vmem>>
      %dma_start3A_76 = arith.constant 0 : i32
      %dma_start3A_77 = arith.constant 0 : i32
      %dma_start3A_78 = tpu.memref_slice %arg2[%dma_start3A_76, %dma_start3A_77] : memref<20736x64xf32, #tpu.memory_space<hbm>> -> memref<20736x64xf32, #tpu.memory_space<hbm>>
      tpu.enqueue_indirect_dma source(%dma_start3A_78 : memref<20736x64xf32, #tpu.memory_space<hbm>>) target(%arg9 : memref<128x64xf32, #tpu.memory_space<vmem>>) offsets(%dma_start3A_75 : memref<128xi32, #tpu.memory_space<vmem>>) semaphore(%arg13 : memref<!tpu.dma_semaphore, #tpu.memory_space<semaphore_mem>>)
    } else {
    }
    %scan3A_62 = arith.constant 0 : i32
    %scan3A_63 = arith.constant 32 : i32
    %scan3A_64 = arith.addi %scan3A_62, %scan3A_63 : i32
    %scan3A_65 = arith.constant 1 : i32
    scf.for %scan3A_72 = %scan3A_62 to %scan3A_64 step %scan3A_65  : i32 {
      %mul3A_73 = arith.constant 2 : i32
      %mul3A_74 = arith.muli %scan3A_72, %mul3A_73 : i32
      %add3A_75 = arith.constant 0 : i32
      %add3A_76 = arith.addi %add3A_75, %mul3A_74 : i32
      %lt3A = arith.cmpi slt, %add3A_76, %min3A_45 : i32
      %convert_element_type3A_77 = arith.extui %lt3A : i1 to i32
      %cond3A_78 = arith.constant 0 : i32
      %cond3A_79 = arith.cmpi ne, %convert_element_type3A_77, %cond3A_78 : i32
      scf.if %cond3A_79 {
        %dma_wait3A = arith.constant 0 : i32
        %dma_wait3A_98 = arith.constant 0 : i32
        %dma_wait3A_99 = tpu.memref_slice %arg6[%dma_wait3A, %dma_wait3A_98] : memref<64x128xi32, #tpu.memory_space<vmem>> -> memref<1x128xi32, #tpu.memory_space<vmem>>
        %dma_wait3A_100 = tpu.memref_squeeze %dma_wait3A_99 : memref<1x128xi32, #tpu.memory_space<vmem>> -> memref<128xi32, #tpu.memory_space<vmem>>
        %dma_wait3A_101 = arith.constant 0 : i32
        %dma_wait3A_102 = arith.constant 0 : i32
        %dma_wait3A_103 = tpu.memref_slice %arg2[%dma_wait3A_101, %dma_wait3A_102] : memref<20736x64xf32, #tpu.memory_space<hbm>> -> memref<20736x64xf32, #tpu.memory_space<hbm>>
        tpu.wait_indirect_dma semaphore(%arg12 : memref<!tpu.dma_semaphore, #tpu.memory_space<semaphore_mem>>) src(%dma_wait3A_103 : memref<20736x64xf32, #tpu.memory_space<hbm>>) dst(%arg8 : memref<128x64xf32, #tpu.memory_space<vmem>>)
        "tpu.region"() ({
          %run_scoped3A = tpu.sem_alloc : memref<!tpu.dma_semaphore, #tpu.memory_space<semaphore_mem>>
          %dma_start3A_104 = arith.constant 0 : i32
          %dma_start3A_105 = tpu.memref_slice %arg7[%add3A_76, %dma_start3A_104] : memref<64x128xi32, #tpu.memory_space<vmem>> -> memref<1x128xi32, #tpu.memory_space<vmem>>
          %dma_start3A_106 = tpu.memref_squeeze %dma_start3A_105 : memref<1x128xi32, #tpu.memory_space<vmem>> -> memref<128xi32, #tpu.memory_space<vmem>>
          %dma_start3A_107 = arith.constant 0 : i32
          %dma_start3A_108 = arith.constant 0 : i32
          %dma_start3A_109 = tpu.memref_slice %arg11[%dma_start3A_107, %dma_start3A_108] : memref<20744x64xf32, #tpu.memory_space<vmem_shared>> -> memref<20744x64xf32, #tpu.memory_space<vmem_shared>>
          tpu.enqueue_indirect_dma source(%arg8 : memref<128x64xf32, #tpu.memory_space<vmem>>) target(%dma_start3A_109 : memref<20744x64xf32, #tpu.memory_space<vmem_shared>>) offsets(%dma_start3A_106 : memref<128xi32, #tpu.memory_space<vmem>>) semaphore(%run_scoped3A : memref<!tpu.dma_semaphore, #tpu.memory_space<semaphore_mem>>) {add = true}
          %dma_wait3A_110 = arith.constant 0 : i32
          %dma_wait3A_111 = tpu.memref_slice %arg7[%add3A_76, %dma_wait3A_110] : memref<64x128xi32, #tpu.memory_space<vmem>> -> memref<1x128xi32, #tpu.memory_space<vmem>>
          %dma_wait3A_112 = tpu.memref_squeeze %dma_wait3A_111 : memref<1x128xi32, #tpu.memory_space<vmem>> -> memref<128xi32, #tpu.memory_space<vmem>>
          %dma_wait3A_113 = arith.constant 0 : i32
          %dma_wait3A_114 = arith.constant 0 : i32
          %dma_wait3A_115 = tpu.memref_slice %arg11[%dma_wait3A_113, %dma_wait3A_114] : memref<20744x64xf32, #tpu.memory_space<vmem_shared>> -> memref<20744x64xf32, #tpu.memory_space<vmem_shared>>
          tpu.wait_indirect_dma semaphore(%run_scoped3A : memref<!tpu.dma_semaphore, #tpu.memory_space<semaphore_mem>>) src(%arg8 : memref<128x64xf32, #tpu.memory_space<vmem>>) dst(%dma_wait3A_115 : memref<20744x64xf32, #tpu.memory_space<vmem_shared>>)
          tpu.yield
        }) : () -> ()
      } else {
      }
      %add3A_80 = arith.constant 2 : i32
      %add3A_81 = arith.addi %add3A_76, %add3A_80 : i32
      %lt3A_82 = arith.cmpi slt, %add3A_81, %min3A_45 : i32
      %convert_element_type3A_83 = arith.extui %lt3A_82 : i1 to i32
      %cond3A_84 = arith.constant 0 : i32
      %cond3A_85 = arith.cmpi ne, %convert_element_type3A_83, %cond3A_84 : i32
      scf.if %cond3A_85 {
        %add3A_98 = arith.constant 2 : i32
        %add3A_99 = arith.addi %add3A_76, %add3A_98 : i32
        %dma_start3A_100 = arith.constant 0 : i32
        %dma_start3A_101 = tpu.memref_slice %arg6[%add3A_99, %dma_start3A_100] : memref<64x128xi32, #tpu.memory_space<vmem>> -> memref<1x128xi32, #tpu.memory_space<vmem>>
        %dma_start3A_102 = tpu.memref_squeeze %dma_start3A_101 : memref<1x128xi32, #tpu.memory_space<vmem>> -> memref<128xi32, #tpu.memory_space<vmem>>
        %dma_start3A_103 = arith.constant 0 : i32
        %dma_start3A_104 = arith.constant 0 : i32
        %dma_start3A_105 = tpu.memref_slice %arg2[%dma_start3A_103, %dma_start3A_104] : memref<20736x64xf32, #tpu.memory_space<hbm>> -> memref<20736x64xf32, #tpu.memory_space<hbm>>
        tpu.enqueue_indirect_dma source(%dma_start3A_105 : memref<20736x64xf32, #tpu.memory_space<hbm>>) target(%arg8 : memref<128x64xf32, #tpu.memory_space<vmem>>) offsets(%dma_start3A_102 : memref<128xi32, #tpu.memory_space<vmem>>) semaphore(%arg12 : memref<!tpu.dma_semaphore, #tpu.memory_space<semaphore_mem>>)
      } else {
      }
      %add3A_86 = arith.constant 1 : i32
      %add3A_87 = arith.addi %add3A_76, %add3A_86 : i32
      %lt3A_88 = arith.cmpi slt, %add3A_87, %min3A_45 : i32
      %convert_element_type3A_89 = arith.extui %lt3A_88 : i1 to i32
      %cond3A_90 = arith.constant 0 : i32
      %cond3A_91 = arith.cmpi ne, %convert_element_type3A_89, %cond3A_90 : i32
      scf.if %cond3A_91 {
        %dma_wait3A = arith.constant 0 : i32
        %dma_wait3A_98 = arith.constant 0 : i32
        %dma_wait3A_99 = tpu.memref_slice %arg6[%dma_wait3A, %dma_wait3A_98] : memref<64x128xi32, #tpu.memory_space<vmem>> -> memref<1x128xi32, #tpu.memory_space<vmem>>
        %dma_wait3A_100 = tpu.memref_squeeze %dma_wait3A_99 : memref<1x128xi32, #tpu.memory_space<vmem>> -> memref<128xi32, #tpu.memory_space<vmem>>
        %dma_wait3A_101 = arith.constant 0 : i32
        %dma_wait3A_102 = arith.constant 0 : i32
        %dma_wait3A_103 = tpu.memref_slice %arg2[%dma_wait3A_101, %dma_wait3A_102] : memref<20736x64xf32, #tpu.memory_space<hbm>> -> memref<20736x64xf32, #tpu.memory_space<hbm>>
        tpu.wait_indirect_dma semaphore(%arg13 : memref<!tpu.dma_semaphore, #tpu.memory_space<semaphore_mem>>) src(%dma_wait3A_103 : memref<20736x64xf32, #tpu.memory_space<hbm>>) dst(%arg9 : memref<128x64xf32, #tpu.memory_space<vmem>>)
        %add3A_104 = arith.constant 1 : i32
        %add3A_105 = arith.addi %add3A_76, %add3A_104 : i32
        "tpu.region"() ({
          %run_scoped3A = tpu.sem_alloc : memref<!tpu.dma_semaphore, #tpu.memory_space<semaphore_mem>>
          %dma_start3A_106 = arith.constant 0 : i32
          %dma_start3A_107 = tpu.memref_slice %arg7[%add3A_105, %dma_start3A_106] : memref<64x128xi32, #tpu.memory_space<vmem>> -> memref<1x128xi32, #tpu.memory_space<vmem>>
          %dma_start3A_108 = tpu.memref_squeeze %dma_start3A_107 : memref<1x128xi32, #tpu.memory_space<vmem>> -> memref<128xi32, #tpu.memory_space<vmem>>
          %dma_start3A_109 = arith.constant 0 : i32
          %dma_start3A_110 = arith.constant 0 : i32
          %dma_start3A_111 = tpu.memref_slice %arg11[%dma_start3A_109, %dma_start3A_110] : memref<20744x64xf32, #tpu.memory_space<vmem_shared>> -> memref<20744x64xf32, #tpu.memory_space<vmem_shared>>
          tpu.enqueue_indirect_dma source(%arg9 : memref<128x64xf32, #tpu.memory_space<vmem>>) target(%dma_start3A_111 : memref<20744x64xf32, #tpu.memory_space<vmem_shared>>) offsets(%dma_start3A_108 : memref<128xi32, #tpu.memory_space<vmem>>) semaphore(%run_scoped3A : memref<!tpu.dma_semaphore, #tpu.memory_space<semaphore_mem>>) {add = true}
          %dma_wait3A_112 = arith.constant 0 : i32
          %dma_wait3A_113 = tpu.memref_slice %arg7[%add3A_105, %dma_wait3A_112] : memref<64x128xi32, #tpu.memory_space<vmem>> -> memref<1x128xi32, #tpu.memory_space<vmem>>
          %dma_wait3A_114 = tpu.memref_squeeze %dma_wait3A_113 : memref<1x128xi32, #tpu.memory_space<vmem>> -> memref<128xi32, #tpu.memory_space<vmem>>
          %dma_wait3A_115 = arith.constant 0 : i32
          %dma_wait3A_116 = arith.constant 0 : i32
          %dma_wait3A_117 = tpu.memref_slice %arg11[%dma_wait3A_115, %dma_wait3A_116] : memref<20744x64xf32, #tpu.memory_space<vmem_shared>> -> memref<20744x64xf32, #tpu.memory_space<vmem_shared>>
          tpu.wait_indirect_dma semaphore(%run_scoped3A : memref<!tpu.dma_semaphore, #tpu.memory_space<semaphore_mem>>) src(%arg9 : memref<128x64xf32, #tpu.memory_space<vmem>>) dst(%dma_wait3A_117 : memref<20744x64xf32, #tpu.memory_space<vmem_shared>>)
          tpu.yield
        }) : () -> ()
      } else {
      }
      %add3A_92 = arith.constant 3 : i32
      %add3A_93 = arith.addi %add3A_76, %add3A_92 : i32
      %lt3A_94 = arith.cmpi slt, %add3A_93, %min3A_45 : i32
      %convert_element_type3A_95 = arith.extui %lt3A_94 : i1 to i32
      %cond3A_96 = arith.constant 0 : i32
      %cond3A_97 = arith.cmpi ne, %convert_element_type3A_95, %cond3A_96 : i32
      scf.if %cond3A_97 {
        %add3A_98 = arith.constant 3 : i32
        %add3A_99 = arith.addi %add3A_76, %add3A_98 : i32
        %dma_start3A_100 = arith.constant 0 : i32
        %dma_start3A_101 = tpu.memref_slice %arg6[%add3A_99, %dma_start3A_100] : memref<64x128xi32, #tpu.memory_space<vmem>> -> memref<1x128xi32, #tpu.memory_space<vmem>>
        %dma_start3A_102 = tpu.memref_squeeze %dma_start3A_101 : memref<1x128xi32, #tpu.memory_space<vmem>> -> memref<128xi32, #tpu.memory_space<vmem>>
        %dma_start3A_103 = arith.constant 0 : i32
        %dma_start3A_104 = arith.constant 0 : i32
        %dma_start3A_105 = tpu.memref_slice %arg2[%dma_start3A_103, %dma_start3A_104] : memref<20736x64xf32, #tpu.memory_space<hbm>> -> memref<20736x64xf32, #tpu.memory_space<hbm>>
        tpu.enqueue_indirect_dma source(%dma_start3A_105 : memref<20736x64xf32, #tpu.memory_space<hbm>>) target(%arg9 : memref<128x64xf32, #tpu.memory_space<vmem>>) offsets(%dma_start3A_102 : memref<128xi32, #tpu.memory_space<vmem>>) semaphore(%arg13 : memref<!tpu.dma_semaphore, #tpu.memory_space<semaphore_mem>>)
      } else {
      }
    }
    %scan3A_66 = arith.constant 32 : i32
    %barrier3A_67 = arith.constant 0 : index
    tpu.barrier barrier_id(%barrier3A_67)
    %mul3A_68 = arith.constant 1296 : i32
    %mul3A_69 = arith.muli %arg1, %mul3A_68 : i32
    %mul3A_70 = arith.constant 1296 : i32
    %mul3A_71 = arith.muli %arg1, %mul3A_70 : i32
    "tpu.region"() ({
      %run_scoped3A = tpu.sem_alloc : memref<!tpu.dma_semaphore, #tpu.memory_space<semaphore_mem>>
      %dma_start3A_72 = arith.constant 0 : i32
      %dma_start3A_73 = tpu.memref_slice %arg5[%arg0, %mul3A_71, %dma_start3A_72] : memref<2x20736x64xf32, #tpu.memory_space<hbm>> -> memref<1x1296x64xf32, #tpu.memory_space<hbm>>
      %dma_start3A_74 = tpu.memref_squeeze %dma_start3A_73 : memref<1x1296x64xf32, #tpu.memory_space<hbm>> -> memref<1296x64xf32, #tpu.memory_space<hbm>>
      %dma_start3A_75 = arith.constant 0 : i32
      %dma_start3A_76 = tpu.memref_slice %arg11[%mul3A_69, %dma_start3A_75] : memref<20744x64xf32, #tpu.memory_space<vmem_shared>> -> memref<1296x64xf32, #tpu.memory_space<vmem_shared>>
      tpu.enqueue_dma source(%dma_start3A_76 : memref<1296x64xf32, #tpu.memory_space<vmem_shared>>) target(%dma_start3A_74 : memref<1296x64xf32, #tpu.memory_space<hbm>>) target_semaphore(%run_scoped3A : memref<!tpu.dma_semaphore, #tpu.memory_space<semaphore_mem>>)
      %dma_wait3A = arith.constant 0 : i32
      %dma_wait3A_77 = tpu.memref_slice %arg5[%arg0, %mul3A_71, %dma_wait3A] : memref<2x20736x64xf32, #tpu.memory_space<hbm>> -> memref<1x1296x64xf32, #tpu.memory_space<hbm>>
      %dma_wait3A_78 = tpu.memref_squeeze %dma_wait3A_77 : memref<1x1296x64xf32, #tpu.memory_space<hbm>> -> memref<1296x64xf32, #tpu.memory_space<hbm>>
      %dma_wait3A_79 = arith.constant 0 : i32
      %dma_wait3A_80 = tpu.memref_slice %arg11[%mul3A_69, %dma_wait3A_79] : memref<20744x64xf32, #tpu.memory_space<vmem_shared>> -> memref<1296x64xf32, #tpu.memory_space<vmem_shared>>
      tpu.wait_dma2 semaphore(%run_scoped3A : memref<!tpu.dma_semaphore, #tpu.memory_space<semaphore_mem>>) src(%dma_wait3A_80 : memref<1296x64xf32, #tpu.memory_space<vmem_shared>>) dst(%dma_wait3A_78 : memref<1296x64xf32, #tpu.memory_space<hbm>>)
      tpu.yield
    }) : () -> ()
    return
  }
}

#map = affine_map<(d0, d1) -> (0, 0)>
#map1 = affine_map<(d0, d1) -> (0, 0, 0)>
module attributes {stable_mosaic.version = 14 : i64} {
  func.func @seg_kernel(%arg0: i32, %arg1: i32, %arg2: memref<20736x64xf32, #tpu.memory_space<hbm>>, %arg3: memref<3280x128xi32, #tpu.memory_space<hbm>>, %arg4: memref<3280x128xi32, #tpu.memory_space<hbm>>, %arg5: memref<2x20736x64xf32, #tpu.memory_space<hbm>>, %arg6: memref<64x128xi32, #tpu.memory_space<vmem>>, %arg7: memref<64x128xi32, #tpu.memory_space<vmem>>, %arg8: memref<128x64xf32, #tpu.memory_space<vmem>>, %arg9: memref<128x64xf32, #tpu.memory_space<vmem>>, %arg10: memref<54x64xf32, #tpu.memory_space<vmem>>, %arg11: memref<20744x64xf32, #tpu.memory_space<vmem_shared>>, %arg12: memref<!tpu.dma_semaphore, #tpu.memory_space<semaphore_mem>>, %arg13: memref<!tpu.dma_semaphore, #tpu.memory_space<semaphore_mem>>) attributes {dimension_semantics = [#tpu.dimension_semantics<core_parallel>, #tpu.dimension_semantics<subcore_parallel>], iteration_bounds = array<i64: 2, 16>, scalar_prefetch = 0 : i64, scratch_operands = 8 : i64, tpu.core_type = #tpu.core_type<sc_vector_subcore>, window_params = [{transform_indices = #map}, {transform_indices = #map}, {transform_indices = #map}, {transform_indices = #map1}]} {
    %eq3A = arith.constant 0 : i32
    %eq3A_0 = arith.cmpi eq, %arg0, %eq3A : i32
    %jit3A = arith.constant 97 : i32
    %jit3A_1 = arith.constant 106 : i32
    %select_n3A = arith.select %eq3A_0, %jit3A, %jit3A_1 : i32
    %eq3A_2 = arith.constant 0 : i32
    %eq3A_3 = arith.cmpi eq, %arg0, %eq3A_2 : i32
    %mul3A = arith.constant 97 : i32
    %mul3A_4 = arith.muli %arg1, %mul3A : i32
    %mul3A_5 = arith.constant 106 : i32
    %mul3A_6 = arith.muli %arg1, %mul3A_5 : i32
    %add3A = arith.constant 1552 : i32
    %add3A_7 = arith.addi %add3A, %mul3A_6 : i32
    %select_n3A_8 = arith.select %eq3A_3, %mul3A_4, %add3A_7 : i32
    %scan3A = arith.constant 0 : i32
    %scan3A_9 = arith.constant 54 : i32
    %scan3A_10 = arith.addi %scan3A, %scan3A_9 : i32
    %scan3A_11 = arith.constant 1 : i32
    scf.for %scan3A_72 = %scan3A to %scan3A_10 step %scan3A_11  : i32 {
      %mul3A_73 = arith.constant 1 : i32
      %mul3A_74 = arith.muli %scan3A_72, %mul3A_73 : i32
      %add3A_75 = arith.constant 0 : i32
      %add3A_76 = arith.addi %add3A_75, %mul3A_74 : i32
      %scan3A_77 = arith.constant 0 : i32
      %scan3A_78 = arith.constant 4 : i32
      %scan3A_79 = arith.addi %scan3A_77, %scan3A_78 : i32
      %scan3A_80 = arith.constant 1 : i32
      scf.for %scan3A_82 = %scan3A_77 to %scan3A_79 step %scan3A_80  : i32 {
        %mul3A_83 = arith.constant 16 : i32
        %mul3A_84 = arith.muli %scan3A_82, %mul3A_83 : i32
        %add3A_85 = arith.constant 0 : i32
        %add3A_86 = arith.addi %add3A_85, %mul3A_84 : i32
        %broadcast_in_dim3A = arith.constant 0.000000e+00 : f32
        %broadcast_in_dim3A_87 = vector.broadcast %broadcast_in_dim3A : f32 to vector<16xf32>
        %swap3A = arith.index_cast %add3A_76 : i32 to index
        %swap3A_88 = arith.index_cast %add3A_86 : i32 to index
        %swap3A_89 = tpu.vector_load %arg10[%swap3A, %swap3A_88] {strides = array<i32>} : memref<54x64xf32, #tpu.memory_space<vmem>>, vector<1x16xf32>,
        %swap3A_90 = vector.shape_cast %swap3A_89 : vector<1x16xf32> to vector<16xf32>
        %swap3A_91 = vector.shape_cast %broadcast_in_dim3A_87 : vector<16xf32> to vector<1x16xf32>
        tpu.vector_store %arg10[%swap3A, %swap3A_88], %swap3A_91 {strides = array<i32>} : memref<54x64xf32, #tpu.memory_space<vmem>>, vector<1x16xf32>,
      }
      %scan3A_81 = arith.constant 4 : i32
    }
    %scan3A_12 = arith.constant 54 : i32
    %scan3A_13 = arith.constant 0 : i32
    %scan3A_14 = arith.constant 24 : i32
    %scan3A_15 = arith.addi %scan3A_13, %scan3A_14 : i32
    %scan3A_16 = arith.constant 1 : i32
    scf.for %scan3A_72 = %scan3A_13 to %scan3A_15 step %scan3A_16  : i32 {
      %mul3A_73 = arith.constant 54 : i32
      %mul3A_74 = arith.muli %scan3A_72, %mul3A_73 : i32
      %add3A_75 = arith.constant 0 : i32
      %add3A_76 = arith.addi %add3A_75, %mul3A_74 : i32
      %mul3A_77 = arith.constant 1296 : i32
      %mul3A_78 = arith.muli %arg1, %mul3A_77 : i32
      %add3A_79 = arith.addi %mul3A_78, %add3A_76 : i32
      "tpu.region"() ({
        %run_scoped3A = tpu.sem_alloc : memref<!tpu.dma_semaphore, #tpu.memory_space<semaphore_mem>>
        %dma_start3A_80 = arith.constant 0 : i32
        %dma_start3A_81 = tpu.memref_slice %arg11[%add3A_79, %dma_start3A_80] : memref<20744x64xf32, #tpu.memory_space<vmem_shared>> -> memref<54x64xf32, #tpu.memory_space<vmem_shared>>
        %dma_start3A_82 = arith.constant 0 : i32
        %dma_start3A_83 = tpu.memref_slice %arg11[%add3A_79, %dma_start3A_82] : memref<20744x64xf32, #tpu.memory_space<vmem_shared>> -> memref<54x64xf32, #tpu.memory_space<vmem_shared>>
        tpu.enqueue_dma source(%arg10 : memref<54x64xf32, #tpu.memory_space<vmem>>) target(%dma_start3A_83 : memref<54x64xf32, #tpu.memory_space<vmem_shared>>) target_semaphore(%run_scoped3A : memref<!tpu.dma_semaphore, #tpu.memory_space<semaphore_mem>>)
        %dma_wait3A = arith.constant 0 : i32
        %dma_wait3A_84 = tpu.memref_slice %arg11[%add3A_79, %dma_wait3A] : memref<20744x64xf32, #tpu.memory_space<vmem_shared>> -> memref<54x64xf32, #tpu.memory_space<vmem_shared>>
        %dma_wait3A_85 = arith.constant 0 : i32
        %dma_wait3A_86 = tpu.memref_slice %arg11[%add3A_79, %dma_wait3A_85] : memref<20744x64xf32, #tpu.memory_space<vmem_shared>> -> memref<54x64xf32, #tpu.memory_space<vmem_shared>>
        tpu.wait_dma2 semaphore(%run_scoped3A : memref<!tpu.dma_semaphore, #tpu.memory_space<semaphore_mem>>) src(%arg10 : memref<54x64xf32, #tpu.memory_space<vmem>>) dst(%dma_wait3A_86 : memref<54x64xf32, #tpu.memory_space<vmem_shared>>)
        tpu.yield
      }) : () -> ()
    }
    %scan3A_17 = arith.constant 24 : i32
    %eq3A_18 = arith.constant 0 : i32
    %eq3A_19 = arith.cmpi eq, %arg1, %eq3A_18 : i32
    %convert_element_type3A = arith.extui %eq3A_19 : i1 to i32
    %cond3A = arith.constant 0 : i32
    %cond3A_20 = arith.cmpi ne, %convert_element_type3A, %cond3A : i32
    scf.if %cond3A_20 {
      "tpu.region"() ({
        %run_scoped3A = tpu.sem_alloc : memref<!tpu.dma_semaphore, #tpu.memory_space<semaphore_mem>>
        %dma_start3A_72 = arith.constant 0 : i32
        %dma_start3A_73 = arith.constant 0 : i32
        %dma_start3A_74 = tpu.memref_slice %arg10[%dma_start3A_72, %dma_start3A_73] : memref<54x64xf32, #tpu.memory_space<vmem>> -> memref<8x64xf32, #tpu.memory_space<vmem>>
        %dma_start3A_75 = arith.constant 20736 : i32
        %dma_start3A_76 = arith.constant 0 : i32
        %dma_start3A_77 = tpu.memref_slice %arg11[%dma_start3A_75, %dma_start3A_76] : memref<20744x64xf32, #tpu.memory_space<vmem_shared>> -> memref<8x64xf32, #tpu.memory_space<vmem_shared>>
        %dma_start3A_78 = arith.constant 20736 : i32
        %dma_start3A_79 = arith.constant 0 : i32
        %dma_start3A_80 = tpu.memref_slice %arg11[%dma_start3A_78, %dma_start3A_79] : memref<20744x64xf32, #tpu.memory_space<vmem_shared>> -> memref<8x64xf32, #tpu.memory_space<vmem_shared>>
        %dma_start3A_81 = arith.constant 0 : i32
        %dma_start3A_82 = arith.constant 0 : i32
        %dma_start3A_83 = tpu.memref_slice %arg10[%dma_start3A_81, %dma_start3A_82] : memref<54x64xf32, #tpu.memory_space<vmem>> -> memref<8x64xf32, #tpu.memory_space<vmem>>
        tpu.enqueue_dma source(%dma_start3A_83 : memref<8x64xf32, #tpu.memory_space<vmem>>) target(%dma_start3A_80 : memref<8x64xf32, #tpu.memory_space<vmem_shared>>) target_semaphore(%run_scoped3A : memref<!tpu.dma_semaphore, #tpu.memory_space<semaphore_mem>>)
        %dma_wait3A = arith.constant 0 : i32
        %dma_wait3A_84 = arith.constant 0 : i32
        %dma_wait3A_85 = tpu.memref_slice %arg10[%dma_wait3A, %dma_wait3A_84] : memref<54x64xf32, #tpu.memory_space<vmem>> -> memref<8x64xf32, #tpu.memory_space<vmem>>
        %dma_wait3A_86 = arith.constant 20736 : i32
        %dma_wait3A_87 = arith.constant 0 : i32
        %dma_wait3A_88 = tpu.memref_slice %arg11[%dma_wait3A_86, %dma_wait3A_87] : memref<20744x64xf32, #tpu.memory_space<vmem_shared>> -> memref<8x64xf32, #tpu.memory_space<vmem_shared>>
        %dma_wait3A_89 = arith.constant 20736 : i32
        %dma_wait3A_90 = arith.constant 0 : i32
        %dma_wait3A_91 = tpu.memref_slice %arg11[%dma_wait3A_89, %dma_wait3A_90] : memref<20744x64xf32, #tpu.memory_space<vmem_shared>> -> memref<8x64xf32, #tpu.memory_space<vmem_shared>>
        %dma_wait3A_92 = arith.constant 0 : i32
        %dma_wait3A_93 = arith.constant 0 : i32
        %dma_wait3A_94 = tpu.memref_slice %arg10[%dma_wait3A_92, %dma_wait3A_93] : memref<54x64xf32, #tpu.memory_space<vmem>> -> memref<8x64xf32, #tpu.memory_space<vmem>>
        tpu.wait_dma2 semaphore(%run_scoped3A : memref<!tpu.dma_semaphore, #tpu.memory_space<semaphore_mem>>) src(%dma_wait3A_94 : memref<8x64xf32, #tpu.memory_space<vmem>>) dst(%dma_wait3A_91 : memref<8x64xf32, #tpu.memory_space<vmem_shared>>)
        tpu.yield
      }) : () -> ()
    } else {
    }
    %barrier3A = arith.constant 0 : index
    tpu.barrier barrier_id(%barrier3A)
    %sub3A = arith.constant 0 : i32
    %sub3A_21 = arith.subi %select_n3A, %sub3A : i32
    %min3A = arith.constant 64 : i32
    %min3A_22 = arith.minsi %sub3A_21, %min3A : i32
    %add3A_23 = arith.constant 0 : i32
    %add3A_24 = arith.addi %select_n3A_8, %add3A_23 : i32
    "tpu.region"() ({
      %run_scoped3A = tpu.sem_alloc : memref<!tpu.dma_semaphore, #tpu.memory_space<semaphore_mem>>
      %dma_start3A_72 = arith.constant 0 : i32
      %dma_start3A_73 = tpu.memref_slice %arg3[%add3A_24, %dma_start3A_72] : memref<3280x128xi32, #tpu.memory_space<hbm>> -> memref<64x128xi32, #tpu.memory_space<hbm>>
      %dma_start3A_74 = arith.constant 0 : i32
      %dma_start3A_75 = tpu.memref_slice %arg3[%add3A_24, %dma_start3A_74] : memref<3280x128xi32, #tpu.memory_space<hbm>> -> memref<64x128xi32, #tpu.memory_space<hbm>>
      tpu.enqueue_dma source(%dma_start3A_75 : memref<64x128xi32, #tpu.memory_space<hbm>>) target(%arg6 : memref<64x128xi32, #tpu.memory_space<vmem>>) target_semaphore(%run_scoped3A : memref<!tpu.dma_semaphore, #tpu.memory_space<semaphore_mem>>)
      %dma_wait3A = arith.constant 0 : i32
      %dma_wait3A_76 = tpu.memref_slice %arg3[%add3A_24, %dma_wait3A] : memref<3280x128xi32, #tpu.memory_space<hbm>> -> memref<64x128xi32, #tpu.memory_space<hbm>>
      %dma_wait3A_77 = arith.constant 0 : i32
      %dma_wait3A_78 = tpu.memref_slice %arg3[%add3A_24, %dma_wait3A_77] : memref<3280x128xi32, #tpu.memory_space<hbm>> -> memref<64x128xi32, #tpu.memory_space<hbm>>
      tpu.wait_dma2 semaphore(%run_scoped3A : memref<!tpu.dma_semaphore, #tpu.memory_space<semaphore_mem>>) src(%dma_wait3A_78 : memref<64x128xi32, #tpu.memory_space<hbm>>) dst(%arg6 : memref<64x128xi32, #tpu.memory_space<vmem>>)
      tpu.yield
    }) : () -> ()
    %add3A_25 = arith.constant 0 : i32
    %add3A_26 = arith.addi %select_n3A_8, %add3A_25 : i32
    "tpu.region"() ({
      %run_scoped3A = tpu.sem_alloc : memref<!tpu.dma_semaphore, #tpu.memory_space<semaphore_mem>>
      %dma_start3A_72 = arith.constant 0 : i32
      %dma_start3A_73 = tpu.memref_slice %arg4[%add3A_26, %dma_start3A_72] : memref<3280x128xi32, #tpu.memory_space<hbm>> -> memref<64x128xi32, #tpu.memory_space<hbm>>
      %dma_start3A_74 = arith.constant 0 : i32
      %dma_start3A_75 = tpu.memref_slice %arg4[%add3A_26, %dma_start3A_74] : memref<3280x128xi32, #tpu.memory_space<hbm>> -> memref<64x128xi32, #tpu.memory_space<hbm>>
      tpu.enqueue_dma source(%dma_start3A_75 : memref<64x128xi32, #tpu.memory_space<hbm>>) target(%arg7 : memref<64x128xi32, #tpu.memory_space<vmem>>) target_semaphore(%run_scoped3A : memref<!tpu.dma_semaphore, #tpu.memory_space<semaphore_mem>>)
      %dma_wait3A = arith.constant 0 : i32
      %dma_wait3A_76 = tpu.memref_slice %arg4[%add3A_26, %dma_wait3A] : memref<3280x128xi32, #tpu.memory_space<hbm>> -> memref<64x128xi32, #tpu.memory_space<hbm>>
      %dma_wait3A_77 = arith.constant 0 : i32
      %dma_wait3A_78 = tpu.memref_slice %arg4[%add3A_26, %dma_wait3A_77] : memref<3280x128xi32, #tpu.memory_space<hbm>> -> memref<64x128xi32, #tpu.memory_space<hbm>>
      tpu.wait_dma2 semaphore(%run_scoped3A : memref<!tpu.dma_semaphore, #tpu.memory_space<semaphore_mem>>) src(%dma_wait3A_78 : memref<64x128xi32, #tpu.memory_space<hbm>>) dst(%arg7 : memref<64x128xi32, #tpu.memory_space<vmem>>)
      tpu.yield
    }) : () -> ()
    %dma_start3A = arith.constant 0 : i32
    %dma_start3A_27 = arith.constant 0 : i32
    %dma_start3A_28 = tpu.memref_slice %arg6[%dma_start3A, %dma_start3A_27] : memref<64x128xi32, #tpu.memory_space<vmem>> -> memref<1x128xi32, #tpu.memory_space<vmem>>
    %dma_start3A_29 = tpu.memref_squeeze %dma_start3A_28 : memref<1x128xi32, #tpu.memory_space<vmem>> -> memref<128xi32, #tpu.memory_space<vmem>>
    %dma_start3A_30 = arith.constant 0 : i32
    %dma_start3A_31 = arith.constant 0 : i32
    %dma_start3A_32 = tpu.memref_slice %arg2[%dma_start3A_30, %dma_start3A_31] : memref<20736x64xf32, #tpu.memory_space<hbm>> -> memref<20736x64xf32, #tpu.memory_space<hbm>>
    tpu.enqueue_indirect_dma source(%dma_start3A_32 : memref<20736x64xf32, #tpu.memory_space<hbm>>) target(%arg8 : memref<128x64xf32, #tpu.memory_space<vmem>>) offsets(%dma_start3A_29 : memref<128xi32, #tpu.memory_space<vmem>>) semaphore(%arg12 : memref<!tpu.dma_semaphore, #tpu.memory_space<semaphore_mem>>)
    %gt3A = arith.constant 1 : i32
    %gt3A_33 = arith.cmpi sgt, %min3A_22, %gt3A : i32
    %convert_element_type3A_34 = arith.extui %gt3A_33 : i1 to i32
    %cond3A_35 = arith.constant 0 : i32
    %cond3A_36 = arith.cmpi ne, %convert_element_type3A_34, %cond3A_35 : i32
    scf.if %cond3A_36 {
      %dma_start3A_72 = arith.constant 1 : i32
      %dma_start3A_73 = arith.constant 0 : i32
      %dma_start3A_74 = tpu.memref_slice %arg6[%dma_start3A_72, %dma_start3A_73] : memref<64x128xi32, #tpu.memory_space<vmem>> -> memref<1x128xi32, #tpu.memory_space<vmem>>
      %dma_start3A_75 = tpu.memref_squeeze %dma_start3A_74 : memref<1x128xi32, #tpu.memory_space<vmem>> -> memref<128xi32, #tpu.memory_space<vmem>>
      %dma_start3A_76 = arith.constant 0 : i32
      %dma_start3A_77 = arith.constant 0 : i32
      %dma_start3A_78 = tpu.memref_slice %arg2[%dma_start3A_76, %dma_start3A_77] : memref<20736x64xf32, #tpu.memory_space<hbm>> -> memref<20736x64xf32, #tpu.memory_space<hbm>>
      tpu.enqueue_indirect_dma source(%dma_start3A_78 : memref<20736x64xf32, #tpu.memory_space<hbm>>) target(%arg9 : memref<128x64xf32, #tpu.memory_space<vmem>>) offsets(%dma_start3A_75 : memref<128xi32, #tpu.memory_space<vmem>>) semaphore(%arg13 : memref<!tpu.dma_semaphore, #tpu.memory_space<semaphore_mem>>)
    } else {
    }
    %scan3A_37 = arith.constant 0 : i32
    %scan3A_38 = arith.constant 32 : i32
    %scan3A_39 = arith.addi %scan3A_37, %scan3A_38 : i32
    %scan3A_40 = arith.constant 1 : i32
    scf.for %scan3A_72 = %scan3A_37 to %scan3A_39 step %scan3A_40  : i32 {
      %mul3A_73 = arith.constant 2 : i32
      %mul3A_74 = arith.muli %scan3A_72, %mul3A_73 : i32
      %add3A_75 = arith.constant 0 : i32
      %add3A_76 = arith.addi %add3A_75, %mul3A_74 : i32
      %lt3A = arith.cmpi slt, %add3A_76, %min3A_22 : i32
      %convert_element_type3A_77 = arith.extui %lt3A : i1 to i32
      %cond3A_78 = arith.constant 0 : i32
      %cond3A_79 = arith.cmpi ne, %convert_element_type3A_77, %cond3A_78 : i32
      scf.if %cond3A_79 {
        %dma_wait3A = arith.constant 0 : i32
        %dma_wait3A_98 = arith.constant 0 : i32
        %dma_wait3A_99 = tpu.memref_slice %arg6[%dma_wait3A, %dma_wait3A_98] : memref<64x128xi32, #tpu.memory_space<vmem>> -> memref<1x128xi32, #tpu.memory_space<vmem>>
        %dma_wait3A_100 = tpu.memref_squeeze %dma_wait3A_99 : memref<1x128xi32, #tpu.memory_space<vmem>> -> memref<128xi32, #tpu.memory_space<vmem>>
        %dma_wait3A_101 = arith.constant 0 : i32
        %dma_wait3A_102 = arith.constant 0 : i32
        %dma_wait3A_103 = tpu.memref_slice %arg2[%dma_wait3A_101, %dma_wait3A_102] : memref<20736x64xf32, #tpu.memory_space<hbm>> -> memref<20736x64xf32, #tpu.memory_space<hbm>>
        tpu.wait_indirect_dma semaphore(%arg12 : memref<!tpu.dma_semaphore, #tpu.memory_space<semaphore_mem>>) src(%dma_wait3A_103 : memref<20736x64xf32, #tpu.memory_space<hbm>>) dst(%arg8 : memref<128x64xf32, #tpu.memory_space<vmem>>)
        "tpu.region"() ({
          %run_scoped3A = tpu.sem_alloc : memref<!tpu.dma_semaphore, #tpu.memory_space<semaphore_mem>>
          %dma_start3A_104 = arith.constant 0 : i32
          %dma_start3A_105 = tpu.memref_slice %arg7[%add3A_76, %dma_start3A_104] : memref<64x128xi32, #tpu.memory_space<vmem>> -> memref<1x128xi32, #tpu.memory_space<vmem>>
          %dma_start3A_106 = tpu.memref_squeeze %dma_start3A_105 : memref<1x128xi32, #tpu.memory_space<vmem>> -> memref<128xi32, #tpu.memory_space<vmem>>
          %dma_start3A_107 = arith.constant 0 : i32
          %dma_start3A_108 = arith.constant 0 : i32
          %dma_start3A_109 = tpu.memref_slice %arg11[%dma_start3A_107, %dma_start3A_108] : memref<20744x64xf32, #tpu.memory_space<vmem_shared>> -> memref<20744x64xf32, #tpu.memory_space<vmem_shared>>
          tpu.enqueue_indirect_dma source(%arg8 : memref<128x64xf32, #tpu.memory_space<vmem>>) target(%dma_start3A_109 : memref<20744x64xf32, #tpu.memory_space<vmem_shared>>) offsets(%dma_start3A_106 : memref<128xi32, #tpu.memory_space<vmem>>) semaphore(%run_scoped3A : memref<!tpu.dma_semaphore, #tpu.memory_space<semaphore_mem>>) {add = true}
          %dma_wait3A_110 = arith.constant 0 : i32
          %dma_wait3A_111 = tpu.memref_slice %arg7[%add3A_76, %dma_wait3A_110] : memref<64x128xi32, #tpu.memory_space<vmem>> -> memref<1x128xi32, #tpu.memory_space<vmem>>
          %dma_wait3A_112 = tpu.memref_squeeze %dma_wait3A_111 : memref<1x128xi32, #tpu.memory_space<vmem>> -> memref<128xi32, #tpu.memory_space<vmem>>
          %dma_wait3A_113 = arith.constant 0 : i32
          %dma_wait3A_114 = arith.constant 0 : i32
          %dma_wait3A_115 = tpu.memref_slice %arg11[%dma_wait3A_113, %dma_wait3A_114] : memref<20744x64xf32, #tpu.memory_space<vmem_shared>> -> memref<20744x64xf32, #tpu.memory_space<vmem_shared>>
          tpu.wait_indirect_dma semaphore(%run_scoped3A : memref<!tpu.dma_semaphore, #tpu.memory_space<semaphore_mem>>) src(%arg8 : memref<128x64xf32, #tpu.memory_space<vmem>>) dst(%dma_wait3A_115 : memref<20744x64xf32, #tpu.memory_space<vmem_shared>>)
          tpu.yield
        }) : () -> ()
      } else {
      }
      %add3A_80 = arith.constant 2 : i32
      %add3A_81 = arith.addi %add3A_76, %add3A_80 : i32
      %lt3A_82 = arith.cmpi slt, %add3A_81, %min3A_22 : i32
      %convert_element_type3A_83 = arith.extui %lt3A_82 : i1 to i32
      %cond3A_84 = arith.constant 0 : i32
      %cond3A_85 = arith.cmpi ne, %convert_element_type3A_83, %cond3A_84 : i32
      scf.if %cond3A_85 {
        %add3A_98 = arith.constant 2 : i32
        %add3A_99 = arith.addi %add3A_76, %add3A_98 : i32
        %dma_start3A_100 = arith.constant 0 : i32
        %dma_start3A_101 = tpu.memref_slice %arg6[%add3A_99, %dma_start3A_100] : memref<64x128xi32, #tpu.memory_space<vmem>> -> memref<1x128xi32, #tpu.memory_space<vmem>>
        %dma_start3A_102 = tpu.memref_squeeze %dma_start3A_101 : memref<1x128xi32, #tpu.memory_space<vmem>> -> memref<128xi32, #tpu.memory_space<vmem>>
        %dma_start3A_103 = arith.constant 0 : i32
        %dma_start3A_104 = arith.constant 0 : i32
        %dma_start3A_105 = tpu.memref_slice %arg2[%dma_start3A_103, %dma_start3A_104] : memref<20736x64xf32, #tpu.memory_space<hbm>> -> memref<20736x64xf32, #tpu.memory_space<hbm>>
        tpu.enqueue_indirect_dma source(%dma_start3A_105 : memref<20736x64xf32, #tpu.memory_space<hbm>>) target(%arg8 : memref<128x64xf32, #tpu.memory_space<vmem>>) offsets(%dma_start3A_102 : memref<128xi32, #tpu.memory_space<vmem>>) semaphore(%arg12 : memref<!tpu.dma_semaphore, #tpu.memory_space<semaphore_mem>>)
      } else {
      }
      %add3A_86 = arith.constant 1 : i32
      %add3A_87 = arith.addi %add3A_76, %add3A_86 : i32
      %lt3A_88 = arith.cmpi slt, %add3A_87, %min3A_22 : i32
      %convert_element_type3A_89 = arith.extui %lt3A_88 : i1 to i32
      %cond3A_90 = arith.constant 0 : i32
      %cond3A_91 = arith.cmpi ne, %convert_element_type3A_89, %cond3A_90 : i32
      scf.if %cond3A_91 {
        %dma_wait3A = arith.constant 0 : i32
        %dma_wait3A_98 = arith.constant 0 : i32
        %dma_wait3A_99 = tpu.memref_slice %arg6[%dma_wait3A, %dma_wait3A_98] : memref<64x128xi32, #tpu.memory_space<vmem>> -> memref<1x128xi32, #tpu.memory_space<vmem>>
        %dma_wait3A_100 = tpu.memref_squeeze %dma_wait3A_99 : memref<1x128xi32, #tpu.memory_space<vmem>> -> memref<128xi32, #tpu.memory_space<vmem>>
        %dma_wait3A_101 = arith.constant 0 : i32
        %dma_wait3A_102 = arith.constant 0 : i32
        %dma_wait3A_103 = tpu.memref_slice %arg2[%dma_wait3A_101, %dma_wait3A_102] : memref<20736x64xf32, #tpu.memory_space<hbm>> -> memref<20736x64xf32, #tpu.memory_space<hbm>>
        tpu.wait_indirect_dma semaphore(%arg13 : memref<!tpu.dma_semaphore, #tpu.memory_space<semaphore_mem>>) src(%dma_wait3A_103 : memref<20736x64xf32, #tpu.memory_space<hbm>>) dst(%arg9 : memref<128x64xf32, #tpu.memory_space<vmem>>)
        %add3A_104 = arith.constant 1 : i32
        %add3A_105 = arith.addi %add3A_76, %add3A_104 : i32
        "tpu.region"() ({
          %run_scoped3A = tpu.sem_alloc : memref<!tpu.dma_semaphore, #tpu.memory_space<semaphore_mem>>
          %dma_start3A_106 = arith.constant 0 : i32
          %dma_start3A_107 = tpu.memref_slice %arg7[%add3A_105, %dma_start3A_106] : memref<64x128xi32, #tpu.memory_space<vmem>> -> memref<1x128xi32, #tpu.memory_space<vmem>>
          %dma_start3A_108 = tpu.memref_squeeze %dma_start3A_107 : memref<1x128xi32, #tpu.memory_space<vmem>> -> memref<128xi32, #tpu.memory_space<vmem>>
          %dma_start3A_109 = arith.constant 0 : i32
          %dma_start3A_110 = arith.constant 0 : i32
          %dma_start3A_111 = tpu.memref_slice %arg11[%dma_start3A_109, %dma_start3A_110] : memref<20744x64xf32, #tpu.memory_space<vmem_shared>> -> memref<20744x64xf32, #tpu.memory_space<vmem_shared>>
          tpu.enqueue_indirect_dma source(%arg9 : memref<128x64xf32, #tpu.memory_space<vmem>>) target(%dma_start3A_111 : memref<20744x64xf32, #tpu.memory_space<vmem_shared>>) offsets(%dma_start3A_108 : memref<128xi32, #tpu.memory_space<vmem>>) semaphore(%run_scoped3A : memref<!tpu.dma_semaphore, #tpu.memory_space<semaphore_mem>>) {add = true}
          %dma_wait3A_112 = arith.constant 0 : i32
          %dma_wait3A_113 = tpu.memref_slice %arg7[%add3A_105, %dma_wait3A_112] : memref<64x128xi32, #tpu.memory_space<vmem>> -> memref<1x128xi32, #tpu.memory_space<vmem>>
          %dma_wait3A_114 = tpu.memref_squeeze %dma_wait3A_113 : memref<1x128xi32, #tpu.memory_space<vmem>> -> memref<128xi32, #tpu.memory_space<vmem>>
          %dma_wait3A_115 = arith.constant 0 : i32
          %dma_wait3A_116 = arith.constant 0 : i32
          %dma_wait3A_117 = tpu.memref_slice %arg11[%dma_wait3A_115, %dma_wait3A_116] : memref<20744x64xf32, #tpu.memory_space<vmem_shared>> -> memref<20744x64xf32, #tpu.memory_space<vmem_shared>>
          tpu.wait_indirect_dma semaphore(%run_scoped3A : memref<!tpu.dma_semaphore, #tpu.memory_space<semaphore_mem>>) src(%arg9 : memref<128x64xf32, #tpu.memory_space<vmem>>) dst(%dma_wait3A_117 : memref<20744x64xf32, #tpu.memory_space<vmem_shared>>)
          tpu.yield
        }) : () -> ()
      } else {
      }
      %add3A_92 = arith.constant 3 : i32
      %add3A_93 = arith.addi %add3A_76, %add3A_92 : i32
      %lt3A_94 = arith.cmpi slt, %add3A_93, %min3A_22 : i32
      %convert_element_type3A_95 = arith.extui %lt3A_94 : i1 to i32
      %cond3A_96 = arith.constant 0 : i32
      %cond3A_97 = arith.cmpi ne, %convert_element_type3A_95, %cond3A_96 : i32
      scf.if %cond3A_97 {
        %add3A_98 = arith.constant 3 : i32
        %add3A_99 = arith.addi %add3A_76, %add3A_98 : i32
        %dma_start3A_100 = arith.constant 0 : i32
        %dma_start3A_101 = tpu.memref_slice %arg6[%add3A_99, %dma_start3A_100] : memref<64x128xi32, #tpu.memory_space<vmem>> -> memref<1x128xi32, #tpu.memory_space<vmem>>
        %dma_start3A_102 = tpu.memref_squeeze %dma_start3A_101 : memref<1x128xi32, #tpu.memory_space<vmem>> -> memref<128xi32, #tpu.memory_space<vmem>>
        %dma_start3A_103 = arith.constant 0 : i32
        %dma_start3A_104 = arith.constant 0 : i32
        %dma_start3A_105 = tpu.memref_slice %arg2[%dma_start3A_103, %dma_start3A_104] : memref<20736x64xf32, #tpu.memory_space<hbm>> -> memref<20736x64xf32, #tpu.memory_space<hbm>>
        tpu.enqueue_indirect_dma source(%dma_start3A_105 : memref<20736x64xf32, #tpu.memory_space<hbm>>) target(%arg9 : memref<128x64xf32, #tpu.memory_space<vmem>>) offsets(%dma_start3A_102 : memref<128xi32, #tpu.memory_space<vmem>>) semaphore(%arg13 : memref<!tpu.dma_semaphore, #tpu.memory_space<semaphore_mem>>)
      } else {
      }
    }
    %scan3A_41 = arith.constant 32 : i32
    %sub3A_42 = arith.constant 64 : i32
    %sub3A_43 = arith.subi %select_n3A, %sub3A_42 : i32
    %min3A_44 = arith.constant 64 : i32
    %min3A_45 = arith.minsi %sub3A_43, %min3A_44 : i32
    %add3A_46 = arith.constant 64 : i32
    %add3A_47 = arith.addi %select_n3A_8, %add3A_46 : i32
    "tpu.region"() ({
      %run_scoped3A = tpu.sem_alloc : memref<!tpu.dma_semaphore, #tpu.memory_space<semaphore_mem>>
      %dma_start3A_72 = arith.constant 0 : i32
      %dma_start3A_73 = tpu.memref_slice %arg3[%add3A_47, %dma_start3A_72] : memref<3280x128xi32, #tpu.memory_space<hbm>> -> memref<64x128xi32, #tpu.memory_space<hbm>>
      %dma_start3A_74 = arith.constant 0 : i32
      %dma_start3A_75 = tpu.memref_slice %arg3[%add3A_47, %dma_start3A_74] : memref<3280x128xi32, #tpu.memory_space<hbm>> -> memref<64x128xi32, #tpu.memory_space<hbm>>
      tpu.enqueue_dma source(%dma_start3A_75 : memref<64x128xi32, #tpu.memory_space<hbm>>) target(%arg6 : memref<64x128xi32, #tpu.memory_space<vmem>>) target_semaphore(%run_scoped3A : memref<!tpu.dma_semaphore, #tpu.memory_space<semaphore_mem>>)
      %dma_wait3A = arith.constant 0 : i32
      %dma_wait3A_76 = tpu.memref_slice %arg3[%add3A_47, %dma_wait3A] : memref<3280x128xi32, #tpu.memory_space<hbm>> -> memref<64x128xi32, #tpu.memory_space<hbm>>
      %dma_wait3A_77 = arith.constant 0 : i32
      %dma_wait3A_78 = tpu.memref_slice %arg3[%add3A_47, %dma_wait3A_77] : memref<3280x128xi32, #tpu.memory_space<hbm>> -> memref<64x128xi32, #tpu.memory_space<hbm>>
      tpu.wait_dma2 semaphore(%run_scoped3A : memref<!tpu.dma_semaphore, #tpu.memory_space<semaphore_mem>>) src(%dma_wait3A_78 : memref<64x128xi32, #tpu.memory_space<hbm>>) dst(%arg6 : memref<64x128xi32, #tpu.memory_space<vmem>>)
      tpu.yield
    }) : () -> ()
    %add3A_48 = arith.constant 64 : i32
    %add3A_49 = arith.addi %select_n3A_8, %add3A_48 : i32
    "tpu.region"() ({
      %run_scoped3A = tpu.sem_alloc : memref<!tpu.dma_semaphore, #tpu.memory_space<semaphore_mem>>
      %dma_start3A_72 = arith.constant 0 : i32
      %dma_start3A_73 = tpu.memref_slice %arg4[%add3A_49, %dma_start3A_72] : memref<3280x128xi32, #tpu.memory_space<hbm>> -> memref<64x128xi32, #tpu.memory_space<hbm>>
      %dma_start3A_74 = arith.constant 0 : i32
      %dma_start3A_75 = tpu.memref_slice %arg4[%add3A_49, %dma_start3A_74] : memref<3280x128xi32, #tpu.memory_space<hbm>> -> memref<64x128xi32, #tpu.memory_space<hbm>>
      tpu.enqueue_dma source(%dma_start3A_75 : memref<64x128xi32, #tpu.memory_space<hbm>>) target(%arg7 : memref<64x128xi32, #tpu.memory_space<vmem>>) target_semaphore(%run_scoped3A : memref<!tpu.dma_semaphore, #tpu.memory_space<semaphore_mem>>)
      %dma_wait3A = arith.constant 0 : i32
      %dma_wait3A_76 = tpu.memref_slice %arg4[%add3A_49, %dma_wait3A] : memref<3280x128xi32, #tpu.memory_space<hbm>> -> memref<64x128xi32, #tpu.memory_space<hbm>>
      %dma_wait3A_77 = arith.constant 0 : i32
      %dma_wait3A_78 = tpu.memref_slice %arg4[%add3A_49, %dma_wait3A_77] : memref<3280x128xi32, #tpu.memory_space<hbm>> -> memref<64x128xi32, #tpu.memory_space<hbm>>
      tpu.wait_dma2 semaphore(%run_scoped3A : memref<!tpu.dma_semaphore, #tpu.memory_space<semaphore_mem>>) src(%dma_wait3A_78 : memref<64x128xi32, #tpu.memory_space<hbm>>) dst(%arg7 : memref<64x128xi32, #tpu.memory_space<vmem>>)
      tpu.yield
    }) : () -> ()
    %dma_start3A_50 = arith.constant 0 : i32
    %dma_start3A_51 = arith.constant 0 : i32
    %dma_start3A_52 = tpu.memref_slice %arg6[%dma_start3A_50, %dma_start3A_51] : memref<64x128xi32, #tpu.memory_space<vmem>> -> memref<1x128xi32, #tpu.memory_space<vmem>>
    %dma_start3A_53 = tpu.memref_squeeze %dma_start3A_52 : memref<1x128xi32, #tpu.memory_space<vmem>> -> memref<128xi32, #tpu.memory_space<vmem>>
    %dma_start3A_54 = arith.constant 0 : i32
    %dma_start3A_55 = arith.constant 0 : i32
    %dma_start3A_56 = tpu.memref_slice %arg2[%dma_start3A_54, %dma_start3A_55] : memref<20736x64xf32, #tpu.memory_space<hbm>> -> memref<20736x64xf32, #tpu.memory_space<hbm>>
    tpu.enqueue_indirect_dma source(%dma_start3A_56 : memref<20736x64xf32, #tpu.memory_space<hbm>>) target(%arg8 : memref<128x64xf32, #tpu.memory_space<vmem>>) offsets(%dma_start3A_53 : memref<128xi32, #tpu.memory_space<vmem>>) semaphore(%arg12 : memref<!tpu.dma_semaphore, #tpu.memory_space<semaphore_mem>>)
    %gt3A_57 = arith.constant 1 : i32
    %gt3A_58 = arith.cmpi sgt, %min3A_45, %gt3A_57 : i32
    %convert_element_type3A_59 = arith.extui %gt3A_58 : i1 to i32
    %cond3A_60 = arith.constant 0 : i32
    %cond3A_61 = arith.cmpi ne, %convert_element_type3A_59, %cond3A_60 : i32
    scf.if %cond3A_61 {
      %dma_start3A_72 = arith.constant 1 : i32
      %dma_start3A_73 = arith.constant 0 : i32
      %dma_start3A_74 = tpu.memref_slice %arg6[%dma_start3A_72, %dma_start3A_73] : memref<64x128xi32, #tpu.memory_space<vmem>> -> memref<1x128xi32, #tpu.memory_space<vmem>>
      %dma_start3A_75 = tpu.memref_squeeze %dma_start3A_74 : memref<1x128xi32, #tpu.memory_space<vmem>> -> memref<128xi32, #tpu.memory_space<vmem>>
      %dma_start3A_76 = arith.constant 0 : i32
      %dma_start3A_77 = arith.constant 0 : i32
      %dma_start3A_78 = tpu.memref_slice %arg2[%dma_start3A_76, %dma_start3A_77] : memref<20736x64xf32, #tpu.memory_space<hbm>> -> memref<20736x64xf32, #tpu.memory_space<hbm>>
      tpu.enqueue_indirect_dma source(%dma_start3A_78 : memref<20736x64xf32, #tpu.memory_space<hbm>>) target(%arg9 : memref<128x64xf32, #tpu.memory_space<vmem>>) offsets(%dma_start3A_75 : memref<128xi32, #tpu.memory_space<vmem>>) semaphore(%arg13 : memref<!tpu.dma_semaphore, #tpu.memory_space<semaphore_mem>>)
    } else {
    }
    %scan3A_62 = arith.constant 0 : i32
    %scan3A_63 = arith.constant 32 : i32
    %scan3A_64 = arith.addi %scan3A_62, %scan3A_63 : i32
    %scan3A_65 = arith.constant 1 : i32
    scf.for %scan3A_72 = %scan3A_62 to %scan3A_64 step %scan3A_65  : i32 {
      %mul3A_73 = arith.constant 2 : i32
      %mul3A_74 = arith.muli %scan3A_72, %mul3A_73 : i32
      %add3A_75 = arith.constant 0 : i32
      %add3A_76 = arith.addi %add3A_75, %mul3A_74 : i32
      %lt3A = arith.cmpi slt, %add3A_76, %min3A_45 : i32
      %convert_element_type3A_77 = arith.extui %lt3A : i1 to i32
      %cond3A_78 = arith.constant 0 : i32
      %cond3A_79 = arith.cmpi ne, %convert_element_type3A_77, %cond3A_78 : i32
      scf.if %cond3A_79 {
        %dma_wait3A = arith.constant 0 : i32
        %dma_wait3A_98 = arith.constant 0 : i32
        %dma_wait3A_99 = tpu.memref_slice %arg6[%dma_wait3A, %dma_wait3A_98] : memref<64x128xi32, #tpu.memory_space<vmem>> -> memref<1x128xi32, #tpu.memory_space<vmem>>
        %dma_wait3A_100 = tpu.memref_squeeze %dma_wait3A_99 : memref<1x128xi32, #tpu.memory_space<vmem>> -> memref<128xi32, #tpu.memory_space<vmem>>
        %dma_wait3A_101 = arith.constant 0 : i32
        %dma_wait3A_102 = arith.constant 0 : i32
        %dma_wait3A_103 = tpu.memref_slice %arg2[%dma_wait3A_101, %dma_wait3A_102] : memref<20736x64xf32, #tpu.memory_space<hbm>> -> memref<20736x64xf32, #tpu.memory_space<hbm>>
        tpu.wait_indirect_dma semaphore(%arg12 : memref<!tpu.dma_semaphore, #tpu.memory_space<semaphore_mem>>) src(%dma_wait3A_103 : memref<20736x64xf32, #tpu.memory_space<hbm>>) dst(%arg8 : memref<128x64xf32, #tpu.memory_space<vmem>>)
        "tpu.region"() ({
          %run_scoped3A = tpu.sem_alloc : memref<!tpu.dma_semaphore, #tpu.memory_space<semaphore_mem>>
          %dma_start3A_104 = arith.constant 0 : i32
          %dma_start3A_105 = tpu.memref_slice %arg7[%add3A_76, %dma_start3A_104] : memref<64x128xi32, #tpu.memory_space<vmem>> -> memref<1x128xi32, #tpu.memory_space<vmem>>
          %dma_start3A_106 = tpu.memref_squeeze %dma_start3A_105 : memref<1x128xi32, #tpu.memory_space<vmem>> -> memref<128xi32, #tpu.memory_space<vmem>>
          %dma_start3A_107 = arith.constant 0 : i32
          %dma_start3A_108 = arith.constant 0 : i32
          %dma_start3A_109 = tpu.memref_slice %arg11[%dma_start3A_107, %dma_start3A_108] : memref<20744x64xf32, #tpu.memory_space<vmem_shared>> -> memref<20744x64xf32, #tpu.memory_space<vmem_shared>>
          tpu.enqueue_indirect_dma source(%arg8 : memref<128x64xf32, #tpu.memory_space<vmem>>) target(%dma_start3A_109 : memref<20744x64xf32, #tpu.memory_space<vmem_shared>>) offsets(%dma_start3A_106 : memref<128xi32, #tpu.memory_space<vmem>>) semaphore(%run_scoped3A : memref<!tpu.dma_semaphore, #tpu.memory_space<semaphore_mem>>) {add = true}
          %dma_wait3A_110 = arith.constant 0 : i32
          %dma_wait3A_111 = tpu.memref_slice %arg7[%add3A_76, %dma_wait3A_110] : memref<64x128xi32, #tpu.memory_space<vmem>> -> memref<1x128xi32, #tpu.memory_space<vmem>>
          %dma_wait3A_112 = tpu.memref_squeeze %dma_wait3A_111 : memref<1x128xi32, #tpu.memory_space<vmem>> -> memref<128xi32, #tpu.memory_space<vmem>>
          %dma_wait3A_113 = arith.constant 0 : i32
          %dma_wait3A_114 = arith.constant 0 : i32
          %dma_wait3A_115 = tpu.memref_slice %arg11[%dma_wait3A_113, %dma_wait3A_114] : memref<20744x64xf32, #tpu.memory_space<vmem_shared>> -> memref<20744x64xf32, #tpu.memory_space<vmem_shared>>
          tpu.wait_indirect_dma semaphore(%run_scoped3A : memref<!tpu.dma_semaphore, #tpu.memory_space<semaphore_mem>>) src(%arg8 : memref<128x64xf32, #tpu.memory_space<vmem>>) dst(%dma_wait3A_115 : memref<20744x64xf32, #tpu.memory_space<vmem_shared>>)
          tpu.yield
        }) : () -> ()
      } else {
      }
      %add3A_80 = arith.constant 2 : i32
      %add3A_81 = arith.addi %add3A_76, %add3A_80 : i32
      %lt3A_82 = arith.cmpi slt, %add3A_81, %min3A_45 : i32
      %convert_element_type3A_83 = arith.extui %lt3A_82 : i1 to i32
      %cond3A_84 = arith.constant 0 : i32
      %cond3A_85 = arith.cmpi ne, %convert_element_type3A_83, %cond3A_84 : i32
      scf.if %cond3A_85 {
        %add3A_98 = arith.constant 2 : i32
        %add3A_99 = arith.addi %add3A_76, %add3A_98 : i32
        %dma_start3A_100 = arith.constant 0 : i32
        %dma_start3A_101 = tpu.memref_slice %arg6[%add3A_99, %dma_start3A_100] : memref<64x128xi32, #tpu.memory_space<vmem>> -> memref<1x128xi32, #tpu.memory_space<vmem>>
        %dma_start3A_102 = tpu.memref_squeeze %dma_start3A_101 : memref<1x128xi32, #tpu.memory_space<vmem>> -> memref<128xi32, #tpu.memory_space<vmem>>
        %dma_start3A_103 = arith.constant 0 : i32
        %dma_start3A_104 = arith.constant 0 : i32
        %dma_start3A_105 = tpu.memref_slice %arg2[%dma_start3A_103, %dma_start3A_104] : memref<20736x64xf32, #tpu.memory_space<hbm>> -> memref<20736x64xf32, #tpu.memory_space<hbm>>
        tpu.enqueue_indirect_dma source(%dma_start3A_105 : memref<20736x64xf32, #tpu.memory_space<hbm>>) target(%arg8 : memref<128x64xf32, #tpu.memory_space<vmem>>) offsets(%dma_start3A_102 : memref<128xi32, #tpu.memory_space<vmem>>) semaphore(%arg12 : memref<!tpu.dma_semaphore, #tpu.memory_space<semaphore_mem>>)
      } else {
      }
      %add3A_86 = arith.constant 1 : i32
      %add3A_87 = arith.addi %add3A_76, %add3A_86 : i32
      %lt3A_88 = arith.cmpi slt, %add3A_87, %min3A_45 : i32
      %convert_element_type3A_89 = arith.extui %lt3A_88 : i1 to i32
      %cond3A_90 = arith.constant 0 : i32
      %cond3A_91 = arith.cmpi ne, %convert_element_type3A_89, %cond3A_90 : i32
      scf.if %cond3A_91 {
        %dma_wait3A = arith.constant 0 : i32
        %dma_wait3A_98 = arith.constant 0 : i32
        %dma_wait3A_99 = tpu.memref_slice %arg6[%dma_wait3A, %dma_wait3A_98] : memref<64x128xi32, #tpu.memory_space<vmem>> -> memref<1x128xi32, #tpu.memory_space<vmem>>
        %dma_wait3A_100 = tpu.memref_squeeze %dma_wait3A_99 : memref<1x128xi32, #tpu.memory_space<vmem>> -> memref<128xi32, #tpu.memory_space<vmem>>
        %dma_wait3A_101 = arith.constant 0 : i32
        %dma_wait3A_102 = arith.constant 0 : i32
        %dma_wait3A_103 = tpu.memref_slice %arg2[%dma_wait3A_101, %dma_wait3A_102] : memref<20736x64xf32, #tpu.memory_space<hbm>> -> memref<20736x64xf32, #tpu.memory_space<hbm>>
        tpu.wait_indirect_dma semaphore(%arg13 : memref<!tpu.dma_semaphore, #tpu.memory_space<semaphore_mem>>) src(%dma_wait3A_103 : memref<20736x64xf32, #tpu.memory_space<hbm>>) dst(%arg9 : memref<128x64xf32, #tpu.memory_space<vmem>>)
        %add3A_104 = arith.constant 1 : i32
        %add3A_105 = arith.addi %add3A_76, %add3A_104 : i32
        "tpu.region"() ({
          %run_scoped3A = tpu.sem_alloc : memref<!tpu.dma_semaphore, #tpu.memory_space<semaphore_mem>>
          %dma_start3A_106 = arith.constant 0 : i32
          %dma_start3A_107 = tpu.memref_slice %arg7[%add3A_105, %dma_start3A_106] : memref<64x128xi32, #tpu.memory_space<vmem>> -> memref<1x128xi32, #tpu.memory_space<vmem>>
          %dma_start3A_108 = tpu.memref_squeeze %dma_start3A_107 : memref<1x128xi32, #tpu.memory_space<vmem>> -> memref<128xi32, #tpu.memory_space<vmem>>
          %dma_start3A_109 = arith.constant 0 : i32
          %dma_start3A_110 = arith.constant 0 : i32
          %dma_start3A_111 = tpu.memref_slice %arg11[%dma_start3A_109, %dma_start3A_110] : memref<20744x64xf32, #tpu.memory_space<vmem_shared>> -> memref<20744x64xf32, #tpu.memory_space<vmem_shared>>
          tpu.enqueue_indirect_dma source(%arg9 : memref<128x64xf32, #tpu.memory_space<vmem>>) target(%dma_start3A_111 : memref<20744x64xf32, #tpu.memory_space<vmem_shared>>) offsets(%dma_start3A_108 : memref<128xi32, #tpu.memory_space<vmem>>) semaphore(%run_scoped3A : memref<!tpu.dma_semaphore, #tpu.memory_space<semaphore_mem>>) {add = true}
          %dma_wait3A_112 = arith.constant 0 : i32
          %dma_wait3A_113 = tpu.memref_slice %arg7[%add3A_105, %dma_wait3A_112] : memref<64x128xi32, #tpu.memory_space<vmem>> -> memref<1x128xi32, #tpu.memory_space<vmem>>
          %dma_wait3A_114 = tpu.memref_squeeze %dma_wait3A_113 : memref<1x128xi32, #tpu.memory_space<vmem>> -> memref<128xi32, #tpu.memory_space<vmem>>
          %dma_wait3A_115 = arith.constant 0 : i32
          %dma_wait3A_116 = arith.constant 0 : i32
          %dma_wait3A_117 = tpu.memref_slice %arg11[%dma_wait3A_115, %dma_wait3A_116] : memref<20744x64xf32, #tpu.memory_space<vmem_shared>> -> memref<20744x64xf32, #tpu.memory_space<vmem_shared>>
          tpu.wait_indirect_dma semaphore(%run_scoped3A : memref<!tpu.dma_semaphore, #tpu.memory_space<semaphore_mem>>) src(%arg9 : memref<128x64xf32, #tpu.memory_space<vmem>>) dst(%dma_wait3A_117 : memref<20744x64xf32, #tpu.memory_space<vmem_shared>>)
          tpu.yield
        }) : () -> ()
      } else {
      }
      %add3A_92 = arith.constant 3 : i32
      %add3A_93 = arith.addi %add3A_76, %add3A_92 : i32
      %lt3A_94 = arith.cmpi slt, %add3A_93, %min3A_45 : i32
      %convert_element_type3A_95 = arith.extui %lt3A_94 : i1 to i32
      %cond3A_96 = arith.constant 0 : i32
      %cond3A_97 = arith.cmpi ne, %convert_element_type3A_95, %cond3A_96 : i32
      scf.if %cond3A_97 {
        %add3A_98 = arith.constant 3 : i32
        %add3A_99 = arith.addi %add3A_76, %add3A_98 : i32
        %dma_start3A_100 = arith.constant 0 : i32
        %dma_start3A_101 = tpu.memref_slice %arg6[%add3A_99, %dma_start3A_100] : memref<64x128xi32, #tpu.memory_space<vmem>> -> memref<1x128xi32, #tpu.memory_space<vmem>>
        %dma_start3A_102 = tpu.memref_squeeze %dma_start3A_101 : memref<1x128xi32, #tpu.memory_space<vmem>> -> memref<128xi32, #tpu.memory_space<vmem>>
        %dma_start3A_103 = arith.constant 0 : i32
        %dma_start3A_104 = arith.constant 0 : i32
        %dma_start3A_105 = tpu.memref_slice %arg2[%dma_start3A_103, %dma_start3A_104] : memref<20736x64xf32, #tpu.memory_space<hbm>> -> memref<20736x64xf32, #tpu.memory_space<hbm>>
        tpu.enqueue_indirect_dma source(%dma_start3A_105 : memref<20736x64xf32, #tpu.memory_space<hbm>>) target(%arg9 : memref<128x64xf32, #tpu.memory_space<vmem>>) offsets(%dma_start3A_102 : memref<128xi32, #tpu.memory_space<vmem>>) semaphore(%arg13 : memref<!tpu.dma_semaphore, #tpu.memory_space<semaphore_mem>>)
      } else {
      }
    }
    %scan3A_66 = arith.constant 32 : i32
    %barrier3A_67 = arith.constant 0 : index
    tpu.barrier barrier_id(%barrier3A_67)
    %mul3A_68 = arith.constant 1296 : i32
    %mul3A_69 = arith.muli %arg1, %mul3A_68 : i32
    %mul3A_70 = arith.constant 1296 : i32
    %mul3A_71 = arith.muli %arg1, %mul3A_70 : i32
    "tpu.region"() ({
      %run_scoped3A = tpu.sem_alloc : memref<!tpu.dma_semaphore, #tpu.memory_space<semaphore_mem>>
      %dma_start3A_72 = arith.constant 0 : i32
      %dma_start3A_73 = tpu.memref_slice %arg5[%arg0, %mul3A_71, %dma_start3A_72] : memref<2x20736x64xf32, #tpu.memory_space<hbm>> -> memref<1x1296x64xf32, #tpu.memory_space<hbm>>
      %dma_start3A_74 = tpu.memref_squeeze %dma_start3A_73 : memref<1x1296x64xf32, #tpu.memory_space<hbm>> -> memref<1296x64xf32, #tpu.memory_space<hbm>>
      %dma_start3A_75 = arith.constant 0 : i32
      %dma_start3A_76 = tpu.memref_slice %arg11[%mul3A_69, %dma_start3A_75] : memref<20744x64xf32, #tpu.memory_space<vmem_shared>> -> memref<1296x64xf32, #tpu.memory_space<vmem_shared>>
      tpu.enqueue_dma source(%dma_start3A_76 : memref<1296x64xf32, #tpu.memory_space<vmem_shared>>) target(%dma_start3A_74 : memref<1296x64xf32, #tpu.memory_space<hbm>>) target_semaphore(%run_scoped3A : memref<!tpu.dma_semaphore, #tpu.memory_space<semaphore_mem>>)
      %dma_wait3A = arith.constant 0 : i32
      %dma_wait3A_77 = tpu.memref_slice %arg5[%arg0, %mul3A_71, %dma_wait3A] : memref<2x20736x64xf32, #tpu.memory_space<hbm>> -> memref<1x1296x64xf32, #tpu.memory_space<hbm>>
      %dma_wait3A_78 = tpu.memref_squeeze %dma_wait3A_77 : memref<1x1296x64xf32, #tpu.memory_space<hbm>> -> memref<1296x64xf32, #tpu.memory_space<hbm>>
      %dma_wait3A_79 = arith.constant 0 : i32
      %dma_wait3A_80 = tpu.memref_slice %arg11[%mul3A_69, %dma_wait3A_79] : memref<20744x64xf32, #tpu.memory_space<vmem_shared>> -> memref<1296x64xf32, #tpu.memory_space<vmem_shared>>
      tpu.wait_dma2 semaphore(%run_scoped3A : memref<!tpu.dma_semaphore, #tpu.memory_space<semaphore_mem>>) src(%dma_wait3A_80 : memref<1296x64xf32, #tpu.memory_space<vmem_shared>>) dst(%dma_wait3A_78 : memref<1296x64xf32, #tpu.memory_space<hbm>>)
      tpu.yield
    }) : () -> ()
    return
  }
}

#map = affine_map<(d0, d1) -> (0, 0)>
#map1 = affine_map<(d0, d1) -> (0, 0, 0)>
module attributes {stable_mosaic.version = 14 : i64} {
  func.func @seg_kernel(%arg0: i32, %arg1: i32, %arg2: memref<20736x64xf32, #tpu.memory_space<hbm>>, %arg3: memref<3280x128xi32, #tpu.memory_space<hbm>>, %arg4: memref<3280x128xi32, #tpu.memory_space<hbm>>, %arg5: memref<2x20736x64xf32, #tpu.memory_space<hbm>>, %arg6: memref<64x128xi32, #tpu.memory_space<vmem>>, %arg7: memref<64x128xi32, #tpu.memory_space<vmem>>, %arg8: memref<128x64xf32, #tpu.memory_space<vmem>>, %arg9: memref<128x64xf32, #tpu.memory_space<vmem>>, %arg10: memref<54x64xf32, #tpu.memory_space<vmem>>, %arg11: memref<20744x64xf32, #tpu.memory_space<vmem_shared>>, %arg12: memref<!tpu.dma_semaphore, #tpu.memory_space<semaphore_mem>>, %arg13: memref<!tpu.dma_semaphore, #tpu.memory_space<semaphore_mem>>) attributes {dimension_semantics = [#tpu.dimension_semantics<core_parallel>, #tpu.dimension_semantics<subcore_parallel>], iteration_bounds = array<i64: 2, 16>, scalar_prefetch = 0 : i64, scratch_operands = 8 : i64, tpu.core_type = #tpu.core_type<sc_vector_subcore>, window_params = [{transform_indices = #map}, {transform_indices = #map}, {transform_indices = #map}, {transform_indices = #map1}]} {
    %eq3A = arith.constant 0 : i32
    %eq3A_0 = arith.cmpi eq, %arg0, %eq3A : i32
    %jit3A = arith.constant 97 : i32
    %jit3A_1 = arith.constant 106 : i32
    %select_n3A = arith.select %eq3A_0, %jit3A, %jit3A_1 : i32
    %eq3A_2 = arith.constant 0 : i32
    %eq3A_3 = arith.cmpi eq, %arg0, %eq3A_2 : i32
    %mul3A = arith.constant 97 : i32
    %mul3A_4 = arith.muli %arg1, %mul3A : i32
    %mul3A_5 = arith.constant 106 : i32
    %mul3A_6 = arith.muli %arg1, %mul3A_5 : i32
    %add3A = arith.constant 1552 : i32
    %add3A_7 = arith.addi %add3A, %mul3A_6 : i32
    %select_n3A_8 = arith.select %eq3A_3, %mul3A_4, %add3A_7 : i32
    %scan3A = arith.constant 0 : i32
    %scan3A_9 = arith.constant 54 : i32
    %scan3A_10 = arith.addi %scan3A, %scan3A_9 : i32
    %scan3A_11 = arith.constant 1 : i32
    scf.for %scan3A_72 = %scan3A to %scan3A_10 step %scan3A_11  : i32 {
      %mul3A_73 = arith.constant 1 : i32
      %mul3A_74 = arith.muli %scan3A_72, %mul3A_73 : i32
      %add3A_75 = arith.constant 0 : i32
      %add3A_76 = arith.addi %add3A_75, %mul3A_74 : i32
      %scan3A_77 = arith.constant 0 : i32
      %scan3A_78 = arith.constant 4 : i32
      %scan3A_79 = arith.addi %scan3A_77, %scan3A_78 : i32
      %scan3A_80 = arith.constant 1 : i32
      scf.for %scan3A_82 = %scan3A_77 to %scan3A_79 step %scan3A_80  : i32 {
        %mul3A_83 = arith.constant 16 : i32
        %mul3A_84 = arith.muli %scan3A_82, %mul3A_83 : i32
        %add3A_85 = arith.constant 0 : i32
        %add3A_86 = arith.addi %add3A_85, %mul3A_84 : i32
        %broadcast_in_dim3A = arith.constant 0.000000e+00 : f32
        %broadcast_in_dim3A_87 = vector.broadcast %broadcast_in_dim3A : f32 to vector<16xf32>
        %swap3A = arith.index_cast %add3A_76 : i32 to index
        %swap3A_88 = arith.index_cast %add3A_86 : i32 to index
        %swap3A_89 = tpu.vector_load %arg10[%swap3A, %swap3A_88] {strides = array<i32>} : memref<54x64xf32, #tpu.memory_space<vmem>>, vector<1x16xf32>,
        %swap3A_90 = vector.shape_cast %swap3A_89 : vector<1x16xf32> to vector<16xf32>
        %swap3A_91 = vector.shape_cast %broadcast_in_dim3A_87 : vector<16xf32> to vector<1x16xf32>
        tpu.vector_store %arg10[%swap3A, %swap3A_88], %swap3A_91 {strides = array<i32>} : memref<54x64xf32, #tpu.memory_space<vmem>>, vector<1x16xf32>,
      }
      %scan3A_81 = arith.constant 4 : i32
    }
    %scan3A_12 = arith.constant 54 : i32
    %scan3A_13 = arith.constant 0 : i32
    %scan3A_14 = arith.constant 24 : i32
    %scan3A_15 = arith.addi %scan3A_13, %scan3A_14 : i32
    %scan3A_16 = arith.constant 1 : i32
    scf.for %scan3A_72 = %scan3A_13 to %scan3A_15 step %scan3A_16  : i32 {
      %mul3A_73 = arith.constant 54 : i32
      %mul3A_74 = arith.muli %scan3A_72, %mul3A_73 : i32
      %add3A_75 = arith.constant 0 : i32
      %add3A_76 = arith.addi %add3A_75, %mul3A_74 : i32
      %mul3A_77 = arith.constant 1296 : i32
      %mul3A_78 = arith.muli %arg1, %mul3A_77 : i32
      %add3A_79 = arith.addi %mul3A_78, %add3A_76 : i32
      "tpu.region"() ({
        %run_scoped3A = tpu.sem_alloc : memref<!tpu.dma_semaphore, #tpu.memory_space<semaphore_mem>>
        %dma_start3A_80 = arith.constant 0 : i32
        %dma_start3A_81 = tpu.memref_slice %arg11[%add3A_79, %dma_start3A_80] : memref<20744x64xf32, #tpu.memory_space<vmem_shared>> -> memref<54x64xf32, #tpu.memory_space<vmem_shared>>
        %dma_start3A_82 = arith.constant 0 : i32
        %dma_start3A_83 = tpu.memref_slice %arg11[%add3A_79, %dma_start3A_82] : memref<20744x64xf32, #tpu.memory_space<vmem_shared>> -> memref<54x64xf32, #tpu.memory_space<vmem_shared>>
        tpu.enqueue_dma source(%arg10 : memref<54x64xf32, #tpu.memory_space<vmem>>) target(%dma_start3A_83 : memref<54x64xf32, #tpu.memory_space<vmem_shared>>) target_semaphore(%run_scoped3A : memref<!tpu.dma_semaphore, #tpu.memory_space<semaphore_mem>>)
        %dma_wait3A = arith.constant 0 : i32
        %dma_wait3A_84 = tpu.memref_slice %arg11[%add3A_79, %dma_wait3A] : memref<20744x64xf32, #tpu.memory_space<vmem_shared>> -> memref<54x64xf32, #tpu.memory_space<vmem_shared>>
        %dma_wait3A_85 = arith.constant 0 : i32
        %dma_wait3A_86 = tpu.memref_slice %arg11[%add3A_79, %dma_wait3A_85] : memref<20744x64xf32, #tpu.memory_space<vmem_shared>> -> memref<54x64xf32, #tpu.memory_space<vmem_shared>>
        tpu.wait_dma2 semaphore(%run_scoped3A : memref<!tpu.dma_semaphore, #tpu.memory_space<semaphore_mem>>) src(%arg10 : memref<54x64xf32, #tpu.memory_space<vmem>>) dst(%dma_wait3A_86 : memref<54x64xf32, #tpu.memory_space<vmem_shared>>)
        tpu.yield
      }) : () -> ()
    }
    %scan3A_17 = arith.constant 24 : i32
    %eq3A_18 = arith.constant 0 : i32
    %eq3A_19 = arith.cmpi eq, %arg1, %eq3A_18 : i32
    %convert_element_type3A = arith.extui %eq3A_19 : i1 to i32
    %cond3A = arith.constant 0 : i32
    %cond3A_20 = arith.cmpi ne, %convert_element_type3A, %cond3A : i32
    scf.if %cond3A_20 {
      "tpu.region"() ({
        %run_scoped3A = tpu.sem_alloc : memref<!tpu.dma_semaphore, #tpu.memory_space<semaphore_mem>>
        %dma_start3A_72 = arith.constant 0 : i32
        %dma_start3A_73 = arith.constant 0 : i32
        %dma_start3A_74 = tpu.memref_slice %arg10[%dma_start3A_72, %dma_start3A_73] : memref<54x64xf32, #tpu.memory_space<vmem>> -> memref<8x64xf32, #tpu.memory_space<vmem>>
        %dma_start3A_75 = arith.constant 20736 : i32
        %dma_start3A_76 = arith.constant 0 : i32
        %dma_start3A_77 = tpu.memref_slice %arg11[%dma_start3A_75, %dma_start3A_76] : memref<20744x64xf32, #tpu.memory_space<vmem_shared>> -> memref<8x64xf32, #tpu.memory_space<vmem_shared>>
        %dma_start3A_78 = arith.constant 20736 : i32
        %dma_start3A_79 = arith.constant 0 : i32
        %dma_start3A_80 = tpu.memref_slice %arg11[%dma_start3A_78, %dma_start3A_79] : memref<20744x64xf32, #tpu.memory_space<vmem_shared>> -> memref<8x64xf32, #tpu.memory_space<vmem_shared>>
        %dma_start3A_81 = arith.constant 0 : i32
        %dma_start3A_82 = arith.constant 0 : i32
        %dma_start3A_83 = tpu.memref_slice %arg10[%dma_start3A_81, %dma_start3A_82] : memref<54x64xf32, #tpu.memory_space<vmem>> -> memref<8x64xf32, #tpu.memory_space<vmem>>
        tpu.enqueue_dma source(%dma_start3A_83 : memref<8x64xf32, #tpu.memory_space<vmem>>) target(%dma_start3A_80 : memref<8x64xf32, #tpu.memory_space<vmem_shared>>) target_semaphore(%run_scoped3A : memref<!tpu.dma_semaphore, #tpu.memory_space<semaphore_mem>>)
        %dma_wait3A = arith.constant 0 : i32
        %dma_wait3A_84 = arith.constant 0 : i32
        %dma_wait3A_85 = tpu.memref_slice %arg10[%dma_wait3A, %dma_wait3A_84] : memref<54x64xf32, #tpu.memory_space<vmem>> -> memref<8x64xf32, #tpu.memory_space<vmem>>
        %dma_wait3A_86 = arith.constant 20736 : i32
        %dma_wait3A_87 = arith.constant 0 : i32
        %dma_wait3A_88 = tpu.memref_slice %arg11[%dma_wait3A_86, %dma_wait3A_87] : memref<20744x64xf32, #tpu.memory_space<vmem_shared>> -> memref<8x64xf32, #tpu.memory_space<vmem_shared>>
        %dma_wait3A_89 = arith.constant 20736 : i32
        %dma_wait3A_90 = arith.constant 0 : i32
        %dma_wait3A_91 = tpu.memref_slice %arg11[%dma_wait3A_89, %dma_wait3A_90] : memref<20744x64xf32, #tpu.memory_space<vmem_shared>> -> memref<8x64xf32, #tpu.memory_space<vmem_shared>>
        %dma_wait3A_92 = arith.constant 0 : i32
        %dma_wait3A_93 = arith.constant 0 : i32
        %dma_wait3A_94 = tpu.memref_slice %arg10[%dma_wait3A_92, %dma_wait3A_93] : memref<54x64xf32, #tpu.memory_space<vmem>> -> memref<8x64xf32, #tpu.memory_space<vmem>>
        tpu.wait_dma2 semaphore(%run_scoped3A : memref<!tpu.dma_semaphore, #tpu.memory_space<semaphore_mem>>) src(%dma_wait3A_94 : memref<8x64xf32, #tpu.memory_space<vmem>>) dst(%dma_wait3A_91 : memref<8x64xf32, #tpu.memory_space<vmem_shared>>)
        tpu.yield
      }) : () -> ()
    } else {
    }
    %barrier3A = arith.constant 0 : index
    tpu.barrier barrier_id(%barrier3A)
    %sub3A = arith.constant 0 : i32
    %sub3A_21 = arith.subi %select_n3A, %sub3A : i32
    %min3A = arith.constant 64 : i32
    %min3A_22 = arith.minsi %sub3A_21, %min3A : i32
    %add3A_23 = arith.constant 0 : i32
    %add3A_24 = arith.addi %select_n3A_8, %add3A_23 : i32
    "tpu.region"() ({
      %run_scoped3A = tpu.sem_alloc : memref<!tpu.dma_semaphore, #tpu.memory_space<semaphore_mem>>
      %dma_start3A_72 = arith.constant 0 : i32
      %dma_start3A_73 = tpu.memref_slice %arg3[%add3A_24, %dma_start3A_72] : memref<3280x128xi32, #tpu.memory_space<hbm>> -> memref<64x128xi32, #tpu.memory_space<hbm>>
      %dma_start3A_74 = arith.constant 0 : i32
      %dma_start3A_75 = tpu.memref_slice %arg3[%add3A_24, %dma_start3A_74] : memref<3280x128xi32, #tpu.memory_space<hbm>> -> memref<64x128xi32, #tpu.memory_space<hbm>>
      tpu.enqueue_dma source(%dma_start3A_75 : memref<64x128xi32, #tpu.memory_space<hbm>>) target(%arg6 : memref<64x128xi32, #tpu.memory_space<vmem>>) target_semaphore(%run_scoped3A : memref<!tpu.dma_semaphore, #tpu.memory_space<semaphore_mem>>)
      %dma_wait3A = arith.constant 0 : i32
      %dma_wait3A_76 = tpu.memref_slice %arg3[%add3A_24, %dma_wait3A] : memref<3280x128xi32, #tpu.memory_space<hbm>> -> memref<64x128xi32, #tpu.memory_space<hbm>>
      %dma_wait3A_77 = arith.constant 0 : i32
      %dma_wait3A_78 = tpu.memref_slice %arg3[%add3A_24, %dma_wait3A_77] : memref<3280x128xi32, #tpu.memory_space<hbm>> -> memref<64x128xi32, #tpu.memory_space<hbm>>
      tpu.wait_dma2 semaphore(%run_scoped3A : memref<!tpu.dma_semaphore, #tpu.memory_space<semaphore_mem>>) src(%dma_wait3A_78 : memref<64x128xi32, #tpu.memory_space<hbm>>) dst(%arg6 : memref<64x128xi32, #tpu.memory_space<vmem>>)
      tpu.yield
    }) : () -> ()
    %add3A_25 = arith.constant 0 : i32
    %add3A_26 = arith.addi %select_n3A_8, %add3A_25 : i32
    "tpu.region"() ({
      %run_scoped3A = tpu.sem_alloc : memref<!tpu.dma_semaphore, #tpu.memory_space<semaphore_mem>>
      %dma_start3A_72 = arith.constant 0 : i32
      %dma_start3A_73 = tpu.memref_slice %arg4[%add3A_26, %dma_start3A_72] : memref<3280x128xi32, #tpu.memory_space<hbm>> -> memref<64x128xi32, #tpu.memory_space<hbm>>
      %dma_start3A_74 = arith.constant 0 : i32
      %dma_start3A_75 = tpu.memref_slice %arg4[%add3A_26, %dma_start3A_74] : memref<3280x128xi32, #tpu.memory_space<hbm>> -> memref<64x128xi32, #tpu.memory_space<hbm>>
      tpu.enqueue_dma source(%dma_start3A_75 : memref<64x128xi32, #tpu.memory_space<hbm>>) target(%arg7 : memref<64x128xi32, #tpu.memory_space<vmem>>) target_semaphore(%run_scoped3A : memref<!tpu.dma_semaphore, #tpu.memory_space<semaphore_mem>>)
      %dma_wait3A = arith.constant 0 : i32
      %dma_wait3A_76 = tpu.memref_slice %arg4[%add3A_26, %dma_wait3A] : memref<3280x128xi32, #tpu.memory_space<hbm>> -> memref<64x128xi32, #tpu.memory_space<hbm>>
      %dma_wait3A_77 = arith.constant 0 : i32
      %dma_wait3A_78 = tpu.memref_slice %arg4[%add3A_26, %dma_wait3A_77] : memref<3280x128xi32, #tpu.memory_space<hbm>> -> memref<64x128xi32, #tpu.memory_space<hbm>>
      tpu.wait_dma2 semaphore(%run_scoped3A : memref<!tpu.dma_semaphore, #tpu.memory_space<semaphore_mem>>) src(%dma_wait3A_78 : memref<64x128xi32, #tpu.memory_space<hbm>>) dst(%arg7 : memref<64x128xi32, #tpu.memory_space<vmem>>)
      tpu.yield
    }) : () -> ()
    %dma_start3A = arith.constant 0 : i32
    %dma_start3A_27 = arith.constant 0 : i32
    %dma_start3A_28 = tpu.memref_slice %arg6[%dma_start3A, %dma_start3A_27] : memref<64x128xi32, #tpu.memory_space<vmem>> -> memref<1x128xi32, #tpu.memory_space<vmem>>
    %dma_start3A_29 = tpu.memref_squeeze %dma_start3A_28 : memref<1x128xi32, #tpu.memory_space<vmem>> -> memref<128xi32, #tpu.memory_space<vmem>>
    %dma_start3A_30 = arith.constant 0 : i32
    %dma_start3A_31 = arith.constant 0 : i32
    %dma_start3A_32 = tpu.memref_slice %arg2[%dma_start3A_30, %dma_start3A_31] : memref<20736x64xf32, #tpu.memory_space<hbm>> -> memref<20736x64xf32, #tpu.memory_space<hbm>>
    tpu.enqueue_indirect_dma source(%dma_start3A_32 : memref<20736x64xf32, #tpu.memory_space<hbm>>) target(%arg8 : memref<128x64xf32, #tpu.memory_space<vmem>>) offsets(%dma_start3A_29 : memref<128xi32, #tpu.memory_space<vmem>>) semaphore(%arg12 : memref<!tpu.dma_semaphore, #tpu.memory_space<semaphore_mem>>)
    %gt3A = arith.constant 1 : i32
    %gt3A_33 = arith.cmpi sgt, %min3A_22, %gt3A : i32
    %convert_element_type3A_34 = arith.extui %gt3A_33 : i1 to i32
    %cond3A_35 = arith.constant 0 : i32
    %cond3A_36 = arith.cmpi ne, %convert_element_type3A_34, %cond3A_35 : i32
    scf.if %cond3A_36 {
      %dma_start3A_72 = arith.constant 1 : i32
      %dma_start3A_73 = arith.constant 0 : i32
      %dma_start3A_74 = tpu.memref_slice %arg6[%dma_start3A_72, %dma_start3A_73] : memref<64x128xi32, #tpu.memory_space<vmem>> -> memref<1x128xi32, #tpu.memory_space<vmem>>
      %dma_start3A_75 = tpu.memref_squeeze %dma_start3A_74 : memref<1x128xi32, #tpu.memory_space<vmem>> -> memref<128xi32, #tpu.memory_space<vmem>>
      %dma_start3A_76 = arith.constant 0 : i32
      %dma_start3A_77 = arith.constant 0 : i32
      %dma_start3A_78 = tpu.memref_slice %arg2[%dma_start3A_76, %dma_start3A_77] : memref<20736x64xf32, #tpu.memory_space<hbm>> -> memref<20736x64xf32, #tpu.memory_space<hbm>>
      tpu.enqueue_indirect_dma source(%dma_start3A_78 : memref<20736x64xf32, #tpu.memory_space<hbm>>) target(%arg9 : memref<128x64xf32, #tpu.memory_space<vmem>>) offsets(%dma_start3A_75 : memref<128xi32, #tpu.memory_space<vmem>>) semaphore(%arg13 : memref<!tpu.dma_semaphore, #tpu.memory_space<semaphore_mem>>)
    } else {
    }
    %scan3A_37 = arith.constant 0 : i32
    %scan3A_38 = arith.constant 32 : i32
    %scan3A_39 = arith.addi %scan3A_37, %scan3A_38 : i32
    %scan3A_40 = arith.constant 1 : i32
    scf.for %scan3A_72 = %scan3A_37 to %scan3A_39 step %scan3A_40  : i32 {
      %mul3A_73 = arith.constant 2 : i32
      %mul3A_74 = arith.muli %scan3A_72, %mul3A_73 : i32
      %add3A_75 = arith.constant 0 : i32
      %add3A_76 = arith.addi %add3A_75, %mul3A_74 : i32
      %lt3A = arith.cmpi slt, %add3A_76, %min3A_22 : i32
      %convert_element_type3A_77 = arith.extui %lt3A : i1 to i32
      %cond3A_78 = arith.constant 0 : i32
      %cond3A_79 = arith.cmpi ne, %convert_element_type3A_77, %cond3A_78 : i32
      scf.if %cond3A_79 {
        %dma_wait3A = arith.constant 0 : i32
        %dma_wait3A_98 = arith.constant 0 : i32
        %dma_wait3A_99 = tpu.memref_slice %arg6[%dma_wait3A, %dma_wait3A_98] : memref<64x128xi32, #tpu.memory_space<vmem>> -> memref<1x128xi32, #tpu.memory_space<vmem>>
        %dma_wait3A_100 = tpu.memref_squeeze %dma_wait3A_99 : memref<1x128xi32, #tpu.memory_space<vmem>> -> memref<128xi32, #tpu.memory_space<vmem>>
        %dma_wait3A_101 = arith.constant 0 : i32
        %dma_wait3A_102 = arith.constant 0 : i32
        %dma_wait3A_103 = tpu.memref_slice %arg2[%dma_wait3A_101, %dma_wait3A_102] : memref<20736x64xf32, #tpu.memory_space<hbm>> -> memref<20736x64xf32, #tpu.memory_space<hbm>>
        tpu.wait_indirect_dma semaphore(%arg12 : memref<!tpu.dma_semaphore, #tpu.memory_space<semaphore_mem>>) src(%dma_wait3A_103 : memref<20736x64xf32, #tpu.memory_space<hbm>>) dst(%arg8 : memref<128x64xf32, #tpu.memory_space<vmem>>)
        "tpu.region"() ({
          %run_scoped3A = tpu.sem_alloc : memref<!tpu.dma_semaphore, #tpu.memory_space<semaphore_mem>>
          %dma_start3A_104 = arith.constant 0 : i32
          %dma_start3A_105 = tpu.memref_slice %arg7[%add3A_76, %dma_start3A_104] : memref<64x128xi32, #tpu.memory_space<vmem>> -> memref<1x128xi32, #tpu.memory_space<vmem>>
          %dma_start3A_106 = tpu.memref_squeeze %dma_start3A_105 : memref<1x128xi32, #tpu.memory_space<vmem>> -> memref<128xi32, #tpu.memory_space<vmem>>
          %dma_start3A_107 = arith.constant 0 : i32
          %dma_start3A_108 = arith.constant 0 : i32
          %dma_start3A_109 = tpu.memref_slice %arg11[%dma_start3A_107, %dma_start3A_108] : memref<20744x64xf32, #tpu.memory_space<vmem_shared>> -> memref<20744x64xf32, #tpu.memory_space<vmem_shared>>
          tpu.enqueue_indirect_dma source(%arg8 : memref<128x64xf32, #tpu.memory_space<vmem>>) target(%dma_start3A_109 : memref<20744x64xf32, #tpu.memory_space<vmem_shared>>) offsets(%dma_start3A_106 : memref<128xi32, #tpu.memory_space<vmem>>) semaphore(%run_scoped3A : memref<!tpu.dma_semaphore, #tpu.memory_space<semaphore_mem>>) {add = true}
          %dma_wait3A_110 = arith.constant 0 : i32
          %dma_wait3A_111 = tpu.memref_slice %arg7[%add3A_76, %dma_wait3A_110] : memref<64x128xi32, #tpu.memory_space<vmem>> -> memref<1x128xi32, #tpu.memory_space<vmem>>
          %dma_wait3A_112 = tpu.memref_squeeze %dma_wait3A_111 : memref<1x128xi32, #tpu.memory_space<vmem>> -> memref<128xi32, #tpu.memory_space<vmem>>
          %dma_wait3A_113 = arith.constant 0 : i32
          %dma_wait3A_114 = arith.constant 0 : i32
          %dma_wait3A_115 = tpu.memref_slice %arg11[%dma_wait3A_113, %dma_wait3A_114] : memref<20744x64xf32, #tpu.memory_space<vmem_shared>> -> memref<20744x64xf32, #tpu.memory_space<vmem_shared>>
          tpu.wait_indirect_dma semaphore(%run_scoped3A : memref<!tpu.dma_semaphore, #tpu.memory_space<semaphore_mem>>) src(%arg8 : memref<128x64xf32, #tpu.memory_space<vmem>>) dst(%dma_wait3A_115 : memref<20744x64xf32, #tpu.memory_space<vmem_shared>>)
          tpu.yield
        }) : () -> ()
      } else {
      }
      %add3A_80 = arith.constant 2 : i32
      %add3A_81 = arith.addi %add3A_76, %add3A_80 : i32
      %lt3A_82 = arith.cmpi slt, %add3A_81, %min3A_22 : i32
      %convert_element_type3A_83 = arith.extui %lt3A_82 : i1 to i32
      %cond3A_84 = arith.constant 0 : i32
      %cond3A_85 = arith.cmpi ne, %convert_element_type3A_83, %cond3A_84 : i32
      scf.if %cond3A_85 {
        %add3A_98 = arith.constant 2 : i32
        %add3A_99 = arith.addi %add3A_76, %add3A_98 : i32
        %dma_start3A_100 = arith.constant 0 : i32
        %dma_start3A_101 = tpu.memref_slice %arg6[%add3A_99, %dma_start3A_100] : memref<64x128xi32, #tpu.memory_space<vmem>> -> memref<1x128xi32, #tpu.memory_space<vmem>>
        %dma_start3A_102 = tpu.memref_squeeze %dma_start3A_101 : memref<1x128xi32, #tpu.memory_space<vmem>> -> memref<128xi32, #tpu.memory_space<vmem>>
        %dma_start3A_103 = arith.constant 0 : i32
        %dma_start3A_104 = arith.constant 0 : i32
        %dma_start3A_105 = tpu.memref_slice %arg2[%dma_start3A_103, %dma_start3A_104] : memref<20736x64xf32, #tpu.memory_space<hbm>> -> memref<20736x64xf32, #tpu.memory_space<hbm>>
        tpu.enqueue_indirect_dma source(%dma_start3A_105 : memref<20736x64xf32, #tpu.memory_space<hbm>>) target(%arg8 : memref<128x64xf32, #tpu.memory_space<vmem>>) offsets(%dma_start3A_102 : memref<128xi32, #tpu.memory_space<vmem>>) semaphore(%arg12 : memref<!tpu.dma_semaphore, #tpu.memory_space<semaphore_mem>>)
      } else {
      }
      %add3A_86 = arith.constant 1 : i32
      %add3A_87 = arith.addi %add3A_76, %add3A_86 : i32
      %lt3A_88 = arith.cmpi slt, %add3A_87, %min3A_22 : i32
      %convert_element_type3A_89 = arith.extui %lt3A_88 : i1 to i32
      %cond3A_90 = arith.constant 0 : i32
      %cond3A_91 = arith.cmpi ne, %convert_element_type3A_89, %cond3A_90 : i32
      scf.if %cond3A_91 {
        %dma_wait3A = arith.constant 0 : i32
        %dma_wait3A_98 = arith.constant 0 : i32
        %dma_wait3A_99 = tpu.memref_slice %arg6[%dma_wait3A, %dma_wait3A_98] : memref<64x128xi32, #tpu.memory_space<vmem>> -> memref<1x128xi32, #tpu.memory_space<vmem>>
        %dma_wait3A_100 = tpu.memref_squeeze %dma_wait3A_99 : memref<1x128xi32, #tpu.memory_space<vmem>> -> memref<128xi32, #tpu.memory_space<vmem>>
        %dma_wait3A_101 = arith.constant 0 : i32
        %dma_wait3A_102 = arith.constant 0 : i32
        %dma_wait3A_103 = tpu.memref_slice %arg2[%dma_wait3A_101, %dma_wait3A_102] : memref<20736x64xf32, #tpu.memory_space<hbm>> -> memref<20736x64xf32, #tpu.memory_space<hbm>>
        tpu.wait_indirect_dma semaphore(%arg13 : memref<!tpu.dma_semaphore, #tpu.memory_space<semaphore_mem>>) src(%dma_wait3A_103 : memref<20736x64xf32, #tpu.memory_space<hbm>>) dst(%arg9 : memref<128x64xf32, #tpu.memory_space<vmem>>)
        %add3A_104 = arith.constant 1 : i32
        %add3A_105 = arith.addi %add3A_76, %add3A_104 : i32
        "tpu.region"() ({
          %run_scoped3A = tpu.sem_alloc : memref<!tpu.dma_semaphore, #tpu.memory_space<semaphore_mem>>
          %dma_start3A_106 = arith.constant 0 : i32
          %dma_start3A_107 = tpu.memref_slice %arg7[%add3A_105, %dma_start3A_106] : memref<64x128xi32, #tpu.memory_space<vmem>> -> memref<1x128xi32, #tpu.memory_space<vmem>>
          %dma_start3A_108 = tpu.memref_squeeze %dma_start3A_107 : memref<1x128xi32, #tpu.memory_space<vmem>> -> memref<128xi32, #tpu.memory_space<vmem>>
          %dma_start3A_109 = arith.constant 0 : i32
          %dma_start3A_110 = arith.constant 0 : i32
          %dma_start3A_111 = tpu.memref_slice %arg11[%dma_start3A_109, %dma_start3A_110] : memref<20744x64xf32, #tpu.memory_space<vmem_shared>> -> memref<20744x64xf32, #tpu.memory_space<vmem_shared>>
          tpu.enqueue_indirect_dma source(%arg9 : memref<128x64xf32, #tpu.memory_space<vmem>>) target(%dma_start3A_111 : memref<20744x64xf32, #tpu.memory_space<vmem_shared>>) offsets(%dma_start3A_108 : memref<128xi32, #tpu.memory_space<vmem>>) semaphore(%run_scoped3A : memref<!tpu.dma_semaphore, #tpu.memory_space<semaphore_mem>>) {add = true}
          %dma_wait3A_112 = arith.constant 0 : i32
          %dma_wait3A_113 = tpu.memref_slice %arg7[%add3A_105, %dma_wait3A_112] : memref<64x128xi32, #tpu.memory_space<vmem>> -> memref<1x128xi32, #tpu.memory_space<vmem>>
          %dma_wait3A_114 = tpu.memref_squeeze %dma_wait3A_113 : memref<1x128xi32, #tpu.memory_space<vmem>> -> memref<128xi32, #tpu.memory_space<vmem>>
          %dma_wait3A_115 = arith.constant 0 : i32
          %dma_wait3A_116 = arith.constant 0 : i32
          %dma_wait3A_117 = tpu.memref_slice %arg11[%dma_wait3A_115, %dma_wait3A_116] : memref<20744x64xf32, #tpu.memory_space<vmem_shared>> -> memref<20744x64xf32, #tpu.memory_space<vmem_shared>>
          tpu.wait_indirect_dma semaphore(%run_scoped3A : memref<!tpu.dma_semaphore, #tpu.memory_space<semaphore_mem>>) src(%arg9 : memref<128x64xf32, #tpu.memory_space<vmem>>) dst(%dma_wait3A_117 : memref<20744x64xf32, #tpu.memory_space<vmem_shared>>)
          tpu.yield
        }) : () -> ()
      } else {
      }
      %add3A_92 = arith.constant 3 : i32
      %add3A_93 = arith.addi %add3A_76, %add3A_92 : i32
      %lt3A_94 = arith.cmpi slt, %add3A_93, %min3A_22 : i32
      %convert_element_type3A_95 = arith.extui %lt3A_94 : i1 to i32
      %cond3A_96 = arith.constant 0 : i32
      %cond3A_97 = arith.cmpi ne, %convert_element_type3A_95, %cond3A_96 : i32
      scf.if %cond3A_97 {
        %add3A_98 = arith.constant 3 : i32
        %add3A_99 = arith.addi %add3A_76, %add3A_98 : i32
        %dma_start3A_100 = arith.constant 0 : i32
        %dma_start3A_101 = tpu.memref_slice %arg6[%add3A_99, %dma_start3A_100] : memref<64x128xi32, #tpu.memory_space<vmem>> -> memref<1x128xi32, #tpu.memory_space<vmem>>
        %dma_start3A_102 = tpu.memref_squeeze %dma_start3A_101 : memref<1x128xi32, #tpu.memory_space<vmem>> -> memref<128xi32, #tpu.memory_space<vmem>>
        %dma_start3A_103 = arith.constant 0 : i32
        %dma_start3A_104 = arith.constant 0 : i32
        %dma_start3A_105 = tpu.memref_slice %arg2[%dma_start3A_103, %dma_start3A_104] : memref<20736x64xf32, #tpu.memory_space<hbm>> -> memref<20736x64xf32, #tpu.memory_space<hbm>>
        tpu.enqueue_indirect_dma source(%dma_start3A_105 : memref<20736x64xf32, #tpu.memory_space<hbm>>) target(%arg9 : memref<128x64xf32, #tpu.memory_space<vmem>>) offsets(%dma_start3A_102 : memref<128xi32, #tpu.memory_space<vmem>>) semaphore(%arg13 : memref<!tpu.dma_semaphore, #tpu.memory_space<semaphore_mem>>)
      } else {
      }
    }
    %scan3A_41 = arith.constant 32 : i32
    %sub3A_42 = arith.constant 64 : i32
    %sub3A_43 = arith.subi %select_n3A, %sub3A_42 : i32
    %min3A_44 = arith.constant 64 : i32
    %min3A_45 = arith.minsi %sub3A_43, %min3A_44 : i32
    %add3A_46 = arith.constant 64 : i32
    %add3A_47 = arith.addi %select_n3A_8, %add3A_46 : i32
    "tpu.region"() ({
      %run_scoped3A = tpu.sem_alloc : memref<!tpu.dma_semaphore, #tpu.memory_space<semaphore_mem>>
      %dma_start3A_72 = arith.constant 0 : i32
      %dma_start3A_73 = tpu.memref_slice %arg3[%add3A_47, %dma_start3A_72] : memref<3280x128xi32, #tpu.memory_space<hbm>> -> memref<64x128xi32, #tpu.memory_space<hbm>>
      %dma_start3A_74 = arith.constant 0 : i32
      %dma_start3A_75 = tpu.memref_slice %arg3[%add3A_47, %dma_start3A_74] : memref<3280x128xi32, #tpu.memory_space<hbm>> -> memref<64x128xi32, #tpu.memory_space<hbm>>
      tpu.enqueue_dma source(%dma_start3A_75 : memref<64x128xi32, #tpu.memory_space<hbm>>) target(%arg6 : memref<64x128xi32, #tpu.memory_space<vmem>>) target_semaphore(%run_scoped3A : memref<!tpu.dma_semaphore, #tpu.memory_space<semaphore_mem>>)
      %dma_wait3A = arith.constant 0 : i32
      %dma_wait3A_76 = tpu.memref_slice %arg3[%add3A_47, %dma_wait3A] : memref<3280x128xi32, #tpu.memory_space<hbm>> -> memref<64x128xi32, #tpu.memory_space<hbm>>
      %dma_wait3A_77 = arith.constant 0 : i32
      %dma_wait3A_78 = tpu.memref_slice %arg3[%add3A_47, %dma_wait3A_77] : memref<3280x128xi32, #tpu.memory_space<hbm>> -> memref<64x128xi32, #tpu.memory_space<hbm>>
      tpu.wait_dma2 semaphore(%run_scoped3A : memref<!tpu.dma_semaphore, #tpu.memory_space<semaphore_mem>>) src(%dma_wait3A_78 : memref<64x128xi32, #tpu.memory_space<hbm>>) dst(%arg6 : memref<64x128xi32, #tpu.memory_space<vmem>>)
      tpu.yield
    }) : () -> ()
    %add3A_48 = arith.constant 64 : i32
    %add3A_49 = arith.addi %select_n3A_8, %add3A_48 : i32
    "tpu.region"() ({
      %run_scoped3A = tpu.sem_alloc : memref<!tpu.dma_semaphore, #tpu.memory_space<semaphore_mem>>
      %dma_start3A_72 = arith.constant 0 : i32
      %dma_start3A_73 = tpu.memref_slice %arg4[%add3A_49, %dma_start3A_72] : memref<3280x128xi32, #tpu.memory_space<hbm>> -> memref<64x128xi32, #tpu.memory_space<hbm>>
      %dma_start3A_74 = arith.constant 0 : i32
      %dma_start3A_75 = tpu.memref_slice %arg4[%add3A_49, %dma_start3A_74] : memref<3280x128xi32, #tpu.memory_space<hbm>> -> memref<64x128xi32, #tpu.memory_space<hbm>>
      tpu.enqueue_dma source(%dma_start3A_75 : memref<64x128xi32, #tpu.memory_space<hbm>>) target(%arg7 : memref<64x128xi32, #tpu.memory_space<vmem>>) target_semaphore(%run_scoped3A : memref<!tpu.dma_semaphore, #tpu.memory_space<semaphore_mem>>)
      %dma_wait3A = arith.constant 0 : i32
      %dma_wait3A_76 = tpu.memref_slice %arg4[%add3A_49, %dma_wait3A] : memref<3280x128xi32, #tpu.memory_space<hbm>> -> memref<64x128xi32, #tpu.memory_space<hbm>>
      %dma_wait3A_77 = arith.constant 0 : i32
      %dma_wait3A_78 = tpu.memref_slice %arg4[%add3A_49, %dma_wait3A_77] : memref<3280x128xi32, #tpu.memory_space<hbm>> -> memref<64x128xi32, #tpu.memory_space<hbm>>
      tpu.wait_dma2 semaphore(%run_scoped3A : memref<!tpu.dma_semaphore, #tpu.memory_space<semaphore_mem>>) src(%dma_wait3A_78 : memref<64x128xi32, #tpu.memory_space<hbm>>) dst(%arg7 : memref<64x128xi32, #tpu.memory_space<vmem>>)
      tpu.yield
    }) : () -> ()
    %dma_start3A_50 = arith.constant 0 : i32
    %dma_start3A_51 = arith.constant 0 : i32
    %dma_start3A_52 = tpu.memref_slice %arg6[%dma_start3A_50, %dma_start3A_51] : memref<64x128xi32, #tpu.memory_space<vmem>> -> memref<1x128xi32, #tpu.memory_space<vmem>>
    %dma_start3A_53 = tpu.memref_squeeze %dma_start3A_52 : memref<1x128xi32, #tpu.memory_space<vmem>> -> memref<128xi32, #tpu.memory_space<vmem>>
    %dma_start3A_54 = arith.constant 0 : i32
    %dma_start3A_55 = arith.constant 0 : i32
    %dma_start3A_56 = tpu.memref_slice %arg2[%dma_start3A_54, %dma_start3A_55] : memref<20736x64xf32, #tpu.memory_space<hbm>> -> memref<20736x64xf32, #tpu.memory_space<hbm>>
    tpu.enqueue_indirect_dma source(%dma_start3A_56 : memref<20736x64xf32, #tpu.memory_space<hbm>>) target(%arg8 : memref<128x64xf32, #tpu.memory_space<vmem>>) offsets(%dma_start3A_53 : memref<128xi32, #tpu.memory_space<vmem>>) semaphore(%arg12 : memref<!tpu.dma_semaphore, #tpu.memory_space<semaphore_mem>>)
    %gt3A_57 = arith.constant 1 : i32
    %gt3A_58 = arith.cmpi sgt, %min3A_45, %gt3A_57 : i32
    %convert_element_type3A_59 = arith.extui %gt3A_58 : i1 to i32
    %cond3A_60 = arith.constant 0 : i32
    %cond3A_61 = arith.cmpi ne, %convert_element_type3A_59, %cond3A_60 : i32
    scf.if %cond3A_61 {
      %dma_start3A_72 = arith.constant 1 : i32
      %dma_start3A_73 = arith.constant 0 : i32
      %dma_start3A_74 = tpu.memref_slice %arg6[%dma_start3A_72, %dma_start3A_73] : memref<64x128xi32, #tpu.memory_space<vmem>> -> memref<1x128xi32, #tpu.memory_space<vmem>>
      %dma_start3A_75 = tpu.memref_squeeze %dma_start3A_74 : memref<1x128xi32, #tpu.memory_space<vmem>> -> memref<128xi32, #tpu.memory_space<vmem>>
      %dma_start3A_76 = arith.constant 0 : i32
      %dma_start3A_77 = arith.constant 0 : i32
      %dma_start3A_78 = tpu.memref_slice %arg2[%dma_start3A_76, %dma_start3A_77] : memref<20736x64xf32, #tpu.memory_space<hbm>> -> memref<20736x64xf32, #tpu.memory_space<hbm>>
      tpu.enqueue_indirect_dma source(%dma_start3A_78 : memref<20736x64xf32, #tpu.memory_space<hbm>>) target(%arg9 : memref<128x64xf32, #tpu.memory_space<vmem>>) offsets(%dma_start3A_75 : memref<128xi32, #tpu.memory_space<vmem>>) semaphore(%arg13 : memref<!tpu.dma_semaphore, #tpu.memory_space<semaphore_mem>>)
    } else {
    }
    %scan3A_62 = arith.constant 0 : i32
    %scan3A_63 = arith.constant 32 : i32
    %scan3A_64 = arith.addi %scan3A_62, %scan3A_63 : i32
    %scan3A_65 = arith.constant 1 : i32
    scf.for %scan3A_72 = %scan3A_62 to %scan3A_64 step %scan3A_65  : i32 {
      %mul3A_73 = arith.constant 2 : i32
      %mul3A_74 = arith.muli %scan3A_72, %mul3A_73 : i32
      %add3A_75 = arith.constant 0 : i32
      %add3A_76 = arith.addi %add3A_75, %mul3A_74 : i32
      %lt3A = arith.cmpi slt, %add3A_76, %min3A_45 : i32
      %convert_element_type3A_77 = arith.extui %lt3A : i1 to i32
      %cond3A_78 = arith.constant 0 : i32
      %cond3A_79 = arith.cmpi ne, %convert_element_type3A_77, %cond3A_78 : i32
      scf.if %cond3A_79 {
        %dma_wait3A = arith.constant 0 : i32
        %dma_wait3A_98 = arith.constant 0 : i32
        %dma_wait3A_99 = tpu.memref_slice %arg6[%dma_wait3A, %dma_wait3A_98] : memref<64x128xi32, #tpu.memory_space<vmem>> -> memref<1x128xi32, #tpu.memory_space<vmem>>
        %dma_wait3A_100 = tpu.memref_squeeze %dma_wait3A_99 : memref<1x128xi32, #tpu.memory_space<vmem>> -> memref<128xi32, #tpu.memory_space<vmem>>
        %dma_wait3A_101 = arith.constant 0 : i32
        %dma_wait3A_102 = arith.constant 0 : i32
        %dma_wait3A_103 = tpu.memref_slice %arg2[%dma_wait3A_101, %dma_wait3A_102] : memref<20736x64xf32, #tpu.memory_space<hbm>> -> memref<20736x64xf32, #tpu.memory_space<hbm>>
        tpu.wait_indirect_dma semaphore(%arg12 : memref<!tpu.dma_semaphore, #tpu.memory_space<semaphore_mem>>) src(%dma_wait3A_103 : memref<20736x64xf32, #tpu.memory_space<hbm>>) dst(%arg8 : memref<128x64xf32, #tpu.memory_space<vmem>>)
        "tpu.region"() ({
          %run_scoped3A = tpu.sem_alloc : memref<!tpu.dma_semaphore, #tpu.memory_space<semaphore_mem>>
          %dma_start3A_104 = arith.constant 0 : i32
          %dma_start3A_105 = tpu.memref_slice %arg7[%add3A_76, %dma_start3A_104] : memref<64x128xi32, #tpu.memory_space<vmem>> -> memref<1x128xi32, #tpu.memory_space<vmem>>
          %dma_start3A_106 = tpu.memref_squeeze %dma_start3A_105 : memref<1x128xi32, #tpu.memory_space<vmem>> -> memref<128xi32, #tpu.memory_space<vmem>>
          %dma_start3A_107 = arith.constant 0 : i32
          %dma_start3A_108 = arith.constant 0 : i32
          %dma_start3A_109 = tpu.memref_slice %arg11[%dma_start3A_107, %dma_start3A_108] : memref<20744x64xf32, #tpu.memory_space<vmem_shared>> -> memref<20744x64xf32, #tpu.memory_space<vmem_shared>>
          tpu.enqueue_indirect_dma source(%arg8 : memref<128x64xf32, #tpu.memory_space<vmem>>) target(%dma_start3A_109 : memref<20744x64xf32, #tpu.memory_space<vmem_shared>>) offsets(%dma_start3A_106 : memref<128xi32, #tpu.memory_space<vmem>>) semaphore(%run_scoped3A : memref<!tpu.dma_semaphore, #tpu.memory_space<semaphore_mem>>) {add = true}
          %dma_wait3A_110 = arith.constant 0 : i32
          %dma_wait3A_111 = tpu.memref_slice %arg7[%add3A_76, %dma_wait3A_110] : memref<64x128xi32, #tpu.memory_space<vmem>> -> memref<1x128xi32, #tpu.memory_space<vmem>>
          %dma_wait3A_112 = tpu.memref_squeeze %dma_wait3A_111 : memref<1x128xi32, #tpu.memory_space<vmem>> -> memref<128xi32, #tpu.memory_space<vmem>>
          %dma_wait3A_113 = arith.constant 0 : i32
          %dma_wait3A_114 = arith.constant 0 : i32
          %dma_wait3A_115 = tpu.memref_slice %arg11[%dma_wait3A_113, %dma_wait3A_114] : memref<20744x64xf32, #tpu.memory_space<vmem_shared>> -> memref<20744x64xf32, #tpu.memory_space<vmem_shared>>
          tpu.wait_indirect_dma semaphore(%run_scoped3A : memref<!tpu.dma_semaphore, #tpu.memory_space<semaphore_mem>>) src(%arg8 : memref<128x64xf32, #tpu.memory_space<vmem>>) dst(%dma_wait3A_115 : memref<20744x64xf32, #tpu.memory_space<vmem_shared>>)
          tpu.yield
        }) : () -> ()
      } else {
      }
      %add3A_80 = arith.constant 2 : i32
      %add3A_81 = arith.addi %add3A_76, %add3A_80 : i32
      %lt3A_82 = arith.cmpi slt, %add3A_81, %min3A_45 : i32
      %convert_element_type3A_83 = arith.extui %lt3A_82 : i1 to i32
      %cond3A_84 = arith.constant 0 : i32
      %cond3A_85 = arith.cmpi ne, %convert_element_type3A_83, %cond3A_84 : i32
      scf.if %cond3A_85 {
        %add3A_98 = arith.constant 2 : i32
        %add3A_99 = arith.addi %add3A_76, %add3A_98 : i32
        %dma_start3A_100 = arith.constant 0 : i32
        %dma_start3A_101 = tpu.memref_slice %arg6[%add3A_99, %dma_start3A_100] : memref<64x128xi32, #tpu.memory_space<vmem>> -> memref<1x128xi32, #tpu.memory_space<vmem>>
        %dma_start3A_102 = tpu.memref_squeeze %dma_start3A_101 : memref<1x128xi32, #tpu.memory_space<vmem>> -> memref<128xi32, #tpu.memory_space<vmem>>
        %dma_start3A_103 = arith.constant 0 : i32
        %dma_start3A_104 = arith.constant 0 : i32
        %dma_start3A_105 = tpu.memref_slice %arg2[%dma_start3A_103, %dma_start3A_104] : memref<20736x64xf32, #tpu.memory_space<hbm>> -> memref<20736x64xf32, #tpu.memory_space<hbm>>
        tpu.enqueue_indirect_dma source(%dma_start3A_105 : memref<20736x64xf32, #tpu.memory_space<hbm>>) target(%arg8 : memref<128x64xf32, #tpu.memory_space<vmem>>) offsets(%dma_start3A_102 : memref<128xi32, #tpu.memory_space<vmem>>) semaphore(%arg12 : memref<!tpu.dma_semaphore, #tpu.memory_space<semaphore_mem>>)
      } else {
      }
      %add3A_86 = arith.constant 1 : i32
      %add3A_87 = arith.addi %add3A_76, %add3A_86 : i32
      %lt3A_88 = arith.cmpi slt, %add3A_87, %min3A_45 : i32
      %convert_element_type3A_89 = arith.extui %lt3A_88 : i1 to i32
      %cond3A_90 = arith.constant 0 : i32
      %cond3A_91 = arith.cmpi ne, %convert_element_type3A_89, %cond3A_90 : i32
      scf.if %cond3A_91 {
        %dma_wait3A = arith.constant 0 : i32
        %dma_wait3A_98 = arith.constant 0 : i32
        %dma_wait3A_99 = tpu.memref_slice %arg6[%dma_wait3A, %dma_wait3A_98] : memref<64x128xi32, #tpu.memory_space<vmem>> -> memref<1x128xi32, #tpu.memory_space<vmem>>
        %dma_wait3A_100 = tpu.memref_squeeze %dma_wait3A_99 : memref<1x128xi32, #tpu.memory_space<vmem>> -> memref<128xi32, #tpu.memory_space<vmem>>
        %dma_wait3A_101 = arith.constant 0 : i32
        %dma_wait3A_102 = arith.constant 0 : i32
        %dma_wait3A_103 = tpu.memref_slice %arg2[%dma_wait3A_101, %dma_wait3A_102] : memref<20736x64xf32, #tpu.memory_space<hbm>> -> memref<20736x64xf32, #tpu.memory_space<hbm>>
        tpu.wait_indirect_dma semaphore(%arg13 : memref<!tpu.dma_semaphore, #tpu.memory_space<semaphore_mem>>) src(%dma_wait3A_103 : memref<20736x64xf32, #tpu.memory_space<hbm>>) dst(%arg9 : memref<128x64xf32, #tpu.memory_space<vmem>>)
        %add3A_104 = arith.constant 1 : i32
        %add3A_105 = arith.addi %add3A_76, %add3A_104 : i32
        "tpu.region"() ({
          %run_scoped3A = tpu.sem_alloc : memref<!tpu.dma_semaphore, #tpu.memory_space<semaphore_mem>>
          %dma_start3A_106 = arith.constant 0 : i32
          %dma_start3A_107 = tpu.memref_slice %arg7[%add3A_105, %dma_start3A_106] : memref<64x128xi32, #tpu.memory_space<vmem>> -> memref<1x128xi32, #tpu.memory_space<vmem>>
          %dma_start3A_108 = tpu.memref_squeeze %dma_start3A_107 : memref<1x128xi32, #tpu.memory_space<vmem>> -> memref<128xi32, #tpu.memory_space<vmem>>
          %dma_start3A_109 = arith.constant 0 : i32
          %dma_start3A_110 = arith.constant 0 : i32
          %dma_start3A_111 = tpu.memref_slice %arg11[%dma_start3A_109, %dma_start3A_110] : memref<20744x64xf32, #tpu.memory_space<vmem_shared>> -> memref<20744x64xf32, #tpu.memory_space<vmem_shared>>
          tpu.enqueue_indirect_dma source(%arg9 : memref<128x64xf32, #tpu.memory_space<vmem>>) target(%dma_start3A_111 : memref<20744x64xf32, #tpu.memory_space<vmem_shared>>) offsets(%dma_start3A_108 : memref<128xi32, #tpu.memory_space<vmem>>) semaphore(%run_scoped3A : memref<!tpu.dma_semaphore, #tpu.memory_space<semaphore_mem>>) {add = true}
          %dma_wait3A_112 = arith.constant 0 : i32
          %dma_wait3A_113 = tpu.memref_slice %arg7[%add3A_105, %dma_wait3A_112] : memref<64x128xi32, #tpu.memory_space<vmem>> -> memref<1x128xi32, #tpu.memory_space<vmem>>
          %dma_wait3A_114 = tpu.memref_squeeze %dma_wait3A_113 : memref<1x128xi32, #tpu.memory_space<vmem>> -> memref<128xi32, #tpu.memory_space<vmem>>
          %dma_wait3A_115 = arith.constant 0 : i32
          %dma_wait3A_116 = arith.constant 0 : i32
          %dma_wait3A_117 = tpu.memref_slice %arg11[%dma_wait3A_115, %dma_wait3A_116] : memref<20744x64xf32, #tpu.memory_space<vmem_shared>> -> memref<20744x64xf32, #tpu.memory_space<vmem_shared>>
          tpu.wait_indirect_dma semaphore(%run_scoped3A : memref<!tpu.dma_semaphore, #tpu.memory_space<semaphore_mem>>) src(%arg9 : memref<128x64xf32, #tpu.memory_space<vmem>>) dst(%dma_wait3A_117 : memref<20744x64xf32, #tpu.memory_space<vmem_shared>>)
          tpu.yield
        }) : () -> ()
      } else {
      }
      %add3A_92 = arith.constant 3 : i32
      %add3A_93 = arith.addi %add3A_76, %add3A_92 : i32
      %lt3A_94 = arith.cmpi slt, %add3A_93, %min3A_45 : i32
      %convert_element_type3A_95 = arith.extui %lt3A_94 : i1 to i32
      %cond3A_96 = arith.constant 0 : i32
      %cond3A_97 = arith.cmpi ne, %convert_element_type3A_95, %cond3A_96 : i32
      scf.if %cond3A_97 {
        %add3A_98 = arith.constant 3 : i32
        %add3A_99 = arith.addi %add3A_76, %add3A_98 : i32
        %dma_start3A_100 = arith.constant 0 : i32
        %dma_start3A_101 = tpu.memref_slice %arg6[%add3A_99, %dma_start3A_100] : memref<64x128xi32, #tpu.memory_space<vmem>> -> memref<1x128xi32, #tpu.memory_space<vmem>>
        %dma_start3A_102 = tpu.memref_squeeze %dma_start3A_101 : memref<1x128xi32, #tpu.memory_space<vmem>> -> memref<128xi32, #tpu.memory_space<vmem>>
        %dma_start3A_103 = arith.constant 0 : i32
        %dma_start3A_104 = arith.constant 0 : i32
        %dma_start3A_105 = tpu.memref_slice %arg2[%dma_start3A_103, %dma_start3A_104] : memref<20736x64xf32, #tpu.memory_space<hbm>> -> memref<20736x64xf32, #tpu.memory_space<hbm>>
        tpu.enqueue_indirect_dma source(%dma_start3A_105 : memref<20736x64xf32, #tpu.memory_space<hbm>>) target(%arg9 : memref<128x64xf32, #tpu.memory_space<vmem>>) offsets(%dma_start3A_102 : memref<128xi32, #tpu.memory_space<vmem>>) semaphore(%arg13 : memref<!tpu.dma_semaphore, #tpu.memory_space<semaphore_mem>>)
      } else {
      }
    }
    %scan3A_66 = arith.constant 32 : i32
    %barrier3A_67 = arith.constant 0 : index
    tpu.barrier barrier_id(%barrier3A_67)
    %mul3A_68 = arith.constant 1296 : i32
    %mul3A_69 = arith.muli %arg1, %mul3A_68 : i32
    %mul3A_70 = arith.constant 1296 : i32
    %mul3A_71 = arith.muli %arg1, %mul3A_70 : i32
    "tpu.region"() ({
      %run_scoped3A = tpu.sem_alloc : memref<!tpu.dma_semaphore, #tpu.memory_space<semaphore_mem>>
      %dma_start3A_72 = arith.constant 0 : i32
      %dma_start3A_73 = tpu.memref_slice %arg5[%arg0, %mul3A_71, %dma_start3A_72] : memref<2x20736x64xf32, #tpu.memory_space<hbm>> -> memref<1x1296x64xf32, #tpu.memory_space<hbm>>
      %dma_start3A_74 = tpu.memref_squeeze %dma_start3A_73 : memref<1x1296x64xf32, #tpu.memory_space<hbm>> -> memref<1296x64xf32, #tpu.memory_space<hbm>>
      %dma_start3A_75 = arith.constant 0 : i32
      %dma_start3A_76 = tpu.memref_slice %arg11[%mul3A_69, %dma_start3A_75] : memref<20744x64xf32, #tpu.memory_space<vmem_shared>> -> memref<1296x64xf32, #tpu.memory_space<vmem_shared>>
      tpu.enqueue_dma source(%dma_start3A_76 : memref<1296x64xf32, #tpu.memory_space<vmem_shared>>) target(%dma_start3A_74 : memref<1296x64xf32, #tpu.memory_space<hbm>>) target_semaphore(%run_scoped3A : memref<!tpu.dma_semaphore, #tpu.memory_space<semaphore_mem>>)
      %dma_wait3A = arith.constant 0 : i32
      %dma_wait3A_77 = tpu.memref_slice %arg5[%arg0, %mul3A_71, %dma_wait3A] : memref<2x20736x64xf32, #tpu.memory_space<hbm>> -> memref<1x1296x64xf32, #tpu.memory_space<hbm>>
      %dma_wait3A_78 = tpu.memref_squeeze %dma_wait3A_77 : memref<1x1296x64xf32, #tpu.memory_space<hbm>> -> memref<1296x64xf32, #tpu.memory_space<hbm>>
      %dma_wait3A_79 = arith.constant 0 : i32
      %dma_wait3A_80 = tpu.memref_slice %arg11[%mul3A_69, %dma_wait3A_79] : memref<20744x64xf32, #tpu.memory_space<vmem_shared>> -> memref<1296x64xf32, #tpu.memory_space<vmem_shared>>
      tpu.wait_dma2 semaphore(%run_scoped3A : memref<!tpu.dma_semaphore, #tpu.memory_space<semaphore_mem>>) src(%dma_wait3A_80 : memref<1296x64xf32, #tpu.memory_space<vmem_shared>>) dst(%dma_wait3A_78 : memref<1296x64xf32, #tpu.memory_space<hbm>>)
      tpu.yield
    }) : () -> ()
    return
  }
}

module attributes {stable_mosaic.version = 14 : i64} {
  func.func @body(%arg0: i32, %arg1: memref<2592x18xf32, #tpu.memory_space<vmem>>, %arg2: memref<18x128xf32, #tpu.memory_space<vmem>>, %arg3: memref<1x128xf32, #tpu.memory_space<vmem>>, %arg4: memref<128x128xf32, #tpu.memory_space<vmem>>, %arg5: memref<1x128xf32, #tpu.memory_space<vmem>>, %arg6: memref<2592x128xf32, #tpu.memory_space<vmem>>, %arg7: memref<2592x128xf32, #tpu.memory_space<vmem>>) attributes {dimension_semantics = [#tpu.dimension_semantics<arbitrary>], iteration_bounds = array<i64: 4>, scalar_prefetch = 0 : i64, scratch_operands = 0 : i64, tpu.core_type = #tpu.core_type<tc>, window_params = [{transform_indices = @transform_0, window_bounds = array<i64: 2592, 18>}, {pipeline_mode = #tpu.pipeline_mode<synchronous>, transform_indices = @transform_1, window_bounds = array<i64: 18, 128>}, {pipeline_mode = #tpu.pipeline_mode<synchronous>, transform_indices = @transform_2, window_bounds = array<i64: 1, 128>}, {pipeline_mode = #tpu.pipeline_mode<synchronous>, transform_indices = @transform_3, window_bounds = array<i64: 128, 128>}, {pipeline_mode = #tpu.pipeline_mode<synchronous>, transform_indices = @transform_4, window_bounds = array<i64: 1, 128>}, {transform_indices = @transform_5, window_bounds = array<i64: 2592, 128>}, {transform_indices = @transform_6, window_bounds = array<i64: 2592, 128>}]} {
    %get3A = arith.constant 0 : index
    %get3A_0 = arith.constant 0 : index
    %get3A_1 = vector.load %arg1[%get3A, %get3A_0] : memref<2592x18xf32, #tpu.memory_space<vmem>>, vector<2592x18xf32>
    %get3A_2 = arith.constant 0 : index
    %get3A_3 = arith.constant 0 : index
    %get3A_4 = vector.load %arg2[%get3A_2, %get3A_3] : memref<18x128xf32, #tpu.memory_space<vmem>>, vector<18x128xf32>
    %dot_general3A = arith.constant dense<0.000000e+00> : vector<2592x128xf32>
    %dot_general3A_5 = tpu.matmul %get3A_1, %get3A_4, %dot_general3A {dimension_numbers = #tpu.dot_dimension_numbers<[1], [0], [0], [1], [0, 0, 1, 1], [], []>, transpose_lhs_hint = false} : vector<2592x18xf32>, vector<18x128xf32>, vector<2592x128xf32> -> vector<2592x128xf32>
    %get3A_6 = arith.constant 0 : index
    %get3A_7 = arith.constant 0 : index
    %get3A_8 = vector.load %arg3[%get3A_6, %get3A_7] : memref<1x128xf32, #tpu.memory_space<vmem>>, vector<1x128xf32>
    %add3A = vector.broadcast %get3A_8 : vector<1x128xf32> to vector<2592x128xf32>
    %add3A_9 = arith.addf %dot_general3A_5, %add3A : vector<2592x128xf32>
    %swap3A = arith.constant 0 : index
    %swap3A_10 = arith.constant 0 : index
    %swap3A_11 = vector.load %arg6[%swap3A, %swap3A_10] : memref<2592x128xf32, #tpu.memory_space<vmem>>, vector<2592x128xf32>
    tpu.vector_store %arg6[%swap3A, %swap3A_10], %add3A_9 {strides = array<i32>} : memref<2592x128xf32, #tpu.memory_space<vmem>>, vector<2592x128xf32>,
    %get3A_12 = arith.constant 0 : index
    %get3A_13 = arith.constant 0 : index
    %get3A_14 = vector.load %arg4[%get3A_12, %get3A_13] : memref<128x128xf32, #tpu.memory_space<vmem>>, vector<128x128xf32>
    %dot_general3A_15 = arith.constant dense<0.000000e+00> : vector<2592x128xf32>
    %dot_general3A_16 = tpu.matmul %add3A_9, %get3A_14, %dot_general3A_15 {dimension_numbers = #tpu.dot_dimension_numbers<[1], [0], [0], [1], [0, 0, 1, 1], [], []>, transpose_lhs_hint = false} : vector<2592x128xf32>, vector<128x128xf32>, vector<2592x128xf32> -> vector<2592x128xf32>
    %get3A_17 = arith.constant 0 : index
    %get3A_18 = arith.constant 0 : index
    %get3A_19 = vector.load %arg5[%get3A_17, %get3A_18] : memref<1x128xf32, #tpu.memory_space<vmem>>, vector<1x128xf32>
    %add3A_20 = vector.broadcast %get3A_19 : vector<1x128xf32> to vector<2592x128xf32>
    %add3A_21 = arith.addf %dot_general3A_16, %add3A_20 : vector<2592x128xf32>
    %swap3A_22 = arith.constant 0 : index
    %swap3A_23 = arith.constant 0 : index
    %swap3A_24 = vector.load %arg7[%swap3A_22, %swap3A_23] : memref<2592x128xf32, #tpu.memory_space<vmem>>, vector<2592x128xf32>
    tpu.vector_store %arg7[%swap3A_22, %swap3A_23], %add3A_21 {strides = array<i32>} : memref<2592x128xf32, #tpu.memory_space<vmem>>, vector<2592x128xf32>,
    return
  }
  func.func @transform_0(%arg0: i32) -> (i32, i32) {
    %c0_i32 = arith.constant 0 : i32
    %c0_i32_0 = arith.constant 0 : i32
    return %arg0, %c0_i32 : i32, i32
  }
  func.func @transform_1(%arg0: i32) -> (i32, i32) {
    %c0_i32 = arith.constant 0 : i32
    %c0_i32_0 = arith.constant 0 : i32
    %c0_i32_1 = arith.constant 0 : i32
    return %c0_i32, %c0_i32_0 : i32, i32
  }
  func.func @transform_2(%arg0: i32) -> (i32, i32) {
    %c0_i32 = arith.constant 0 : i32
    %c0_i32_0 = arith.constant 0 : i32
    %c0_i32_1 = arith.constant 0 : i32
    return %c0_i32, %c0_i32_0 : i32, i32
  }
  func.func @transform_3(%arg0: i32) -> (i32, i32) {
    %c0_i32 = arith.constant 0 : i32
    %c0_i32_0 = arith.constant 0 : i32
    %c0_i32_1 = arith.constant 0 : i32
    return %c0_i32, %c0_i32_0 : i32, i32
  }
  func.func @transform_4(%arg0: i32) -> (i32, i32) {
    %c0_i32 = arith.constant 0 : i32
    %c0_i32_0 = arith.constant 0 : i32
    %c0_i32_1 = arith.constant 0 : i32
    return %c0_i32, %c0_i32_0 : i32, i32
  }
  func.func @transform_5(%arg0: i32) -> (i32, i32) {
    %c0_i32 = arith.constant 0 : i32
    %c0_i32_0 = arith.constant 0 : i32
    return %arg0, %c0_i32 : i32, i32
  }
  func.func @transform_6(%arg0: i32) -> (i32, i32) {
    %c0_i32 = arith.constant 0 : i32
    %c0_i32_0 = arith.constant 0 : i32
    return %arg0, %c0_i32 : i32, i32
  }
}

module attributes {stable_mosaic.version = 14 : i64} {
  func.func @body(%arg0: i32, %arg1: memref<2x2592x128xf32, #tpu.memory_space<vmem>>, %arg2: memref<2592x128xf32, #tpu.memory_space<vmem>>, %arg3: memref<2592x128xf32, #tpu.memory_space<vmem>>, %arg4: memref<256x128xf32, #tpu.memory_space<vmem>>, %arg5: memref<1x128xf32, #tpu.memory_space<vmem>>, %arg6: memref<1x128xf32, #tpu.memory_space<vmem>>, %arg7: memref<1x128xf32, #tpu.memory_space<vmem>>, %arg8: memref<128x128xf32, #tpu.memory_space<vmem>>, %arg9: memref<2592x128xf32, #tpu.memory_space<vmem>>) attributes {dimension_semantics = [#tpu.dimension_semantics<arbitrary>], iteration_bounds = array<i64: 4>, scalar_prefetch = 0 : i64, scratch_operands = 0 : i64, tpu.core_type = #tpu.core_type<tc>, window_params = [{transform_indices = @transform_0, window_bounds = array<i64: 2, 2592, 128>}, {transform_indices = @transform_1, window_bounds = array<i64: 2592, 128>}, {transform_indices = @transform_2, window_bounds = array<i64: 2592, 128>}, {pipeline_mode = #tpu.pipeline_mode<synchronous>, transform_indices = @transform_3, window_bounds = array<i64: 256, 128>}, {pipeline_mode = #tpu.pipeline_mode<synchronous>, transform_indices = @transform_4, window_bounds = array<i64: 1, 128>}, {pipeline_mode = #tpu.pipeline_mode<synchronous>, transform_indices = @transform_5, window_bounds = array<i64: 1, 128>}, {pipeline_mode = #tpu.pipeline_mode<synchronous>, transform_indices = @transform_6, window_bounds = array<i64: 1, 128>}, {pipeline_mode = #tpu.pipeline_mode<synchronous>, transform_indices = @transform_7, window_bounds = array<i64: 128, 128>}, {transform_indices = @transform_8, window_bounds = array<i64: 2592, 128>}]} {
    %get3A = arith.constant 0 : index
    %get3A_0 = arith.constant 0 : index
    %get3A_1 = arith.constant 0 : index
    %get3A_2 = vector.load %arg1[%get3A, %get3A_0, %get3A_1] : memref<2x2592x128xf32, #tpu.memory_space<vmem>>, vector<1x2592x128xf32>
    %get3A_3 = vector.shape_cast %get3A_2 : vector<1x2592x128xf32> to vector<2592x128xf32>
    %get3A_4 = arith.constant 1 : index
    %get3A_5 = arith.constant 0 : index
    %get3A_6 = arith.constant 0 : index
    %get3A_7 = vector.load %arg1[%get3A_4, %get3A_5, %get3A_6] : memref<2x2592x128xf32, #tpu.memory_space<vmem>>, vector<1x2592x128xf32>
    %get3A_8 = vector.shape_cast %get3A_7 : vector<1x2592x128xf32> to vector<2592x128xf32>
    %add3A = arith.addf %get3A_3, %get3A_8 : vector<2592x128xf32>
    %get3A_9 = arith.constant 0 : index
    %get3A_10 = arith.constant 0 : index
    %get3A_11 = vector.load %arg4[%get3A_9, %get3A_10] : memref<256x128xf32, #tpu.memory_space<vmem>>, vector<128x128xf32>
    %dot_general3A = arith.constant dense<0.000000e+00> : vector<2592x128xf32>
    %dot_general3A_12 = tpu.matmul %add3A, %get3A_11, %dot_general3A {dimension_numbers = #tpu.dot_dimension_numbers<[1], [0], [0], [1], [0, 0, 1, 1], [], []>, transpose_lhs_hint = false} : vector<2592x128xf32>, vector<128x128xf32>, vector<2592x128xf32> -> vector<2592x128xf32>
    %get3A_13 = arith.constant 0 : index
    %get3A_14 = arith.constant 0 : index
    %get3A_15 = vector.load %arg2[%get3A_13, %get3A_14] : memref<2592x128xf32, #tpu.memory_space<vmem>>, vector<2592x128xf32>
    %get3A_16 = arith.constant 128 : index
    %get3A_17 = arith.constant 0 : index
    %get3A_18 = vector.load %arg4[%get3A_16, %get3A_17] : memref<256x128xf32, #tpu.memory_space<vmem>>, vector<128x128xf32>
    %dot_general3A_19 = arith.constant dense<0.000000e+00> : vector<2592x128xf32>
    %dot_general3A_20 = tpu.matmul %get3A_15, %get3A_18, %dot_general3A_19 {dimension_numbers = #tpu.dot_dimension_numbers<[1], [0], [0], [1], [0, 0, 1, 1], [], []>, transpose_lhs_hint = false} : vector<2592x128xf32>, vector<128x128xf32>, vector<2592x128xf32> -> vector<2592x128xf32>
    %add3A_21 = arith.addf %dot_general3A_12, %dot_general3A_20 : vector<2592x128xf32>
    %get3A_22 = arith.constant 0 : index
    %get3A_23 = arith.constant 0 : index
    %get3A_24 = vector.load %arg5[%get3A_22, %get3A_23] : memref<1x128xf32, #tpu.memory_space<vmem>>, vector<1x128xf32>
    %add3A_25 = vector.broadcast %get3A_24 : vector<1x128xf32> to vector<2592x128xf32>
    %add3A_26 = arith.addf %add3A_21, %add3A_25 : vector<2592x128xf32>
    %get3A_27 = arith.constant 0 : index
    %get3A_28 = arith.constant 0 : index
    %get3A_29 = vector.load %arg8[%get3A_27, %get3A_28] : memref<128x128xf32, #tpu.memory_space<vmem>>, vector<128x128xf32>
    %dot_general3A_30 = arith.constant dense<0.000000e+00> : vector<2592x128xf32>
    %dot_general3A_31 = tpu.matmul %add3A_26, %get3A_29, %dot_general3A_30 {dimension_numbers = #tpu.dot_dimension_numbers<[1], [0], [0], [1], [0, 0, 1, 1], [], []>, precision = #tpu.contract_precision<fp32>, transpose_lhs_hint = false} : vector<2592x128xf32>, vector<128x128xf32>, vector<2592x128xf32> -> vector<2592x128xf32>
    %sub3A = arith.subf %add3A_26, %dot_general3A_31 : vector<2592x128xf32>
    %mul3A = arith.mulf %sub3A, %sub3A : vector<2592x128xf32>
    %get3A_32 = arith.constant 0 : index
    %get3A_33 = arith.constant 0 : index
    %get3A_34 = vector.load %arg8[%get3A_32, %get3A_33] : memref<128x128xf32, #tpu.memory_space<vmem>>, vector<128x128xf32>
    %dot_general3A_35 = arith.constant dense<0.000000e+00> : vector<2592x128xf32>
    %dot_general3A_36 = tpu.matmul %mul3A, %get3A_34, %dot_general3A_35 {dimension_numbers = #tpu.dot_dimension_numbers<[1], [0], [0], [1], [0, 0, 1, 1], [], []>, precision = #tpu.contract_precision<fp32>, transpose_lhs_hint = false} : vector<2592x128xf32>, vector<128x128xf32>, vector<2592x128xf32> -> vector<2592x128xf32>
    %add3A_37 = arith.constant 9.99999974E-6 : f32
    %add3A_38 = vector.broadcast %add3A_37 : f32 to vector<2592x128xf32>
    %add3A_39 = arith.addf %dot_general3A_36, %add3A_38 : vector<2592x128xf32>
    %rsqrt3A = math.rsqrt %add3A_39 : vector<2592x128xf32>
    %mul3A_40 = arith.mulf %sub3A, %rsqrt3A : vector<2592x128xf32>
    %get3A_41 = arith.constant 0 : index
    %get3A_42 = arith.constant 0 : index
    %get3A_43 = vector.load %arg6[%get3A_41, %get3A_42] : memref<1x128xf32, #tpu.memory_space<vmem>>, vector<1x128xf32>
    %mul3A_44 = vector.broadcast %get3A_43 : vector<1x128xf32> to vector<2592x128xf32>
    %mul3A_45 = arith.mulf %mul3A_40, %mul3A_44 : vector<2592x128xf32>
    %get3A_46 = arith.constant 0 : index
    %get3A_47 = arith.constant 0 : index
    %get3A_48 = vector.load %arg7[%get3A_46, %get3A_47] : memref<1x128xf32, #tpu.memory_space<vmem>>, vector<1x128xf32>
    %add3A_49 = vector.broadcast %get3A_48 : vector<1x128xf32> to vector<2592x128xf32>
    %add3A_50 = arith.addf %mul3A_45, %add3A_49 : vector<2592x128xf32>
    %ge3A = arith.constant 0.000000e+00 : f32
    %ge3A_51 = vector.broadcast %ge3A : f32 to vector<2592x128xf32>
    %ge3A_52 = arith.cmpf oge, %add3A_50, %ge3A_51 : vector<2592x128xf32>
    %mul3A_53 = arith.constant 0.00999999977 : f32
    %mul3A_54 = vector.broadcast %mul3A_53 : f32 to vector<2592x128xf32>
    %mul3A_55 = arith.mulf %mul3A_54, %add3A_50 : vector<2592x128xf32>
    %select_n3A = arith.select %ge3A_52, %add3A_50, %mul3A_55 : vector<2592x128xi1>, vector<2592x128xf32>
    %get3A_56 = arith.constant 0 : index
    %get3A_57 = arith.constant 0 : index
    %get3A_58 = vector.load %arg3[%get3A_56, %get3A_57] : memref<2592x128xf32, #tpu.memory_space<vmem>>, vector<2592x128xf32>
    %add3A_59 = arith.addf %select_n3A, %get3A_58 : vector<2592x128xf32>
    %swap3A = arith.constant 0 : index
    %swap3A_60 = arith.constant 0 : index
    %swap3A_61 = vector.load %arg9[%swap3A, %swap3A_60] : memref<2592x128xf32, #tpu.memory_space<vmem>>, vector<2592x128xf32>
    tpu.vector_store %arg9[%swap3A, %swap3A_60], %add3A_59 {strides = array<i32>} : memref<2592x128xf32, #tpu.memory_space<vmem>>, vector<2592x128xf32>,
    return
  }
  func.func @transform_0(%arg0: i32) -> (i32, i32, i32) {
    %c0_i32 = arith.constant 0 : i32
    %c0_i32_0 = arith.constant 0 : i32
    %c0_i32_1 = arith.constant 0 : i32
    return %c0_i32, %arg0, %c0_i32_0 : i32, i32, i32
  }
  func.func @transform_1(%arg0: i32) -> (i32, i32) {
    %c0_i32 = arith.constant 0 : i32
    %c0_i32_0 = arith.constant 0 : i32
    return %arg0, %c0_i32 : i32, i32
  }
  func.func @transform_2(%arg0: i32) -> (i32, i32) {
    %c0_i32 = arith.constant 0 : i32
    %c0_i32_0 = arith.constant 0 : i32
    return %arg0, %c0_i32 : i32, i32
  }
  func.func @transform_3(%arg0: i32) -> (i32, i32) {
    %c0_i32 = arith.constant 0 : i32
    %c0_i32_0 = arith.constant 0 : i32
    %c0_i32_1 = arith.constant 0 : i32
    return %c0_i32, %c0_i32_0 : i32, i32
  }
  func.func @transform_4(%arg0: i32) -> (i32, i32) {
    %c0_i32 = arith.constant 0 : i32
    %c0_i32_0 = arith.constant 0 : i32
    %c0_i32_1 = arith.constant 0 : i32
    return %c0_i32, %c0_i32_0 : i32, i32
  }
  func.func @transform_5(%arg0: i32) -> (i32, i32) {
    %c0_i32 = arith.constant 0 : i32
    %c0_i32_0 = arith.constant 0 : i32
    %c0_i32_1 = arith.constant 0 : i32
    return %c0_i32, %c0_i32_0 : i32, i32
  }
  func.func @transform_6(%arg0: i32) -> (i32, i32) {
    %c0_i32 = arith.constant 0 : i32
    %c0_i32_0 = arith.constant 0 : i32
    %c0_i32_1 = arith.constant 0 : i32
    return %c0_i32, %c0_i32_0 : i32, i32
  }
  func.func @transform_7(%arg0: i32) -> (i32, i32) {
    %c0_i32 = arith.constant 0 : i32
    %c0_i32_0 = arith.constant 0 : i32
    %c0_i32_1 = arith.constant 0 : i32
    return %c0_i32, %c0_i32_0 : i32, i32
  }
  func.func @transform_8(%arg0: i32) -> (i32, i32) {
    %c0_i32 = arith.constant 0 : i32
    %c0_i32_0 = arith.constant 0 : i32
    return %arg0, %c0_i32 : i32, i32
  }
}

module attributes {stable_mosaic.version = 14 : i64} {
  func.func @body(%arg0: i32, %arg1: memref<2x2592x128xf32, #tpu.memory_space<vmem>>, %arg2: memref<2592x128xf32, #tpu.memory_space<vmem>>, %arg3: memref<2592x128xf32, #tpu.memory_space<vmem>>, %arg4: memref<256x128xf32, #tpu.memory_space<vmem>>, %arg5: memref<1x128xf32, #tpu.memory_space<vmem>>, %arg6: memref<1x128xf32, #tpu.memory_space<vmem>>, %arg7: memref<1x128xf32, #tpu.memory_space<vmem>>, %arg8: memref<128x128xf32, #tpu.memory_space<vmem>>, %arg9: memref<128x18xf32, #tpu.memory_space<vmem>>, %arg10: memref<1x18xf32, #tpu.memory_space<vmem>>, %arg11: memref<2592x18xf32, #tpu.memory_space<vmem>>) attributes {dimension_semantics = [#tpu.dimension_semantics<arbitrary>], iteration_bounds = array<i64: 4>, scalar_prefetch = 0 : i64, scratch_operands = 0 : i64, tpu.core_type = #tpu.core_type<tc>, window_params = [{transform_indices = @transform_0, window_bounds = array<i64: 2, 2592, 128>}, {transform_indices = @transform_1, window_bounds = array<i64: 2592, 128>}, {transform_indices = @transform_2, window_bounds = array<i64: 2592, 128>}, {pipeline_mode = #tpu.pipeline_mode<synchronous>, transform_indices = @transform_3, window_bounds = array<i64: 256, 128>}, {pipeline_mode = #tpu.pipeline_mode<synchronous>, transform_indices = @transform_4, window_bounds = array<i64: 1, 128>}, {pipeline_mode = #tpu.pipeline_mode<synchronous>, transform_indices = @transform_5, window_bounds = array<i64: 1, 128>}, {pipeline_mode = #tpu.pipeline_mode<synchronous>, transform_indices = @transform_6, window_bounds = array<i64: 1, 128>}, {pipeline_mode = #tpu.pipeline_mode<synchronous>, transform_indices = @transform_7, window_bounds = array<i64: 128, 128>}, {pipeline_mode = #tpu.pipeline_mode<synchronous>, transform_indices = @transform_8, window_bounds = array<i64: 128, 18>}, {pipeline_mode = #tpu.pipeline_mode<synchronous>, transform_indices = @transform_9, window_bounds = array<i64: 1, 18>}, {transform_indices = @transform_10, window_bounds = array<i64: 2592, 18>}]} {
    %get3A = arith.constant 0 : index
    %get3A_0 = arith.constant 0 : index
    %get3A_1 = arith.constant 0 : index
    %get3A_2 = vector.load %arg1[%get3A, %get3A_0, %get3A_1] : memref<2x2592x128xf32, #tpu.memory_space<vmem>>, vector<1x2592x128xf32>
    %get3A_3 = vector.shape_cast %get3A_2 : vector<1x2592x128xf32> to vector<2592x128xf32>
    %get3A_4 = arith.constant 1 : index
    %get3A_5 = arith.constant 0 : index
    %get3A_6 = arith.constant 0 : index
    %get3A_7 = vector.load %arg1[%get3A_4, %get3A_5, %get3A_6] : memref<2x2592x128xf32, #tpu.memory_space<vmem>>, vector<1x2592x128xf32>
    %get3A_8 = vector.shape_cast %get3A_7 : vector<1x2592x128xf32> to vector<2592x128xf32>
    %add3A = arith.addf %get3A_3, %get3A_8 : vector<2592x128xf32>
    %get3A_9 = arith.constant 0 : index
    %get3A_10 = arith.constant 0 : index
    %get3A_11 = vector.load %arg4[%get3A_9, %get3A_10] : memref<256x128xf32, #tpu.memory_space<vmem>>, vector<128x128xf32>
    %dot_general3A = arith.constant dense<0.000000e+00> : vector<2592x128xf32>
    %dot_general3A_12 = tpu.matmul %add3A, %get3A_11, %dot_general3A {dimension_numbers = #tpu.dot_dimension_numbers<[1], [0], [0], [1], [0, 0, 1, 1], [], []>, transpose_lhs_hint = false} : vector<2592x128xf32>, vector<128x128xf32>, vector<2592x128xf32> -> vector<2592x128xf32>
    %get3A_13 = arith.constant 0 : index
    %get3A_14 = arith.constant 0 : index
    %get3A_15 = vector.load %arg2[%get3A_13, %get3A_14] : memref<2592x128xf32, #tpu.memory_space<vmem>>, vector<2592x128xf32>
    %get3A_16 = arith.constant 128 : index
    %get3A_17 = arith.constant 0 : index
    %get3A_18 = vector.load %arg4[%get3A_16, %get3A_17] : memref<256x128xf32, #tpu.memory_space<vmem>>, vector<128x128xf32>
    %dot_general3A_19 = arith.constant dense<0.000000e+00> : vector<2592x128xf32>
    %dot_general3A_20 = tpu.matmul %get3A_15, %get3A_18, %dot_general3A_19 {dimension_numbers = #tpu.dot_dimension_numbers<[1], [0], [0], [1], [0, 0, 1, 1], [], []>, transpose_lhs_hint = false} : vector<2592x128xf32>, vector<128x128xf32>, vector<2592x128xf32> -> vector<2592x128xf32>
    %add3A_21 = arith.addf %dot_general3A_12, %dot_general3A_20 : vector<2592x128xf32>
    %get3A_22 = arith.constant 0 : index
    %get3A_23 = arith.constant 0 : index
    %get3A_24 = vector.load %arg5[%get3A_22, %get3A_23] : memref<1x128xf32, #tpu.memory_space<vmem>>, vector<1x128xf32>
    %add3A_25 = vector.broadcast %get3A_24 : vector<1x128xf32> to vector<2592x128xf32>
    %add3A_26 = arith.addf %add3A_21, %add3A_25 : vector<2592x128xf32>
    %get3A_27 = arith.constant 0 : index
    %get3A_28 = arith.constant 0 : index
    %get3A_29 = vector.load %arg8[%get3A_27, %get3A_28] : memref<128x128xf32, #tpu.memory_space<vmem>>, vector<128x128xf32>
    %dot_general3A_30 = arith.constant dense<0.000000e+00> : vector<2592x128xf32>
    %dot_general3A_31 = tpu.matmul %add3A_26, %get3A_29, %dot_general3A_30 {dimension_numbers = #tpu.dot_dimension_numbers<[1], [0], [0], [1], [0, 0, 1, 1], [], []>, precision = #tpu.contract_precision<fp32>, transpose_lhs_hint = false} : vector<2592x128xf32>, vector<128x128xf32>, vector<2592x128xf32> -> vector<2592x128xf32>
    %sub3A = arith.subf %add3A_26, %dot_general3A_31 : vector<2592x128xf32>
    %mul3A = arith.mulf %sub3A, %sub3A : vector<2592x128xf32>
    %get3A_32 = arith.constant 0 : index
    %get3A_33 = arith.constant 0 : index
    %get3A_34 = vector.load %arg8[%get3A_32, %get3A_33] : memref<128x128xf32, #tpu.memory_space<vmem>>, vector<128x128xf32>
    %dot_general3A_35 = arith.constant dense<0.000000e+00> : vector<2592x128xf32>
    %dot_general3A_36 = tpu.matmul %mul3A, %get3A_34, %dot_general3A_35 {dimension_numbers = #tpu.dot_dimension_numbers<[1], [0], [0], [1], [0, 0, 1, 1], [], []>, precision = #tpu.contract_precision<fp32>, transpose_lhs_hint = false} : vector<2592x128xf32>, vector<128x128xf32>, vector<2592x128xf32> -> vector<2592x128xf32>
    %add3A_37 = arith.constant 9.99999974E-6 : f32
    %add3A_38 = vector.broadcast %add3A_37 : f32 to vector<2592x128xf32>
    %add3A_39 = arith.addf %dot_general3A_36, %add3A_38 : vector<2592x128xf32>
    %rsqrt3A = math.rsqrt %add3A_39 : vector<2592x128xf32>
    %mul3A_40 = arith.mulf %sub3A, %rsqrt3A : vector<2592x128xf32>
    %get3A_41 = arith.constant 0 : index
    %get3A_42 = arith.constant 0 : index
    %get3A_43 = vector.load %arg6[%get3A_41, %get3A_42] : memref<1x128xf32, #tpu.memory_space<vmem>>, vector<1x128xf32>
    %mul3A_44 = vector.broadcast %get3A_43 : vector<1x128xf32> to vector<2592x128xf32>
    %mul3A_45 = arith.mulf %mul3A_40, %mul3A_44 : vector<2592x128xf32>
    %get3A_46 = arith.constant 0 : index
    %get3A_47 = arith.constant 0 : index
    %get3A_48 = vector.load %arg7[%get3A_46, %get3A_47] : memref<1x128xf32, #tpu.memory_space<vmem>>, vector<1x128xf32>
    %add3A_49 = vector.broadcast %get3A_48 : vector<1x128xf32> to vector<2592x128xf32>
    %add3A_50 = arith.addf %mul3A_45, %add3A_49 : vector<2592x128xf32>
    %ge3A = arith.constant 0.000000e+00 : f32
    %ge3A_51 = vector.broadcast %ge3A : f32 to vector<2592x128xf32>
    %ge3A_52 = arith.cmpf oge, %add3A_50, %ge3A_51 : vector<2592x128xf32>
    %mul3A_53 = arith.constant 0.00999999977 : f32
    %mul3A_54 = vector.broadcast %mul3A_53 : f32 to vector<2592x128xf32>
    %mul3A_55 = arith.mulf %mul3A_54, %add3A_50 : vector<2592x128xf32>
    %select_n3A = arith.select %ge3A_52, %add3A_50, %mul3A_55 : vector<2592x128xi1>, vector<2592x128xf32>
    %get3A_56 = arith.constant 0 : index
    %get3A_57 = arith.constant 0 : index
    %get3A_58 = vector.load %arg3[%get3A_56, %get3A_57] : memref<2592x128xf32, #tpu.memory_space<vmem>>, vector<2592x128xf32>
    %add3A_59 = arith.addf %select_n3A, %get3A_58 : vector<2592x128xf32>
    %get3A_60 = arith.constant 0 : index
    %get3A_61 = arith.constant 0 : index
    %get3A_62 = vector.load %arg9[%get3A_60, %get3A_61] : memref<128x18xf32, #tpu.memory_space<vmem>>, vector<128x18xf32>
    %dot_general3A_63 = arith.constant dense<0.000000e+00> : vector<2592x18xf32>
    %dot_general3A_64 = tpu.matmul %add3A_59, %get3A_62, %dot_general3A_63 {dimension_numbers = #tpu.dot_dimension_numbers<[1], [0], [0], [1], [0, 0, 1, 1], [], []>, transpose_lhs_hint = false} : vector<2592x128xf32>, vector<128x18xf32>, vector<2592x18xf32> -> vector<2592x18xf32>
    %get3A_65 = arith.constant 0 : index
    %get3A_66 = arith.constant 0 : index
    %get3A_67 = vector.load %arg10[%get3A_65, %get3A_66] : memref<1x18xf32, #tpu.memory_space<vmem>>, vector<1x18xf32>
    %add3A_68 = vector.broadcast %get3A_67 : vector<1x18xf32> to vector<2592x18xf32>
    %add3A_69 = arith.addf %dot_general3A_64, %add3A_68 : vector<2592x18xf32>
    %swap3A = arith.constant 0 : index
    %swap3A_70 = arith.constant 0 : index
    %swap3A_71 = vector.load %arg11[%swap3A, %swap3A_70] : memref<2592x18xf32, #tpu.memory_space<vmem>>, vector<2592x18xf32>
    tpu.vector_store %arg11[%swap3A, %swap3A_70], %add3A_69 {strides = array<i32>} : memref<2592x18xf32, #tpu.memory_space<vmem>>, vector<2592x18xf32>,
    return
  }
  func.func @transform_0(%arg0: i32) -> (i32, i32, i32) {
    %c0_i32 = arith.constant 0 : i32
    %c0_i32_0 = arith.constant 0 : i32
    %c0_i32_1 = arith.constant 0 : i32
    return %c0_i32, %arg0, %c0_i32_0 : i32, i32, i32
  }
  func.func @transform_1(%arg0: i32) -> (i32, i32) {
    %c0_i32 = arith.constant 0 : i32
    %c0_i32_0 = arith.constant 0 : i32
    return %arg0, %c0_i32 : i32, i32
  }
  func.func @transform_2(%arg0: i32) -> (i32, i32) {
    %c0_i32 = arith.constant 0 : i32
    %c0_i32_0 = arith.constant 0 : i32
    return %arg0, %c0_i32 : i32, i32
  }
  func.func @transform_3(%arg0: i32) -> (i32, i32) {
    %c0_i32 = arith.constant 0 : i32
    %c0_i32_0 = arith.constant 0 : i32
    %c0_i32_1 = arith.constant 0 : i32
    return %c0_i32, %c0_i32_0 : i32, i32
  }
  func.func @transform_4(%arg0: i32) -> (i32, i32) {
    %c0_i32 = arith.constant 0 : i32
    %c0_i32_0 = arith.constant 0 : i32
    %c0_i32_1 = arith.constant 0 : i32
    return %c0_i32, %c0_i32_0 : i32, i32
  }
  func.func @transform_5(%arg0: i32) -> (i32, i32) {
    %c0_i32 = arith.constant 0 : i32
    %c0_i32_0 = arith.constant 0 : i32
    %c0_i32_1 = arith.constant 0 : i32
    return %c0_i32, %c0_i32_0 : i32, i32
  }
  func.func @transform_6(%arg0: i32) -> (i32, i32) {
    %c0_i32 = arith.constant 0 : i32
    %c0_i32_0 = arith.constant 0 : i32
    %c0_i32_1 = arith.constant 0 : i32
    return %c0_i32, %c0_i32_0 : i32, i32
  }
  func.func @transform_7(%arg0: i32) -> (i32, i32) {
    %c0_i32 = arith.constant 0 : i32
    %c0_i32_0 = arith.constant 0 : i32
    %c0_i32_1 = arith.constant 0 : i32
    return %c0_i32, %c0_i32_0 : i32, i32
  }
  func.func @transform_8(%arg0: i32) -> (i32, i32) {
    %c0_i32 = arith.constant 0 : i32
    %c0_i32_0 = arith.constant 0 : i32
    %c0_i32_1 = arith.constant 0 : i32
    return %c0_i32, %c0_i32_0 : i32, i32
  }
  func.func @transform_9(%arg0: i32) -> (i32, i32) {
    %c0_i32 = arith.constant 0 : i32
    %c0_i32_0 = arith.constant 0 : i32
    %c0_i32_1 = arith.constant 0 : i32
    return %c0_i32, %c0_i32_0 : i32, i32
  }
  func.func @transform_10(%arg0: i32) -> (i32, i32) {
    %c0_i32 = arith.constant 0 : i32
    %c0_i32_0 = arith.constant 0 : i32
    return %arg0, %c0_i32 : i32, i32
  }
}

</mosaic_0001>

<sc_bundles>
// kernel: kernel.11.cloned.1.call-start
scs
__scs_entry_jumppad:
0x0: {  	(pc) =	sbr.rel $0x88, $3  }
0x1: {  	(tag) =	ssettag $0x0;
	lr =	simm.s32 $0x1  }
0x2: {  	[smem:$0x3F94] =	sst lr;
	_ =	strace $0xD0000000  }
0x3: {  	_ = 	snop  }
0x4: {  	_ = 	snop  }
0x5: {  	_ = 	snop  }
0x6: {  	_ = 	snop  }
0x7: {  	_ = 	snop  }
__scs_overlays_trampoline_lowered:
0x8: {  	[smem:$0x3FA3] =	sst s0  }
0x9: {  	[smem:$0x3FA4] =	sst s1  }
0xa: {  	[smem:$0x3FA5] =	sst s2  }
0xb: {  	[smem:$0x3FA6] =	sst s3  }
0xc: {  	[smem:$0x3FA7] =	sst s4  }
0xd: {  	[smem:$0x3FA8] =	sst s5  }
0xe: {  	[smem:$0x3FA9] =	sst s6  }
0xf: {  	[smem:$0x3FAA] =	sst s7  }
0x10: {  	[smem:$0x3FAB] =	sst s8  }
0x11: {  	[smem:$0x3FAC] =	sst s9;
	s0 =	simm.s32 @!p0 $0x0  }
0x12: {  	s1 =	sld [smem:$0x3F92];
	s0 =	simm.s32 @p0 $0x1  }
0x13: {  	[smem:$0x3FAD] =	sst s0;
	s0 =	simm.s32 @!p1 $0x0  }
0x14: {  	s2 =	sld [smem:$0x3F91];
	s0 =	simm.s32 @p1 $0x1  }
0x15: {  	[smem:$0x3FAE] =	sst s0;
	s0 =	simm.s32 @!p2 $0x0  }
0x16: {  	s3 =	sld [smem:$0x3FDB];
	s0 =	simm.s32 @p2 $0x1  }
0x17: {  	s4 =	simm.s32 $0x1BF5;
	[smem:$0x3FB0] =	sst s0  }
0x18: {  	s0 =	sld [smem:$0x3F93];
	_ =	swait.ge [sflag:s4], $0x0  }
0x19: {  	s7 =	sld [smem:$0x3F94]  }
0x1a: {  	s8 =	sadd.s32 $0xFFFFE003, lr  }
0x1b: {  	s9 =	sadd.s32 $0xFFFFFEF7, lr;
	s5 =	simm.s32 $0xFFFFFFFF;
	p2 =	slt.u32 s8, $0xFFFFF086  }
0x1c: {  	p1 =	slt.u32 s9, $0xF7A;
	s5 =	simm.s32 @!p2 $0x0  }
0x1d: {  	s5 =	simm.s32 @p1 $0x1;
	p0 =	seq.s32 s7, s2  }
0x1e: {  	s7 =	smul.u32 @!p0 $0xF7A, s2;
	p2 =	seq.s32 @!p0 s5, $0x0  }
0x1f: {  	s9 =	smul.u32 $0xF7A, s1;
	s8 =	simm.s32 @!p0 $0x1BF5;
	p2 =	por !p2, p0  }
0x20: {  	[sflag:s8] =	ssyncset.s32 @!p0 $0xFFFFF086;
	s6 =	sadd.s32 @!p0 s3, s7;
	s7 =	simm.s32 @!p0 $0x108  }
0x21: {  	s3 =	sadd.s32 s3, s9;
	s6 =	sadd.s32 @!p0 $0x88, s6;
	s7 =	simm.s32 @p2 $0x1082  }
0x22: {  	[simem:s7], [sflag:s8] =	dma.local @!p0 [hbm:s6], $0xF7A  }
0x23: {  	s9 =	sor.u32 $0xD0000000, s2;
	s6 =	simm.s32 $0x108;
	_ =	swait.ge @!p0 [sflag:s8], $0x0  }
0x24: {  	s3 =	sadd.s32 $0x88, s3;
	s6 =	simm.s32 @!p1 $0x1082;
	[sflag:s4] =	ssyncset.s32 $0xFFFFF086  }
0x25: {  	[simem:s6], [sflag:s4] =	dma.local [hbm:s3], $0xF7A  }
0x26: {  	[smem:$0x3F94] =	sst s1;
	(tag) =	ssettag s2;
	_ =	strace s9  }
0x27: {  	s1 =	sld [smem:$0x3FA4]  }
0x28: {  	s2 =	sld [smem:$0x3FA5]  }
0x29: {  	s4 =	sld [smem:$0x3FA7]  }
0x2a: {  	p0 =	seq.s32 s5, $0x0;
	s5 =	sld [smem:$0x3FA8]  }
0x2b: {  	s6 =	sld [smem:$0x3FA9]  }
0x2c: {  	s7 =	sld [smem:$0x3FAA]  }
0x2d: {  	s3 =	simm.s32 $0x108;
	s8 =	sld [smem:$0x3FAB]  }
0x2e: {  	s3 =	simm.s32 @!p0 $0x1082;
	s9 =	sld [smem:$0x3FAC]  }
0x2f: {  	lr =	sadd.s32 s0, s3;
	s0 =	sld [smem:$0x3FA3]  }
0x30: {  	s3 =	sld [smem:$0x3FA6]  }
0x31: {  	[smem:$0x3FAF] =	sst s10  }
0x32: {  	s10 =	sld [smem:$0x3FAD];
	_ =	sdelay $0x3  }
0x33: {  	p0 =	seq.s32 s10, $0x1;
	s10 =	sld [smem:$0x3FAF];
	_ =	sdelay $0x3  }
0x34: {  	[smem:$0x3FAF] =	sst s10  }
0x35: {  	s10 =	sld [smem:$0x3FAE];
	_ =	sdelay $0x3  }
0x36: {  	p1 =	seq.s32 s10, $0x1;
	s10 =	sld [smem:$0x3FAF];
	_ =	sdelay $0x3  }
0x37: {  	[smem:$0x3FAF] =	sst s10  }
0x38: {  	s10 =	sld [smem:$0x3FB0]  }
0x39: {  	_ = 	snop;
	(pc) =	sbr.ind lr, $3  }
0x3a: {  	_ = 	snop  }
0x3b: {  	_ = 	snop  }
0x3c: {  	p2 =	seq.s32 s10, $0x1;
	s10 =	sld [smem:$0x3FAF]  }
0x3d: {  	_ =	shalt  }
0x3e: {  	_ =	shalt  }
0x3f: {  	_ =	shalt  }
0x40: {  	_ =	shalt  }
0x41: {  	_ =	shalt  }
0x42: {  	_ =	shalt  }
0x43: {  	_ =	shalt  }
0x44: {  	_ =	shalt  }
0x45: {  	_ =	shalt  }
0x46: {  	_ =	shalt  }
0x47: {  	_ =	shalt  }
0x48: {  	_ =	shalt  }
0x49: {  	_ =	shalt  }
0x4a: {  	_ =	shalt  }
0x4b: {  	_ =	shalt  }
0x4c: {  	_ =	shalt  }
0x4d: {  	_ =	shalt  }
0x4e: {  	_ =	shalt  }
0x4f: {  	_ =	shalt  }
0x50: {  	_ =	shalt  }
0x51: {  	_ =	shalt  }
0x52: {  	_ =	shalt  }
0x53: {  	_ =	shalt  }
0x54: {  	_ =	shalt  }
0x55: {  	_ =	shalt  }
0x56: {  	_ =	shalt  }
0x57: {  	_ =	shalt  }
0x58: {  	_ =	shalt  }
0x59: {  	_ =	shalt  }
0x5a: {  	_ =	shalt  }
0x5b: {  	_ =	shalt  }
0x5c: {  	_ =	shalt  }
0x5d: {  	_ =	shalt  }
0x5e: {  	_ =	shalt  }
0x5f: {  	_ =	shalt  }
0x60: {  	_ =	shalt  }
0x61: {  	_ =	shalt  }
0x62: {  	_ =	shalt  }
0x63: {  	_ =	shalt  }
0x64: {  	_ =	shalt  }
0x65: {  	_ =	shalt  }
0x66: {  	_ =	shalt  }
0x67: {  	_ =	shalt  }
0x68: {  	_ =	shalt  }
0x69: {  	_ =	shalt  }
0x6a: {  	_ =	shalt  }
0x6b: {  	_ =	shalt  }
0x6c: {  	_ =	shalt  }
0x6d: {  	_ =	shalt  }
0x6e: {  	_ =	shalt  }
0x6f: {  	_ =	shalt  }
0x70: {  	_ =	shalt  }
0x71: {  	_ =	shalt  }
0x72: {  	_ =	shalt  }
0x73: {  	_ =	shalt  }
0x74: {  	_ =	shalt  }
0x75: {  	_ =	shalt  }
0x76: {  	_ =	shalt  }
0x77: {  	_ =	shalt  }
0x78: {  	_ =	shalt  }
0x79: {  	_ =	shalt  }
0x7a: {  	_ =	shalt  }
0x7b: {  	_ =	shalt  }
0x7c: {  	_ =	shalt  }
0x7d: {  	_ =	shalt  }
0x7e: {  	_ =	shalt  }
0x7f: {  	_ =	shalt  }
0x80: {  	_ =	shalt  }
0x81: {  	_ =	shalt  }
0x82: {  	_ =	shalt  }
0x83: {  	_ =	shalt  }
0x84: {  	_ =	shalt  }
0x85: {  	_ =	shalt  }
0x86: {  	_ =	shalt  }
0x87: {  	_ =	shalt  }
.Lfunc_end0:
.L_simem_size_0:
called_computation_lowered:
.L_overlay_start_0:
0x88: {  	s2 =	sld [smem:$0x3FD9]  }
0x89: {  	s3 =	sld [smem:$0x3FFE];
	_ =	sdelay $0x1  }
0x8a: {  	s1 =	srdreg.scid  }
0x8b: {  	s0 =	sand.u32 $0x1, s1  }
0x8c: {  	s16 =	sshll.u32 s0, $0xA;
	s2 =	sadd.s32 s3, s2  }
0x8d: {  	s2 =	sadd.s32 s2, s16  }
0x8e: {  	[smem:$0x3FBB] =	sst s2  }
0x8f: {  	_ = 	snop  }
0x90: {  	(tm) =	ssettm $0x1  }
0x91: {  	s17 =	sld [smem:$0x3FFB];
	_ =	sdelay $0x3  }
0x92: {  	_ =	strace s17  }
0x93: {  	s2 =	sld [smem:$0x3FFC];
	_ =	sdelay $0x3  }
0x94: {  	_ =	strace s2  }
0x95: {  	s2 =	sld [smem:$0x3FFD];
	_ =	sdelay $0x3  }
0x96: {  	_ =	strace s2  }
0x97: {  	_ =	strace $0x8FFFFFFF  }
0x98: {  	s18 =	sld [smem:$0x3FDB];
	_ =	sdelay $0x1  }
0x99: {  	s19 =	simm.s32 $_scs_section_size  }
0x9a: {  	s4 =	simm.s32 $_size__tile_overlayer_lowered;
	s5 =	simm.s32 $_tile_overlayer_lowered  }
0x9b: {  	s22 =	simm.s32 $0x1BFF;
	s21 =	sshll.u32 s5, $0x1;
	s2 =	sadd.s32 s19, s18  }
0x9c: {  	s6 =	simm.s32 $0x0;
	s20 =	sshll.u32 s4, $0x1;
	s4 =	sadd.s32 s21, s2  }
0x9d: {  	[timem:s6], [sflag:s22] =	dma.local [hbm:s4], s20  }
0x9e: {  	_ =	swait.ge [sflag:s22], s20  }
0x9f: {  	s3 =	ssub.s32 $0x0, s20;
	[sflag:s22] =	ssyncset.done $0x0  }
0xa0: {  	[sflag:s22] =	ssyncadd.s32 s3;
	_ =	sdelay $0x1  }
0xa1: {  	s23 =	simm.s32 $0x1B8B  }
0xa2: {  	_ =	swait.ge [sflag:s23], $0x1  }
0xa3: {  	[sflag:s23] =	ssyncset.done $0x0  }
0xa4: {  	s25 =	simm.s32 $0x1B8E;
	s24 =	sld [smem:$0x3FFE];
	[sflag:s23] =	ssyncadd.s32 $0xFFFFFFFF  }
0xa5: {  	s26 =	simm.s32 $execute0_lowered;
	[smem:$0x3FD2] =	sst s25  }
0xa6: {  	s4 =	sshll.u32 s26, $0x1;
	_ =	strace $0x80000046;
	[dreg:$0x1] =	wrdreg $0xFFFFFFFF  }
0xa7: {  	s28 =	simm.s32 $_size_execute0_lowered;
	s2 =	sadd.s32 s2, s4;
	[dreg:$0x0] =	wrdreg $0x0  }
0xa8: {  	s4 =	sshll.u32 s28, $0x1;
	[dreg:$0x2] =	wrdreg s2  }
0xa9: {  	[dreg:$0x3] =	wrdreg s4  }
0xaa: {  	[dreg:$0x4] =	wrdreg $0xC0  }
0xab: {  	_ =	task [dreg:s6], $0x5FFFF  }
0xac: {  	[dreg:$0x1] =	wrdreg $0xFFFFFFFF  }
0xad: {  	[dreg:$0x0] =	wrdreg $0x60  }
0xae: {  	[dreg:$0x2] =	wrdreg s24  }
0xaf: {  	[dreg:$0x3] =	wrdreg $0x8D800  }
0xb0: {  	[dreg:$0x4] =	wrdreg $0x9  }
0xb1: {  	_ =	task.clear_ibuf [dreg:s6], $0x5FFFF;
	_ =	strace $0x90000046  }
0xb2: {  	s29 =	simm.s32 $0x9;
	_ =	strace $0x80000048  }
0xb3: {  	_ =	swait.ge [sflag:s29], $0x1  }
0xb4: {  	[sflag:s29] =	ssyncadd.s32 $0xFFFFFFFF  }
0xb5: {  	_ =	strace $0x90000048  }
0xb6: {  	_ =	sfence  }
0xb7: {  	s30 =	sld [smem:$0x0];
	_ =	sdelay $0x2  }
0xb8: {  	s31 =	sshll.u32 s1, $0xD;
	s1 =	sshrl.u32 s1, $0x2  }
0xb9: {  	s3 =	sand.u32 $0x4000, s31;
	s1 =	sadd.s32 s1, s30  }
0xba: {  	s0 =	sor.u32 s3, s0;
	s1 =	sshll.u32 s1, $0x11  }
0xbb: {  	s0 =	sor.u32 s1, s0  }
0xbc: {  	s0 =	sadd.s32 $0x8F2B, s0  }
0xbd: {  	[sflag:s0] =	ssyncadd.remote.s32 $0x1  }
0xbe: {  	_ =	sfence.sel $0xFFFF  }
0xbf: {  	[dreg:$0x0] =	wrdreg $0xFFFFFFFF;
	(pc) =	sbr.abs _section_cstart, $3  }
0xc0: {  	[dreg:$0x1] =	wrdreg $0xFFFFFFFF  }
0xc1: {  	_ =	task.clear_ibuf [dreg:s6], $0x2FFFF;
	_ =	strace $0x9FFFFFFF  }
0xc2: {  	(tm) =	ssettm $0x7FFFFFFF  }
0xc3: {  	_ =	shalt  }
tec
execute0_lowered:
.L_overlay_start_1:
0x0: {  	(tag) =	ssettag $0x1  }
0x1: {  	s0 =	rddreg [dreg:$0x0]  }
0x2: {  	s1 =	rddreg [dreg:$0x1];
	s2 =	srdreg.scid  }
0x3: {  	s3 =	stileid.u32;
	s15 =	simm.s32 $0x3;
	s17 =	simm.s32 $0x80  }
0x4: {  	s18 =	simm.s32 $0x4000;
	s19 =	simm.s32 $0x6000;
	s12 =	smul.u32 $0x14400, s3  }
0x5: {  	s20 =	simm.s32 $0x1;
	s21 =	simm.s32 $0x2;
	s7 =	smul.u32 $0x6A, s3  }
0x6: {  	s5 =	sand.u32 $0x1, s2;
	s2 =	simm.s32 $0x0;
	s8 =	smul.u32 $0x61, s3  }
0x7: {  	s4 =	sadd.s32 $0x1E400, s0;
	s9 =	sadd.s32 $0x11600, s0;
	s14 =	smul.u32 $0x51000, s3  }
0x8: {  	s10 =	sadd.s32 $0x4800, s0;
	s6 =	smul.u32 $0x144000, s5;
	[smem:$0x7FF] =	sst s2  }
0x9: {  	p0 =	seq.s32 s5, $0x0;
	s5 =	ssub.s32 $0x2, s5;
	_ =	strace $0x80000047  }
0xa: {  	s7 =	sadd.s32 $0x610, s7;
	s30 =	sshrl.u32 s5, $0x1;
	s31 =	sshrl.u32 s14, $0x2  }
0xb: {  	s16 =	sadd.s32 s12, s1;
	s14 =	simm.s32 $0x8000;
	s6 =	sadd.s32 s12, s6  }
0xc: {  	s7 =	smov.u32 @p0 s8;
	s13 =	ssub.s32 s5, s30;
	s5 =	sadd.s32 $0x144000, s1  }
0xd: {  	s24 =	sshrl.u32 s16, $0x3;
	s6 =	sshrl.u32 s6, $0x3;
	s8 =	sshll.u32 s7, $0x4  }
0xe: {  	s7 =	simm.s32 $0x21;
	s12 =	smax.u32 s13, $0x1;
	s13 =	sadd.s32 s31, s1  }
0xf: {  	s0 =	sadd.s32 s6, s0;
	s6 =	sadd.s32 s9, s8;
	s11 =	sadd.s32 $0x400, s8  }
0x10: {  	s8 =	sadd.s32 s10, s8;
	s7 =	simm.s32 @!p0 $0x2A;
	p0 =	sne.s32 s3, $0x0  }
0x11: {  	v0 =	vimm.f32 $0.0e+00;
	s9 =	sadd.s32 s9, s11;
	s10 =	sadd.s32 s10, s11;
	s11 =	sadd.s32 $0x46C00, s0  }
.LBB2_1:
0x12: {  	s0 =	simm.s32 $0x0  }
.LBB2_2:
0x13: {  	p1 =	sne.s32 s0, $0x3500  }
.Ltmp0:
0x14: {  	s16 =	sshra.s32 s0, $0x2;
	(pc) =	sbr.rel @p1 .LBB2_2-.Ltmp0, $4  }
0x15: {  	[tilespmem:s16+$0x8000] =	vst v0  }
0x16: {  	[tilespmem:s16+$0x8010] =	vst v0  }
0x17: {  	[tilespmem:s16+$0x8020] =	vst v0  }
0x18: {  	s0 =	sadd.s32 $0x100, s0;
	[tilespmem:s16+$0x8030] =	vst v0  }
0x19: {  	s0 =	sadd.s32 $0x0, s13  }
0x1a: {  	[spmem:s0] =	stream.linear.scatter [tilespmem:s14], [sflag:$0x3], $0xD80, $0x38;
	[tilespmem:$0x1D1A0] =	vst v63  }
0x1b: {  	s0 =	simm.s32 $0x3600;
	_ =	swait.ge [sflag:s15], $0xD80  }
.LBB2_4:
0x1c: {  	s16 =	sshra.s32 s0, $0x2;
	[sflag:s15] =	ssyncset.done $0x0;
	p1 =	sne.s32 s0, $0x4DA00  }
.Ltmp1:
0x1d: {  	s16 =	sadd.s32 s16, s13;
	[sflag:s15] =	ssyncadd.s32 $0xFFFFF280;
	(pc) =	sbr.rel @p1 .LBB2_4-.Ltmp1, $3  }
0x1e: {  	[spmem:s16] =	stream.linear.scatter [tilespmem:s14], [sflag:$0x3], $0xD80, $0x38;
	[tilespmem:$0x1D1A0] =	vst v63  }
0x1f: {  	s0 =	sadd.s32 $0x3600, s0;
	_ =	sdelay $0x1  }
0x20: {  	_ =	swait.ge [sflag:s15], $0xD80  }
0x21: {  	[sflag:s15] =	ssyncset.done $0x0  }
0x22: {  	s0 =	simm.s32 @!p0 $0x8000;
	[sflag:s15] =	ssyncadd.s32 $0xFFFFF280  }
0x23: {  	[spmem:s5] =	stream.linear.scatter @!p0 [tilespmem:s0], [sflag:$0x3], $0x200, $0x38;
	[tilespmem:$0x1D1A0] =	vst v63  }
0x24: {  	s0 =	simm.s32 @!p0 $0x3  }
0x25: {  	_ =	swait.ge @!p0 [sflag:s0], $0x200  }
0x26: {  	[sflag:s0] =	ssyncset.done @!p0 $0x0  }
0x27: {  	[sflag:s0] =	ssyncadd.s32 @!p0 $0xFFFFFE00  }
0x28: {  	s28 =	simm.s32 $0x0;
	[bflag:$0x0] =	sbarrier.arrive $0xFFFF  }
0x29: {  	[tilespmem:s28], [sflag:$0x3] =	stream.linear.gather [hbm4b:s6+s28], $0x2000, $0x38;
	[tilespmem:$0x1D1A0] =	vst v63  }
0x2a: {  	_ =	swait.ge [sflag:s15], $0x2000  }
0x2b: {  	[sflag:s15] =	ssyncset.done $0x0  }
0x2c: {  	s3 =	simm.s32 $0x2000;
	[sflag:s15] =	ssyncadd.s32 $0xFFFFE000  }
0x2d: {  	[tilespmem:s3], [sflag:$0x3] =	stream.linear.gather [hbm4b:s8+s28], $0x2000, $0x38;
	[tilespmem:$0x1D1A0] =	vst v63  }
0x2e: {  	_ =	swait.ge [sflag:s15], $0x2000  }
0x2f: {  	[sflag:s15] =	ssyncset.done $0x0  }
0x30: {  	[sflag:s15] =	ssyncadd.s32 $0xFFFFE000  }
0x31: {  	[tilespmem:s18], [sflag:$0x1] =	stream.indirect.gather [hbm4b:s4+s17], $0x40, s28, s17, $0xb8;
	[tilespmem:$0x1D1A0] =	vst v63  }
0x32: {  	_ = 	snop  }
0x33: {  	[tilespmem:s19], [sflag:$0x2] =	stream.indirect.gather [hbm4b:s4+s17], $0x40, s17, s17, $0xb8;
	[tilespmem:$0x1D1A0] =	vst v63  }
0x34: {  	_ =	swait.ge [sflag:s20], $0x2000  }
0x35: {  	[sflag:s20] =	ssyncset.done $0x0  }
0x36: {  	s29 =	simm.s32 $0x2000;
	[sflag:s20] =	ssyncadd.s32 $0xFFFFE000  }
0x37: {  	[spmem:s1] =	stream.indirect.scatter.add.f32 [tilespmem:s18], [sflag:$0x3], $0x40, s29, s17, $0xb8;
	[tilespmem:$0x1D1A0] =	vst v63  }
0x38: {  	_ =	swait.ge [sflag:s15], $0x2000  }
0x39: {  	[sflag:s15] =	ssyncset.done $0x0  }
0x3a: {  	s30 =	simm.s32 $0x100;
	[sflag:s15] =	ssyncadd.s32 $0xFFFFE000  }
0x3b: {  	[tilespmem:s18], [sflag:$0x1] =	stream.indirect.gather [hbm4b:s4+s17], $0x40, s30, s17, $0xb8;
	[tilespmem:$0x1D1A0] =	vst v63  }
0x3c: {  	_ =	swait.ge [sflag:s21], $0x2000  }
0x3d: {  	[sflag:s21] =	ssyncset.done $0x0  }
0x3e: {  	s31 =	simm.s32 $0x2080;
	[sflag:s21] =	ssyncadd.s32 $0xFFFFE000  }
0x3f: {  	[spmem:s1] =	stream.indirect.scatter.add.f32 [tilespmem:s19], [sflag:$0x3], $0x40, s31, s17, $0xb8;
	[tilespmem:$0x1D1A0] =	vst v63  }
0x40: {  	_ =	swait.ge [sflag:s15], $0x2000  }
0x41: {  	[sflag:s15] =	ssyncset.done $0x0  }
0x42: {  	s25 =	simm.s32 $0x400;
	s0 =	simm.s32 $0x180;
	[sflag:s15] =	ssyncadd.s32 $0xFFFFE000  }
.LBB2_6:
0x43: {  	[tilespmem:s19], [sflag:$0x2] =	stream.indirect.gather [hbm4b:s4+s17], $0x40, s0, s17, $0xb8;
	[tilespmem:$0x1D1A0] =	vst v63  }
0x44: {  	s0 =	smov.u32 s25  }
0x45: {  	p1 =	sne.s32 s25, $0x7800;
	s25 =	sadd.s32 $0x400, s25;
	_ =	swait.ge [sflag:s20], $0x2000  }
0x46: {  	s0 =	sshra.s32 s0, $0x2;
	[sflag:s20] =	ssyncset.done $0x0  }
0x47: {  	s16 =	sadd.s32 $0x2000, s0;
	[sflag:s20] =	ssyncadd.s32 $0xFFFFE000  }
0x48: {  	[spmem:s1] =	stream.indirect.scatter.add.f32 [tilespmem:s18], [sflag:$0x3], $0x40, s16, s17, $0xb8;
	[tilespmem:$0x1D1A0] =	vst v63  }
0x49: {  	_ =	swait.ge [sflag:s15], $0x2000  }
0x4a: {  	[sflag:s15] =	ssyncset.done $0x0  }
0x4b: {  	s16 =	sadd.s32 $0x100, s0;
	[sflag:s15] =	ssyncadd.s32 $0xFFFFE000  }
0x4c: {  	[tilespmem:s18], [sflag:$0x1] =	stream.indirect.gather [hbm4b:s4+s17], $0x40, s16, s17, $0xb8;
	[tilespmem:$0x1D1A0] =	vst v63  }
0x4d: {  	_ =	swait.ge [sflag:s21], $0x2000  }
0x4e: {  	[sflag:s21] =	ssyncset.done $0x0  }
.Ltmp2:
0x4f: {  	s16 =	sadd.s32 $0x2080, s0;
	[sflag:s21] =	ssyncadd.s32 $0xFFFFE000;
	(pc) =	sbr.rel @p1 .LBB2_6-.Ltmp2, $4  }
0x50: {  	[spmem:s1] =	stream.indirect.scatter.add.f32 [tilespmem:s19], [sflag:$0x3], $0x40, s16, s17, $0xb8;
	[tilespmem:$0x1D1A0] =	vst v63  }
0x51: {  	_ =	swait.ge [sflag:s15], $0x2000  }
0x52: {  	[sflag:s15] =	ssyncset.done $0x0  }
0x53: {  	s0 =	sadd.s32 $0x180, s0;
	[sflag:s15] =	ssyncadd.s32 $0xFFFFE000  }
0x54: {  	[tilespmem:s19], [sflag:$0x2] =	stream.indirect.gather [hbm4b:s4+s17], $0x40, s0, s17, $0xb8;
	[tilespmem:$0x1D1A0] =	vst v63  }
0x55: {  	_ =	swait.ge [sflag:s20], $0x2000  }
0x56: {  	[sflag:s20] =	ssyncset.done $0x0  }
0x57: {  	s23 =	simm.s32 $0x3F00;
	[sflag:s20] =	ssyncadd.s32 $0xFFFFE000  }
0x58: {  	[spmem:s1] =	stream.indirect.scatter.add.f32 [tilespmem:s18], [sflag:$0x3], $0x40, s23, s17, $0xb8;
	[tilespmem:$0x1D1A0] =	vst v63  }
0x59: {  	_ =	swait.ge [sflag:s15], $0x2000  }
0x5a: {  	[sflag:s15] =	ssyncset.done $0x0  }
0x5b: {  	[sflag:s15] =	ssyncadd.s32 $0xFFFFE000  }
0x5c: {  	_ =	swait.ge [sflag:s21], $0x2000  }
0x5d: {  	[sflag:s21] =	ssyncset.done $0x0  }
0x5e: {  	s25 =	simm.s32 $0x3F80;
	[sflag:s21] =	ssyncadd.s32 $0xFFFFE000  }
0x5f: {  	[spmem:s1] =	stream.indirect.scatter.add.f32 [tilespmem:s19], [sflag:$0x3], $0x40, s25, s17, $0xb8;
	[tilespmem:$0x1D1A0] =	vst v63  }
0x60: {  	_ =	swait.ge [sflag:s15], $0x2000  }
0x61: {  	[sflag:s15] =	ssyncset.done $0x0  }
0x62: {  	s26 =	simm.s32 $0x0;
	[sflag:s15] =	ssyncadd.s32 $0xFFFFE000  }
0x63: {  	[tilespmem:s26], [sflag:$0x3] =	stream.linear.gather [hbm4b:s9+s26], $0x2000, $0x38;
	[tilespmem:$0x1D1A0] =	vst v63  }
0x64: {  	_ =	swait.ge [sflag:s15], $0x2000  }
0x65: {  	[sflag:s15] =	ssyncset.done $0x0  }
0x66: {  	s16 =	simm.s32 $0x2000;
	[sflag:s15] =	ssyncadd.s32 $0xFFFFE000  }
0x67: {  	[tilespmem:s16], [sflag:$0x3] =	stream.linear.gather [hbm4b:s10+s26], $0x2000, $0x38;
	[tilespmem:$0x1D1A0] =	vst v63  }
0x68: {  	_ =	swait.ge [sflag:s15], $0x2000  }
0x69: {  	[sflag:s15] =	ssyncset.done $0x0  }
0x6a: {  	p1 =	sle.u32 s7, $0x0;
	[sflag:s15] =	ssyncadd.s32 $0xFFFFE000  }
0x6b: {  	[tilespmem:s18], [sflag:$0x1] =	stream.indirect.gather [hbm4b:s4+s17], $0x40, s26, s17, $0xb8;
	[tilespmem:$0x1D1A0] =	vst v63  }
0x6c: {  	s0 =	simm.s32 @!p1 $0x1;
	p1 =	por p1, p1  }
0x6d: {  	[tilespmem:s19], [sflag:$0x2] =	stream.indirect.gather [hbm4b:s4+s17], $0x40, s17, s17, $0xb8;
	[tilespmem:$0x1D1A0] =	vst v63  }
0x6e: {  	_ =	swait.ge @!p1 [sflag:s0], $0x2000  }
0x6f: {  	s25 =	simm.s32 @!p1 $0x80;
	[sflag:s0] =	ssyncset.done @!p1 $0x0  }
0x70: {  	s26 =	simm.s32 @!p1 $0x4000;
	[sflag:s0] =	ssyncadd.s32 @!p1 $0xFFFFE000;
	s0 =	simm.s32 @!p1 $0x3  }
0x71: {  	[spmem:s1] =	stream.indirect.scatter.add.f32 @!p1 [tilespmem:s26], [sflag:$0x3], $0x40, s16, s25, $0xb8;
	[tilespmem:$0x1D1A0] =	vst v63  }
0x72: {  	s31 =	simm.s32 $0x100;
	p3 =	sle.u32 s7, $0x2;
	_ =	swait.ge @!p1 [sflag:s0], $0x2000  }
0x73: {  	p2 =	sle.u32 s7, $0x1;
	s16 =	simm.s32 @!p3 $0x80;
	[sflag:s0] =	ssyncset.done @!p1 $0x0  }
0x74: {  	s25 =	simm.s32 @!p3 $0x4000;
	s26 =	simm.s32 @!p2 $0x2;
	[sflag:s0] =	ssyncadd.s32 @!p1 $0xFFFFE000  }
0x75: {  	[tilespmem:s25], [sflag:$0x1] =	stream.indirect.gather @!p3 [hbm4b:s4+s16], $0x40, s31, s16, $0xb8;
	[tilespmem:$0x1D1A0] =	vst v63  }
0x76: {  	s30 =	simm.s32 $0x4;
	s29 =	simm.s32 $0x4;
	_ =	swait.ge @!p2 [sflag:s26], $0x2000  }
0x77: {  	s28 =	simm.s32 @!p2 $0x80;
	p1 =	sle.u32 s7, $0x2;
	[sflag:s26] =	ssyncset.done @!p2 $0x0  }
0x78: {  	s16 =	simm.s32 @!p2 $0x6000;
	[sflag:s26] =	ssyncadd.s32 @!p2 $0xFFFFE000;
	s26 =	simm.s32 @!p2 $0x2080  }
0x79: {  	[spmem:s1] =	stream.indirect.scatter.add.f32 @!p2 [tilespmem:s16], [sflag:$0x3], $0x40, s26, s28, $0xb8;
	[tilespmem:$0x1D1A0] =	vst v63  }
0x7a: {  	s0 =	simm.s32 @!p2 $0x3;
	s25 =	simm.s32 $0x2;
	s26 =	simm.s32 $0x200  }
0x7b: {  	s16 =	simm.s32 $0x3;
	s28 =	simm.s32 $0x2100;
	_ =	swait.ge @!p2 [sflag:s0], $0x2000  }
.LBB2_8:
0x7c: {  	s22 =	simm.s32 @!p1 $0x1;
	[sflag:s0] =	ssyncset.done @!p2 $0x0;
	p3 =	sge.u32 s16, s7  }
0x7d: {  	s16 =	smov.u32 s25;
	s25 =	smov.u32 s30;
	p4 =	por p1, p1  }
0x7e: {  	s30 =	sadd.s32 $0x2, s30;
	p1 =	sge.u32 s25, s7;
	s23 =	simm.s32 @!p3 $0x6000  }
0x7f: {  	[sflag:s0] =	ssyncadd.s32 @!p2 $0xFFFFE000;
	s0 =	sadd.s32 @!p3 $0x80, s31;
	s31 =	simm.s32 @!p3 $0x80  }
0x80: {  	[tilespmem:s23], [sflag:$0x2] =	stream.indirect.gather @!p3 [hbm4b:s4+s31], $0x40, s0, s31, $0xb8;
	[tilespmem:$0x1D1A0] =	vst v63  }
0x81: {  	s0 =	simm.s32 @!p4 $0x80;
	s23 =	simm.s32 @!p4 $0x4000;
	_ =	swait.ge @!p4 [sflag:s22], $0x2000  }
0x82: {  	p3 =	sne.s32 s30, $0x40;
	s31 =	sadd.s32 $0x1, s16;
	[sflag:s22] =	ssyncset.done @!p4 $0x0  }
0x83: {  	p5 =	sge.u32 s29, s7;
	[sflag:s22] =	ssyncadd.s32 @!p4 $0xFFFFE000;
	s22 =	simm.s32 @!p4 $0x3  }
0x84: {  	[spmem:s1] =	stream.indirect.scatter.add.f32 @!p4 [tilespmem:s23], [sflag:$0x3], $0x40, s28, s0, $0xb8;
	[tilespmem:$0x1D1A0] =	vst v63  }
0x85: {  	s0 =	simm.s32 @!p5 $0x80;
	s23 =	simm.s32 @!p5 $0x4000;
	_ =	swait.ge @!p4 [sflag:s22], $0x2000  }
0x86: {  	s29 =	smov.u32 s30;
	p2 =	sge.u32 s31, s7;
	[sflag:s22] =	ssyncset.done @!p4 $0x0  }
0x87: {  	s31 =	smov.u32 s26;
	[sflag:s22] =	ssyncadd.s32 @!p4 $0xFFFFE000;
	s22 =	simm.s32 @!p2 $0x2  }
0x88: {  	[tilespmem:s23], [sflag:$0x1] =	stream.indirect.gather @!p5 [hbm4b:s4+s0], $0x40, s26, s0, $0xb8;
	[tilespmem:$0x1D1A0] =	vst v63  }
.Ltmp3:
0x89: {  	s26 =	sadd.s32 $0x100, s26;
	_ =	swait.ge @!p2 [sflag:s22], $0x2000;
	(pc) =	sbr.rel @p3 .LBB2_8-.Ltmp3, $4  }
0x8a: {  	s23 =	simm.s32 @!p2 $0x6000;
	s0 =	simm.s32 @!p2 $0x3;
	[sflag:s22] =	ssyncset.done @!p2 $0x0  }
0x8b: {  	s3 =	simm.s32 @!p2 $0x80;
	[sflag:s22] =	ssyncadd.s32 @!p2 $0xFFFFE000;
	s22 =	sadd.s32 @!p2 $0x80, s28  }
0x8c: {  	[spmem:s1] =	stream.indirect.scatter.add.f32 @!p2 [tilespmem:s23], [sflag:$0x3], $0x40, s22, s3, $0xb8;
	[tilespmem:$0x1D1A0] =	vst v63  }
0x8d: {  	s16 =	sadd.s32 $0x3, s16;
	s28 =	sadd.s32 $0x100, s28;
	_ =	swait.ge @!p2 [sflag:s0], $0x2000  }
0x8e: {  	s3 =	simm.s32 @!p1 $0x1;
	p3 =	sge.u32 s16, s7  }
0x8f: {  	[sflag:s0] =	ssyncset.done @!p2 $0x0;
	p1 =	por p1, p1;
	s16 =	simm.s32 @!p3 $0x6000  }
0x90: {  	[sflag:s0] =	ssyncadd.s32 @!p2 $0xFFFFE000;
	s0 =	sadd.s32 @!p3 $0x80, s31;
	s22 =	simm.s32 @!p3 $0x80  }
0x91: {  	[tilespmem:s16], [sflag:$0x2] =	stream.indirect.gather @!p3 [hbm4b:s4+s22], $0x40, s0, s22, $0xb8;
	[tilespmem:$0x1D1A0] =	vst v63  }
0x92: {  	_ =	swait.ge @!p1 [sflag:s3], $0x2000  }
0x93: {  	s0 =	simm.s32 @!p1 $0x80;
	[sflag:s3] =	ssyncset.done @!p1 $0x0  }
0x94: {  	s16 =	simm.s32 @!p1 $0x4000;
	[sflag:s3] =	ssyncadd.s32 @!p1 $0xFFFFE000;
	s3 =	simm.s32 @!p1 $0x3  }
0x95: {  	[spmem:s1] =	stream.indirect.scatter.add.f32 @!p1 [tilespmem:s16], [sflag:$0x3], $0x40, s28, s0, $0xb8;
	[tilespmem:$0x1D1A0] =	vst v63  }
0x96: {  	s23 =	sadd.s32 $0x1, s25;
	p3 =	sge.u32 s29, s7;
	_ =	swait.ge @!p1 [sflag:s3], $0x2000  }
0x97: {  	p2 =	sge.u32 s23, s7;
	s16 =	simm.s32 @!p3 $0x80;
	[sflag:s3] =	ssyncset.done @!p1 $0x0  }
0x98: {  	s0 =	simm.s32 @!p3 $0x4000;
	[sflag:s3] =	ssyncadd.s32 @!p1 $0xFFFFE000;
	s3 =	simm.s32 @!p2 $0x2  }
0x99: {  	[tilespmem:s0], [sflag:$0x1] =	stream.indirect.gather @!p3 [hbm4b:s4+s16], $0x40, s26, s16, $0xb8;
	[tilespmem:$0x1D1A0] =	vst v63  }
0x9a: {  	_ =	swait.ge @!p2 [sflag:s3], $0x2000  }
0x9b: {  	s0 =	simm.s32 @!p2 $0x6000;
	[sflag:s3] =	ssyncset.done @!p2 $0x0  }
0x9c: {  	s16 =	simm.s32 @!p2 $0x80;
	[sflag:s3] =	ssyncadd.s32 @!p2 $0xFFFFE000;
	s3 =	sadd.s32 @!p2 $0x80, s28  }
0x9d: {  	[spmem:s1] =	stream.indirect.scatter.add.f32 @!p2 [tilespmem:s0], [sflag:$0x3], $0x40, s3, s16, $0xb8;
	[tilespmem:$0x1D1A0] =	vst v63  }
0x9e: {  	s30 =	sadd.s32 $0x3, s25;
	s0 =	simm.s32 @!p2 $0x3  }
0x9f: {  	s2 =	sadd.s32 $0x1, s2;
	p1 =	sge.u32 s30, s7;
	_ =	swait.ge @!p2 [sflag:s0], $0x2000  }
0xa0: {  	s31 =	stileid.u32;
	s3 =	simm.s32 @!p1 $0x6000;
	[sflag:s0] =	ssyncset.done @!p2 $0x0  }
0xa1: {  	s16 =	simm.s32 @!p1 $0x80;
	[sflag:s0] =	ssyncadd.s32 @!p2 $0xFFFFE000;
	s0 =	sadd.s32 @!p1 $0x80, s26  }
0xa2: {  	[tilespmem:s3], [sflag:$0x2] =	stream.indirect.gather @!p1 [hbm4b:s4+s16], $0x40, s0, s16, $0xb8;
	[tilespmem:$0x1D1A0] =	vst v63  }
0xa3: {  	s0 =	sshll.u32 s31, $0x6;
	p1 =	sne.s32 s2, s12  }
.Ltmp4:
0xa4: {  	[bflag:$0x0] =	sbarrier.arrive $0xFFFF;
	s0 =	sor.u32 $0x1C03, s0;
	(pc) =	sbr.rel @p1 .LBB2_1-.Ltmp4, $4  }
0xa5: {  	[hbm:s11], [sflag:s0] =	dma.local [spmem:s24], $0x2880  }
0xa6: {  	_ =	swait.ge [sflag:s15], $0x2880  }
0xa7: {  	[sflag:s15] =	ssyncset.done $0x0  }
0xa8: {  	[sflag:s15] =	ssyncadd.s32 $0xFFFFD780  }
0xa9: {  	_ =	sfence.sel $0x180000  }
0xaa: {  	[bflag:$0x0] =	sbarrier.arrive $0xFFFF  }
0xab: {  	_ =	strace $0x90000047  }
0xac: {  	[bflag:$0x2] =	sbarrier.arrive $0xFFFF  }
0xad: {  	s0 =	rddreg [dreg:$0x2]  }
0xae: {  	s0 =	sadd.s32 @!p0 $0x100000, s0  }
0xaf: {  	[sflag:s0] =	ssyncadd.tile.s32 @!p0 $0x1;
	_ =	shalt  }
.Lfunc_end2:
_tile_overlayer_lowered:
.L_overlay_start_2:
0xb0: {  	(tag) =	ssettag $0x2  }
0xb1: {  	s0 =	rddreg [dreg:$0x0];
	s2 =	stileid.u32  }
0xb2: {  	s1 =	rddreg [dreg:$0x1];
	p0 =	sne.s32 s2, $0x0  }
0xb3: {  	s3 =	rddreg [dreg:$0x2];
	[bflag:$0x3] =	sbarrier.arrive $0xFFFF;
	s2 =	simm.s32 @!p0 $0x1C03  }
0xb4: {  	[timem:s3], [sflag:s2] =	dma.local @!p0 [hbm:s0], s1  }
0xb5: {  	s0 =	simm.s32 @!p0 $0x3  }
0xb6: {  	_ =	swait.ge @!p0 [sflag:s0], s1  }
0xb7: {  	s1 =	ssub.s32 @!p0 $0x0, s1;
	[sflag:s0] =	ssyncset.done @!p0 $0x0  }
0xb8: {  	[sflag:s0] =	ssyncadd.s32 @!p0 s1  }
0xb9: {  	[bflag:$0x3] =	sbarrier.arrive $0xFFFF  }
0xba: {  	_ =	shalt  }

// kernel: kernel.14.cloned.1.call-start
scs
__scs_entry_jumppad:
0x0: {  	(pc) =	sbr.rel $0x88, $3  }
0x1: {  	(tag) =	ssettag $0x0;
	lr =	simm.s32 $0x1  }
0x2: {  	[smem:$0x3F94] =	sst lr;
	_ =	strace $0xD0000000  }
0x3: {  	_ = 	snop  }
0x4: {  	_ = 	snop  }
0x5: {  	_ = 	snop  }
0x6: {  	_ = 	snop  }
0x7: {  	_ = 	snop  }
__scs_overlays_trampoline_lowered:
0x8: {  	[smem:$0x3FA3] =	sst s0  }
0x9: {  	[smem:$0x3FA4] =	sst s1  }
0xa: {  	[smem:$0x3FA5] =	sst s2  }
0xb: {  	[smem:$0x3FA6] =	sst s3  }
0xc: {  	[smem:$0x3FA7] =	sst s4  }
0xd: {  	[smem:$0x3FA8] =	sst s5  }
0xe: {  	[smem:$0x3FA9] =	sst s6  }
0xf: {  	[smem:$0x3FAA] =	sst s7  }
0x10: {  	[smem:$0x3FAB] =	sst s8  }
0x11: {  	[smem:$0x3FAC] =	sst s9;
	s0 =	simm.s32 @!p0 $0x0  }
0x12: {  	s1 =	sld [smem:$0x3F92];
	s0 =	simm.s32 @p0 $0x1  }
0x13: {  	[smem:$0x3FAD] =	sst s0;
	s0 =	simm.s32 @!p1 $0x0  }
0x14: {  	s2 =	sld [smem:$0x3F91];
	s0 =	simm.s32 @p1 $0x1  }
0x15: {  	[smem:$0x3FAE] =	sst s0;
	s0 =	simm.s32 @!p2 $0x0  }
0x16: {  	s3 =	sld [smem:$0x3FDB];
	s0 =	simm.s32 @p2 $0x1  }
0x17: {  	s4 =	simm.s32 $0x1BF5;
	[smem:$0x3FB0] =	sst s0  }
0x18: {  	s0 =	sld [smem:$0x3F93];
	_ =	swait.ge [sflag:s4], $0x0  }
0x19: {  	s7 =	sld [smem:$0x3F94]  }
0x1a: {  	s8 =	sadd.s32 $0xFFFFE003, lr  }
0x1b: {  	s9 =	sadd.s32 $0xFFFFFEF7, lr;
	s5 =	simm.s32 $0xFFFFFFFF;
	p2 =	slt.u32 s8, $0xFFFFF086  }
0x1c: {  	p1 =	slt.u32 s9, $0xF7A;
	s5 =	simm.s32 @!p2 $0x0  }
0x1d: {  	s5 =	simm.s32 @p1 $0x1;
	p0 =	seq.s32 s7, s2  }
0x1e: {  	s7 =	smul.u32 @!p0 $0xF7A, s2;
	p2 =	seq.s32 @!p0 s5, $0x0  }
0x1f: {  	s9 =	smul.u32 $0xF7A, s1;
	s8 =	simm.s32 @!p0 $0x1BF5;
	p2 =	por !p2, p0  }
0x20: {  	[sflag:s8] =	ssyncset.s32 @!p0 $0xFFFFF086;
	s6 =	sadd.s32 @!p0 s3, s7;
	s7 =	simm.s32 @!p0 $0x108  }
0x21: {  	s3 =	sadd.s32 s3, s9;
	s6 =	sadd.s32 @!p0 $0x88, s6;
	s7 =	simm.s32 @p2 $0x1082  }
0x22: {  	[simem:s7], [sflag:s8] =	dma.local @!p0 [hbm:s6], $0xF7A  }
0x23: {  	s9 =	sor.u32 $0xD0000000, s2;
	s6 =	simm.s32 $0x108;
	_ =	swait.ge @!p0 [sflag:s8], $0x0  }
0x24: {  	s3 =	sadd.s32 $0x88, s3;
	s6 =	simm.s32 @!p1 $0x1082;
	[sflag:s4] =	ssyncset.s32 $0xFFFFF086  }
0x25: {  	[simem:s6], [sflag:s4] =	dma.local [hbm:s3], $0xF7A  }
0x26: {  	[smem:$0x3F94] =	sst s1;
	(tag) =	ssettag s2;
	_ =	strace s9  }
0x27: {  	s1 =	sld [smem:$0x3FA4]  }
0x28: {  	s2 =	sld [smem:$0x3FA5]  }
0x29: {  	s4 =	sld [smem:$0x3FA7]  }
0x2a: {  	p0 =	seq.s32 s5, $0x0;
	s5 =	sld [smem:$0x3FA8]  }
0x2b: {  	s6 =	sld [smem:$0x3FA9]  }
0x2c: {  	s7 =	sld [smem:$0x3FAA]  }
0x2d: {  	s3 =	simm.s32 $0x108;
	s8 =	sld [smem:$0x3FAB]  }
0x2e: {  	s3 =	simm.s32 @!p0 $0x1082;
	s9 =	sld [smem:$0x3FAC]  }
0x2f: {  	lr =	sadd.s32 s0, s3;
	s0 =	sld [smem:$0x3FA3]  }
0x30: {  	s3 =	sld [smem:$0x3FA6]  }
0x31: {  	[smem:$0x3FAF] =	sst s10  }
0x32: {  	s10 =	sld [smem:$0x3FAD];
	_ =	sdelay $0x3  }
0x33: {  	p0 =	seq.s32 s10, $0x1;
	s10 =	sld [smem:$0x3FAF];
	_ =	sdelay $0x3  }
0x34: {  	[smem:$0x3FAF] =	sst s10  }
0x35: {  	s10 =	sld [smem:$0x3FAE];
	_ =	sdelay $0x3  }
0x36: {  	p1 =	seq.s32 s10, $0x1;
	s10 =	sld [smem:$0x3FAF];
	_ =	sdelay $0x3  }
0x37: {  	[smem:$0x3FAF] =	sst s10  }
0x38: {  	s10 =	sld [smem:$0x3FB0]  }
0x39: {  	_ = 	snop;
	(pc) =	sbr.ind lr, $3  }
0x3a: {  	_ = 	snop  }
0x3b: {  	_ = 	snop  }
0x3c: {  	p2 =	seq.s32 s10, $0x1;
	s10 =	sld [smem:$0x3FAF]  }
0x3d: {  	_ =	shalt  }
0x3e: {  	_ =	shalt  }
0x3f: {  	_ =	shalt  }
0x40: {  	_ =	shalt  }
0x41: {  	_ =	shalt  }
0x42: {  	_ =	shalt  }
0x43: {  	_ =	shalt  }
0x44: {  	_ =	shalt  }
0x45: {  	_ =	shalt  }
0x46: {  	_ =	shalt  }
0x47: {  	_ =	shalt  }
0x48: {  	_ =	shalt  }
0x49: {  	_ =	shalt  }
0x4a: {  	_ =	shalt  }
0x4b: {  	_ =	shalt  }
0x4c: {  	_ =	shalt  }
0x4d: {  	_ =	shalt  }
0x4e: {  	_ =	shalt  }
0x4f: {  	_ =	shalt  }
0x50: {  	_ =	shalt  }
0x51: {  	_ =	shalt  }
0x52: {  	_ =	shalt  }
0x53: {  	_ =	shalt  }
0x54: {  	_ =	shalt  }
0x55: {  	_ =	shalt  }
0x56: {  	_ =	shalt  }
0x57: {  	_ =	shalt  }
0x58: {  	_ =	shalt  }
0x59: {  	_ =	shalt  }
0x5a: {  	_ =	shalt  }
0x5b: {  	_ =	shalt  }
0x5c: {  	_ =	shalt  }
0x5d: {  	_ =	shalt  }
0x5e: {  	_ =	shalt  }
0x5f: {  	_ =	shalt  }
0x60: {  	_ =	shalt  }
0x61: {  	_ =	shalt  }
0x62: {  	_ =	shalt  }
0x63: {  	_ =	shalt  }
0x64: {  	_ =	shalt  }
0x65: {  	_ =	shalt  }
0x66: {  	_ =	shalt  }
0x67: {  	_ =	shalt  }
0x68: {  	_ =	shalt  }
0x69: {  	_ =	shalt  }
0x6a: {  	_ =	shalt  }
0x6b: {  	_ =	shalt  }
0x6c: {  	_ =	shalt  }
0x6d: {  	_ =	shalt  }
0x6e: {  	_ =	shalt  }
0x6f: {  	_ =	shalt  }
0x70: {  	_ =	shalt  }
0x71: {  	_ =	shalt  }
0x72: {  	_ =	shalt  }
0x73: {  	_ =	shalt  }
0x74: {  	_ =	shalt  }
0x75: {  	_ =	shalt  }
0x76: {  	_ =	shalt  }
0x77: {  	_ =	shalt  }
0x78: {  	_ =	shalt  }
0x79: {  	_ =	shalt  }
0x7a: {  	_ =	shalt  }
0x7b: {  	_ =	shalt  }
0x7c: {  	_ =	shalt  }
0x7d: {  	_ =	shalt  }
0x7e: {  	_ =	shalt  }
0x7f: {  	_ =	shalt  }
0x80: {  	_ =	shalt  }
0x81: {  	_ =	shalt  }
0x82: {  	_ =	shalt  }
0x83: {  	_ =	shalt  }
0x84: {  	_ =	shalt  }
0x85: {  	_ =	shalt  }
0x86: {  	_ =	shalt  }
0x87: {  	_ =	shalt  }
.Lfunc_end0:
.L_simem_size_0:
called_computation.1_lowered:
.L_overlay_start_0:
0x88: {  	s2 =	sld [smem:$0x3FD9]  }
0x89: {  	s3 =	sld [smem:$0x3FFE];
	_ =	sdelay $0x1  }
0x8a: {  	s1 =	srdreg.scid  }
0x8b: {  	s0 =	sand.u32 $0x1, s1  }
0x8c: {  	s16 =	sshll.u32 s0, $0xA;
	s2 =	sadd.s32 s3, s2  }
0x8d: {  	s2 =	sadd.s32 s2, s16  }
0x8e: {  	[smem:$0x3FBB] =	sst s2  }
0x8f: {  	_ = 	snop  }
0x90: {  	(tm) =	ssettm $0x1  }
0x91: {  	s17 =	sld [smem:$0x3FFB];
	_ =	sdelay $0x3  }
0x92: {  	_ =	strace s17  }
0x93: {  	s2 =	sld [smem:$0x3FFC];
	_ =	sdelay $0x3  }
0x94: {  	_ =	strace s2  }
0x95: {  	s2 =	sld [smem:$0x3FFD];
	_ =	sdelay $0x3  }
0x96: {  	_ =	strace s2  }
0x97: {  	_ =	strace $0x8FFFFFFF  }
0x98: {  	s18 =	sld [smem:$0x3FDB];
	_ =	sdelay $0x1  }
0x99: {  	s19 =	simm.s32 $_scs_section_size  }
0x9a: {  	s4 =	simm.s32 $_size__tile_overlayer_lowered;
	s5 =	simm.s32 $_tile_overlayer_lowered  }
0x9b: {  	s22 =	simm.s32 $0x1BFF;
	s21 =	sshll.u32 s5, $0x1;
	s2 =	sadd.s32 s19, s18  }
0x9c: {  	s6 =	simm.s32 $0x0;
	s20 =	sshll.u32 s4, $0x1;
	s4 =	sadd.s32 s21, s2  }
0x9d: {  	[timem:s6], [sflag:s22] =	dma.local [hbm:s4], s20  }
0x9e: {  	_ =	swait.ge [sflag:s22], s20  }
0x9f: {  	s3 =	ssub.s32 $0x0, s20;
	[sflag:s22] =	ssyncset.done $0x0  }
0xa0: {  	[sflag:s22] =	ssyncadd.s32 s3;
	_ =	sdelay $0x1  }
0xa1: {  	s23 =	simm.s32 $0x1B8B  }
0xa2: {  	_ =	swait.ge [sflag:s23], $0x1  }
0xa3: {  	[sflag:s23] =	ssyncset.done $0x0  }
0xa4: {  	s25 =	simm.s32 $0x1B8E;
	s24 =	sld [smem:$0x3FFE];
	[sflag:s23] =	ssyncadd.s32 $0xFFFFFFFF  }
0xa5: {  	s26 =	simm.s32 $execute0_lowered;
	[smem:$0x3FD2] =	sst s25  }
0xa6: {  	s4 =	sshll.u32 s26, $0x1;
	_ =	strace $0x80000049;
	[dreg:$0x1] =	wrdreg $0xFFFFFFFF  }
0xa7: {  	s28 =	simm.s32 $_size_execute0_lowered;
	s2 =	sadd.s32 s2, s4;
	[dreg:$0x0] =	wrdreg $0x0  }
0xa8: {  	s4 =	sshll.u32 s28, $0x1;
	[dreg:$0x2] =	wrdreg s2  }
0xa9: {  	[dreg:$0x3] =	wrdreg s4  }
0xaa: {  	[dreg:$0x4] =	wrdreg $0xC0  }
0xab: {  	_ =	task [dreg:s6], $0x5FFFF  }
0xac: {  	[dreg:$0x1] =	wrdreg $0xFFFFFFFF  }
0xad: {  	[dreg:$0x0] =	wrdreg $0x60  }
0xae: {  	[dreg:$0x2] =	wrdreg s24  }
0xaf: {  	[dreg:$0x3] =	wrdreg $0x8D800  }
0xb0: {  	[dreg:$0x4] =	wrdreg $0x9  }
0xb1: {  	_ =	task.clear_ibuf [dreg:s6], $0x5FFFF;
	_ =	strace $0x90000049  }
0xb2: {  	s29 =	simm.s32 $0x9;
	_ =	strace $0x8000004B  }
0xb3: {  	_ =	swait.ge [sflag:s29], $0x1  }
0xb4: {  	[sflag:s29] =	ssyncadd.s32 $0xFFFFFFFF  }
0xb5: {  	_ =	strace $0x9000004B  }
0xb6: {  	_ =	sfence  }
0xb7: {  	s30 =	sld [smem:$0x0];
	_ =	sdelay $0x2  }
0xb8: {  	s31 =	sshll.u32 s1, $0xD;
	s1 =	sshrl.u32 s1, $0x2  }
0xb9: {  	s3 =	sand.u32 $0x4000, s31;
	s1 =	sadd.s32 s1, s30  }
0xba: {  	s0 =	sor.u32 s3, s0;
	s1 =	sshll.u32 s1, $0x11  }
0xbb: {  	s0 =	sor.u32 s1, s0  }
0xbc: {  	s0 =	sadd.s32 $0x8F2B, s0  }
0xbd: {  	[sflag:s0] =	ssyncadd.remote.s32 $0x1  }
0xbe: {  	_ =	sfence.sel $0xFFFF  }
0xbf: {  	[dreg:$0x0] =	wrdreg $0xFFFFFFFF;
	(pc) =	sbr.abs _section_cstart, $3  }
0xc0: {  	[dreg:$0x1] =	wrdreg $0xFFFFFFFF  }
0xc1: {  	_ =	task.clear_ibuf [dreg:s6], $0x2FFFF;
	_ =	strace $0x9FFFFFFF  }
0xc2: {  	(tm) =	ssettm $0x7FFFFFFF  }
0xc3: {  	_ =	shalt  }
tec
execute0_lowered:
.L_overlay_start_1:
0x0: {  	(tag) =	ssettag $0x1  }
0x1: {  	s0 =	rddreg [dreg:$0x0]  }
0x2: {  	s1 =	rddreg [dreg:$0x1];
	s2 =	srdreg.scid  }
0x3: {  	s3 =	stileid.u32;
	s15 =	simm.s32 $0x3;
	s17 =	simm.s32 $0x80  }
0x4: {  	s18 =	simm.s32 $0x4000;
	s19 =	simm.s32 $0x6000;
	s12 =	smul.u32 $0x14400, s3  }
0x5: {  	s20 =	simm.s32 $0x1;
	s21 =	simm.s32 $0x2;
	s7 =	smul.u32 $0x6A, s3  }
0x6: {  	s5 =	sand.u32 $0x1, s2;
	s2 =	simm.s32 $0x0;
	s8 =	smul.u32 $0x61, s3  }
0x7: {  	s4 =	sadd.s32 $0x1E400, s0;
	s9 =	sadd.s32 $0x11600, s0;
	s14 =	smul.u32 $0x51000, s3  }
0x8: {  	s10 =	sadd.s32 $0x4800, s0;
	s6 =	smul.u32 $0x144000, s5;
	[smem:$0x7FF] =	sst s2  }
0x9: {  	p0 =	seq.s32 s5, $0x0;
	s5 =	ssub.s32 $0x2, s5;
	_ =	strace $0x8000004A  }
0xa: {  	s7 =	sadd.s32 $0x610, s7;
	s30 =	sshrl.u32 s5, $0x1;
	s31 =	sshrl.u32 s14, $0x2  }
0xb: {  	s16 =	sadd.s32 s12, s1;
	s14 =	simm.s32 $0x8000;
	s6 =	sadd.s32 s12, s6  }
0xc: {  	s7 =	smov.u32 @p0 s8;
	s13 =	ssub.s32 s5, s30;
	s5 =	sadd.s32 $0x144000, s1  }
0xd: {  	s24 =	sshrl.u32 s16, $0x3;
	s6 =	sshrl.u32 s6, $0x3;
	s8 =	sshll.u32 s7, $0x4  }
0xe: {  	s7 =	simm.s32 $0x21;
	s12 =	smax.u32 s13, $0x1;
	s13 =	sadd.s32 s31, s1  }
0xf: {  	s0 =	sadd.s32 s6, s0;
	s6 =	sadd.s32 s9, s8;
	s11 =	sadd.s32 $0x400, s8  }
0x10: {  	s8 =	sadd.s32 s10, s8;
	s7 =	simm.s32 @!p0 $0x2A;
	p0 =	sne.s32 s3, $0x0  }
0x11: {  	v0 =	vimm.f32 $0.0e+00;
	s9 =	sadd.s32 s9, s11;
	s10 =	sadd.s32 s10, s11;
	s11 =	sadd.s32 $0x46C00, s0  }
.LBB2_1:
0x12: {  	s0 =	simm.s32 $0x0  }
.LBB2_2:
0x13: {  	p1 =	sne.s32 s0, $0x3500  }
.Ltmp0:
0x14: {  	s16 =	sshra.s32 s0, $0x2;
	(pc) =	sbr.rel @p1 .LBB2_2-.Ltmp0, $4  }
0x15: {  	[tilespmem:s16+$0x8000] =	vst v0  }
0x16: {  	[tilespmem:s16+$0x8010] =	vst v0  }
0x17: {  	[tilespmem:s16+$0x8020] =	vst v0  }
0x18: {  	s0 =	sadd.s32 $0x100, s0;
	[tilespmem:s16+$0x8030] =	vst v0  }
0x19: {  	s0 =	sadd.s32 $0x0, s13  }
0x1a: {  	[spmem:s0] =	stream.linear.scatter [tilespmem:s14], [sflag:$0x3], $0xD80, $0x38;
	[tilespmem:$0x1D1A0] =	vst v63  }
0x1b: {  	s0 =	simm.s32 $0x3600;
	_ =	swait.ge [sflag:s15], $0xD80  }
.LBB2_4:
0x1c: {  	s16 =	sshra.s32 s0, $0x2;
	[sflag:s15] =	ssyncset.done $0x0;
	p1 =	sne.s32 s0, $0x4DA00  }
.Ltmp1:
0x1d: {  	s16 =	sadd.s32 s16, s13;
	[sflag:s15] =	ssyncadd.s32 $0xFFFFF280;
	(pc) =	sbr.rel @p1 .LBB2_4-.Ltmp1, $3  }
0x1e: {  	[spmem:s16] =	stream.linear.scatter [tilespmem:s14], [sflag:$0x3], $0xD80, $0x38;
	[tilespmem:$0x1D1A0] =	vst v63  }
0x1f: {  	s0 =	sadd.s32 $0x3600, s0;
	_ =	sdelay $0x1  }
0x20: {  	_ =	swait.ge [sflag:s15], $0xD80  }
0x21: {  	[sflag:s15] =	ssyncset.done $0x0  }
0x22: {  	s0 =	simm.s32 @!p0 $0x8000;
	[sflag:s15] =	ssyncadd.s32 $0xFFFFF280  }
0x23: {  	[spmem:s5] =	stream.linear.scatter @!p0 [tilespmem:s0], [sflag:$0x3], $0x200, $0x38;
	[tilespmem:$0x1D1A0] =	vst v63  }
0x24: {  	s0 =	simm.s32 @!p0 $0x3  }
0x25: {  	_ =	swait.ge @!p0 [sflag:s0], $0x200  }
0x26: {  	[sflag:s0] =	ssyncset.done @!p0 $0x0  }
0x27: {  	[sflag:s0] =	ssyncadd.s32 @!p0 $0xFFFFFE00  }
0x28: {  	s28 =	simm.s32 $0x0;
	[bflag:$0x0] =	sbarrier.arrive $0xFFFF  }
0x29: {  	[tilespmem:s28], [sflag:$0x3] =	stream.linear.gather [hbm4b:s6+s28], $0x2000, $0x38;
	[tilespmem:$0x1D1A0] =	vst v63  }
0x2a: {  	_ =	swait.ge [sflag:s15], $0x2000  }
0x2b: {  	[sflag:s15] =	ssyncset.done $0x0  }
0x2c: {  	s3 =	simm.s32 $0x2000;
	[sflag:s15] =	ssyncadd.s32 $0xFFFFE000  }
0x2d: {  	[tilespmem:s3], [sflag:$0x3] =	stream.linear.gather [hbm4b:s8+s28], $0x2000, $0x38;
	[tilespmem:$0x1D1A0] =	vst v63  }
0x2e: {  	_ =	swait.ge [sflag:s15], $0x2000  }
0x2f: {  	[sflag:s15] =	ssyncset.done $0x0  }
0x30: {  	[sflag:s15] =	ssyncadd.s32 $0xFFFFE000  }
0x31: {  	[tilespmem:s18], [sflag:$0x1] =	stream.indirect.gather [hbm4b:s4+s17], $0x40, s28, s17, $0xb8;
	[tilespmem:$0x1D1A0] =	vst v63  }
0x32: {  	_ = 	snop  }
0x33: {  	[tilespmem:s19], [sflag:$0x2] =	stream.indirect.gather [hbm4b:s4+s17], $0x40, s17, s17, $0xb8;
	[tilespmem:$0x1D1A0] =	vst v63  }
0x34: {  	_ =	swait.ge [sflag:s20], $0x2000  }
0x35: {  	[sflag:s20] =	ssyncset.done $0x0  }
0x36: {  	s29 =	simm.s32 $0x2000;
	[sflag:s20] =	ssyncadd.s32 $0xFFFFE000  }
0x37: {  	[spmem:s1] =	stream.indirect.scatter.add.f32 [tilespmem:s18], [sflag:$0x3], $0x40, s29, s17, $0xb8;
	[tilespmem:$0x1D1A0] =	vst v63  }
0x38: {  	_ =	swait.ge [sflag:s15], $0x2000  }
0x39: {  	[sflag:s15] =	ssyncset.done $0x0  }
0x3a: {  	s30 =	simm.s32 $0x100;
	[sflag:s15] =	ssyncadd.s32 $0xFFFFE000  }
0x3b: {  	[tilespmem:s18], [sflag:$0x1] =	stream.indirect.gather [hbm4b:s4+s17], $0x40, s30, s17, $0xb8;
	[tilespmem:$0x1D1A0] =	vst v63  }
0x3c: {  	_ =	swait.ge [sflag:s21], $0x2000  }
0x3d: {  	[sflag:s21] =	ssyncset.done $0x0  }
0x3e: {  	s31 =	simm.s32 $0x2080;
	[sflag:s21] =	ssyncadd.s32 $0xFFFFE000  }
0x3f: {  	[spmem:s1] =	stream.indirect.scatter.add.f32 [tilespmem:s19], [sflag:$0x3], $0x40, s31, s17, $0xb8;
	[tilespmem:$0x1D1A0] =	vst v63  }
0x40: {  	_ =	swait.ge [sflag:s15], $0x2000  }
0x41: {  	[sflag:s15] =	ssyncset.done $0x0  }
0x42: {  	s25 =	simm.s32 $0x400;
	s0 =	simm.s32 $0x180;
	[sflag:s15] =	ssyncadd.s32 $0xFFFFE000  }
.LBB2_6:
0x43: {  	[tilespmem:s19], [sflag:$0x2] =	stream.indirect.gather [hbm4b:s4+s17], $0x40, s0, s17, $0xb8;
	[tilespmem:$0x1D1A0] =	vst v63  }
0x44: {  	s0 =	smov.u32 s25  }
0x45: {  	p1 =	sne.s32 s25, $0x7800;
	s25 =	sadd.s32 $0x400, s25;
	_ =	swait.ge [sflag:s20], $0x2000  }
0x46: {  	s0 =	sshra.s32 s0, $0x2;
	[sflag:s20] =	ssyncset.done $0x0  }
0x47: {  	s16 =	sadd.s32 $0x2000, s0;
	[sflag:s20] =	ssyncadd.s32 $0xFFFFE000  }
0x48: {  	[spmem:s1] =	stream.indirect.scatter.add.f32 [tilespmem:s18], [sflag:$0x3], $0x40, s16, s17, $0xb8;
	[tilespmem:$0x1D1A0] =	vst v63  }
0x49: {  	_ =	swait.ge [sflag:s15], $0x2000  }
0x4a: {  	[sflag:s15] =	ssyncset.done $0x0  }
0x4b: {  	s16 =	sadd.s32 $0x100, s0;
	[sflag:s15] =	ssyncadd.s32 $0xFFFFE000  }
0x4c: {  	[tilespmem:s18], [sflag:$0x1] =	stream.indirect.gather [hbm4b:s4+s17], $0x40, s16, s17, $0xb8;
	[tilespmem:$0x1D1A0] =	vst v63  }
0x4d: {  	_ =	swait.ge [sflag:s21], $0x2000  }
0x4e: {  	[sflag:s21] =	ssyncset.done $0x0  }
.Ltmp2:
0x4f: {  	s16 =	sadd.s32 $0x2080, s0;
	[sflag:s21] =	ssyncadd.s32 $0xFFFFE000;
	(pc) =	sbr.rel @p1 .LBB2_6-.Ltmp2, $4  }
0x50: {  	[spmem:s1] =	stream.indirect.scatter.add.f32 [tilespmem:s19], [sflag:$0x3], $0x40, s16, s17, $0xb8;
	[tilespmem:$0x1D1A0] =	vst v63  }
0x51: {  	_ =	swait.ge [sflag:s15], $0x2000  }
0x52: {  	[sflag:s15] =	ssyncset.done $0x0  }
0x53: {  	s0 =	sadd.s32 $0x180, s0;
	[sflag:s15] =	ssyncadd.s32 $0xFFFFE000  }
0x54: {  	[tilespmem:s19], [sflag:$0x2] =	stream.indirect.gather [hbm4b:s4+s17], $0x40, s0, s17, $0xb8;
	[tilespmem:$0x1D1A0] =	vst v63  }
0x55: {  	_ =	swait.ge [sflag:s20], $0x2000  }
0x56: {  	[sflag:s20] =	ssyncset.done $0x0  }
0x57: {  	s23 =	simm.s32 $0x3F00;
	[sflag:s20] =	ssyncadd.s32 $0xFFFFE000  }
0x58: {  	[spmem:s1] =	stream.indirect.scatter.add.f32 [tilespmem:s18], [sflag:$0x3], $0x40, s23, s17, $0xb8;
	[tilespmem:$0x1D1A0] =	vst v63  }
0x59: {  	_ =	swait.ge [sflag:s15], $0x2000  }
0x5a: {  	[sflag:s15] =	ssyncset.done $0x0  }
0x5b: {  	[sflag:s15] =	ssyncadd.s32 $0xFFFFE000  }
0x5c: {  	_ =	swait.ge [sflag:s21], $0x2000  }
0x5d: {  	[sflag:s21] =	ssyncset.done $0x0  }
0x5e: {  	s25 =	simm.s32 $0x3F80;
	[sflag:s21] =	ssyncadd.s32 $0xFFFFE000  }
0x5f: {  	[spmem:s1] =	stream.indirect.scatter.add.f32 [tilespmem:s19], [sflag:$0x3], $0x40, s25, s17, $0xb8;
	[tilespmem:$0x1D1A0] =	vst v63  }
0x60: {  	_ =	swait.ge [sflag:s15], $0x2000  }
0x61: {  	[sflag:s15] =	ssyncset.done $0x0  }
0x62: {  	s26 =	simm.s32 $0x0;
	[sflag:s15] =	ssyncadd.s32 $0xFFFFE000  }
0x63: {  	[tilespmem:s26], [sflag:$0x3] =	stream.linear.gather [hbm4b:s9+s26], $0x2000, $0x38;
	[tilespmem:$0x1D1A0] =	vst v63  }
0x64: {  	_ =	swait.ge [sflag:s15], $0x2000  }
0x65: {  	[sflag:s15] =	ssyncset.done $0x0  }
0x66: {  	s16 =	simm.s32 $0x2000;
	[sflag:s15] =	ssyncadd.s32 $0xFFFFE000  }
0x67: {  	[tilespmem:s16], [sflag:$0x3] =	stream.linear.gather [hbm4b:s10+s26], $0x2000, $0x38;
	[tilespmem:$0x1D1A0] =	vst v63  }
0x68: {  	_ =	swait.ge [sflag:s15], $0x2000  }
0x69: {  	[sflag:s15] =	ssyncset.done $0x0  }
0x6a: {  	p1 =	sle.u32 s7, $0x0;
	[sflag:s15] =	ssyncadd.s32 $0xFFFFE000  }
0x6b: {  	[tilespmem:s18], [sflag:$0x1] =	stream.indirect.gather [hbm4b:s4+s17], $0x40, s26, s17, $0xb8;
	[tilespmem:$0x1D1A0] =	vst v63  }
0x6c: {  	s0 =	simm.s32 @!p1 $0x1;
	p1 =	por p1, p1  }
0x6d: {  	[tilespmem:s19], [sflag:$0x2] =	stream.indirect.gather [hbm4b:s4+s17], $0x40, s17, s17, $0xb8;
	[tilespmem:$0x1D1A0] =	vst v63  }
0x6e: {  	_ =	swait.ge @!p1 [sflag:s0], $0x2000  }
0x6f: {  	s25 =	simm.s32 @!p1 $0x80;
	[sflag:s0] =	ssyncset.done @!p1 $0x0  }
0x70: {  	s26 =	simm.s32 @!p1 $0x4000;
	[sflag:s0] =	ssyncadd.s32 @!p1 $0xFFFFE000;
	s0 =	simm.s32 @!p1 $0x3  }
0x71: {  	[spmem:s1] =	stream.indirect.scatter.add.f32 @!p1 [tilespmem:s26], [sflag:$0x3], $0x40, s16, s25, $0xb8;
	[tilespmem:$0x1D1A0] =	vst v63  }
0x72: {  	s31 =	simm.s32 $0x100;
	p3 =	sle.u32 s7, $0x2;
	_ =	swait.ge @!p1 [sflag:s0], $0x2000  }
0x73: {  	p2 =	sle.u32 s7, $0x1;
	s16 =	simm.s32 @!p3 $0x80;
	[sflag:s0] =	ssyncset.done @!p1 $0x0  }
0x74: {  	s25 =	simm.s32 @!p3 $0x4000;
	s26 =	simm.s32 @!p2 $0x2;
	[sflag:s0] =	ssyncadd.s32 @!p1 $0xFFFFE000  }
0x75: {  	[tilespmem:s25], [sflag:$0x1] =	stream.indirect.gather @!p3 [hbm4b:s4+s16], $0x40, s31, s16, $0xb8;
	[tilespmem:$0x1D1A0] =	vst v63  }
0x76: {  	s30 =	simm.s32 $0x4;
	s29 =	simm.s32 $0x4;
	_ =	swait.ge @!p2 [sflag:s26], $0x2000  }
0x77: {  	s28 =	simm.s32 @!p2 $0x80;
	p1 =	sle.u32 s7, $0x2;
	[sflag:s26] =	ssyncset.done @!p2 $0x0  }
0x78: {  	s16 =	simm.s32 @!p2 $0x6000;
	[sflag:s26] =	ssyncadd.s32 @!p2 $0xFFFFE000;
	s26 =	simm.s32 @!p2 $0x2080  }
0x79: {  	[spmem:s1] =	stream.indirect.scatter.add.f32 @!p2 [tilespmem:s16], [sflag:$0x3], $0x40, s26, s28, $0xb8;
	[tilespmem:$0x1D1A0] =	vst v63  }
0x7a: {  	s0 =	simm.s32 @!p2 $0x3;
	s25 =	simm.s32 $0x2;
	s26 =	simm.s32 $0x200  }
0x7b: {  	s16 =	simm.s32 $0x3;
	s28 =	simm.s32 $0x2100;
	_ =	swait.ge @!p2 [sflag:s0], $0x2000  }
.LBB2_8:
0x7c: {  	s22 =	simm.s32 @!p1 $0x1;
	[sflag:s0] =	ssyncset.done @!p2 $0x0;
	p3 =	sge.u32 s16, s7  }
0x7d: {  	s16 =	smov.u32 s25;
	s25 =	smov.u32 s30;
	p4 =	por p1, p1  }
0x7e: {  	s30 =	sadd.s32 $0x2, s30;
	p1 =	sge.u32 s25, s7;
	s23 =	simm.s32 @!p3 $0x6000  }
0x7f: {  	[sflag:s0] =	ssyncadd.s32 @!p2 $0xFFFFE000;
	s0 =	sadd.s32 @!p3 $0x80, s31;
	s31 =	simm.s32 @!p3 $0x80  }
0x80: {  	[tilespmem:s23], [sflag:$0x2] =	stream.indirect.gather @!p3 [hbm4b:s4+s31], $0x40, s0, s31, $0xb8;
	[tilespmem:$0x1D1A0] =	vst v63  }
0x81: {  	s0 =	simm.s32 @!p4 $0x80;
	s23 =	simm.s32 @!p4 $0x4000;
	_ =	swait.ge @!p4 [sflag:s22], $0x2000  }
0x82: {  	p3 =	sne.s32 s30, $0x40;
	s31 =	sadd.s32 $0x1, s16;
	[sflag:s22] =	ssyncset.done @!p4 $0x0  }
0x83: {  	p5 =	sge.u32 s29, s7;
	[sflag:s22] =	ssyncadd.s32 @!p4 $0xFFFFE000;
	s22 =	simm.s32 @!p4 $0x3  }
0x84: {  	[spmem:s1] =	stream.indirect.scatter.add.f32 @!p4 [tilespmem:s23], [sflag:$0x3], $0x40, s28, s0, $0xb8;
	[tilespmem:$0x1D1A0] =	vst v63  }
0x85: {  	s0 =	simm.s32 @!p5 $0x80;
	s23 =	simm.s32 @!p5 $0x4000;
	_ =	swait.ge @!p4 [sflag:s22], $0x2000  }
0x86: {  	s29 =	smov.u32 s30;
	p2 =	sge.u32 s31, s7;
	[sflag:s22] =	ssyncset.done @!p4 $0x0  }
0x87: {  	s31 =	smov.u32 s26;
	[sflag:s22] =	ssyncadd.s32 @!p4 $0xFFFFE000;
	s22 =	simm.s32 @!p2 $0x2  }
0x88: {  	[tilespmem:s23], [sflag:$0x1] =	stream.indirect.gather @!p5 [hbm4b:s4+s0], $0x40, s26, s0, $0xb8;
	[tilespmem:$0x1D1A0] =	vst v63  }
.Ltmp3:
0x89: {  	s26 =	sadd.s32 $0x100, s26;
	_ =	swait.ge @!p2 [sflag:s22], $0x2000;
	(pc) =	sbr.rel @p3 .LBB2_8-.Ltmp3, $4  }
0x8a: {  	s23 =	simm.s32 @!p2 $0x6000;
	s0 =	simm.s32 @!p2 $0x3;
	[sflag:s22] =	ssyncset.done @!p2 $0x0  }
0x8b: {  	s3 =	simm.s32 @!p2 $0x80;
	[sflag:s22] =	ssyncadd.s32 @!p2 $0xFFFFE000;
	s22 =	sadd.s32 @!p2 $0x80, s28  }
0x8c: {  	[spmem:s1] =	stream.indirect.scatter.add.f32 @!p2 [tilespmem:s23], [sflag:$0x3], $0x40, s22, s3, $0xb8;
	[tilespmem:$0x1D1A0] =	vst v63  }
0x8d: {  	s16 =	sadd.s32 $0x3, s16;
	s28 =	sadd.s32 $0x100, s28;
	_ =	swait.ge @!p2 [sflag:s0], $0x2000  }
0x8e: {  	s3 =	simm.s32 @!p1 $0x1;
	p3 =	sge.u32 s16, s7  }
0x8f: {  	[sflag:s0] =	ssyncset.done @!p2 $0x0;
	p1 =	por p1, p1;
	s16 =	simm.s32 @!p3 $0x6000  }
0x90: {  	[sflag:s0] =	ssyncadd.s32 @!p2 $0xFFFFE000;
	s0 =	sadd.s32 @!p3 $0x80, s31;
	s22 =	simm.s32 @!p3 $0x80  }
0x91: {  	[tilespmem:s16], [sflag:$0x2] =	stream.indirect.gather @!p3 [hbm4b:s4+s22], $0x40, s0, s22, $0xb8;
	[tilespmem:$0x1D1A0] =	vst v63  }
0x92: {  	_ =	swait.ge @!p1 [sflag:s3], $0x2000  }
0x93: {  	s0 =	simm.s32 @!p1 $0x80;
	[sflag:s3] =	ssyncset.done @!p1 $0x0  }
0x94: {  	s16 =	simm.s32 @!p1 $0x4000;
	[sflag:s3] =	ssyncadd.s32 @!p1 $0xFFFFE000;
	s3 =	simm.s32 @!p1 $0x3  }
0x95: {  	[spmem:s1] =	stream.indirect.scatter.add.f32 @!p1 [tilespmem:s16], [sflag:$0x3], $0x40, s28, s0, $0xb8;
	[tilespmem:$0x1D1A0] =	vst v63  }
0x96: {  	s23 =	sadd.s32 $0x1, s25;
	p3 =	sge.u32 s29, s7;
	_ =	swait.ge @!p1 [sflag:s3], $0x2000  }
0x97: {  	p2 =	sge.u32 s23, s7;
	s16 =	simm.s32 @!p3 $0x80;
	[sflag:s3] =	ssyncset.done @!p1 $0x0  }
0x98: {  	s0 =	simm.s32 @!p3 $0x4000;
	[sflag:s3] =	ssyncadd.s32 @!p1 $0xFFFFE000;
	s3 =	simm.s32 @!p2 $0x2  }
0x99: {  	[tilespmem:s0], [sflag:$0x1] =	stream.indirect.gather @!p3 [hbm4b:s4+s16], $0x40, s26, s16, $0xb8;
	[tilespmem:$0x1D1A0] =	vst v63  }
0x9a: {  	_ =	swait.ge @!p2 [sflag:s3], $0x2000  }
0x9b: {  	s0 =	simm.s32 @!p2 $0x6000;
	[sflag:s3] =	ssyncset.done @!p2 $0x0  }
0x9c: {  	s16 =	simm.s32 @!p2 $0x80;
	[sflag:s3] =	ssyncadd.s32 @!p2 $0xFFFFE000;
	s3 =	sadd.s32 @!p2 $0x80, s28  }
0x9d: {  	[spmem:s1] =	stream.indirect.scatter.add.f32 @!p2 [tilespmem:s0], [sflag:$0x3], $0x40, s3, s16, $0xb8;
	[tilespmem:$0x1D1A0] =	vst v63  }
0x9e: {  	s30 =	sadd.s32 $0x3, s25;
	s0 =	simm.s32 @!p2 $0x3  }
0x9f: {  	s2 =	sadd.s32 $0x1, s2;
	p1 =	sge.u32 s30, s7;
	_ =	swait.ge @!p2 [sflag:s0], $0x2000  }
0xa0: {  	s31 =	stileid.u32;
	s3 =	simm.s32 @!p1 $0x6000;
	[sflag:s0] =	ssyncset.done @!p2 $0x0  }
0xa1: {  	s16 =	simm.s32 @!p1 $0x80;
	[sflag:s0] =	ssyncadd.s32 @!p2 $0xFFFFE000;
	s0 =	sadd.s32 @!p1 $0x80, s26  }
0xa2: {  	[tilespmem:s3], [sflag:$0x2] =	stream.indirect.gather @!p1 [hbm4b:s4+s16], $0x40, s0, s16, $0xb8;
	[tilespmem:$0x1D1A0] =	vst v63  }
0xa3: {  	s0 =	sshll.u32 s31, $0x6;
	p1 =	sne.s32 s2, s12  }
.Ltmp4:
0xa4: {  	[bflag:$0x0] =	sbarrier.arrive $0xFFFF;
	s0 =	sor.u32 $0x1C03, s0;
	(pc) =	sbr.rel @p1 .LBB2_1-.Ltmp4, $4  }
0xa5: {  	[hbm:s11], [sflag:s0] =	dma.local [spmem:s24], $0x2880  }
0xa6: {  	_ =	swait.ge [sflag:s15], $0x2880  }
0xa7: {  	[sflag:s15] =	ssyncset.done $0x0  }
0xa8: {  	[sflag:s15] =	ssyncadd.s32 $0xFFFFD780  }
0xa9: {  	_ =	sfence.sel $0x180000  }
0xaa: {  	[bflag:$0x0] =	sbarrier.arrive $0xFFFF  }
0xab: {  	_ =	strace $0x9000004A  }
0xac: {  	[bflag:$0x2] =	sbarrier.arrive $0xFFFF  }
0xad: {  	s0 =	rddreg [dreg:$0x2]  }
0xae: {  	s0 =	sadd.s32 @!p0 $0x100000, s0  }
0xaf: {  	[sflag:s0] =	ssyncadd.tile.s32 @!p0 $0x1;
	_ =	shalt  }
.Lfunc_end2:
_tile_overlayer_lowered:
.L_overlay_start_2:
0xb0: {  	(tag) =	ssettag $0x2  }
0xb1: {  	s0 =	rddreg [dreg:$0x0];
	s2 =	stileid.u32  }
0xb2: {  	s1 =	rddreg [dreg:$0x1];
	p0 =	sne.s32 s2, $0x0  }
0xb3: {  	s3 =	rddreg [dreg:$0x2];
	[bflag:$0x3] =	sbarrier.arrive $0xFFFF;
	s2 =	simm.s32 @!p0 $0x1C03  }
0xb4: {  	[timem:s3], [sflag:s2] =	dma.local @!p0 [hbm:s0], s1  }
0xb5: {  	s0 =	simm.s32 @!p0 $0x3  }
0xb6: {  	_ =	swait.ge @!p0 [sflag:s0], s1  }
0xb7: {  	s1 =	ssub.s32 @!p0 $0x0, s1;
	[sflag:s0] =	ssyncset.done @!p0 $0x0  }
0xb8: {  	[sflag:s0] =	ssyncadd.s32 @!p0 s1  }
0xb9: {  	[bflag:$0x3] =	sbarrier.arrive $0xFFFF  }
0xba: {  	_ =	shalt  }

// kernel: kernel.17.cloned.1.call-start
scs
__scs_entry_jumppad:
0x0: {  	(pc) =	sbr.rel $0x88, $3  }
0x1: {  	(tag) =	ssettag $0x0;
	lr =	simm.s32 $0x1  }
0x2: {  	[smem:$0x3F94] =	sst lr;
	_ =	strace $0xD0000000  }
0x3: {  	_ = 	snop  }
0x4: {  	_ = 	snop  }
0x5: {  	_ = 	snop  }
0x6: {  	_ = 	snop  }
0x7: {  	_ = 	snop  }
__scs_overlays_trampoline_lowered:
0x8: {  	[smem:$0x3FA3] =	sst s0  }
0x9: {  	[smem:$0x3FA4] =	sst s1  }
0xa: {  	[smem:$0x3FA5] =	sst s2  }
0xb: {  	[smem:$0x3FA6] =	sst s3  }
0xc: {  	[smem:$0x3FA7] =	sst s4  }
0xd: {  	[smem:$0x3FA8] =	sst s5  }
0xe: {  	[smem:$0x3FA9] =	sst s6  }
0xf: {  	[smem:$0x3FAA] =	sst s7  }
0x10: {  	[smem:$0x3FAB] =	sst s8  }
0x11: {  	[smem:$0x3FAC] =	sst s9;
	s0 =	simm.s32 @!p0 $0x0  }
0x12: {  	s1 =	sld [smem:$0x3F92];
	s0 =	simm.s32 @p0 $0x1  }
0x13: {  	[smem:$0x3FAD] =	sst s0;
	s0 =	simm.s32 @!p1 $0x0  }
0x14: {  	s2 =	sld [smem:$0x3F91];
	s0 =	simm.s32 @p1 $0x1  }
0x15: {  	[smem:$0x3FAE] =	sst s0;
	s0 =	simm.s32 @!p2 $0x0  }
0x16: {  	s3 =	sld [smem:$0x3FDB];
	s0 =	simm.s32 @p2 $0x1  }
0x17: {  	s4 =	simm.s32 $0x1BF5;
	[smem:$0x3FB0] =	sst s0  }
0x18: {  	s0 =	sld [smem:$0x3F93];
	_ =	swait.ge [sflag:s4], $0x0  }
0x19: {  	s7 =	sld [smem:$0x3F94]  }
0x1a: {  	s8 =	sadd.s32 $0xFFFFE003, lr  }
0x1b: {  	s9 =	sadd.s32 $0xFFFFFEF7, lr;
	s5 =	simm.s32 $0xFFFFFFFF;
	p2 =	slt.u32 s8, $0xFFFFF086  }
0x1c: {  	p1 =	slt.u32 s9, $0xF7A;
	s5 =	simm.s32 @!p2 $0x0  }
0x1d: {  	s5 =	simm.s32 @p1 $0x1;
	p0 =	seq.s32 s7, s2  }
0x1e: {  	s7 =	smul.u32 @!p0 $0xF7A, s2;
	p2 =	seq.s32 @!p0 s5, $0x0  }
0x1f: {  	s9 =	smul.u32 $0xF7A, s1;
	s8 =	simm.s32 @!p0 $0x1BF5;
	p2 =	por !p2, p0  }
0x20: {  	[sflag:s8] =	ssyncset.s32 @!p0 $0xFFFFF086;
	s6 =	sadd.s32 @!p0 s3, s7;
	s7 =	simm.s32 @!p0 $0x108  }
0x21: {  	s3 =	sadd.s32 s3, s9;
	s6 =	sadd.s32 @!p0 $0x88, s6;
	s7 =	simm.s32 @p2 $0x1082  }
0x22: {  	[simem:s7], [sflag:s8] =	dma.local @!p0 [hbm:s6], $0xF7A  }
0x23: {  	s9 =	sor.u32 $0xD0000000, s2;
	s6 =	simm.s32 $0x108;
	_ =	swait.ge @!p0 [sflag:s8], $0x0  }
0x24: {  	s3 =	sadd.s32 $0x88, s3;
	s6 =	simm.s32 @!p1 $0x1082;
	[sflag:s4] =	ssyncset.s32 $0xFFFFF086  }
0x25: {  	[simem:s6], [sflag:s4] =	dma.local [hbm:s3], $0xF7A  }
0x26: {  	[smem:$0x3F94] =	sst s1;
	(tag) =	ssettag s2;
	_ =	strace s9  }
0x27: {  	s1 =	sld [smem:$0x3FA4]  }
0x28: {  	s2 =	sld [smem:$0x3FA5]  }
0x29: {  	s4 =	sld [smem:$0x3FA7]  }
0x2a: {  	p0 =	seq.s32 s5, $0x0;
	s5 =	sld [smem:$0x3FA8]  }
0x2b: {  	s6 =	sld [smem:$0x3FA9]  }
0x2c: {  	s7 =	sld [smem:$0x3FAA]  }
0x2d: {  	s3 =	simm.s32 $0x108;
	s8 =	sld [smem:$0x3FAB]  }
0x2e: {  	s3 =	simm.s32 @!p0 $0x1082;
	s9 =	sld [smem:$0x3FAC]  }
0x2f: {  	lr =	sadd.s32 s0, s3;
	s0 =	sld [smem:$0x3FA3]  }
0x30: {  	s3 =	sld [smem:$0x3FA6]  }
0x31: {  	[smem:$0x3FAF] =	sst s10  }
0x32: {  	s10 =	sld [smem:$0x3FAD];
	_ =	sdelay $0x3  }
0x33: {  	p0 =	seq.s32 s10, $0x1;
	s10 =	sld [smem:$0x3FAF];
	_ =	sdelay $0x3  }
0x34: {  	[smem:$0x3FAF] =	sst s10  }
0x35: {  	s10 =	sld [smem:$0x3FAE];
	_ =	sdelay $0x3  }
0x36: {  	p1 =	seq.s32 s10, $0x1;
	s10 =	sld [smem:$0x3FAF];
	_ =	sdelay $0x3  }
0x37: {  	[smem:$0x3FAF] =	sst s10  }
0x38: {  	s10 =	sld [smem:$0x3FB0]  }
0x39: {  	_ = 	snop;
	(pc) =	sbr.ind lr, $3  }
0x3a: {  	_ = 	snop  }
0x3b: {  	_ = 	snop  }
0x3c: {  	p2 =	seq.s32 s10, $0x1;
	s10 =	sld [smem:$0x3FAF]  }
0x3d: {  	_ =	shalt  }
0x3e: {  	_ =	shalt  }
0x3f: {  	_ =	shalt  }
0x40: {  	_ =	shalt  }
0x41: {  	_ =	shalt  }
0x42: {  	_ =	shalt  }
0x43: {  	_ =	shalt  }
0x44: {  	_ =	shalt  }
0x45: {  	_ =	shalt  }
0x46: {  	_ =	shalt  }
0x47: {  	_ =	shalt  }
0x48: {  	_ =	shalt  }
0x49: {  	_ =	shalt  }
0x4a: {  	_ =	shalt  }
0x4b: {  	_ =	shalt  }
0x4c: {  	_ =	shalt  }
0x4d: {  	_ =	shalt  }
0x4e: {  	_ =	shalt  }
0x4f: {  	_ =	shalt  }
0x50: {  	_ =	shalt  }
0x51: {  	_ =	shalt  }
0x52: {  	_ =	shalt  }
0x53: {  	_ =	shalt  }
0x54: {  	_ =	shalt  }
0x55: {  	_ =	shalt  }
0x56: {  	_ =	shalt  }
0x57: {  	_ =	shalt  }
0x58: {  	_ =	shalt  }
0x59: {  	_ =	shalt  }
0x5a: {  	_ =	shalt  }
0x5b: {  	_ =	shalt  }
0x5c: {  	_ =	shalt  }
0x5d: {  	_ =	shalt  }
0x5e: {  	_ =	shalt  }
0x5f: {  	_ =	shalt  }
0x60: {  	_ =	shalt  }
0x61: {  	_ =	shalt  }
0x62: {  	_ =	shalt  }
0x63: {  	_ =	shalt  }
0x64: {  	_ =	shalt  }
0x65: {  	_ =	shalt  }
0x66: {  	_ =	shalt  }
0x67: {  	_ =	shalt  }
0x68: {  	_ =	shalt  }
0x69: {  	_ =	shalt  }
0x6a: {  	_ =	shalt  }
0x6b: {  	_ =	shalt  }
0x6c: {  	_ =	shalt  }
0x6d: {  	_ =	shalt  }
0x6e: {  	_ =	shalt  }
0x6f: {  	_ =	shalt  }
0x70: {  	_ =	shalt  }
0x71: {  	_ =	shalt  }
0x72: {  	_ =	shalt  }
0x73: {  	_ =	shalt  }
0x74: {  	_ =	shalt  }
0x75: {  	_ =	shalt  }
0x76: {  	_ =	shalt  }
0x77: {  	_ =	shalt  }
0x78: {  	_ =	shalt  }
0x79: {  	_ =	shalt  }
0x7a: {  	_ =	shalt  }
0x7b: {  	_ =	shalt  }
0x7c: {  	_ =	shalt  }
0x7d: {  	_ =	shalt  }
0x7e: {  	_ =	shalt  }
0x7f: {  	_ =	shalt  }
0x80: {  	_ =	shalt  }
0x81: {  	_ =	shalt  }
0x82: {  	_ =	shalt  }
0x83: {  	_ =	shalt  }
0x84: {  	_ =	shalt  }
0x85: {  	_ =	shalt  }
0x86: {  	_ =	shalt  }
0x87: {  	_ =	shalt  }
.Lfunc_end0:
.L_simem_size_0:
called_computation.2_lowered:
.L_overlay_start_0:
0x88: {  	s2 =	sld [smem:$0x3FD9]  }
0x89: {  	s3 =	sld [smem:$0x3FFE];
	_ =	sdelay $0x1  }
0x8a: {  	s1 =	srdreg.scid  }
0x8b: {  	s0 =	sand.u32 $0x1, s1  }
0x8c: {  	s16 =	sshll.u32 s0, $0xA;
	s2 =	sadd.s32 s3, s2  }
0x8d: {  	s2 =	sadd.s32 s2, s16  }
0x8e: {  	[smem:$0x3FBB] =	sst s2  }
0x8f: {  	_ = 	snop  }
0x90: {  	(tm) =	ssettm $0x1  }
0x91: {  	s17 =	sld [smem:$0x3FFB];
	_ =	sdelay $0x3  }
0x92: {  	_ =	strace s17  }
0x93: {  	s2 =	sld [smem:$0x3FFC];
	_ =	sdelay $0x3  }
0x94: {  	_ =	strace s2  }
0x95: {  	s2 =	sld [smem:$0x3FFD];
	_ =	sdelay $0x3  }
0x96: {  	_ =	strace s2  }
0x97: {  	_ =	strace $0x8FFFFFFF  }
0x98: {  	s18 =	sld [smem:$0x3FDB];
	_ =	sdelay $0x1  }
0x99: {  	s19 =	simm.s32 $_scs_section_size  }
0x9a: {  	s4 =	simm.s32 $_size__tile_overlayer_lowered;
	s5 =	simm.s32 $_tile_overlayer_lowered  }
0x9b: {  	s22 =	simm.s32 $0x1BFF;
	s21 =	sshll.u32 s5, $0x1;
	s2 =	sadd.s32 s19, s18  }
0x9c: {  	s6 =	simm.s32 $0x0;
	s20 =	sshll.u32 s4, $0x1;
	s4 =	sadd.s32 s21, s2  }
0x9d: {  	[timem:s6], [sflag:s22] =	dma.local [hbm:s4], s20  }
0x9e: {  	_ =	swait.ge [sflag:s22], s20  }
0x9f: {  	s3 =	ssub.s32 $0x0, s20;
	[sflag:s22] =	ssyncset.done $0x0  }
0xa0: {  	[sflag:s22] =	ssyncadd.s32 s3;
	_ =	sdelay $0x1  }
0xa1: {  	s23 =	simm.s32 $0x1B8B  }
0xa2: {  	_ =	swait.ge [sflag:s23], $0x1  }
0xa3: {  	[sflag:s23] =	ssyncset.done $0x0  }
0xa4: {  	s25 =	simm.s32 $0x1B8E;
	s24 =	sld [smem:$0x3FFE];
	[sflag:s23] =	ssyncadd.s32 $0xFFFFFFFF  }
0xa5: {  	s26 =	simm.s32 $execute0_lowered;
	[smem:$0x3FD2] =	sst s25  }
0xa6: {  	s4 =	sshll.u32 s26, $0x1;
	_ =	strace $0x8000004C;
	[dreg:$0x1] =	wrdreg $0xFFFFFFFF  }
0xa7: {  	s28 =	simm.s32 $_size_execute0_lowered;
	s2 =	sadd.s32 s2, s4;
	[dreg:$0x0] =	wrdreg $0x0  }
0xa8: {  	s4 =	sshll.u32 s28, $0x1;
	[dreg:$0x2] =	wrdreg s2  }
0xa9: {  	[dreg:$0x3] =	wrdreg s4  }
0xaa: {  	[dreg:$0x4] =	wrdreg $0xC0  }
0xab: {  	_ =	task [dreg:s6], $0x5FFFF  }
0xac: {  	[dreg:$0x1] =	wrdreg $0xFFFFFFFF  }
0xad: {  	[dreg:$0x0] =	wrdreg $0x60  }
0xae: {  	[dreg:$0x2] =	wrdreg s24  }
0xaf: {  	[dreg:$0x3] =	wrdreg $0x8D800  }
0xb0: {  	[dreg:$0x4] =	wrdreg $0x9  }
0xb1: {  	_ =	task.clear_ibuf [dreg:s6], $0x5FFFF;
	_ =	strace $0x9000004C  }
0xb2: {  	s29 =	simm.s32 $0x9;
	_ =	strace $0x8000004E  }
0xb3: {  	_ =	swait.ge [sflag:s29], $0x1  }
0xb4: {  	[sflag:s29] =	ssyncadd.s32 $0xFFFFFFFF  }
0xb5: {  	_ =	strace $0x9000004E  }
0xb6: {  	_ =	sfence  }
0xb7: {  	s30 =	sld [smem:$0x0];
	_ =	sdelay $0x2  }
0xb8: {  	s31 =	sshll.u32 s1, $0xD;
	s1 =	sshrl.u32 s1, $0x2  }
0xb9: {  	s3 =	sand.u32 $0x4000, s31;
	s1 =	sadd.s32 s1, s30  }
0xba: {  	s0 =	sor.u32 s3, s0;
	s1 =	sshll.u32 s1, $0x11  }
0xbb: {  	s0 =	sor.u32 s1, s0  }
0xbc: {  	s0 =	sadd.s32 $0x8F2B, s0  }
0xbd: {  	[sflag:s0] =	ssyncadd.remote.s32 $0x1  }
0xbe: {  	_ =	sfence.sel $0xFFFF  }
0xbf: {  	[dreg:$0x0] =	wrdreg $0xFFFFFFFF;
	(pc) =	sbr.abs _section_cstart, $3  }
0xc0: {  	[dreg:$0x1] =	wrdreg $0xFFFFFFFF  }
0xc1: {  	_ =	task.clear_ibuf [dreg:s6], $0x2FFFF;
	_ =	strace $0x9FFFFFFF  }
0xc2: {  	(tm) =	ssettm $0x7FFFFFFF  }
0xc3: {  	_ =	shalt  }
tec
execute0_lowered:
.L_overlay_start_1:
0x0: {  	(tag) =	ssettag $0x1  }
0x1: {  	s0 =	rddreg [dreg:$0x0]  }
0x2: {  	s1 =	rddreg [dreg:$0x1];
	s2 =	srdreg.scid  }
0x3: {  	s3 =	stileid.u32;
	s15 =	simm.s32 $0x3;
	s17 =	simm.s32 $0x80  }
0x4: {  	s18 =	simm.s32 $0x4000;
	s19 =	simm.s32 $0x6000;
	s12 =	smul.u32 $0x14400, s3  }
0x5: {  	s20 =	simm.s32 $0x1;
	s21 =	simm.s32 $0x2;
	s7 =	smul.u32 $0x6A, s3  }
0x6: {  	s5 =	sand.u32 $0x1, s2;
	s2 =	simm.s32 $0x0;
	s8 =	smul.u32 $0x61, s3  }
0x7: {  	s4 =	sadd.s32 $0x1E400, s0;
	s9 =	sadd.s32 $0x11600, s0;
	s14 =	smul.u32 $0x51000, s3  }
0x8: {  	s10 =	sadd.s32 $0x4800, s0;
	s6 =	smul.u32 $0x144000, s5;
	[smem:$0x7FF] =	sst s2  }
0x9: {  	p0 =	seq.s32 s5, $0x0;
	s5 =	ssub.s32 $0x2, s5;
	_ =	strace $0x8000004D  }
0xa: {  	s7 =	sadd.s32 $0x610, s7;
	s30 =	sshrl.u32 s5, $0x1;
	s31 =	sshrl.u32 s14, $0x2  }
0xb: {  	s16 =	sadd.s32 s12, s1;
	s14 =	simm.s32 $0x8000;
	s6 =	sadd.s32 s12, s6  }
0xc: {  	s7 =	smov.u32 @p0 s8;
	s13 =	ssub.s32 s5, s30;
	s5 =	sadd.s32 $0x144000, s1  }
0xd: {  	s24 =	sshrl.u32 s16, $0x3;
	s6 =	sshrl.u32 s6, $0x3;
	s8 =	sshll.u32 s7, $0x4  }
0xe: {  	s7 =	simm.s32 $0x21;
	s12 =	smax.u32 s13, $0x1;
	s13 =	sadd.s32 s31, s1  }
0xf: {  	s0 =	sadd.s32 s6, s0;
	s6 =	sadd.s32 s9, s8;
	s11 =	sadd.s32 $0x400, s8  }
0x10: {  	s8 =	sadd.s32 s10, s8;
	s7 =	simm.s32 @!p0 $0x2A;
	p0 =	sne.s32 s3, $0x0  }
0x11: {  	v0 =	vimm.f32 $0.0e+00;
	s9 =	sadd.s32 s9, s11;
	s10 =	sadd.s32 s10, s11;
	s11 =	sadd.s32 $0x46C00, s0  }
.LBB2_1:
0x12: {  	s0 =	simm.s32 $0x0  }
.LBB2_2:
0x13: {  	p1 =	sne.s32 s0, $0x3500  }
.Ltmp0:
0x14: {  	s16 =	sshra.s32 s0, $0x2;
	(pc) =	sbr.rel @p1 .LBB2_2-.Ltmp0, $4  }
0x15: {  	[tilespmem:s16+$0x8000] =	vst v0  }
0x16: {  	[tilespmem:s16+$0x8010] =	vst v0  }
0x17: {  	[tilespmem:s16+$0x8020] =	vst v0  }
0x18: {  	s0 =	sadd.s32 $0x100, s0;
	[tilespmem:s16+$0x8030] =	vst v0  }
0x19: {  	s0 =	sadd.s32 $0x0, s13  }
0x1a: {  	[spmem:s0] =	stream.linear.scatter [tilespmem:s14], [sflag:$0x3], $0xD80, $0x38;
	[tilespmem:$0x1D1A0] =	vst v63  }
0x1b: {  	s0 =	simm.s32 $0x3600;
	_ =	swait.ge [sflag:s15], $0xD80  }
.LBB2_4:
0x1c: {  	s16 =	sshra.s32 s0, $0x2;
	[sflag:s15] =	ssyncset.done $0x0;
	p1 =	sne.s32 s0, $0x4DA00  }
.Ltmp1:
0x1d: {  	s16 =	sadd.s32 s16, s13;
	[sflag:s15] =	ssyncadd.s32 $0xFFFFF280;
	(pc) =	sbr.rel @p1 .LBB2_4-.Ltmp1, $3  }
0x1e: {  	[spmem:s16] =	stream.linear.scatter [tilespmem:s14], [sflag:$0x3], $0xD80, $0x38;
	[tilespmem:$0x1D1A0] =	vst v63  }
0x1f: {  	s0 =	sadd.s32 $0x3600, s0;
	_ =	sdelay $0x1  }
0x20: {  	_ =	swait.ge [sflag:s15], $0xD80  }
0x21: {  	[sflag:s15] =	ssyncset.done $0x0  }
0x22: {  	s0 =	simm.s32 @!p0 $0x8000;
	[sflag:s15] =	ssyncadd.s32 $0xFFFFF280  }
0x23: {  	[spmem:s5] =	stream.linear.scatter @!p0 [tilespmem:s0], [sflag:$0x3], $0x200, $0x38;
	[tilespmem:$0x1D1A0] =	vst v63  }
0x24: {  	s0 =	simm.s32 @!p0 $0x3  }
0x25: {  	_ =	swait.ge @!p0 [sflag:s0], $0x200  }
0x26: {  	[sflag:s0] =	ssyncset.done @!p0 $0x0  }
0x27: {  	[sflag:s0] =	ssyncadd.s32 @!p0 $0xFFFFFE00  }
0x28: {  	s28 =	simm.s32 $0x0;
	[bflag:$0x0] =	sbarrier.arrive $0xFFFF  }
0x29: {  	[tilespmem:s28], [sflag:$0x3] =	stream.linear.gather [hbm4b:s6+s28], $0x2000, $0x38;
	[tilespmem:$0x1D1A0] =	vst v63  }
0x2a: {  	_ =	swait.ge [sflag:s15], $0x2000  }
0x2b: {  	[sflag:s15] =	ssyncset.done $0x0  }
0x2c: {  	s3 =	simm.s32 $0x2000;
	[sflag:s15] =	ssyncadd.s32 $0xFFFFE000  }
0x2d: {  	[tilespmem:s3], [sflag:$0x3] =	stream.linear.gather [hbm4b:s8+s28], $0x2000, $0x38;
	[tilespmem:$0x1D1A0] =	vst v63  }
0x2e: {  	_ =	swait.ge [sflag:s15], $0x2000  }
0x2f: {  	[sflag:s15] =	ssyncset.done $0x0  }
0x30: {  	[sflag:s15] =	ssyncadd.s32 $0xFFFFE000  }
0x31: {  	[tilespmem:s18], [sflag:$0x1] =	stream.indirect.gather [hbm4b:s4+s17], $0x40, s28, s17, $0xb8;
	[tilespmem:$0x1D1A0] =	vst v63  }
0x32: {  	_ = 	snop  }
0x33: {  	[tilespmem:s19], [sflag:$0x2] =	stream.indirect.gather [hbm4b:s4+s17], $0x40, s17, s17, $0xb8;
	[tilespmem:$0x1D1A0] =	vst v63  }
0x34: {  	_ =	swait.ge [sflag:s20], $0x2000  }
0x35: {  	[sflag:s20] =	ssyncset.done $0x0  }
0x36: {  	s29 =	simm.s32 $0x2000;
	[sflag:s20] =	ssyncadd.s32 $0xFFFFE000  }
0x37: {  	[spmem:s1] =	stream.indirect.scatter.add.f32 [tilespmem:s18], [sflag:$0x3], $0x40, s29, s17, $0xb8;
	[tilespmem:$0x1D1A0] =	vst v63  }
0x38: {  	_ =	swait.ge [sflag:s15], $0x2000  }
0x39: {  	[sflag:s15] =	ssyncset.done $0x0  }
0x3a: {  	s30 =	simm.s32 $0x100;
	[sflag:s15] =	ssyncadd.s32 $0xFFFFE000  }
0x3b: {  	[tilespmem:s18], [sflag:$0x1] =	stream.indirect.gather [hbm4b:s4+s17], $0x40, s30, s17, $0xb8;
	[tilespmem:$0x1D1A0] =	vst v63  }
0x3c: {  	_ =	swait.ge [sflag:s21], $0x2000  }
0x3d: {  	[sflag:s21] =	ssyncset.done $0x0  }
0x3e: {  	s31 =	simm.s32 $0x2080;
	[sflag:s21] =	ssyncadd.s32 $0xFFFFE000  }
0x3f: {  	[spmem:s1] =	stream.indirect.scatter.add.f32 [tilespmem:s19], [sflag:$0x3], $0x40, s31, s17, $0xb8;
	[tilespmem:$0x1D1A0] =	vst v63  }
0x40: {  	_ =	swait.ge [sflag:s15], $0x2000  }
0x41: {  	[sflag:s15] =	ssyncset.done $0x0  }
0x42: {  	s25 =	simm.s32 $0x400;
	s0 =	simm.s32 $0x180;
	[sflag:s15] =	ssyncadd.s32 $0xFFFFE000  }
.LBB2_6:
0x43: {  	[tilespmem:s19], [sflag:$0x2] =	stream.indirect.gather [hbm4b:s4+s17], $0x40, s0, s17, $0xb8;
	[tilespmem:$0x1D1A0] =	vst v63  }
0x44: {  	s0 =	smov.u32 s25  }
0x45: {  	p1 =	sne.s32 s25, $0x7800;
	s25 =	sadd.s32 $0x400, s25;
	_ =	swait.ge [sflag:s20], $0x2000  }
0x46: {  	s0 =	sshra.s32 s0, $0x2;
	[sflag:s20] =	ssyncset.done $0x0  }
0x47: {  	s16 =	sadd.s32 $0x2000, s0;
	[sflag:s20] =	ssyncadd.s32 $0xFFFFE000  }
0x48: {  	[spmem:s1] =	stream.indirect.scatter.add.f32 [tilespmem:s18], [sflag:$0x3], $0x40, s16, s17, $0xb8;
	[tilespmem:$0x1D1A0] =	vst v63  }
0x49: {  	_ =	swait.ge [sflag:s15], $0x2000  }
0x4a: {  	[sflag:s15] =	ssyncset.done $0x0  }
0x4b: {  	s16 =	sadd.s32 $0x100, s0;
	[sflag:s15] =	ssyncadd.s32 $0xFFFFE000  }
0x4c: {  	[tilespmem:s18], [sflag:$0x1] =	stream.indirect.gather [hbm4b:s4+s17], $0x40, s16, s17, $0xb8;
	[tilespmem:$0x1D1A0] =	vst v63  }
0x4d: {  	_ =	swait.ge [sflag:s21], $0x2000  }
0x4e: {  	[sflag:s21] =	ssyncset.done $0x0  }
.Ltmp2:
0x4f: {  	s16 =	sadd.s32 $0x2080, s0;
	[sflag:s21] =	ssyncadd.s32 $0xFFFFE000;
	(pc) =	sbr.rel @p1 .LBB2_6-.Ltmp2, $4  }
0x50: {  	[spmem:s1] =	stream.indirect.scatter.add.f32 [tilespmem:s19], [sflag:$0x3], $0x40, s16, s17, $0xb8;
	[tilespmem:$0x1D1A0] =	vst v63  }
0x51: {  	_ =	swait.ge [sflag:s15], $0x2000  }
0x52: {  	[sflag:s15] =	ssyncset.done $0x0  }
0x53: {  	s0 =	sadd.s32 $0x180, s0;
	[sflag:s15] =	ssyncadd.s32 $0xFFFFE000  }
0x54: {  	[tilespmem:s19], [sflag:$0x2] =	stream.indirect.gather [hbm4b:s4+s17], $0x40, s0, s17, $0xb8;
	[tilespmem:$0x1D1A0] =	vst v63  }
0x55: {  	_ =	swait.ge [sflag:s20], $0x2000  }
0x56: {  	[sflag:s20] =	ssyncset.done $0x0  }
0x57: {  	s23 =	simm.s32 $0x3F00;
	[sflag:s20] =	ssyncadd.s32 $0xFFFFE000  }
0x58: {  	[spmem:s1] =	stream.indirect.scatter.add.f32 [tilespmem:s18], [sflag:$0x3], $0x40, s23, s17, $0xb8;
	[tilespmem:$0x1D1A0] =	vst v63  }
0x59: {  	_ =	swait.ge [sflag:s15], $0x2000  }
0x5a: {  	[sflag:s15] =	ssyncset.done $0x0  }
0x5b: {  	[sflag:s15] =	ssyncadd.s32 $0xFFFFE000  }
0x5c: {  	_ =	swait.ge [sflag:s21], $0x2000  }
0x5d: {  	[sflag:s21] =	ssyncset.done $0x0  }
0x5e: {  	s25 =	simm.s32 $0x3F80;
	[sflag:s21] =	ssyncadd.s32 $0xFFFFE000  }
0x5f: {  	[spmem:s1] =	stream.indirect.scatter.add.f32 [tilespmem:s19], [sflag:$0x3], $0x40, s25, s17, $0xb8;
	[tilespmem:$0x1D1A0] =	vst v63  }
0x60: {  	_ =	swait.ge [sflag:s15], $0x2000  }
0x61: {  	[sflag:s15] =	ssyncset.done $0x0  }
0x62: {  	s26 =	simm.s32 $0x0;
	[sflag:s15] =	ssyncadd.s32 $0xFFFFE000  }
0x63: {  	[tilespmem:s26], [sflag:$0x3] =	stream.linear.gather [hbm4b:s9+s26], $0x2000, $0x38;
	[tilespmem:$0x1D1A0] =	vst v63  }
0x64: {  	_ =	swait.ge [sflag:s15], $0x2000  }
0x65: {  	[sflag:s15] =	ssyncset.done $0x0  }
0x66: {  	s16 =	simm.s32 $0x2000;
	[sflag:s15] =	ssyncadd.s32 $0xFFFFE000  }
0x67: {  	[tilespmem:s16], [sflag:$0x3] =	stream.linear.gather [hbm4b:s10+s26], $0x2000, $0x38;
	[tilespmem:$0x1D1A0] =	vst v63  }
0x68: {  	_ =	swait.ge [sflag:s15], $0x2000  }
0x69: {  	[sflag:s15] =	ssyncset.done $0x0  }
0x6a: {  	p1 =	sle.u32 s7, $0x0;
	[sflag:s15] =	ssyncadd.s32 $0xFFFFE000  }
0x6b: {  	[tilespmem:s18], [sflag:$0x1] =	stream.indirect.gather [hbm4b:s4+s17], $0x40, s26, s17, $0xb8;
	[tilespmem:$0x1D1A0] =	vst v63  }
0x6c: {  	s0 =	simm.s32 @!p1 $0x1;
	p1 =	por p1, p1  }
0x6d: {  	[tilespmem:s19], [sflag:$0x2] =	stream.indirect.gather [hbm4b:s4+s17], $0x40, s17, s17, $0xb8;
	[tilespmem:$0x1D1A0] =	vst v63  }
0x6e: {  	_ =	swait.ge @!p1 [sflag:s0], $0x2000  }
0x6f: {  	s25 =	simm.s32 @!p1 $0x80;
	[sflag:s0] =	ssyncset.done @!p1 $0x0  }
0x70: {  	s26 =	simm.s32 @!p1 $0x4000;
	[sflag:s0] =	ssyncadd.s32 @!p1 $0xFFFFE000;
	s0 =	simm.s32 @!p1 $0x3  }
0x71: {  	[spmem:s1] =	stream.indirect.scatter.add.f32 @!p1 [tilespmem:s26], [sflag:$0x3], $0x40, s16, s25, $0xb8;
	[tilespmem:$0x1D1A0] =	vst v63  }
0x72: {  	s31 =	simm.s32 $0x100;
	p3 =	sle.u32 s7, $0x2;
	_ =	swait.ge @!p1 [sflag:s0], $0x2000  }
0x73: {  	p2 =	sle.u32 s7, $0x1;
	s16 =	simm.s32 @!p3 $0x80;
	[sflag:s0] =	ssyncset.done @!p1 $0x0  }
0x74: {  	s25 =	simm.s32 @!p3 $0x4000;
	s26 =	simm.s32 @!p2 $0x2;
	[sflag:s0] =	ssyncadd.s32 @!p1 $0xFFFFE000  }
0x75: {  	[tilespmem:s25], [sflag:$0x1] =	stream.indirect.gather @!p3 [hbm4b:s4+s16], $0x40, s31, s16, $0xb8;
	[tilespmem:$0x1D1A0] =	vst v63  }
0x76: {  	s30 =	simm.s32 $0x4;
	s29 =	simm.s32 $0x4;
	_ =	swait.ge @!p2 [sflag:s26], $0x2000  }
0x77: {  	s28 =	simm.s32 @!p2 $0x80;
	p1 =	sle.u32 s7, $0x2;
	[sflag:s26] =	ssyncset.done @!p2 $0x0  }
0x78: {  	s16 =	simm.s32 @!p2 $0x6000;
	[sflag:s26] =	ssyncadd.s32 @!p2 $0xFFFFE000;
	s26 =	simm.s32 @!p2 $0x2080  }
0x79: {  	[spmem:s1] =	stream.indirect.scatter.add.f32 @!p2 [tilespmem:s16], [sflag:$0x3], $0x40, s26, s28, $0xb8;
	[tilespmem:$0x1D1A0] =	vst v63  }
0x7a: {  	s0 =	simm.s32 @!p2 $0x3;
	s25 =	simm.s32 $0x2;
	s26 =	simm.s32 $0x200  }
0x7b: {  	s16 =	simm.s32 $0x3;
	s28 =	simm.s32 $0x2100;
	_ =	swait.ge @!p2 [sflag:s0], $0x2000  }
.LBB2_8:
0x7c: {  	s22 =	simm.s32 @!p1 $0x1;
	[sflag:s0] =	ssyncset.done @!p2 $0x0;
	p3 =	sge.u32 s16, s7  }
0x7d: {  	s16 =	smov.u32 s25;
	s25 =	smov.u32 s30;
	p4 =	por p1, p1  }
0x7e: {  	s30 =	sadd.s32 $0x2, s30;
	p1 =	sge.u32 s25, s7;
	s23 =	simm.s32 @!p3 $0x6000  }
0x7f: {  	[sflag:s0] =	ssyncadd.s32 @!p2 $0xFFFFE000;
	s0 =	sadd.s32 @!p3 $0x80, s31;
	s31 =	simm.s32 @!p3 $0x80  }
0x80: {  	[tilespmem:s23], [sflag:$0x2] =	stream.indirect.gather @!p3 [hbm4b:s4+s31], $0x40, s0, s31, $0xb8;
	[tilespmem:$0x1D1A0] =	vst v63  }
0x81: {  	s0 =	simm.s32 @!p4 $0x80;
	s23 =	simm.s32 @!p4 $0x4000;
	_ =	swait.ge @!p4 [sflag:s22], $0x2000  }
0x82: {  	p3 =	sne.s32 s30, $0x40;
	s31 =	sadd.s32 $0x1, s16;
	[sflag:s22] =	ssyncset.done @!p4 $0x0  }
0x83: {  	p5 =	sge.u32 s29, s7;
	[sflag:s22] =	ssyncadd.s32 @!p4 $0xFFFFE000;
	s22 =	simm.s32 @!p4 $0x3  }
0x84: {  	[spmem:s1] =	stream.indirect.scatter.add.f32 @!p4 [tilespmem:s23], [sflag:$0x3], $0x40, s28, s0, $0xb8;
	[tilespmem:$0x1D1A0] =	vst v63  }
0x85: {  	s0 =	simm.s32 @!p5 $0x80;
	s23 =	simm.s32 @!p5 $0x4000;
	_ =	swait.ge @!p4 [sflag:s22], $0x2000  }
0x86: {  	s29 =	smov.u32 s30;
	p2 =	sge.u32 s31, s7;
	[sflag:s22] =	ssyncset.done @!p4 $0x0  }
0x87: {  	s31 =	smov.u32 s26;
	[sflag:s22] =	ssyncadd.s32 @!p4 $0xFFFFE000;
	s22 =	simm.s32 @!p2 $0x2  }
0x88: {  	[tilespmem:s23], [sflag:$0x1] =	stream.indirect.gather @!p5 [hbm4b:s4+s0], $0x40, s26, s0, $0xb8;
	[tilespmem:$0x1D1A0] =	vst v63  }
.Ltmp3:
0x89: {  	s26 =	sadd.s32 $0x100, s26;
	_ =	swait.ge @!p2 [sflag:s22], $0x2000;
	(pc) =	sbr.rel @p3 .LBB2_8-.Ltmp3, $4  }
0x8a: {  	s23 =	simm.s32 @!p2 $0x6000;
	s0 =	simm.s32 @!p2 $0x3;
	[sflag:s22] =	ssyncset.done @!p2 $0x0  }
0x8b: {  	s3 =	simm.s32 @!p2 $0x80;
	[sflag:s22] =	ssyncadd.s32 @!p2 $0xFFFFE000;
	s22 =	sadd.s32 @!p2 $0x80, s28  }
0x8c: {  	[spmem:s1] =	stream.indirect.scatter.add.f32 @!p2 [tilespmem:s23], [sflag:$0x3], $0x40, s22, s3, $0xb8;
	[tilespmem:$0x1D1A0] =	vst v63  }
0x8d: {  	s16 =	sadd.s32 $0x3, s16;
	s28 =	sadd.s32 $0x100, s28;
	_ =	swait.ge @!p2 [sflag:s0], $0x2000  }
0x8e: {  	s3 =	simm.s32 @!p1 $0x1;
	p3 =	sge.u32 s16, s7  }
0x8f: {  	[sflag:s0] =	ssyncset.done @!p2 $0x0;
	p1 =	por p1, p1;
	s16 =	simm.s32 @!p3 $0x6000  }
0x90: {  	[sflag:s0] =	ssyncadd.s32 @!p2 $0xFFFFE000;
	s0 =	sadd.s32 @!p3 $0x80, s31;
	s22 =	simm.s32 @!p3 $0x80  }
0x91: {  	[tilespmem:s16], [sflag:$0x2] =	stream.indirect.gather @!p3 [hbm4b:s4+s22], $0x40, s0, s22, $0xb8;
	[tilespmem:$0x1D1A0] =	vst v63  }
0x92: {  	_ =	swait.ge @!p1 [sflag:s3], $0x2000  }
0x93: {  	s0 =	simm.s32 @!p1 $0x80;
	[sflag:s3] =	ssyncset.done @!p1 $0x0  }
0x94: {  	s16 =	simm.s32 @!p1 $0x4000;
	[sflag:s3] =	ssyncadd.s32 @!p1 $0xFFFFE000;
	s3 =	simm.s32 @!p1 $0x3  }
0x95: {  	[spmem:s1] =	stream.indirect.scatter.add.f32 @!p1 [tilespmem:s16], [sflag:$0x3], $0x40, s28, s0, $0xb8;
	[tilespmem:$0x1D1A0] =	vst v63  }
0x96: {  	s23 =	sadd.s32 $0x1, s25;
	p3 =	sge.u32 s29, s7;
	_ =	swait.ge @!p1 [sflag:s3], $0x2000  }
0x97: {  	p2 =	sge.u32 s23, s7;
	s16 =	simm.s32 @!p3 $0x80;
	[sflag:s3] =	ssyncset.done @!p1 $0x0  }
0x98: {  	s0 =	simm.s32 @!p3 $0x4000;
	[sflag:s3] =	ssyncadd.s32 @!p1 $0xFFFFE000;
	s3 =	simm.s32 @!p2 $0x2  }
0x99: {  	[tilespmem:s0], [sflag:$0x1] =	stream.indirect.gather @!p3 [hbm4b:s4+s16], $0x40, s26, s16, $0xb8;
	[tilespmem:$0x1D1A0] =	vst v63  }
0x9a: {  	_ =	swait.ge @!p2 [sflag:s3], $0x2000  }
0x9b: {  	s0 =	simm.s32 @!p2 $0x6000;
	[sflag:s3] =	ssyncset.done @!p2 $0x0  }
0x9c: {  	s16 =	simm.s32 @!p2 $0x80;
	[sflag:s3] =	ssyncadd.s32 @!p2 $0xFFFFE000;
	s3 =	sadd.s32 @!p2 $0x80, s28  }
0x9d: {  	[spmem:s1] =	stream.indirect.scatter.add.f32 @!p2 [tilespmem:s0], [sflag:$0x3], $0x40, s3, s16, $0xb8;
	[tilespmem:$0x1D1A0] =	vst v63  }
0x9e: {  	s30 =	sadd.s32 $0x3, s25;
	s0 =	simm.s32 @!p2 $0x3  }
0x9f: {  	s2 =	sadd.s32 $0x1, s2;
	p1 =	sge.u32 s30, s7;
	_ =	swait.ge @!p2 [sflag:s0], $0x2000  }
0xa0: {  	s31 =	stileid.u32;
	s3 =	simm.s32 @!p1 $0x6000;
	[sflag:s0] =	ssyncset.done @!p2 $0x0  }
0xa1: {  	s16 =	simm.s32 @!p1 $0x80;
	[sflag:s0] =	ssyncadd.s32 @!p2 $0xFFFFE000;
	s0 =	sadd.s32 @!p1 $0x80, s26  }
0xa2: {  	[tilespmem:s3], [sflag:$0x2] =	stream.indirect.gather @!p1 [hbm4b:s4+s16], $0x40, s0, s16, $0xb8;
	[tilespmem:$0x1D1A0] =	vst v63  }
0xa3: {  	s0 =	sshll.u32 s31, $0x6;
	p1 =	sne.s32 s2, s12  }
.Ltmp4:
0xa4: {  	[bflag:$0x0] =	sbarrier.arrive $0xFFFF;
	s0 =	sor.u32 $0x1C03, s0;
	(pc) =	sbr.rel @p1 .LBB2_1-.Ltmp4, $4  }
0xa5: {  	[hbm:s11], [sflag:s0] =	dma.local [spmem:s24], $0x2880  }
0xa6: {  	_ =	swait.ge [sflag:s15], $0x2880  }
0xa7: {  	[sflag:s15] =	ssyncset.done $0x0  }
0xa8: {  	[sflag:s15] =	ssyncadd.s32 $0xFFFFD780  }
0xa9: {  	_ =	sfence.sel $0x180000  }
0xaa: {  	[bflag:$0x0] =	sbarrier.arrive $0xFFFF  }
0xab: {  	_ =	strace $0x9000004D  }
0xac: {  	[bflag:$0x2] =	sbarrier.arrive $0xFFFF  }
0xad: {  	s0 =	rddreg [dreg:$0x2]  }
0xae: {  	s0 =	sadd.s32 @!p0 $0x100000, s0  }
0xaf: {  	[sflag:s0] =	ssyncadd.tile.s32 @!p0 $0x1;
	_ =	shalt  }
.Lfunc_end2:
_tile_overlayer_lowered:
.L_overlay_start_2:
0xb0: {  	(tag) =	ssettag $0x2  }
0xb1: {  	s0 =	rddreg [dreg:$0x0];
	s2 =	stileid.u32  }
0xb2: {  	s1 =	rddreg [dreg:$0x1];
	p0 =	sne.s32 s2, $0x0  }
0xb3: {  	s3 =	rddreg [dreg:$0x2];
	[bflag:$0x3] =	sbarrier.arrive $0xFFFF;
	s2 =	simm.s32 @!p0 $0x1C03  }
0xb4: {  	[timem:s3], [sflag:s2] =	dma.local @!p0 [hbm:s0], s1  }
0xb5: {  	s0 =	simm.s32 @!p0 $0x3  }
0xb6: {  	_ =	swait.ge @!p0 [sflag:s0], s1  }
0xb7: {  	s1 =	ssub.s32 @!p0 $0x0, s1;
	[sflag:s0] =	ssyncset.done @!p0 $0x0  }
0xb8: {  	[sflag:s0] =	ssyncadd.s32 @!p0 s1  }
0xb9: {  	[bflag:$0x3] =	sbarrier.arrive $0xFFFF  }
0xba: {  	_ =	shalt  }

// kernel: kernel.20.cloned.1.call-start
scs
__scs_entry_jumppad:
0x0: {  	(pc) =	sbr.rel $0x88, $3  }
0x1: {  	(tag) =	ssettag $0x0;
	lr =	simm.s32 $0x1  }
0x2: {  	[smem:$0x3F94] =	sst lr;
	_ =	strace $0xD0000000  }
0x3: {  	_ = 	snop  }
0x4: {  	_ = 	snop  }
0x5: {  	_ = 	snop  }
0x6: {  	_ = 	snop  }
0x7: {  	_ = 	snop  }
__scs_overlays_trampoline_lowered:
0x8: {  	[smem:$0x3FA3] =	sst s0  }
0x9: {  	[smem:$0x3FA4] =	sst s1  }
0xa: {  	[smem:$0x3FA5] =	sst s2  }
0xb: {  	[smem:$0x3FA6] =	sst s3  }
0xc: {  	[smem:$0x3FA7] =	sst s4  }
0xd: {  	[smem:$0x3FA8] =	sst s5  }
0xe: {  	[smem:$0x3FA9] =	sst s6  }
0xf: {  	[smem:$0x3FAA] =	sst s7  }
0x10: {  	[smem:$0x3FAB] =	sst s8  }
0x11: {  	[smem:$0x3FAC] =	sst s9;
	s0 =	simm.s32 @!p0 $0x0  }
0x12: {  	s1 =	sld [smem:$0x3F92];
	s0 =	simm.s32 @p0 $0x1  }
0x13: {  	[smem:$0x3FAD] =	sst s0;
	s0 =	simm.s32 @!p1 $0x0  }
0x14: {  	s2 =	sld [smem:$0x3F91];
	s0 =	simm.s32 @p1 $0x1  }
0x15: {  	[smem:$0x3FAE] =	sst s0;
	s0 =	simm.s32 @!p2 $0x0  }
0x16: {  	s3 =	sld [smem:$0x3FDB];
	s0 =	simm.s32 @p2 $0x1  }
0x17: {  	s4 =	simm.s32 $0x1BF5;
	[smem:$0x3FB0] =	sst s0  }
0x18: {  	s0 =	sld [smem:$0x3F93];
	_ =	swait.ge [sflag:s4], $0x0  }
0x19: {  	s7 =	sld [smem:$0x3F94]  }
0x1a: {  	s8 =	sadd.s32 $0xFFFFE003, lr  }
0x1b: {  	s9 =	sadd.s32 $0xFFFFFEF7, lr;
	s5 =	simm.s32 $0xFFFFFFFF;
	p2 =	slt.u32 s8, $0xFFFFF086  }
0x1c: {  	p1 =	slt.u32 s9, $0xF7A;
	s5 =	simm.s32 @!p2 $0x0  }
0x1d: {  	s5 =	simm.s32 @p1 $0x1;
	p0 =	seq.s32 s7, s2  }
0x1e: {  	s7 =	smul.u32 @!p0 $0xF7A, s2;
	p2 =	seq.s32 @!p0 s5, $0x0  }
0x1f: {  	s9 =	smul.u32 $0xF7A, s1;
	s8 =	simm.s32 @!p0 $0x1BF5;
	p2 =	por !p2, p0  }
0x20: {  	[sflag:s8] =	ssyncset.s32 @!p0 $0xFFFFF086;
	s6 =	sadd.s32 @!p0 s3, s7;
	s7 =	simm.s32 @!p0 $0x108  }
0x21: {  	s3 =	sadd.s32 s3, s9;
	s6 =	sadd.s32 @!p0 $0x88, s6;
	s7 =	simm.s32 @p2 $0x1082  }
0x22: {  	[simem:s7], [sflag:s8] =	dma.local @!p0 [hbm:s6], $0xF7A  }
0x23: {  	s9 =	sor.u32 $0xD0000000, s2;
	s6 =	simm.s32 $0x108;
	_ =	swait.ge @!p0 [sflag:s8], $0x0  }
0x24: {  	s3 =	sadd.s32 $0x88, s3;
	s6 =	simm.s32 @!p1 $0x1082;
	[sflag:s4] =	ssyncset.s32 $0xFFFFF086  }
0x25: {  	[simem:s6], [sflag:s4] =	dma.local [hbm:s3], $0xF7A  }
0x26: {  	[smem:$0x3F94] =	sst s1;
	(tag) =	ssettag s2;
	_ =	strace s9  }
0x27: {  	s1 =	sld [smem:$0x3FA4]  }
0x28: {  	s2 =	sld [smem:$0x3FA5]  }
0x29: {  	s4 =	sld [smem:$0x3FA7]  }
0x2a: {  	p0 =	seq.s32 s5, $0x0;
	s5 =	sld [smem:$0x3FA8]  }
0x2b: {  	s6 =	sld [smem:$0x3FA9]  }
0x2c: {  	s7 =	sld [smem:$0x3FAA]  }
0x2d: {  	s3 =	simm.s32 $0x108;
	s8 =	sld [smem:$0x3FAB]  }
0x2e: {  	s3 =	simm.s32 @!p0 $0x1082;
	s9 =	sld [smem:$0x3FAC]  }
0x2f: {  	lr =	sadd.s32 s0, s3;
	s0 =	sld [smem:$0x3FA3]  }
0x30: {  	s3 =	sld [smem:$0x3FA6]  }
0x31: {  	[smem:$0x3FAF] =	sst s10  }
0x32: {  	s10 =	sld [smem:$0x3FAD];
	_ =	sdelay $0x3  }
0x33: {  	p0 =	seq.s32 s10, $0x1;
	s10 =	sld [smem:$0x3FAF];
	_ =	sdelay $0x3  }
0x34: {  	[smem:$0x3FAF] =	sst s10  }
0x35: {  	s10 =	sld [smem:$0x3FAE];
	_ =	sdelay $0x3  }
0x36: {  	p1 =	seq.s32 s10, $0x1;
	s10 =	sld [smem:$0x3FAF];
	_ =	sdelay $0x3  }
0x37: {  	[smem:$0x3FAF] =	sst s10  }
0x38: {  	s10 =	sld [smem:$0x3FB0]  }
0x39: {  	_ = 	snop;
	(pc) =	sbr.ind lr, $3  }
0x3a: {  	_ = 	snop  }
0x3b: {  	_ = 	snop  }
0x3c: {  	p2 =	seq.s32 s10, $0x1;
	s10 =	sld [smem:$0x3FAF]  }
0x3d: {  	_ =	shalt  }
0x3e: {  	_ =	shalt  }
0x3f: {  	_ =	shalt  }
0x40: {  	_ =	shalt  }
0x41: {  	_ =	shalt  }
0x42: {  	_ =	shalt  }
0x43: {  	_ =	shalt  }
0x44: {  	_ =	shalt  }
0x45: {  	_ =	shalt  }
0x46: {  	_ =	shalt  }
0x47: {  	_ =	shalt  }
0x48: {  	_ =	shalt  }
0x49: {  	_ =	shalt  }
0x4a: {  	_ =	shalt  }
0x4b: {  	_ =	shalt  }
0x4c: {  	_ =	shalt  }
0x4d: {  	_ =	shalt  }
0x4e: {  	_ =	shalt  }
0x4f: {  	_ =	shalt  }
0x50: {  	_ =	shalt  }
0x51: {  	_ =	shalt  }
0x52: {  	_ =	shalt  }
0x53: {  	_ =	shalt  }
0x54: {  	_ =	shalt  }
0x55: {  	_ =	shalt  }
0x56: {  	_ =	shalt  }
0x57: {  	_ =	shalt  }
0x58: {  	_ =	shalt  }
0x59: {  	_ =	shalt  }
0x5a: {  	_ =	shalt  }
0x5b: {  	_ =	shalt  }
0x5c: {  	_ =	shalt  }
0x5d: {  	_ =	shalt  }
0x5e: {  	_ =	shalt  }
0x5f: {  	_ =	shalt  }
0x60: {  	_ =	shalt  }
0x61: {  	_ =	shalt  }
0x62: {  	_ =	shalt  }
0x63: {  	_ =	shalt  }
0x64: {  	_ =	shalt  }
0x65: {  	_ =	shalt  }
0x66: {  	_ =	shalt  }
0x67: {  	_ =	shalt  }
0x68: {  	_ =	shalt  }
0x69: {  	_ =	shalt  }
0x6a: {  	_ =	shalt  }
0x6b: {  	_ =	shalt  }
0x6c: {  	_ =	shalt  }
0x6d: {  	_ =	shalt  }
0x6e: {  	_ =	shalt  }
0x6f: {  	_ =	shalt  }
0x70: {  	_ =	shalt  }
0x71: {  	_ =	shalt  }
0x72: {  	_ =	shalt  }
0x73: {  	_ =	shalt  }
0x74: {  	_ =	shalt  }
0x75: {  	_ =	shalt  }
0x76: {  	_ =	shalt  }
0x77: {  	_ =	shalt  }
0x78: {  	_ =	shalt  }
0x79: {  	_ =	shalt  }
0x7a: {  	_ =	shalt  }
0x7b: {  	_ =	shalt  }
0x7c: {  	_ =	shalt  }
0x7d: {  	_ =	shalt  }
0x7e: {  	_ =	shalt  }
0x7f: {  	_ =	shalt  }
0x80: {  	_ =	shalt  }
0x81: {  	_ =	shalt  }
0x82: {  	_ =	shalt  }
0x83: {  	_ =	shalt  }
0x84: {  	_ =	shalt  }
0x85: {  	_ =	shalt  }
0x86: {  	_ =	shalt  }
0x87: {  	_ =	shalt  }
.Lfunc_end0:
.L_simem_size_0:
called_computation.3_lowered:
.L_overlay_start_0:
0x88: {  	s2 =	sld [smem:$0x3FD9]  }
0x89: {  	s3 =	sld [smem:$0x3FFE];
	_ =	sdelay $0x1  }
0x8a: {  	s1 =	srdreg.scid  }
0x8b: {  	s0 =	sand.u32 $0x1, s1  }
0x8c: {  	s16 =	sshll.u32 s0, $0xA;
	s2 =	sadd.s32 s3, s2  }
0x8d: {  	s2 =	sadd.s32 s2, s16  }
0x8e: {  	[smem:$0x3FBB] =	sst s2  }
0x8f: {  	_ = 	snop  }
0x90: {  	(tm) =	ssettm $0x1  }
0x91: {  	s17 =	sld [smem:$0x3FFB];
	_ =	sdelay $0x3  }
0x92: {  	_ =	strace s17  }
0x93: {  	s2 =	sld [smem:$0x3FFC];
	_ =	sdelay $0x3  }
0x94: {  	_ =	strace s2  }
0x95: {  	s2 =	sld [smem:$0x3FFD];
	_ =	sdelay $0x3  }
0x96: {  	_ =	strace s2  }
0x97: {  	_ =	strace $0x8FFFFFFF  }
0x98: {  	s18 =	sld [smem:$0x3FDB];
	_ =	sdelay $0x1  }
0x99: {  	s19 =	simm.s32 $_scs_section_size  }
0x9a: {  	s4 =	simm.s32 $_size__tile_overlayer_lowered;
	s5 =	simm.s32 $_tile_overlayer_lowered  }
0x9b: {  	s22 =	simm.s32 $0x1BFF;
	s21 =	sshll.u32 s5, $0x1;
	s2 =	sadd.s32 s19, s18  }
0x9c: {  	s6 =	simm.s32 $0x0;
	s20 =	sshll.u32 s4, $0x1;
	s4 =	sadd.s32 s21, s2  }
0x9d: {  	[timem:s6], [sflag:s22] =	dma.local [hbm:s4], s20  }
0x9e: {  	_ =	swait.ge [sflag:s22], s20  }
0x9f: {  	s3 =	ssub.s32 $0x0, s20;
	[sflag:s22] =	ssyncset.done $0x0  }
0xa0: {  	[sflag:s22] =	ssyncadd.s32 s3;
	_ =	sdelay $0x1  }
0xa1: {  	s23 =	simm.s32 $0x1B8B  }
0xa2: {  	_ =	swait.ge [sflag:s23], $0x1  }
0xa3: {  	[sflag:s23] =	ssyncset.done $0x0  }
0xa4: {  	s25 =	simm.s32 $0x1B8E;
	s24 =	sld [smem:$0x3FFE];
	[sflag:s23] =	ssyncadd.s32 $0xFFFFFFFF  }
0xa5: {  	s26 =	simm.s32 $execute0_lowered;
	[smem:$0x3FD2] =	sst s25  }
0xa6: {  	s4 =	sshll.u32 s26, $0x1;
	_ =	strace $0x8000004F;
	[dreg:$0x1] =	wrdreg $0xFFFFFFFF  }
0xa7: {  	s28 =	simm.s32 $_size_execute0_lowered;
	s2 =	sadd.s32 s2, s4;
	[dreg:$0x0] =	wrdreg $0x0  }
0xa8: {  	s4 =	sshll.u32 s28, $0x1;
	[dreg:$0x2] =	wrdreg s2  }
0xa9: {  	[dreg:$0x3] =	wrdreg s4  }
0xaa: {  	[dreg:$0x4] =	wrdreg $0xC0  }
0xab: {  	_ =	task [dreg:s6], $0x5FFFF  }
0xac: {  	[dreg:$0x1] =	wrdreg $0xFFFFFFFF  }
0xad: {  	[dreg:$0x0] =	wrdreg $0x60  }
0xae: {  	[dreg:$0x2] =	wrdreg s24  }
0xaf: {  	[dreg:$0x3] =	wrdreg $0x8D800  }
0xb0: {  	[dreg:$0x4] =	wrdreg $0x9  }
0xb1: {  	_ =	task.clear_ibuf [dreg:s6], $0x5FFFF;
	_ =	strace $0x9000004F  }
0xb2: {  	s29 =	simm.s32 $0x9;
	_ =	strace $0x80000051  }
0xb3: {  	_ =	swait.ge [sflag:s29], $0x1  }
0xb4: {  	[sflag:s29] =	ssyncadd.s32 $0xFFFFFFFF  }
0xb5: {  	_ =	strace $0x90000051  }
0xb6: {  	_ =	sfence  }
0xb7: {  	s30 =	sld [smem:$0x0];
	_ =	sdelay $0x2  }
0xb8: {  	s31 =	sshll.u32 s1, $0xD;
	s1 =	sshrl.u32 s1, $0x2  }
0xb9: {  	s3 =	sand.u32 $0x4000, s31;
	s1 =	sadd.s32 s1, s30  }
0xba: {  	s0 =	sor.u32 s3, s0;
	s1 =	sshll.u32 s1, $0x11  }
0xbb: {  	s0 =	sor.u32 s1, s0  }
0xbc: {  	s0 =	sadd.s32 $0x8F2B, s0  }
0xbd: {  	[sflag:s0] =	ssyncadd.remote.s32 $0x1  }
0xbe: {  	_ =	sfence.sel $0xFFFF  }
0xbf: {  	[dreg:$0x0] =	wrdreg $0xFFFFFFFF;
	(pc) =	sbr.abs _section_cstart, $3  }
0xc0: {  	[dreg:$0x1] =	wrdreg $0xFFFFFFFF  }
0xc1: {  	_ =	task.clear_ibuf [dreg:s6], $0x2FFFF;
	_ =	strace $0x9FFFFFFF  }
0xc2: {  	(tm) =	ssettm $0x7FFFFFFF  }
0xc3: {  	_ =	shalt  }
tec
execute0_lowered:
.L_overlay_start_1:
0x0: {  	(tag) =	ssettag $0x1  }
0x1: {  	s0 =	rddreg [dreg:$0x0]  }
0x2: {  	s1 =	rddreg [dreg:$0x1];
	s2 =	srdreg.scid  }
0x3: {  	s3 =	stileid.u32;
	s15 =	simm.s32 $0x3;
	s17 =	simm.s32 $0x80  }
0x4: {  	s18 =	simm.s32 $0x4000;
	s19 =	simm.s32 $0x6000;
	s12 =	smul.u32 $0x14400, s3  }
0x5: {  	s20 =	simm.s32 $0x1;
	s21 =	simm.s32 $0x2;
	s7 =	smul.u32 $0x6A, s3  }
0x6: {  	s5 =	sand.u32 $0x1, s2;
	s2 =	simm.s32 $0x0;
	s8 =	smul.u32 $0x61, s3  }
0x7: {  	s4 =	sadd.s32 $0x1E400, s0;
	s9 =	sadd.s32 $0x11600, s0;
	s14 =	smul.u32 $0x51000, s3  }
0x8: {  	s10 =	sadd.s32 $0x4800, s0;
	s6 =	smul.u32 $0x144000, s5;
	[smem:$0x7FF] =	sst s2  }
0x9: {  	p0 =	seq.s32 s5, $0x0;
	s5 =	ssub.s32 $0x2, s5;
	_ =	strace $0x80000050  }
0xa: {  	s7 =	sadd.s32 $0x610, s7;
	s30 =	sshrl.u32 s5, $0x1;
	s31 =	sshrl.u32 s14, $0x2  }
0xb: {  	s16 =	sadd.s32 s12, s1;
	s14 =	simm.s32 $0x8000;
	s6 =	sadd.s32 s12, s6  }
0xc: {  	s7 =	smov.u32 @p0 s8;
	s13 =	ssub.s32 s5, s30;
	s5 =	sadd.s32 $0x144000, s1  }
0xd: {  	s24 =	sshrl.u32 s16, $0x3;
	s6 =	sshrl.u32 s6, $0x3;
	s8 =	sshll.u32 s7, $0x4  }
0xe: {  	s7 =	simm.s32 $0x21;
	s12 =	smax.u32 s13, $0x1;
	s13 =	sadd.s32 s31, s1  }
0xf: {  	s0 =	sadd.s32 s6, s0;
	s6 =	sadd.s32 s9, s8;
	s11 =	sadd.s32 $0x400, s8  }
0x10: {  	s8 =	sadd.s32 s10, s8;
	s7 =	simm.s32 @!p0 $0x2A;
	p0 =	sne.s32 s3, $0x0  }
0x11: {  	v0 =	vimm.f32 $0.0e+00;
	s9 =	sadd.s32 s9, s11;
	s10 =	sadd.s32 s10, s11;
	s11 =	sadd.s32 $0x46C00, s0  }
.LBB2_1:
0x12: {  	s0 =	simm.s32 $0x0  }
.LBB2_2:
0x13: {  	p1 =	sne.s32 s0, $0x3500  }
.Ltmp0:
0x14: {  	s16 =	sshra.s32 s0, $0x2;
	(pc) =	sbr.rel @p1 .LBB2_2-.Ltmp0, $4  }
0x15: {  	[tilespmem:s16+$0x8000] =	vst v0  }
0x16: {  	[tilespmem:s16+$0x8010] =	vst v0  }
0x17: {  	[tilespmem:s16+$0x8020] =	vst v0  }
0x18: {  	s0 =	sadd.s32 $0x100, s0;
	[tilespmem:s16+$0x8030] =	vst v0  }
0x19: {  	s0 =	sadd.s32 $0x0, s13  }
0x1a: {  	[spmem:s0] =	stream.linear.scatter [tilespmem:s14], [sflag:$0x3], $0xD80, $0x38;
	[tilespmem:$0x1D1A0] =	vst v63  }
0x1b: {  	s0 =	simm.s32 $0x3600;
	_ =	swait.ge [sflag:s15], $0xD80  }
.LBB2_4:
0x1c: {  	s16 =	sshra.s32 s0, $0x2;
	[sflag:s15] =	ssyncset.done $0x0;
	p1 =	sne.s32 s0, $0x4DA00  }
.Ltmp1:
0x1d: {  	s16 =	sadd.s32 s16, s13;
	[sflag:s15] =	ssyncadd.s32 $0xFFFFF280;
	(pc) =	sbr.rel @p1 .LBB2_4-.Ltmp1, $3  }
0x1e: {  	[spmem:s16] =	stream.linear.scatter [tilespmem:s14], [sflag:$0x3], $0xD80, $0x38;
	[tilespmem:$0x1D1A0] =	vst v63  }
0x1f: {  	s0 =	sadd.s32 $0x3600, s0;
	_ =	sdelay $0x1  }
0x20: {  	_ =	swait.ge [sflag:s15], $0xD80  }
0x21: {  	[sflag:s15] =	ssyncset.done $0x0  }
0x22: {  	s0 =	simm.s32 @!p0 $0x8000;
	[sflag:s15] =	ssyncadd.s32 $0xFFFFF280  }
0x23: {  	[spmem:s5] =	stream.linear.scatter @!p0 [tilespmem:s0], [sflag:$0x3], $0x200, $0x38;
	[tilespmem:$0x1D1A0] =	vst v63  }
0x24: {  	s0 =	simm.s32 @!p0 $0x3  }
0x25: {  	_ =	swait.ge @!p0 [sflag:s0], $0x200  }
0x26: {  	[sflag:s0] =	ssyncset.done @!p0 $0x0  }
0x27: {  	[sflag:s0] =	ssyncadd.s32 @!p0 $0xFFFFFE00  }
0x28: {  	s28 =	simm.s32 $0x0;
	[bflag:$0x0] =	sbarrier.arrive $0xFFFF  }
0x29: {  	[tilespmem:s28], [sflag:$0x3] =	stream.linear.gather [hbm4b:s6+s28], $0x2000, $0x38;
	[tilespmem:$0x1D1A0] =	vst v63  }
0x2a: {  	_ =	swait.ge [sflag:s15], $0x2000  }
0x2b: {  	[sflag:s15] =	ssyncset.done $0x0  }
0x2c: {  	s3 =	simm.s32 $0x2000;
	[sflag:s15] =	ssyncadd.s32 $0xFFFFE000  }
0x2d: {  	[tilespmem:s3], [sflag:$0x3] =	stream.linear.gather [hbm4b:s8+s28], $0x2000, $0x38;
	[tilespmem:$0x1D1A0] =	vst v63  }
0x2e: {  	_ =	swait.ge [sflag:s15], $0x2000  }
0x2f: {  	[sflag:s15] =	ssyncset.done $0x0  }
0x30: {  	[sflag:s15] =	ssyncadd.s32 $0xFFFFE000  }
0x31: {  	[tilespmem:s18], [sflag:$0x1] =	stream.indirect.gather [hbm4b:s4+s17], $0x40, s28, s17, $0xb8;
	[tilespmem:$0x1D1A0] =	vst v63  }
0x32: {  	_ = 	snop  }
0x33: {  	[tilespmem:s19], [sflag:$0x2] =	stream.indirect.gather [hbm4b:s4+s17], $0x40, s17, s17, $0xb8;
	[tilespmem:$0x1D1A0] =	vst v63  }
0x34: {  	_ =	swait.ge [sflag:s20], $0x2000  }
0x35: {  	[sflag:s20] =	ssyncset.done $0x0  }
0x36: {  	s29 =	simm.s32 $0x2000;
	[sflag:s20] =	ssyncadd.s32 $0xFFFFE000  }
0x37: {  	[spmem:s1] =	stream.indirect.scatter.add.f32 [tilespmem:s18], [sflag:$0x3], $0x40, s29, s17, $0xb8;
	[tilespmem:$0x1D1A0] =	vst v63  }
0x38: {  	_ =	swait.ge [sflag:s15], $0x2000  }
0x39: {  	[sflag:s15] =	ssyncset.done $0x0  }
0x3a: {  	s30 =	simm.s32 $0x100;
	[sflag:s15] =	ssyncadd.s32 $0xFFFFE000  }
0x3b: {  	[tilespmem:s18], [sflag:$0x1] =	stream.indirect.gather [hbm4b:s4+s17], $0x40, s30, s17, $0xb8;
	[tilespmem:$0x1D1A0] =	vst v63  }
0x3c: {  	_ =	swait.ge [sflag:s21], $0x2000  }
0x3d: {  	[sflag:s21] =	ssyncset.done $0x0  }
0x3e: {  	s31 =	simm.s32 $0x2080;
	[sflag:s21] =	ssyncadd.s32 $0xFFFFE000  }
0x3f: {  	[spmem:s1] =	stream.indirect.scatter.add.f32 [tilespmem:s19], [sflag:$0x3], $0x40, s31, s17, $0xb8;
	[tilespmem:$0x1D1A0] =	vst v63  }
0x40: {  	_ =	swait.ge [sflag:s15], $0x2000  }
0x41: {  	[sflag:s15] =	ssyncset.done $0x0  }
0x42: {  	s25 =	simm.s32 $0x400;
	s0 =	simm.s32 $0x180;
	[sflag:s15] =	ssyncadd.s32 $0xFFFFE000  }
.LBB2_6:
0x43: {  	[tilespmem:s19], [sflag:$0x2] =	stream.indirect.gather [hbm4b:s4+s17], $0x40, s0, s17, $0xb8;
	[tilespmem:$0x1D1A0] =	vst v63  }
0x44: {  	s0 =	smov.u32 s25  }
0x45: {  	p1 =	sne.s32 s25, $0x7800;
	s25 =	sadd.s32 $0x400, s25;
	_ =	swait.ge [sflag:s20], $0x2000  }
0x46: {  	s0 =	sshra.s32 s0, $0x2;
	[sflag:s20] =	ssyncset.done $0x0  }
0x47: {  	s16 =	sadd.s32 $0x2000, s0;
	[sflag:s20] =	ssyncadd.s32 $0xFFFFE000  }
0x48: {  	[spmem:s1] =	stream.indirect.scatter.add.f32 [tilespmem:s18], [sflag:$0x3], $0x40, s16, s17, $0xb8;
	[tilespmem:$0x1D1A0] =	vst v63  }
0x49: {  	_ =	swait.ge [sflag:s15], $0x2000  }
0x4a: {  	[sflag:s15] =	ssyncset.done $0x0  }
0x4b: {  	s16 =	sadd.s32 $0x100, s0;
	[sflag:s15] =	ssyncadd.s32 $0xFFFFE000  }
0x4c: {  	[tilespmem:s18], [sflag:$0x1] =	stream.indirect.gather [hbm4b:s4+s17], $0x40, s16, s17, $0xb8;
	[tilespmem:$0x1D1A0] =	vst v63  }
0x4d: {  	_ =	swait.ge [sflag:s21], $0x2000  }
0x4e: {  	[sflag:s21] =	ssyncset.done $0x0  }
.Ltmp2:
0x4f: {  	s16 =	sadd.s32 $0x2080, s0;
	[sflag:s21] =	ssyncadd.s32 $0xFFFFE000;
	(pc) =	sbr.rel @p1 .LBB2_6-.Ltmp2, $4  }
0x50: {  	[spmem:s1] =	stream.indirect.scatter.add.f32 [tilespmem:s19], [sflag:$0x3], $0x40, s16, s17, $0xb8;
	[tilespmem:$0x1D1A0] =	vst v63  }
0x51: {  	_ =	swait.ge [sflag:s15], $0x2000  }
0x52: {  	[sflag:s15] =	ssyncset.done $0x0  }
0x53: {  	s0 =	sadd.s32 $0x180, s0;
	[sflag:s15] =	ssyncadd.s32 $0xFFFFE000  }
0x54: {  	[tilespmem:s19], [sflag:$0x2] =	stream.indirect.gather [hbm4b:s4+s17], $0x40, s0, s17, $0xb8;
	[tilespmem:$0x1D1A0] =	vst v63  }
0x55: {  	_ =	swait.ge [sflag:s20], $0x2000  }
0x56: {  	[sflag:s20] =	ssyncset.done $0x0  }
0x57: {  	s23 =	simm.s32 $0x3F00;
	[sflag:s20] =	ssyncadd.s32 $0xFFFFE000  }
0x58: {  	[spmem:s1] =	stream.indirect.scatter.add.f32 [tilespmem:s18], [sflag:$0x3], $0x40, s23, s17, $0xb8;
	[tilespmem:$0x1D1A0] =	vst v63  }
0x59: {  	_ =	swait.ge [sflag:s15], $0x2000  }
0x5a: {  	[sflag:s15] =	ssyncset.done $0x0  }
0x5b: {  	[sflag:s15] =	ssyncadd.s32 $0xFFFFE000  }
0x5c: {  	_ =	swait.ge [sflag:s21], $0x2000  }
0x5d: {  	[sflag:s21] =	ssyncset.done $0x0  }
0x5e: {  	s25 =	simm.s32 $0x3F80;
	[sflag:s21] =	ssyncadd.s32 $0xFFFFE000  }
0x5f: {  	[spmem:s1] =	stream.indirect.scatter.add.f32 [tilespmem:s19], [sflag:$0x3], $0x40, s25, s17, $0xb8;
	[tilespmem:$0x1D1A0] =	vst v63  }
0x60: {  	_ =	swait.ge [sflag:s15], $0x2000  }
0x61: {  	[sflag:s15] =	ssyncset.done $0x0  }
0x62: {  	s26 =	simm.s32 $0x0;
	[sflag:s15] =	ssyncadd.s32 $0xFFFFE000  }
0x63: {  	[tilespmem:s26], [sflag:$0x3] =	stream.linear.gather [hbm4b:s9+s26], $0x2000, $0x38;
	[tilespmem:$0x1D1A0] =	vst v63  }
0x64: {  	_ =	swait.ge [sflag:s15], $0x2000  }
0x65: {  	[sflag:s15] =	ssyncset.done $0x0  }
0x66: {  	s16 =	simm.s32 $0x2000;
	[sflag:s15] =	ssyncadd.s32 $0xFFFFE000  }
0x67: {  	[tilespmem:s16], [sflag:$0x3] =	stream.linear.gather [hbm4b:s10+s26], $0x2000, $0x38;
	[tilespmem:$0x1D1A0] =	vst v63  }
0x68: {  	_ =	swait.ge [sflag:s15], $0x2000  }
0x69: {  	[sflag:s15] =	ssyncset.done $0x0  }
0x6a: {  	p1 =	sle.u32 s7, $0x0;
	[sflag:s15] =	ssyncadd.s32 $0xFFFFE000  }
0x6b: {  	[tilespmem:s18], [sflag:$0x1] =	stream.indirect.gather [hbm4b:s4+s17], $0x40, s26, s17, $0xb8;
	[tilespmem:$0x1D1A0] =	vst v63  }
0x6c: {  	s0 =	simm.s32 @!p1 $0x1;
	p1 =	por p1, p1  }
0x6d: {  	[tilespmem:s19], [sflag:$0x2] =	stream.indirect.gather [hbm4b:s4+s17], $0x40, s17, s17, $0xb8;
	[tilespmem:$0x1D1A0] =	vst v63  }
0x6e: {  	_ =	swait.ge @!p1 [sflag:s0], $0x2000  }
0x6f: {  	s25 =	simm.s32 @!p1 $0x80;
	[sflag:s0] =	ssyncset.done @!p1 $0x0  }
0x70: {  	s26 =	simm.s32 @!p1 $0x4000;
	[sflag:s0] =	ssyncadd.s32 @!p1 $0xFFFFE000;
	s0 =	simm.s32 @!p1 $0x3  }
0x71: {  	[spmem:s1] =	stream.indirect.scatter.add.f32 @!p1 [tilespmem:s26], [sflag:$0x3], $0x40, s16, s25, $0xb8;
	[tilespmem:$0x1D1A0] =	vst v63  }
0x72: {  	s31 =	simm.s32 $0x100;
	p3 =	sle.u32 s7, $0x2;
	_ =	swait.ge @!p1 [sflag:s0], $0x2000  }
0x73: {  	p2 =	sle.u32 s7, $0x1;
	s16 =	simm.s32 @!p3 $0x80;
	[sflag:s0] =	ssyncset.done @!p1 $0x0  }
0x74: {  	s25 =	simm.s32 @!p3 $0x4000;
	s26 =	simm.s32 @!p2 $0x2;
	[sflag:s0] =	ssyncadd.s32 @!p1 $0xFFFFE000  }
0x75: {  	[tilespmem:s25], [sflag:$0x1] =	stream.indirect.gather @!p3 [hbm4b:s4+s16], $0x40, s31, s16, $0xb8;
	[tilespmem:$0x1D1A0] =	vst v63  }
0x76: {  	s30 =	simm.s32 $0x4;
	s29 =	simm.s32 $0x4;
	_ =	swait.ge @!p2 [sflag:s26], $0x2000  }
0x77: {  	s28 =	simm.s32 @!p2 $0x80;
	p1 =	sle.u32 s7, $0x2;
	[sflag:s26] =	ssyncset.done @!p2 $0x0  }
0x78: {  	s16 =	simm.s32 @!p2 $0x6000;
	[sflag:s26] =	ssyncadd.s32 @!p2 $0xFFFFE000;
	s26 =	simm.s32 @!p2 $0x2080  }
0x79: {  	[spmem:s1] =	stream.indirect.scatter.add.f32 @!p2 [tilespmem:s16], [sflag:$0x3], $0x40, s26, s28, $0xb8;
	[tilespmem:$0x1D1A0] =	vst v63  }
0x7a: {  	s0 =	simm.s32 @!p2 $0x3;
	s25 =	simm.s32 $0x2;
	s26 =	simm.s32 $0x200  }
0x7b: {  	s16 =	simm.s32 $0x3;
	s28 =	simm.s32 $0x2100;
	_ =	swait.ge @!p2 [sflag:s0], $0x2000  }
.LBB2_8:
0x7c: {  	s22 =	simm.s32 @!p1 $0x1;
	[sflag:s0] =	ssyncset.done @!p2 $0x0;
	p3 =	sge.u32 s16, s7  }
0x7d: {  	s16 =	smov.u32 s25;
	s25 =	smov.u32 s30;
	p4 =	por p1, p1  }
0x7e: {  	s30 =	sadd.s32 $0x2, s30;
	p1 =	sge.u32 s25, s7;
	s23 =	simm.s32 @!p3 $0x6000  }
0x7f: {  	[sflag:s0] =	ssyncadd.s32 @!p2 $0xFFFFE000;
	s0 =	sadd.s32 @!p3 $0x80, s31;
	s31 =	simm.s32 @!p3 $0x80  }
0x80: {  	[tilespmem:s23], [sflag:$0x2] =	stream.indirect.gather @!p3 [hbm4b:s4+s31], $0x40, s0, s31, $0xb8;
	[tilespmem:$0x1D1A0] =	vst v63  }
0x81: {  	s0 =	simm.s32 @!p4 $0x80;
	s23 =	simm.s32 @!p4 $0x4000;
	_ =	swait.ge @!p4 [sflag:s22], $0x2000  }
0x82: {  	p3 =	sne.s32 s30, $0x40;
	s31 =	sadd.s32 $0x1, s16;
	[sflag:s22] =	ssyncset.done @!p4 $0x0  }
0x83: {  	p5 =	sge.u32 s29, s7;
	[sflag:s22] =	ssyncadd.s32 @!p4 $0xFFFFE000;
	s22 =	simm.s32 @!p4 $0x3  }
0x84: {  	[spmem:s1] =	stream.indirect.scatter.add.f32 @!p4 [tilespmem:s23], [sflag:$0x3], $0x40, s28, s0, $0xb8;
	[tilespmem:$0x1D1A0] =	vst v63  }
0x85: {  	s0 =	simm.s32 @!p5 $0x80;
	s23 =	simm.s32 @!p5 $0x4000;
	_ =	swait.ge @!p4 [sflag:s22], $0x2000  }
0x86: {  	s29 =	smov.u32 s30;
	p2 =	sge.u32 s31, s7;
	[sflag:s22] =	ssyncset.done @!p4 $0x0  }
0x87: {  	s31 =	smov.u32 s26;
	[sflag:s22] =	ssyncadd.s32 @!p4 $0xFFFFE000;
	s22 =	simm.s32 @!p2 $0x2  }
0x88: {  	[tilespmem:s23], [sflag:$0x1] =	stream.indirect.gather @!p5 [hbm4b:s4+s0], $0x40, s26, s0, $0xb8;
	[tilespmem:$0x1D1A0] =	vst v63  }
.Ltmp3:
0x89: {  	s26 =	sadd.s32 $0x100, s26;
	_ =	swait.ge @!p2 [sflag:s22], $0x2000;
	(pc) =	sbr.rel @p3 .LBB2_8-.Ltmp3, $4  }
0x8a: {  	s23 =	simm.s32 @!p2 $0x6000;
	s0 =	simm.s32 @!p2 $0x3;
	[sflag:s22] =	ssyncset.done @!p2 $0x0  }
0x8b: {  	s3 =	simm.s32 @!p2 $0x80;
	[sflag:s22] =	ssyncadd.s32 @!p2 $0xFFFFE000;
	s22 =	sadd.s32 @!p2 $0x80, s28  }
0x8c: {  	[spmem:s1] =	stream.indirect.scatter.add.f32 @!p2 [tilespmem:s23], [sflag:$0x3], $0x40, s22, s3, $0xb8;
	[tilespmem:$0x1D1A0] =	vst v63  }
0x8d: {  	s16 =	sadd.s32 $0x3, s16;
	s28 =	sadd.s32 $0x100, s28;
	_ =	swait.ge @!p2 [sflag:s0], $0x2000  }
0x8e: {  	s3 =	simm.s32 @!p1 $0x1;
	p3 =	sge.u32 s16, s7  }
0x8f: {  	[sflag:s0] =	ssyncset.done @!p2 $0x0;
	p1 =	por p1, p1;
	s16 =	simm.s32 @!p3 $0x6000  }
0x90: {  	[sflag:s0] =	ssyncadd.s32 @!p2 $0xFFFFE000;
	s0 =	sadd.s32 @!p3 $0x80, s31;
	s22 =	simm.s32 @!p3 $0x80  }
0x91: {  	[tilespmem:s16], [sflag:$0x2] =	stream.indirect.gather @!p3 [hbm4b:s4+s22], $0x40, s0, s22, $0xb8;
	[tilespmem:$0x1D1A0] =	vst v63  }
0x92: {  	_ =	swait.ge @!p1 [sflag:s3], $0x2000  }
0x93: {  	s0 =	simm.s32 @!p1 $0x80;
	[sflag:s3] =	ssyncset.done @!p1 $0x0  }
0x94: {  	s16 =	simm.s32 @!p1 $0x4000;
	[sflag:s3] =	ssyncadd.s32 @!p1 $0xFFFFE000;
	s3 =	simm.s32 @!p1 $0x3  }
0x95: {  	[spmem:s1] =	stream.indirect.scatter.add.f32 @!p1 [tilespmem:s16], [sflag:$0x3], $0x40, s28, s0, $0xb8;
	[tilespmem:$0x1D1A0] =	vst v63  }
0x96: {  	s23 =	sadd.s32 $0x1, s25;
	p3 =	sge.u32 s29, s7;
	_ =	swait.ge @!p1 [sflag:s3], $0x2000  }
0x97: {  	p2 =	sge.u32 s23, s7;
	s16 =	simm.s32 @!p3 $0x80;
	[sflag:s3] =	ssyncset.done @!p1 $0x0  }
0x98: {  	s0 =	simm.s32 @!p3 $0x4000;
	[sflag:s3] =	ssyncadd.s32 @!p1 $0xFFFFE000;
	s3 =	simm.s32 @!p2 $0x2  }
0x99: {  	[tilespmem:s0], [sflag:$0x1] =	stream.indirect.gather @!p3 [hbm4b:s4+s16], $0x40, s26, s16, $0xb8;
	[tilespmem:$0x1D1A0] =	vst v63  }
0x9a: {  	_ =	swait.ge @!p2 [sflag:s3], $0x2000  }
0x9b: {  	s0 =	simm.s32 @!p2 $0x6000;
	[sflag:s3] =	ssyncset.done @!p2 $0x0  }
0x9c: {  	s16 =	simm.s32 @!p2 $0x80;
	[sflag:s3] =	ssyncadd.s32 @!p2 $0xFFFFE000;
	s3 =	sadd.s32 @!p2 $0x80, s28  }
0x9d: {  	[spmem:s1] =	stream.indirect.scatter.add.f32 @!p2 [tilespmem:s0], [sflag:$0x3], $0x40, s3, s16, $0xb8;
	[tilespmem:$0x1D1A0] =	vst v63  }
0x9e: {  	s30 =	sadd.s32 $0x3, s25;
	s0 =	simm.s32 @!p2 $0x3  }
0x9f: {  	s2 =	sadd.s32 $0x1, s2;
	p1 =	sge.u32 s30, s7;
	_ =	swait.ge @!p2 [sflag:s0], $0x2000  }
0xa0: {  	s31 =	stileid.u32;
	s3 =	simm.s32 @!p1 $0x6000;
	[sflag:s0] =	ssyncset.done @!p2 $0x0  }
0xa1: {  	s16 =	simm.s32 @!p1 $0x80;
	[sflag:s0] =	ssyncadd.s32 @!p2 $0xFFFFE000;
	s0 =	sadd.s32 @!p1 $0x80, s26  }
0xa2: {  	[tilespmem:s3], [sflag:$0x2] =	stream.indirect.gather @!p1 [hbm4b:s4+s16], $0x40, s0, s16, $0xb8;
	[tilespmem:$0x1D1A0] =	vst v63  }
0xa3: {  	s0 =	sshll.u32 s31, $0x6;
	p1 =	sne.s32 s2, s12  }
.Ltmp4:
0xa4: {  	[bflag:$0x0] =	sbarrier.arrive $0xFFFF;
	s0 =	sor.u32 $0x1C03, s0;
	(pc) =	sbr.rel @p1 .LBB2_1-.Ltmp4, $4  }
0xa5: {  	[hbm:s11], [sflag:s0] =	dma.local [spmem:s24], $0x2880  }
0xa6: {  	_ =	swait.ge [sflag:s15], $0x2880  }
0xa7: {  	[sflag:s15] =	ssyncset.done $0x0  }
0xa8: {  	[sflag:s15] =	ssyncadd.s32 $0xFFFFD780  }
0xa9: {  	_ =	sfence.sel $0x180000  }
0xaa: {  	[bflag:$0x0] =	sbarrier.arrive $0xFFFF  }
0xab: {  	_ =	strace $0x90000050  }
0xac: {  	[bflag:$0x2] =	sbarrier.arrive $0xFFFF  }
0xad: {  	s0 =	rddreg [dreg:$0x2]  }
0xae: {  	s0 =	sadd.s32 @!p0 $0x100000, s0  }
0xaf: {  	[sflag:s0] =	ssyncadd.tile.s32 @!p0 $0x1;
	_ =	shalt  }
.Lfunc_end2:
_tile_overlayer_lowered:
.L_overlay_start_2:
0xb0: {  	(tag) =	ssettag $0x2  }
0xb1: {  	s0 =	rddreg [dreg:$0x0];
	s2 =	stileid.u32  }
0xb2: {  	s1 =	rddreg [dreg:$0x1];
	p0 =	sne.s32 s2, $0x0  }
0xb3: {  	s3 =	rddreg [dreg:$0x2];
	[bflag:$0x3] =	sbarrier.arrive $0xFFFF;
	s2 =	simm.s32 @!p0 $0x1C03  }
0xb4: {  	[timem:s3], [sflag:s2] =	dma.local @!p0 [hbm:s0], s1  }
0xb5: {  	s0 =	simm.s32 @!p0 $0x3  }
0xb6: {  	_ =	swait.ge @!p0 [sflag:s0], s1  }
0xb7: {  	s1 =	ssub.s32 @!p0 $0x0, s1;
	[sflag:s0] =	ssyncset.done @!p0 $0x0  }
0xb8: {  	[sflag:s0] =	ssyncadd.s32 @!p0 s1  }
0xb9: {  	[bflag:$0x3] =	sbarrier.arrive $0xFFFF  }
0xba: {  	_ =	shalt  }

</sc_bundles>
